<compile_context>
chip_gen: v7x
topology: tpu7x:2x2x1
jax: 0.10.2.dev20260603
libtpu: 0.0.44.dev20260713+nightly
codegen_flags: <defaults>
</compile_context>

<pallas_src>
import functools

import jax
import jax.numpy as jnp
from jax import lax
from jax.experimental import pallas as pl
from jax.experimental.pallas import tpu as pltpu
from jax.experimental.pallas import tpu_sc as plsc

N_IDROWS = 16384
PIECE_IDROWS = N_IDROWS // 4
ROW_W = 50
EMBED_D = 32
NUM_WORKERS = 32
IDROWS_PER_W = PIECE_IDROWS // NUM_WORKERS
CHUNK = 8
NCHUNKS = IDROWS_PER_W // CHUNK


def _gather_body(idx_hbm, table_hbm, out_hbm, idx_v, rows_a, rows_b, sem_ga,
                 sem_gb, sem_oa, sem_ob):
    wid = lax.axis_index("s") * 2 + lax.axis_index("c")
    row0 = wid * IDROWS_PER_W
    pltpu.sync_copy(idx_hbm.at[pl.ds(row0, IDROWS_PER_W)], idx_v)

    def fire_gathers(c, buf, sem):
        for g in range(CHUNK):
            pltpu.async_copy(
                table_hbm.at[idx_v.at[c * CHUNK + g]],
                buf.at[g],
                sem,
            )

    def drain_gathers(buf, sem):
        pltpu.make_async_copy(out_hbm.at[pl.ds(0, CHUNK)], buf, sem).wait()

    def fire_out(c, buf, sem):
        pltpu.async_copy(buf, out_hbm.at[pl.ds(row0 + c * CHUNK, CHUNK)], sem)

    def drain_out(c, buf, sem):
        pltpu.make_async_copy(
            buf, out_hbm.at[pl.ds(row0 + c * CHUNK, CHUNK)], sem).wait()

    fire_gathers(0, rows_a, sem_ga)
    fire_gathers(1, rows_b, sem_gb)

    def group_step(g, _):
        c = 2 * g
        drain_gathers(rows_a, sem_ga)
        fire_out(c, rows_a, sem_oa)
        drain_gathers(rows_b, sem_gb)
        fire_out(c + 1, rows_b, sem_ob)
        drain_out(c, rows_a, sem_oa)
        fire_gathers(c + 2, rows_a, sem_ga)
        drain_out(c + 1, rows_b, sem_ob)
        fire_gathers(c + 3, rows_b, sem_gb)
        return 0

    lax.fori_loop(0, NCHUNKS // 2 - 1, group_step, 0)

    c = NCHUNKS - 2
    drain_gathers(rows_a, sem_ga)
    fire_out(c, rows_a, sem_oa)
    drain_gathers(rows_b, sem_gb)
    fire_out(c + 1, rows_b, sem_ob)
    drain_out(c, rows_a, sem_oa)
    drain_out(c + 1, rows_b, sem_ob)


_gather = functools.partial(
    pl.kernel,
    mesh=plsc.VectorSubcoreMesh(core_axis_name="c", subcore_axis_name="s"),
    out_type=jax.ShapeDtypeStruct((PIECE_IDROWS, ROW_W, EMBED_D), jnp.float32),
    scratch_types=[
        pltpu.VMEM((IDROWS_PER_W, ROW_W), jnp.int32),
        pltpu.VMEM((CHUNK, ROW_W, EMBED_D), jnp.float32),
        pltpu.VMEM((CHUNK, ROW_W, EMBED_D), jnp.float32),
        pltpu.SemaphoreType.DMA,
        pltpu.SemaphoreType.DMA,
        pltpu.SemaphoreType.DMA,
        pltpu.SemaphoreType.DMA,
    ],
    compiler_params=pltpu.CompilerParams(use_tc_tiling_on_sc=False),
)(_gather_body)


def kernel(ids, embeddings):
    pieces = [
        _gather(ids[k * PIECE_IDROWS:(k + 1) * PIECE_IDROWS], embeddings)
        for k in range(4)
    ]
    return jnp.concatenate(pieces, axis=0)

# --- scband reference (transcript-rebuilt; emitter-appended) ---
"""Pipeline reference for scband-embed-16801912062004 (READ-ONLY COPY).

The authoritative reference and input builder live on the scoring server;
editing this copy changes nothing except your own understanding.
"""

import jax, jax.numpy as jnp
import numpy as np

VOCAB_SIZE = 1000000
EMBED_DIM = 32


def setup_inputs(seed: int = 0) -> dict:
    key = jax.random.key(seed)
    k_ids, k_emb = jax.random.split(key)
    ids = jax.random.randint(k_ids, (16384, 50), 0, VOCAB_SIZE, dtype=jnp.int64 if jax.config.read('jax_enable_x64') else jnp.int32)
    # Truncated normal init like hk.initializers.TruncatedNormal() (stddev=1.0)
    embeddings = jax.random.truncated_normal(k_emb, -2.0, 2.0, (VOCAB_SIZE, EMBED_DIM), dtype=jnp.float32)
    return {"ids": ids, "embeddings": embeddings}


def reference(ids, embeddings):
    # hk.Embed with lookup_style=ARRAY_INDEX: embeddings[ids]
    return jnp.take(embeddings, ids, axis=0)

if __name__ == "__main__":
    import jax
    _d = setup_inputs()
    print(jax.jit(kernel)(*tuple(_d.values())))

</pallas_src>

<mosaic_0001>
#map = affine_map<(d0, d1) -> (0, 0)>
#map1 = affine_map<(d0, d1) -> (0, 0, 0)>
module attributes {stable_mosaic.version = 14 : i64} {
  func.func @_gather_body(%arg0: i32, %arg1: i32, %arg2: memref<4096x50xi32, #tpu.memory_space<hbm>>, %arg3: memref<1000000x32xf32, #tpu.memory_space<hbm>>, %arg4: memref<4096x50x32xf32, #tpu.memory_space<hbm>>, %arg5: memref<128x50xi32, #tpu.memory_space<vmem>>, %arg6: memref<8x50x32xf32, #tpu.memory_space<vmem>>, %arg7: memref<8x50x32xf32, #tpu.memory_space<vmem>>, %arg8: memref<!tpu.dma_semaphore, #tpu.memory_space<semaphore_mem>>, %arg9: memref<!tpu.dma_semaphore, #tpu.memory_space<semaphore_mem>>, %arg10: memref<!tpu.dma_semaphore, #tpu.memory_space<semaphore_mem>>, %arg11: memref<!tpu.dma_semaphore, #tpu.memory_space<semaphore_mem>>) attributes {dimension_semantics = [#tpu.dimension_semantics<core_parallel>, #tpu.dimension_semantics<subcore_parallel>], iteration_bounds = array<i64: 2, 16>, scalar_prefetch = 0 : i64, scratch_operands = 7 : i64, tpu.core_type = #tpu.core_type<sc_vector_subcore>, window_params = [{transform_indices = #map}, {transform_indices = #map}, {transform_indices = #map1}]} {
    %mul3A = arith.constant 2 : i32
    %mul3A_0 = arith.muli %arg1, %mul3A : i32
    %add3A = arith.addi %mul3A_0, %arg0 : i32
    %mul3A_1 = arith.constant 128 : i32
    %mul3A_2 = arith.muli %add3A, %mul3A_1 : i32
    "tpu.region"() ({
      %run_scoped3A = tpu.sem_alloc : memref<!tpu.dma_semaphore, #tpu.memory_space<semaphore_mem>>
      %dma_start3A_247 = arith.constant 0 : i32
      %dma_start3A_248 = tpu.memref_slice %arg2[%mul3A_2, %dma_start3A_247] : memref<4096x50xi32, #tpu.memory_space<hbm>> -> memref<128x50xi32, #tpu.memory_space<hbm>>
      %dma_start3A_249 = arith.constant 0 : i32
      %dma_start3A_250 = tpu.memref_slice %arg2[%mul3A_2, %dma_start3A_249] : memref<4096x50xi32, #tpu.memory_space<hbm>> -> memref<128x50xi32, #tpu.memory_space<hbm>>
      tpu.enqueue_dma source(%dma_start3A_250 : memref<128x50xi32, #tpu.memory_space<hbm>>) target(%arg5 : memref<128x50xi32, #tpu.memory_space<vmem>>) target_semaphore(%run_scoped3A : memref<!tpu.dma_semaphore, #tpu.memory_space<semaphore_mem>>)
      %dma_wait3A_251 = arith.constant 0 : i32
      %dma_wait3A_252 = tpu.memref_slice %arg2[%mul3A_2, %dma_wait3A_251] : memref<4096x50xi32, #tpu.memory_space<hbm>> -> memref<128x50xi32, #tpu.memory_space<hbm>>
      %dma_wait3A_253 = arith.constant 0 : i32
      %dma_wait3A_254 = tpu.memref_slice %arg2[%mul3A_2, %dma_wait3A_253] : memref<4096x50xi32, #tpu.memory_space<hbm>> -> memref<128x50xi32, #tpu.memory_space<hbm>>
      tpu.wait_dma2 semaphore(%run_scoped3A : memref<!tpu.dma_semaphore, #tpu.memory_space<semaphore_mem>>) src(%dma_wait3A_254 : memref<128x50xi32, #tpu.memory_space<hbm>>) dst(%arg5 : memref<128x50xi32, #tpu.memory_space<vmem>>)
      tpu.yield
    }) : () -> ()
    %dma_start3A = arith.constant 0 : i32
    %dma_start3A_3 = arith.constant 0 : i32
    %dma_start3A_4 = arith.constant 0 : i32
    %dma_start3A_5 = arith.constant 0 : i32
    %dma_start3A_6 = tpu.memref_slice %arg6[%dma_start3A_3, %dma_start3A_4, %dma_start3A_5] : memref<8x50x32xf32, #tpu.memory_space<vmem>> -> memref<1x50x32xf32, #tpu.memory_space<vmem>>
    %dma_start3A_7 = tpu.memref_squeeze %dma_start3A_6 : memref<1x50x32xf32, #tpu.memory_space<vmem>> -> memref<50x32xf32, #tpu.memory_space<vmem>>
    %dma_start3A_8 = arith.constant 0 : i32
    %dma_start3A_9 = tpu.memref_slice %arg5[%dma_start3A, %dma_start3A_8] : memref<128x50xi32, #tpu.memory_space<vmem>> -> memref<1x50xi32, #tpu.memory_space<vmem>>
    %dma_start3A_10 = tpu.memref_squeeze %dma_start3A_9 : memref<1x50xi32, #tpu.memory_space<vmem>> -> memref<50xi32, #tpu.memory_space<vmem>>
    %dma_start3A_11 = arith.constant 0 : i32
    %dma_start3A_12 = arith.constant 0 : i32
    %dma_start3A_13 = tpu.memref_slice %arg3[%dma_start3A_11, %dma_start3A_12] : memref<1000000x32xf32, #tpu.memory_space<hbm>> -> memref<1000000x32xf32, #tpu.memory_space<hbm>>
    tpu.enqueue_indirect_dma source(%dma_start3A_13 : memref<1000000x32xf32, #tpu.memory_space<hbm>>) target(%dma_start3A_7 : memref<50x32xf32, #tpu.memory_space<vmem>>) offsets(%dma_start3A_10 : memref<50xi32, #tpu.memory_space<vmem>>) semaphore(%arg8 : memref<!tpu.dma_semaphore, #tpu.memory_space<semaphore_mem>>)
    %dma_start3A_14 = arith.constant 1 : i32
    %dma_start3A_15 = arith.constant 1 : i32
    %dma_start3A_16 = arith.constant 0 : i32
    %dma_start3A_17 = arith.constant 0 : i32
    %dma_start3A_18 = tpu.memref_slice %arg6[%dma_start3A_15, %dma_start3A_16, %dma_start3A_17] : memref<8x50x32xf32, #tpu.memory_space<vmem>> -> memref<1x50x32xf32, #tpu.memory_space<vmem>>
    %dma_start3A_19 = tpu.memref_squeeze %dma_start3A_18 : memref<1x50x32xf32, #tpu.memory_space<vmem>> -> memref<50x32xf32, #tpu.memory_space<vmem>>
    %dma_start3A_20 = arith.constant 0 : i32
    %dma_start3A_21 = tpu.memref_slice %arg5[%dma_start3A_14, %dma_start3A_20] : memref<128x50xi32, #tpu.memory_space<vmem>> -> memref<1x50xi32, #tpu.memory_space<vmem>>
    %dma_start3A_22 = tpu.memref_squeeze %dma_start3A_21 : memref<1x50xi32, #tpu.memory_space<vmem>> -> memref<50xi32, #tpu.memory_space<vmem>>
    %dma_start3A_23 = arith.constant 0 : i32
    %dma_start3A_24 = arith.constant 0 : i32
    %dma_start3A_25 = tpu.memref_slice %arg3[%dma_start3A_23, %dma_start3A_24] : memref<1000000x32xf32, #tpu.memory_space<hbm>> -> memref<1000000x32xf32, #tpu.memory_space<hbm>>
    tpu.enqueue_indirect_dma source(%dma_start3A_25 : memref<1000000x32xf32, #tpu.memory_space<hbm>>) target(%dma_start3A_19 : memref<50x32xf32, #tpu.memory_space<vmem>>) offsets(%dma_start3A_22 : memref<50xi32, #tpu.memory_space<vmem>>) semaphore(%arg8 : memref<!tpu.dma_semaphore, #tpu.memory_space<semaphore_mem>>)
    %dma_start3A_26 = arith.constant 2 : i32
    %dma_start3A_27 = arith.constant 2 : i32
    %dma_start3A_28 = arith.constant 0 : i32
    %dma_start3A_29 = arith.constant 0 : i32
    %dma_start3A_30 = tpu.memref_slice %arg6[%dma_start3A_27, %dma_start3A_28, %dma_start3A_29] : memref<8x50x32xf32, #tpu.memory_space<vmem>> -> memref<1x50x32xf32, #tpu.memory_space<vmem>>
    %dma_start3A_31 = tpu.memref_squeeze %dma_start3A_30 : memref<1x50x32xf32, #tpu.memory_space<vmem>> -> memref<50x32xf32, #tpu.memory_space<vmem>>
    %dma_start3A_32 = arith.constant 0 : i32
    %dma_start3A_33 = tpu.memref_slice %arg5[%dma_start3A_26, %dma_start3A_32] : memref<128x50xi32, #tpu.memory_space<vmem>> -> memref<1x50xi32, #tpu.memory_space<vmem>>
    %dma_start3A_34 = tpu.memref_squeeze %dma_start3A_33 : memref<1x50xi32, #tpu.memory_space<vmem>> -> memref<50xi32, #tpu.memory_space<vmem>>
    %dma_start3A_35 = arith.constant 0 : i32
    %dma_start3A_36 = arith.constant 0 : i32
    %dma_start3A_37 = tpu.memref_slice %arg3[%dma_start3A_35, %dma_start3A_36] : memref<1000000x32xf32, #tpu.memory_space<hbm>> -> memref<1000000x32xf32, #tpu.memory_space<hbm>>
    tpu.enqueue_indirect_dma source(%dma_start3A_37 : memref<1000000x32xf32, #tpu.memory_space<hbm>>) target(%dma_start3A_31 : memref<50x32xf32, #tpu.memory_space<vmem>>) offsets(%dma_start3A_34 : memref<50xi32, #tpu.memory_space<vmem>>) semaphore(%arg8 : memref<!tpu.dma_semaphore, #tpu.memory_space<semaphore_mem>>)
    %dma_start3A_38 = arith.constant 3 : i32
    %dma_start3A_39 = arith.constant 3 : i32
    %dma_start3A_40 = arith.constant 0 : i32
    %dma_start3A_41 = arith.constant 0 : i32
    %dma_start3A_42 = tpu.memref_slice %arg6[%dma_start3A_39, %dma_start3A_40, %dma_start3A_41] : memref<8x50x32xf32, #tpu.memory_space<vmem>> -> memref<1x50x32xf32, #tpu.memory_space<vmem>>
    %dma_start3A_43 = tpu.memref_squeeze %dma_start3A_42 : memref<1x50x32xf32, #tpu.memory_space<vmem>> -> memref<50x32xf32, #tpu.memory_space<vmem>>
    %dma_start3A_44 = arith.constant 0 : i32
    %dma_start3A_45 = tpu.memref_slice %arg5[%dma_start3A_38, %dma_start3A_44] : memref<128x50xi32, #tpu.memory_space<vmem>> -> memref<1x50xi32, #tpu.memory_space<vmem>>
    %dma_start3A_46 = tpu.memref_squeeze %dma_start3A_45 : memref<1x50xi32, #tpu.memory_space<vmem>> -> memref<50xi32, #tpu.memory_space<vmem>>
    %dma_start3A_47 = arith.constant 0 : i32
    %dma_start3A_48 = arith.constant 0 : i32
    %dma_start3A_49 = tpu.memref_slice %arg3[%dma_start3A_47, %dma_start3A_48] : memref<1000000x32xf32, #tpu.memory_space<hbm>> -> memref<1000000x32xf32, #tpu.memory_space<hbm>>
    tpu.enqueue_indirect_dma source(%dma_start3A_49 : memref<1000000x32xf32, #tpu.memory_space<hbm>>) target(%dma_start3A_43 : memref<50x32xf32, #tpu.memory_space<vmem>>) offsets(%dma_start3A_46 : memref<50xi32, #tpu.memory_space<vmem>>) semaphore(%arg8 : memref<!tpu.dma_semaphore, #tpu.memory_space<semaphore_mem>>)
    %dma_start3A_50 = arith.constant 4 : i32
    %dma_start3A_51 = arith.constant 4 : i32
    %dma_start3A_52 = arith.constant 0 : i32
    %dma_start3A_53 = arith.constant 0 : i32
    %dma_start3A_54 = tpu.memref_slice %arg6[%dma_start3A_51, %dma_start3A_52, %dma_start3A_53] : memref<8x50x32xf32, #tpu.memory_space<vmem>> -> memref<1x50x32xf32, #tpu.memory_space<vmem>>
    %dma_start3A_55 = tpu.memref_squeeze %dma_start3A_54 : memref<1x50x32xf32, #tpu.memory_space<vmem>> -> memref<50x32xf32, #tpu.memory_space<vmem>>
    %dma_start3A_56 = arith.constant 0 : i32
    %dma_start3A_57 = tpu.memref_slice %arg5[%dma_start3A_50, %dma_start3A_56] : memref<128x50xi32, #tpu.memory_space<vmem>> -> memref<1x50xi32, #tpu.memory_space<vmem>>
    %dma_start3A_58 = tpu.memref_squeeze %dma_start3A_57 : memref<1x50xi32, #tpu.memory_space<vmem>> -> memref<50xi32, #tpu.memory_space<vmem>>
    %dma_start3A_59 = arith.constant 0 : i32
    %dma_start3A_60 = arith.constant 0 : i32
    %dma_start3A_61 = tpu.memref_slice %arg3[%dma_start3A_59, %dma_start3A_60] : memref<1000000x32xf32, #tpu.memory_space<hbm>> -> memref<1000000x32xf32, #tpu.memory_space<hbm>>
    tpu.enqueue_indirect_dma source(%dma_start3A_61 : memref<1000000x32xf32, #tpu.memory_space<hbm>>) target(%dma_start3A_55 : memref<50x32xf32, #tpu.memory_space<vmem>>) offsets(%dma_start3A_58 : memref<50xi32, #tpu.memory_space<vmem>>) semaphore(%arg8 : memref<!tpu.dma_semaphore, #tpu.memory_space<semaphore_mem>>)
    %dma_start3A_62 = arith.constant 5 : i32
    %dma_start3A_63 = arith.constant 5 : i32
    %dma_start3A_64 = arith.constant 0 : i32
    %dma_start3A_65 = arith.constant 0 : i32
    %dma_start3A_66 = tpu.memref_slice %arg6[%dma_start3A_63, %dma_start3A_64, %dma_start3A_65] : memref<8x50x32xf32, #tpu.memory_space<vmem>> -> memref<1x50x32xf32, #tpu.memory_space<vmem>>
    %dma_start3A_67 = tpu.memref_squeeze %dma_start3A_66 : memref<1x50x32xf32, #tpu.memory_space<vmem>> -> memref<50x32xf32, #tpu.memory_space<vmem>>
    %dma_start3A_68 = arith.constant 0 : i32
    %dma_start3A_69 = tpu.memref_slice %arg5[%dma_start3A_62, %dma_start3A_68] : memref<128x50xi32, #tpu.memory_space<vmem>> -> memref<1x50xi32, #tpu.memory_space<vmem>>
    %dma_start3A_70 = tpu.memref_squeeze %dma_start3A_69 : memref<1x50xi32, #tpu.memory_space<vmem>> -> memref<50xi32, #tpu.memory_space<vmem>>
    %dma_start3A_71 = arith.constant 0 : i32
    %dma_start3A_72 = arith.constant 0 : i32
    %dma_start3A_73 = tpu.memref_slice %arg3[%dma_start3A_71, %dma_start3A_72] : memref<1000000x32xf32, #tpu.memory_space<hbm>> -> memref<1000000x32xf32, #tpu.memory_space<hbm>>
    tpu.enqueue_indirect_dma source(%dma_start3A_73 : memref<1000000x32xf32, #tpu.memory_space<hbm>>) target(%dma_start3A_67 : memref<50x32xf32, #tpu.memory_space<vmem>>) offsets(%dma_start3A_70 : memref<50xi32, #tpu.memory_space<vmem>>) semaphore(%arg8 : memref<!tpu.dma_semaphore, #tpu.memory_space<semaphore_mem>>)
    %dma_start3A_74 = arith.constant 6 : i32
    %dma_start3A_75 = arith.constant 6 : i32
    %dma_start3A_76 = arith.constant 0 : i32
    %dma_start3A_77 = arith.constant 0 : i32
    %dma_start3A_78 = tpu.memref_slice %arg6[%dma_start3A_75, %dma_start3A_76, %dma_start3A_77] : memref<8x50x32xf32, #tpu.memory_space<vmem>> -> memref<1x50x32xf32, #tpu.memory_space<vmem>>
    %dma_start3A_79 = tpu.memref_squeeze %dma_start3A_78 : memref<1x50x32xf32, #tpu.memory_space<vmem>> -> memref<50x32xf32, #tpu.memory_space<vmem>>
    %dma_start3A_80 = arith.constant 0 : i32
    %dma_start3A_81 = tpu.memref_slice %arg5[%dma_start3A_74, %dma_start3A_80] : memref<128x50xi32, #tpu.memory_space<vmem>> -> memref<1x50xi32, #tpu.memory_space<vmem>>
    %dma_start3A_82 = tpu.memref_squeeze %dma_start3A_81 : memref<1x50xi32, #tpu.memory_space<vmem>> -> memref<50xi32, #tpu.memory_space<vmem>>
    %dma_start3A_83 = arith.constant 0 : i32
    %dma_start3A_84 = arith.constant 0 : i32
    %dma_start3A_85 = tpu.memref_slice %arg3[%dma_start3A_83, %dma_start3A_84] : memref<1000000x32xf32, #tpu.memory_space<hbm>> -> memref<1000000x32xf32, #tpu.memory_space<hbm>>
    tpu.enqueue_indirect_dma source(%dma_start3A_85 : memref<1000000x32xf32, #tpu.memory_space<hbm>>) target(%dma_start3A_79 : memref<50x32xf32, #tpu.memory_space<vmem>>) offsets(%dma_start3A_82 : memref<50xi32, #tpu.memory_space<vmem>>) semaphore(%arg8 : memref<!tpu.dma_semaphore, #tpu.memory_space<semaphore_mem>>)
    %dma_start3A_86 = arith.constant 7 : i32
    %dma_start3A_87 = arith.constant 7 : i32
    %dma_start3A_88 = arith.constant 0 : i32
    %dma_start3A_89 = arith.constant 0 : i32
    %dma_start3A_90 = tpu.memref_slice %arg6[%dma_start3A_87, %dma_start3A_88, %dma_start3A_89] : memref<8x50x32xf32, #tpu.memory_space<vmem>> -> memref<1x50x32xf32, #tpu.memory_space<vmem>>
    %dma_start3A_91 = tpu.memref_squeeze %dma_start3A_90 : memref<1x50x32xf32, #tpu.memory_space<vmem>> -> memref<50x32xf32, #tpu.memory_space<vmem>>
    %dma_start3A_92 = arith.constant 0 : i32
    %dma_start3A_93 = tpu.memref_slice %arg5[%dma_start3A_86, %dma_start3A_92] : memref<128x50xi32, #tpu.memory_space<vmem>> -> memref<1x50xi32, #tpu.memory_space<vmem>>
    %dma_start3A_94 = tpu.memref_squeeze %dma_start3A_93 : memref<1x50xi32, #tpu.memory_space<vmem>> -> memref<50xi32, #tpu.memory_space<vmem>>
    %dma_start3A_95 = arith.constant 0 : i32
    %dma_start3A_96 = arith.constant 0 : i32
    %dma_start3A_97 = tpu.memref_slice %arg3[%dma_start3A_95, %dma_start3A_96] : memref<1000000x32xf32, #tpu.memory_space<hbm>> -> memref<1000000x32xf32, #tpu.memory_space<hbm>>
    tpu.enqueue_indirect_dma source(%dma_start3A_97 : memref<1000000x32xf32, #tpu.memory_space<hbm>>) target(%dma_start3A_91 : memref<50x32xf32, #tpu.memory_space<vmem>>) offsets(%dma_start3A_94 : memref<50xi32, #tpu.memory_space<vmem>>) semaphore(%arg8 : memref<!tpu.dma_semaphore, #tpu.memory_space<semaphore_mem>>)
    %dma_start3A_98 = arith.constant 8 : i32
    %dma_start3A_99 = arith.constant 0 : i32
    %dma_start3A_100 = arith.constant 0 : i32
    %dma_start3A_101 = arith.constant 0 : i32
    %dma_start3A_102 = tpu.memref_slice %arg7[%dma_start3A_99, %dma_start3A_100, %dma_start3A_101] : memref<8x50x32xf32, #tpu.memory_space<vmem>> -> memref<1x50x32xf32, #tpu.memory_space<vmem>>
    %dma_start3A_103 = tpu.memref_squeeze %dma_start3A_102 : memref<1x50x32xf32, #tpu.memory_space<vmem>> -> memref<50x32xf32, #tpu.memory_space<vmem>>
    %dma_start3A_104 = arith.constant 0 : i32
    %dma_start3A_105 = tpu.memref_slice %arg5[%dma_start3A_98, %dma_start3A_104] : memref<128x50xi32, #tpu.memory_space<vmem>> -> memref<1x50xi32, #tpu.memory_space<vmem>>
    %dma_start3A_106 = tpu.memref_squeeze %dma_start3A_105 : memref<1x50xi32, #tpu.memory_space<vmem>> -> memref<50xi32, #tpu.memory_space<vmem>>
    %dma_start3A_107 = arith.constant 0 : i32
    %dma_start3A_108 = arith.constant 0 : i32
    %dma_start3A_109 = tpu.memref_slice %arg3[%dma_start3A_107, %dma_start3A_108] : memref<1000000x32xf32, #tpu.memory_space<hbm>> -> memref<1000000x32xf32, #tpu.memory_space<hbm>>
    tpu.enqueue_indirect_dma source(%dma_start3A_109 : memref<1000000x32xf32, #tpu.memory_space<hbm>>) target(%dma_start3A_103 : memref<50x32xf32, #tpu.memory_space<vmem>>) offsets(%dma_start3A_106 : memref<50xi32, #tpu.memory_space<vmem>>) semaphore(%arg9 : memref<!tpu.dma_semaphore, #tpu.memory_space<semaphore_mem>>)
    %dma_start3A_110 = arith.constant 9 : i32
    %dma_start3A_111 = arith.constant 1 : i32
    %dma_start3A_112 = arith.constant 0 : i32
    %dma_start3A_113 = arith.constant 0 : i32
    %dma_start3A_114 = tpu.memref_slice %arg7[%dma_start3A_111, %dma_start3A_112, %dma_start3A_113] : memref<8x50x32xf32, #tpu.memory_space<vmem>> -> memref<1x50x32xf32, #tpu.memory_space<vmem>>
    %dma_start3A_115 = tpu.memref_squeeze %dma_start3A_114 : memref<1x50x32xf32, #tpu.memory_space<vmem>> -> memref<50x32xf32, #tpu.memory_space<vmem>>
    %dma_start3A_116 = arith.constant 0 : i32
    %dma_start3A_117 = tpu.memref_slice %arg5[%dma_start3A_110, %dma_start3A_116] : memref<128x50xi32, #tpu.memory_space<vmem>> -> memref<1x50xi32, #tpu.memory_space<vmem>>
    %dma_start3A_118 = tpu.memref_squeeze %dma_start3A_117 : memref<1x50xi32, #tpu.memory_space<vmem>> -> memref<50xi32, #tpu.memory_space<vmem>>
    %dma_start3A_119 = arith.constant 0 : i32
    %dma_start3A_120 = arith.constant 0 : i32
    %dma_start3A_121 = tpu.memref_slice %arg3[%dma_start3A_119, %dma_start3A_120] : memref<1000000x32xf32, #tpu.memory_space<hbm>> -> memref<1000000x32xf32, #tpu.memory_space<hbm>>
    tpu.enqueue_indirect_dma source(%dma_start3A_121 : memref<1000000x32xf32, #tpu.memory_space<hbm>>) target(%dma_start3A_115 : memref<50x32xf32, #tpu.memory_space<vmem>>) offsets(%dma_start3A_118 : memref<50xi32, #tpu.memory_space<vmem>>) semaphore(%arg9 : memref<!tpu.dma_semaphore, #tpu.memory_space<semaphore_mem>>)
    %dma_start3A_122 = arith.constant 10 : i32
    %dma_start3A_123 = arith.constant 2 : i32
    %dma_start3A_124 = arith.constant 0 : i32
    %dma_start3A_125 = arith.constant 0 : i32
    %dma_start3A_126 = tpu.memref_slice %arg7[%dma_start3A_123, %dma_start3A_124, %dma_start3A_125] : memref<8x50x32xf32, #tpu.memory_space<vmem>> -> memref<1x50x32xf32, #tpu.memory_space<vmem>>
    %dma_start3A_127 = tpu.memref_squeeze %dma_start3A_126 : memref<1x50x32xf32, #tpu.memory_space<vmem>> -> memref<50x32xf32, #tpu.memory_space<vmem>>
    %dma_start3A_128 = arith.constant 0 : i32
    %dma_start3A_129 = tpu.memref_slice %arg5[%dma_start3A_122, %dma_start3A_128] : memref<128x50xi32, #tpu.memory_space<vmem>> -> memref<1x50xi32, #tpu.memory_space<vmem>>
    %dma_start3A_130 = tpu.memref_squeeze %dma_start3A_129 : memref<1x50xi32, #tpu.memory_space<vmem>> -> memref<50xi32, #tpu.memory_space<vmem>>
    %dma_start3A_131 = arith.constant 0 : i32
    %dma_start3A_132 = arith.constant 0 : i32
    %dma_start3A_133 = tpu.memref_slice %arg3[%dma_start3A_131, %dma_start3A_132] : memref<1000000x32xf32, #tpu.memory_space<hbm>> -> memref<1000000x32xf32, #tpu.memory_space<hbm>>
    tpu.enqueue_indirect_dma source(%dma_start3A_133 : memref<1000000x32xf32, #tpu.memory_space<hbm>>) target(%dma_start3A_127 : memref<50x32xf32, #tpu.memory_space<vmem>>) offsets(%dma_start3A_130 : memref<50xi32, #tpu.memory_space<vmem>>) semaphore(%arg9 : memref<!tpu.dma_semaphore, #tpu.memory_space<semaphore_mem>>)
    %dma_start3A_134 = arith.constant 11 : i32
    %dma_start3A_135 = arith.constant 3 : i32
    %dma_start3A_136 = arith.constant 0 : i32
    %dma_start3A_137 = arith.constant 0 : i32
    %dma_start3A_138 = tpu.memref_slice %arg7[%dma_start3A_135, %dma_start3A_136, %dma_start3A_137] : memref<8x50x32xf32, #tpu.memory_space<vmem>> -> memref<1x50x32xf32, #tpu.memory_space<vmem>>
    %dma_start3A_139 = tpu.memref_squeeze %dma_start3A_138 : memref<1x50x32xf32, #tpu.memory_space<vmem>> -> memref<50x32xf32, #tpu.memory_space<vmem>>
    %dma_start3A_140 = arith.constant 0 : i32
    %dma_start3A_141 = tpu.memref_slice %arg5[%dma_start3A_134, %dma_start3A_140] : memref<128x50xi32, #tpu.memory_space<vmem>> -> memref<1x50xi32, #tpu.memory_space<vmem>>
    %dma_start3A_142 = tpu.memref_squeeze %dma_start3A_141 : memref<1x50xi32, #tpu.memory_space<vmem>> -> memref<50xi32, #tpu.memory_space<vmem>>
    %dma_start3A_143 = arith.constant 0 : i32
    %dma_start3A_144 = arith.constant 0 : i32
    %dma_start3A_145 = tpu.memref_slice %arg3[%dma_start3A_143, %dma_start3A_144] : memref<1000000x32xf32, #tpu.memory_space<hbm>> -> memref<1000000x32xf32, #tpu.memory_space<hbm>>
    tpu.enqueue_indirect_dma source(%dma_start3A_145 : memref<1000000x32xf32, #tpu.memory_space<hbm>>) target(%dma_start3A_139 : memref<50x32xf32, #tpu.memory_space<vmem>>) offsets(%dma_start3A_142 : memref<50xi32, #tpu.memory_space<vmem>>) semaphore(%arg9 : memref<!tpu.dma_semaphore, #tpu.memory_space<semaphore_mem>>)
    %dma_start3A_146 = arith.constant 12 : i32
    %dma_start3A_147 = arith.constant 4 : i32
    %dma_start3A_148 = arith.constant 0 : i32
    %dma_start3A_149 = arith.constant 0 : i32
    %dma_start3A_150 = tpu.memref_slice %arg7[%dma_start3A_147, %dma_start3A_148, %dma_start3A_149] : memref<8x50x32xf32, #tpu.memory_space<vmem>> -> memref<1x50x32xf32, #tpu.memory_space<vmem>>
    %dma_start3A_151 = tpu.memref_squeeze %dma_start3A_150 : memref<1x50x32xf32, #tpu.memory_space<vmem>> -> memref<50x32xf32, #tpu.memory_space<vmem>>
    %dma_start3A_152 = arith.constant 0 : i32
    %dma_start3A_153 = tpu.memref_slice %arg5[%dma_start3A_146, %dma_start3A_152] : memref<128x50xi32, #tpu.memory_space<vmem>> -> memref<1x50xi32, #tpu.memory_space<vmem>>
    %dma_start3A_154 = tpu.memref_squeeze %dma_start3A_153 : memref<1x50xi32, #tpu.memory_space<vmem>> -> memref<50xi32, #tpu.memory_space<vmem>>
    %dma_start3A_155 = arith.constant 0 : i32
    %dma_start3A_156 = arith.constant 0 : i32
    %dma_start3A_157 = tpu.memref_slice %arg3[%dma_start3A_155, %dma_start3A_156] : memref<1000000x32xf32, #tpu.memory_space<hbm>> -> memref<1000000x32xf32, #tpu.memory_space<hbm>>
    tpu.enqueue_indirect_dma source(%dma_start3A_157 : memref<1000000x32xf32, #tpu.memory_space<hbm>>) target(%dma_start3A_151 : memref<50x32xf32, #tpu.memory_space<vmem>>) offsets(%dma_start3A_154 : memref<50xi32, #tpu.memory_space<vmem>>) semaphore(%arg9 : memref<!tpu.dma_semaphore, #tpu.memory_space<semaphore_mem>>)
    %dma_start3A_158 = arith.constant 13 : i32
    %dma_start3A_159 = arith.constant 5 : i32
    %dma_start3A_160 = arith.constant 0 : i32
    %dma_start3A_161 = arith.constant 0 : i32
    %dma_start3A_162 = tpu.memref_slice %arg7[%dma_start3A_159, %dma_start3A_160, %dma_start3A_161] : memref<8x50x32xf32, #tpu.memory_space<vmem>> -> memref<1x50x32xf32, #tpu.memory_space<vmem>>
    %dma_start3A_163 = tpu.memref_squeeze %dma_start3A_162 : memref<1x50x32xf32, #tpu.memory_space<vmem>> -> memref<50x32xf32, #tpu.memory_space<vmem>>
    %dma_start3A_164 = arith.constant 0 : i32
    %dma_start3A_165 = tpu.memref_slice %arg5[%dma_start3A_158, %dma_start3A_164] : memref<128x50xi32, #tpu.memory_space<vmem>> -> memref<1x50xi32, #tpu.memory_space<vmem>>
    %dma_start3A_166 = tpu.memref_squeeze %dma_start3A_165 : memref<1x50xi32, #tpu.memory_space<vmem>> -> memref<50xi32, #tpu.memory_space<vmem>>
    %dma_start3A_167 = arith.constant 0 : i32
    %dma_start3A_168 = arith.constant 0 : i32
    %dma_start3A_169 = tpu.memref_slice %arg3[%dma_start3A_167, %dma_start3A_168] : memref<1000000x32xf32, #tpu.memory_space<hbm>> -> memref<1000000x32xf32, #tpu.memory_space<hbm>>
    tpu.enqueue_indirect_dma source(%dma_start3A_169 : memref<1000000x32xf32, #tpu.memory_space<hbm>>) target(%dma_start3A_163 : memref<50x32xf32, #tpu.memory_space<vmem>>) offsets(%dma_start3A_166 : memref<50xi32, #tpu.memory_space<vmem>>) semaphore(%arg9 : memref<!tpu.dma_semaphore, #tpu.memory_space<semaphore_mem>>)
    %dma_start3A_170 = arith.constant 14 : i32
    %dma_start3A_171 = arith.constant 6 : i32
    %dma_start3A_172 = arith.constant 0 : i32
    %dma_start3A_173 = arith.constant 0 : i32
    %dma_start3A_174 = tpu.memref_slice %arg7[%dma_start3A_171, %dma_start3A_172, %dma_start3A_173] : memref<8x50x32xf32, #tpu.memory_space<vmem>> -> memref<1x50x32xf32, #tpu.memory_space<vmem>>
    %dma_start3A_175 = tpu.memref_squeeze %dma_start3A_174 : memref<1x50x32xf32, #tpu.memory_space<vmem>> -> memref<50x32xf32, #tpu.memory_space<vmem>>
    %dma_start3A_176 = arith.constant 0 : i32
    %dma_start3A_177 = tpu.memref_slice %arg5[%dma_start3A_170, %dma_start3A_176] : memref<128x50xi32, #tpu.memory_space<vmem>> -> memref<1x50xi32, #tpu.memory_space<vmem>>
    %dma_start3A_178 = tpu.memref_squeeze %dma_start3A_177 : memref<1x50xi32, #tpu.memory_space<vmem>> -> memref<50xi32, #tpu.memory_space<vmem>>
    %dma_start3A_179 = arith.constant 0 : i32
    %dma_start3A_180 = arith.constant 0 : i32
    %dma_start3A_181 = tpu.memref_slice %arg3[%dma_start3A_179, %dma_start3A_180] : memref<1000000x32xf32, #tpu.memory_space<hbm>> -> memref<1000000x32xf32, #tpu.memory_space<hbm>>
    tpu.enqueue_indirect_dma source(%dma_start3A_181 : memref<1000000x32xf32, #tpu.memory_space<hbm>>) target(%dma_start3A_175 : memref<50x32xf32, #tpu.memory_space<vmem>>) offsets(%dma_start3A_178 : memref<50xi32, #tpu.memory_space<vmem>>) semaphore(%arg9 : memref<!tpu.dma_semaphore, #tpu.memory_space<semaphore_mem>>)
    %dma_start3A_182 = arith.constant 15 : i32
    %dma_start3A_183 = arith.constant 7 : i32
    %dma_start3A_184 = arith.constant 0 : i32
    %dma_start3A_185 = arith.constant 0 : i32
    %dma_start3A_186 = tpu.memref_slice %arg7[%dma_start3A_183, %dma_start3A_184, %dma_start3A_185] : memref<8x50x32xf32, #tpu.memory_space<vmem>> -> memref<1x50x32xf32, #tpu.memory_space<vmem>>
    %dma_start3A_187 = tpu.memref_squeeze %dma_start3A_186 : memref<1x50x32xf32, #tpu.memory_space<vmem>> -> memref<50x32xf32, #tpu.memory_space<vmem>>
    %dma_start3A_188 = arith.constant 0 : i32
    %dma_start3A_189 = tpu.memref_slice %arg5[%dma_start3A_182, %dma_start3A_188] : memref<128x50xi32, #tpu.memory_space<vmem>> -> memref<1x50xi32, #tpu.memory_space<vmem>>
    %dma_start3A_190 = tpu.memref_squeeze %dma_start3A_189 : memref<1x50xi32, #tpu.memory_space<vmem>> -> memref<50xi32, #tpu.memory_space<vmem>>
    %dma_start3A_191 = arith.constant 0 : i32
    %dma_start3A_192 = arith.constant 0 : i32
    %dma_start3A_193 = tpu.memref_slice %arg3[%dma_start3A_191, %dma_start3A_192] : memref<1000000x32xf32, #tpu.memory_space<hbm>> -> memref<1000000x32xf32, #tpu.memory_space<hbm>>
    tpu.enqueue_indirect_dma source(%dma_start3A_193 : memref<1000000x32xf32, #tpu.memory_space<hbm>>) target(%dma_start3A_187 : memref<50x32xf32, #tpu.memory_space<vmem>>) offsets(%dma_start3A_190 : memref<50xi32, #tpu.memory_space<vmem>>) semaphore(%arg9 : memref<!tpu.dma_semaphore, #tpu.memory_space<semaphore_mem>>)
    %scan3A = arith.constant 0 : i32
    %scan3A_194 = arith.constant 0 : i32
    %scan3A_195 = arith.constant 7 : i32
    %scan3A_196 = arith.addi %scan3A_194, %scan3A_195 : i32
    %scan3A_197 = arith.constant 1 : i32
    %scan3A_198 = scf.for %scan3A_247 = %scan3A_194 to %scan3A_196 step %scan3A_197 iter_args(%scan3A_248 = %scan3A) -> (i32)  : i32 {
      %mul3A_249 = arith.constant 2 : i32
      %mul3A_250 = arith.muli %mul3A_249, %scan3A_247 : i32
      %dma_wait3A_251 = arith.constant 0 : i32
      %dma_wait3A_252 = arith.constant 0 : i32
      %dma_wait3A_253 = arith.constant 0 : i32
      %dma_wait3A_254 = tpu.memref_slice %arg4[%dma_wait3A_251, %dma_wait3A_252, %dma_wait3A_253] : memref<4096x50x32xf32, #tpu.memory_space<hbm>> -> memref<8x50x32xf32, #tpu.memory_space<hbm>>
      %dma_wait3A_255 = arith.constant 0 : i32
      %dma_wait3A_256 = arith.constant 0 : i32
      %dma_wait3A_257 = arith.constant 0 : i32
      %dma_wait3A_258 = tpu.memref_slice %arg4[%dma_wait3A_255, %dma_wait3A_256, %dma_wait3A_257] : memref<4096x50x32xf32, #tpu.memory_space<hbm>> -> memref<8x50x32xf32, #tpu.memory_space<hbm>>
      tpu.wait_dma2 semaphore(%arg8 : memref<!tpu.dma_semaphore, #tpu.memory_space<semaphore_mem>>) src(%dma_wait3A_258 : memref<8x50x32xf32, #tpu.memory_space<hbm>>) dst(%arg6 : memref<8x50x32xf32, #tpu.memory_space<vmem>>)
      %mul3A_259 = arith.constant 8 : i32
      %mul3A_260 = arith.muli %mul3A_250, %mul3A_259 : i32
      %add3A_261 = arith.addi %mul3A_2, %mul3A_260 : i32
      %dma_start3A_262 = arith.constant 0 : i32
      %dma_start3A_263 = arith.constant 0 : i32
      %dma_start3A_264 = tpu.memref_slice %arg4[%add3A_261, %dma_start3A_262, %dma_start3A_263] : memref<4096x50x32xf32, #tpu.memory_space<hbm>> -> memref<8x50x32xf32, #tpu.memory_space<hbm>>
      %dma_start3A_265 = arith.constant 0 : i32
      %dma_start3A_266 = arith.constant 0 : i32
      %dma_start3A_267 = tpu.memref_slice %arg4[%add3A_261, %dma_start3A_265, %dma_start3A_266] : memref<4096x50x32xf32, #tpu.memory_space<hbm>> -> memref<8x50x32xf32, #tpu.memory_space<hbm>>
      tpu.enqueue_dma source(%arg6 : memref<8x50x32xf32, #tpu.memory_space<vmem>>) target(%dma_start3A_267 : memref<8x50x32xf32, #tpu.memory_space<hbm>>) target_semaphore(%arg10 : memref<!tpu.dma_semaphore, #tpu.memory_space<semaphore_mem>>)
      %dma_wait3A_268 = arith.constant 0 : i32
      %dma_wait3A_269 = arith.constant 0 : i32
      %dma_wait3A_270 = arith.constant 0 : i32
      %dma_wait3A_271 = tpu.memref_slice %arg4[%dma_wait3A_268, %dma_wait3A_269, %dma_wait3A_270] : memref<4096x50x32xf32, #tpu.memory_space<hbm>> -> memref<8x50x32xf32, #tpu.memory_space<hbm>>
      %dma_wait3A_272 = arith.constant 0 : i32
      %dma_wait3A_273 = arith.constant 0 : i32
      %dma_wait3A_274 = arith.constant 0 : i32
      %dma_wait3A_275 = tpu.memref_slice %arg4[%dma_wait3A_272, %dma_wait3A_273, %dma_wait3A_274] : memref<4096x50x32xf32, #tpu.memory_space<hbm>> -> memref<8x50x32xf32, #tpu.memory_space<hbm>>
      tpu.wait_dma2 semaphore(%arg9 : memref<!tpu.dma_semaphore, #tpu.memory_space<semaphore_mem>>) src(%dma_wait3A_275 : memref<8x50x32xf32, #tpu.memory_space<hbm>>) dst(%arg7 : memref<8x50x32xf32, #tpu.memory_space<vmem>>)
      %add3A_276 = arith.constant 1 : i32
      %add3A_277 = arith.addi %mul3A_250, %add3A_276 : i32
      %mul3A_278 = arith.constant 8 : i32
      %mul3A_279 = arith.muli %add3A_277, %mul3A_278 : i32
      %add3A_280 = arith.addi %mul3A_2, %mul3A_279 : i32
      %dma_start3A_281 = arith.constant 0 : i32
      %dma_start3A_282 = arith.constant 0 : i32
      %dma_start3A_283 = tpu.memref_slice %arg4[%add3A_280, %dma_start3A_281, %dma_start3A_282] : memref<4096x50x32xf32, #tpu.memory_space<hbm>> -> memref<8x50x32xf32, #tpu.memory_space<hbm>>
      %dma_start3A_284 = arith.constant 0 : i32
      %dma_start3A_285 = arith.constant 0 : i32
      %dma_start3A_286 = tpu.memref_slice %arg4[%add3A_280, %dma_start3A_284, %dma_start3A_285] : memref<4096x50x32xf32, #tpu.memory_space<hbm>> -> memref<8x50x32xf32, #tpu.memory_space<hbm>>
      tpu.enqueue_dma source(%arg7 : memref<8x50x32xf32, #tpu.memory_space<vmem>>) target(%dma_start3A_286 : memref<8x50x32xf32, #tpu.memory_space<hbm>>) target_semaphore(%arg11 : memref<!tpu.dma_semaphore, #tpu.memory_space<semaphore_mem>>)
      %mul3A_287 = arith.constant 8 : i32
      %mul3A_288 = arith.muli %mul3A_250, %mul3A_287 : i32
      %add3A_289 = arith.addi %mul3A_2, %mul3A_288 : i32
      %dma_wait3A_290 = arith.constant 0 : i32
      %dma_wait3A_291 = arith.constant 0 : i32
      %dma_wait3A_292 = tpu.memref_slice %arg4[%add3A_289, %dma_wait3A_290, %dma_wait3A_291] : memref<4096x50x32xf32, #tpu.memory_space<hbm>> -> memref<8x50x32xf32, #tpu.memory_space<hbm>>
      %dma_wait3A_293 = arith.constant 0 : i32
      %dma_wait3A_294 = arith.constant 0 : i32
      %dma_wait3A_295 = tpu.memref_slice %arg4[%add3A_289, %dma_wait3A_293, %dma_wait3A_294] : memref<4096x50x32xf32, #tpu.memory_space<hbm>> -> memref<8x50x32xf32, #tpu.memory_space<hbm>>
      tpu.wait_dma2 semaphore(%arg10 : memref<!tpu.dma_semaphore, #tpu.memory_space<semaphore_mem>>) src(%arg6 : memref<8x50x32xf32, #tpu.memory_space<vmem>>) dst(%dma_wait3A_295 : memref<8x50x32xf32, #tpu.memory_space<hbm>>)
      %add3A_296 = arith.constant 2 : i32
      %add3A_297 = arith.addi %mul3A_250, %add3A_296 : i32
      %mul3A_298 = arith.constant 8 : i32
      %mul3A_299 = arith.muli %add3A_297, %mul3A_298 : i32
      %add3A_300 = arith.constant 0 : i32
      %add3A_301 = arith.addi %mul3A_299, %add3A_300 : i32
      %dma_start3A_302 = arith.constant 0 : i32
      %dma_start3A_303 = arith.constant 0 : i32
      %dma_start3A_304 = arith.constant 0 : i32
      %dma_start3A_305 = tpu.memref_slice %arg6[%dma_start3A_302, %dma_start3A_303, %dma_start3A_304] : memref<8x50x32xf32, #tpu.memory_space<vmem>> -> memref<1x50x32xf32, #tpu.memory_space<vmem>>
      %dma_start3A_306 = tpu.memref_squeeze %dma_start3A_305 : memref<1x50x32xf32, #tpu.memory_space<vmem>> -> memref<50x32xf32, #tpu.memory_space<vmem>>
      %dma_start3A_307 = arith.constant 0 : i32
      %dma_start3A_308 = tpu.memref_slice %arg5[%add3A_301, %dma_start3A_307] : memref<128x50xi32, #tpu.memory_space<vmem>> -> memref<1x50xi32, #tpu.memory_space<vmem>>
      %dma_start3A_309 = tpu.memref_squeeze %dma_start3A_308 : memref<1x50xi32, #tpu.memory_space<vmem>> -> memref<50xi32, #tpu.memory_space<vmem>>
      %dma_start3A_310 = arith.constant 0 : i32
      %dma_start3A_311 = arith.constant 0 : i32
      %dma_start3A_312 = tpu.memref_slice %arg3[%dma_start3A_310, %dma_start3A_311] : memref<1000000x32xf32, #tpu.memory_space<hbm>> -> memref<1000000x32xf32, #tpu.memory_space<hbm>>
      tpu.enqueue_indirect_dma source(%dma_start3A_312 : memref<1000000x32xf32, #tpu.memory_space<hbm>>) target(%dma_start3A_306 : memref<50x32xf32, #tpu.memory_space<vmem>>) offsets(%dma_start3A_309 : memref<50xi32, #tpu.memory_space<vmem>>) semaphore(%arg8 : memref<!tpu.dma_semaphore, #tpu.memory_space<semaphore_mem>>)
      %mul3A_313 = arith.constant 8 : i32
      %mul3A_314 = arith.muli %add3A_297, %mul3A_313 : i32
      %add3A_315 = arith.constant 1 : i32
      %add3A_316 = arith.addi %mul3A_314, %add3A_315 : i32
      %dma_start3A_317 = arith.constant 1 : i32
      %dma_start3A_318 = arith.constant 0 : i32
      %dma_start3A_319 = arith.constant 0 : i32
      %dma_start3A_320 = tpu.memref_slice %arg6[%dma_start3A_317, %dma_start3A_318, %dma_start3A_319] : memref<8x50x32xf32, #tpu.memory_space<vmem>> -> memref<1x50x32xf32, #tpu.memory_space<vmem>>
      %dma_start3A_321 = tpu.memref_squeeze %dma_start3A_320 : memref<1x50x32xf32, #tpu.memory_space<vmem>> -> memref<50x32xf32, #tpu.memory_space<vmem>>
      %dma_start3A_322 = arith.constant 0 : i32
      %dma_start3A_323 = tpu.memref_slice %arg5[%add3A_316, %dma_start3A_322] : memref<128x50xi32, #tpu.memory_space<vmem>> -> memref<1x50xi32, #tpu.memory_space<vmem>>
      %dma_start3A_324 = tpu.memref_squeeze %dma_start3A_323 : memref<1x50xi32, #tpu.memory_space<vmem>> -> memref<50xi32, #tpu.memory_space<vmem>>
      %dma_start3A_325 = arith.constant 0 : i32
      %dma_start3A_326 = arith.constant 0 : i32
      %dma_start3A_327 = tpu.memref_slice %arg3[%dma_start3A_325, %dma_start3A_326] : memref<1000000x32xf32, #tpu.memory_space<hbm>> -> memref<1000000x32xf32, #tpu.memory_space<hbm>>
      tpu.enqueue_indirect_dma source(%dma_start3A_327 : memref<1000000x32xf32, #tpu.memory_space<hbm>>) target(%dma_start3A_321 : memref<50x32xf32, #tpu.memory_space<vmem>>) offsets(%dma_start3A_324 : memref<50xi32, #tpu.memory_space<vmem>>) semaphore(%arg8 : memref<!tpu.dma_semaphore, #tpu.memory_space<semaphore_mem>>)
      %mul3A_328 = arith.constant 8 : i32
      %mul3A_329 = arith.muli %add3A_297, %mul3A_328 : i32
      %add3A_330 = arith.constant 2 : i32
      %add3A_331 = arith.addi %mul3A_329, %add3A_330 : i32
      %dma_start3A_332 = arith.constant 2 : i32
      %dma_start3A_333 = arith.constant 0 : i32
      %dma_start3A_334 = arith.constant 0 : i32
      %dma_start3A_335 = tpu.memref_slice %arg6[%dma_start3A_332, %dma_start3A_333, %dma_start3A_334] : memref<8x50x32xf32, #tpu.memory_space<vmem>> -> memref<1x50x32xf32, #tpu.memory_space<vmem>>
      %dma_start3A_336 = tpu.memref_squeeze %dma_start3A_335 : memref<1x50x32xf32, #tpu.memory_space<vmem>> -> memref<50x32xf32, #tpu.memory_space<vmem>>
      %dma_start3A_337 = arith.constant 0 : i32
      %dma_start3A_338 = tpu.memref_slice %arg5[%add3A_331, %dma_start3A_337] : memref<128x50xi32, #tpu.memory_space<vmem>> -> memref<1x50xi32, #tpu.memory_space<vmem>>
      %dma_start3A_339 = tpu.memref_squeeze %dma_start3A_338 : memref<1x50xi32, #tpu.memory_space<vmem>> -> memref<50xi32, #tpu.memory_space<vmem>>
      %dma_start3A_340 = arith.constant 0 : i32
      %dma_start3A_341 = arith.constant 0 : i32
      %dma_start3A_342 = tpu.memref_slice %arg3[%dma_start3A_340, %dma_start3A_341] : memref<1000000x32xf32, #tpu.memory_space<hbm>> -> memref<1000000x32xf32, #tpu.memory_space<hbm>>
      tpu.enqueue_indirect_dma source(%dma_start3A_342 : memref<1000000x32xf32, #tpu.memory_space<hbm>>) target(%dma_start3A_336 : memref<50x32xf32, #tpu.memory_space<vmem>>) offsets(%dma_start3A_339 : memref<50xi32, #tpu.memory_space<vmem>>) semaphore(%arg8 : memref<!tpu.dma_semaphore, #tpu.memory_space<semaphore_mem>>)
      %mul3A_343 = arith.constant 8 : i32
      %mul3A_344 = arith.muli %add3A_297, %mul3A_343 : i32
      %add3A_345 = arith.constant 3 : i32
      %add3A_346 = arith.addi %mul3A_344, %add3A_345 : i32
      %dma_start3A_347 = arith.constant 3 : i32
      %dma_start3A_348 = arith.constant 0 : i32
      %dma_start3A_349 = arith.constant 0 : i32
      %dma_start3A_350 = tpu.memref_slice %arg6[%dma_start3A_347, %dma_start3A_348, %dma_start3A_349] : memref<8x50x32xf32, #tpu.memory_space<vmem>> -> memref<1x50x32xf32, #tpu.memory_space<vmem>>
      %dma_start3A_351 = tpu.memref_squeeze %dma_start3A_350 : memref<1x50x32xf32, #tpu.memory_space<vmem>> -> memref<50x32xf32, #tpu.memory_space<vmem>>
      %dma_start3A_352 = arith.constant 0 : i32
      %dma_start3A_353 = tpu.memref_slice %arg5[%add3A_346, %dma_start3A_352] : memref<128x50xi32, #tpu.memory_space<vmem>> -> memref<1x50xi32, #tpu.memory_space<vmem>>
      %dma_start3A_354 = tpu.memref_squeeze %dma_start3A_353 : memref<1x50xi32, #tpu.memory_space<vmem>> -> memref<50xi32, #tpu.memory_space<vmem>>
      %dma_start3A_355 = arith.constant 0 : i32
      %dma_start3A_356 = arith.constant 0 : i32
      %dma_start3A_357 = tpu.memref_slice %arg3[%dma_start3A_355, %dma_start3A_356] : memref<1000000x32xf32, #tpu.memory_space<hbm>> -> memref<1000000x32xf32, #tpu.memory_space<hbm>>
      tpu.enqueue_indirect_dma source(%dma_start3A_357 : memref<1000000x32xf32, #tpu.memory_space<hbm>>) target(%dma_start3A_351 : memref<50x32xf32, #tpu.memory_space<vmem>>) offsets(%dma_start3A_354 : memref<50xi32, #tpu.memory_space<vmem>>) semaphore(%arg8 : memref<!tpu.dma_semaphore, #tpu.memory_space<semaphore_mem>>)
      %mul3A_358 = arith.constant 8 : i32
      %mul3A_359 = arith.muli %add3A_297, %mul3A_358 : i32
      %add3A_360 = arith.constant 4 : i32
      %add3A_361 = arith.addi %mul3A_359, %add3A_360 : i32
      %dma_start3A_362 = arith.constant 4 : i32
      %dma_start3A_363 = arith.constant 0 : i32
      %dma_start3A_364 = arith.constant 0 : i32
      %dma_start3A_365 = tpu.memref_slice %arg6[%dma_start3A_362, %dma_start3A_363, %dma_start3A_364] : memref<8x50x32xf32, #tpu.memory_space<vmem>> -> memref<1x50x32xf32, #tpu.memory_space<vmem>>
      %dma_start3A_366 = tpu.memref_squeeze %dma_start3A_365 : memref<1x50x32xf32, #tpu.memory_space<vmem>> -> memref<50x32xf32, #tpu.memory_space<vmem>>
      %dma_start3A_367 = arith.constant 0 : i32
      %dma_start3A_368 = tpu.memref_slice %arg5[%add3A_361, %dma_start3A_367] : memref<128x50xi32, #tpu.memory_space<vmem>> -> memref<1x50xi32, #tpu.memory_space<vmem>>
      %dma_start3A_369 = tpu.memref_squeeze %dma_start3A_368 : memref<1x50xi32, #tpu.memory_space<vmem>> -> memref<50xi32, #tpu.memory_space<vmem>>
      %dma_start3A_370 = arith.constant 0 : i32
      %dma_start3A_371 = arith.constant 0 : i32
      %dma_start3A_372 = tpu.memref_slice %arg3[%dma_start3A_370, %dma_start3A_371] : memref<1000000x32xf32, #tpu.memory_space<hbm>> -> memref<1000000x32xf32, #tpu.memory_space<hbm>>
      tpu.enqueue_indirect_dma source(%dma_start3A_372 : memref<1000000x32xf32, #tpu.memory_space<hbm>>) target(%dma_start3A_366 : memref<50x32xf32, #tpu.memory_space<vmem>>) offsets(%dma_start3A_369 : memref<50xi32, #tpu.memory_space<vmem>>) semaphore(%arg8 : memref<!tpu.dma_semaphore, #tpu.memory_space<semaphore_mem>>)
      %mul3A_373 = arith.constant 8 : i32
      %mul3A_374 = arith.muli %add3A_297, %mul3A_373 : i32
      %add3A_375 = arith.constant 5 : i32
      %add3A_376 = arith.addi %mul3A_374, %add3A_375 : i32
      %dma_start3A_377 = arith.constant 5 : i32
      %dma_start3A_378 = arith.constant 0 : i32
      %dma_start3A_379 = arith.constant 0 : i32
      %dma_start3A_380 = tpu.memref_slice %arg6[%dma_start3A_377, %dma_start3A_378, %dma_start3A_379] : memref<8x50x32xf32, #tpu.memory_space<vmem>> -> memref<1x50x32xf32, #tpu.memory_space<vmem>>
      %dma_start3A_381 = tpu.memref_squeeze %dma_start3A_380 : memref<1x50x32xf32, #tpu.memory_space<vmem>> -> memref<50x32xf32, #tpu.memory_space<vmem>>
      %dma_start3A_382 = arith.constant 0 : i32
      %dma_start3A_383 = tpu.memref_slice %arg5[%add3A_376, %dma_start3A_382] : memref<128x50xi32, #tpu.memory_space<vmem>> -> memref<1x50xi32, #tpu.memory_space<vmem>>
      %dma_start3A_384 = tpu.memref_squeeze %dma_start3A_383 : memref<1x50xi32, #tpu.memory_space<vmem>> -> memref<50xi32, #tpu.memory_space<vmem>>
      %dma_start3A_385 = arith.constant 0 : i32
      %dma_start3A_386 = arith.constant 0 : i32
      %dma_start3A_387 = tpu.memref_slice %arg3[%dma_start3A_385, %dma_start3A_386] : memref<1000000x32xf32, #tpu.memory_space<hbm>> -> memref<1000000x32xf32, #tpu.memory_space<hbm>>
      tpu.enqueue_indirect_dma source(%dma_start3A_387 : memref<1000000x32xf32, #tpu.memory_space<hbm>>) target(%dma_start3A_381 : memref<50x32xf32, #tpu.memory_space<vmem>>) offsets(%dma_start3A_384 : memref<50xi32, #tpu.memory_space<vmem>>) semaphore(%arg8 : memref<!tpu.dma_semaphore, #tpu.memory_space<semaphore_mem>>)
      %mul3A_388 = arith.constant 8 : i32
      %mul3A_389 = arith.muli %add3A_297, %mul3A_388 : i32
      %add3A_390 = arith.constant 6 : i32
      %add3A_391 = arith.addi %mul3A_389, %add3A_390 : i32
      %dma_start3A_392 = arith.constant 6 : i32
      %dma_start3A_393 = arith.constant 0 : i32
      %dma_start3A_394 = arith.constant 0 : i32
      %dma_start3A_395 = tpu.memref_slice %arg6[%dma_start3A_392, %dma_start3A_393, %dma_start3A_394] : memref<8x50x32xf32, #tpu.memory_space<vmem>> -> memref<1x50x32xf32, #tpu.memory_space<vmem>>
      %dma_start3A_396 = tpu.memref_squeeze %dma_start3A_395 : memref<1x50x32xf32, #tpu.memory_space<vmem>> -> memref<50x32xf32, #tpu.memory_space<vmem>>
      %dma_start3A_397 = arith.constant 0 : i32
      %dma_start3A_398 = tpu.memref_slice %arg5[%add3A_391, %dma_start3A_397] : memref<128x50xi32, #tpu.memory_space<vmem>> -> memref<1x50xi32, #tpu.memory_space<vmem>>
      %dma_start3A_399 = tpu.memref_squeeze %dma_start3A_398 : memref<1x50xi32, #tpu.memory_space<vmem>> -> memref<50xi32, #tpu.memory_space<vmem>>
      %dma_start3A_400 = arith.constant 0 : i32
      %dma_start3A_401 = arith.constant 0 : i32
      %dma_start3A_402 = tpu.memref_slice %arg3[%dma_start3A_400, %dma_start3A_401] : memref<1000000x32xf32, #tpu.memory_space<hbm>> -> memref<1000000x32xf32, #tpu.memory_space<hbm>>
      tpu.enqueue_indirect_dma source(%dma_start3A_402 : memref<1000000x32xf32, #tpu.memory_space<hbm>>) target(%dma_start3A_396 : memref<50x32xf32, #tpu.memory_space<vmem>>) offsets(%dma_start3A_399 : memref<50xi32, #tpu.memory_space<vmem>>) semaphore(%arg8 : memref<!tpu.dma_semaphore, #tpu.memory_space<semaphore_mem>>)
      %mul3A_403 = arith.constant 8 : i32
      %mul3A_404 = arith.muli %add3A_297, %mul3A_403 : i32
      %add3A_405 = arith.constant 7 : i32
      %add3A_406 = arith.addi %mul3A_404, %add3A_405 : i32
      %dma_start3A_407 = arith.constant 7 : i32
      %dma_start3A_408 = arith.constant 0 : i32
      %dma_start3A_409 = arith.constant 0 : i32
      %dma_start3A_410 = tpu.memref_slice %arg6[%dma_start3A_407, %dma_start3A_408, %dma_start3A_409] : memref<8x50x32xf32, #tpu.memory_space<vmem>> -> memref<1x50x32xf32, #tpu.memory_space<vmem>>
      %dma_start3A_411 = tpu.memref_squeeze %dma_start3A_410 : memref<1x50x32xf32, #tpu.memory_space<vmem>> -> memref<50x32xf32, #tpu.memory_space<vmem>>
      %dma_start3A_412 = arith.constant 0 : i32
      %dma_start3A_413 = tpu.memref_slice %arg5[%add3A_406, %dma_start3A_412] : memref<128x50xi32, #tpu.memory_space<vmem>> -> memref<1x50xi32, #tpu.memory_space<vmem>>
      %dma_start3A_414 = tpu.memref_squeeze %dma_start3A_413 : memref<1x50xi32, #tpu.memory_space<vmem>> -> memref<50xi32, #tpu.memory_space<vmem>>
      %dma_start3A_415 = arith.constant 0 : i32
      %dma_start3A_416 = arith.constant 0 : i32
      %dma_start3A_417 = tpu.memref_slice %arg3[%dma_start3A_415, %dma_start3A_416] : memref<1000000x32xf32, #tpu.memory_space<hbm>> -> memref<1000000x32xf32, #tpu.memory_space<hbm>>
      tpu.enqueue_indirect_dma source(%dma_start3A_417 : memref<1000000x32xf32, #tpu.memory_space<hbm>>) target(%dma_start3A_411 : memref<50x32xf32, #tpu.memory_space<vmem>>) offsets(%dma_start3A_414 : memref<50xi32, #tpu.memory_space<vmem>>) semaphore(%arg8 : memref<!tpu.dma_semaphore, #tpu.memory_space<semaphore_mem>>)
      %add3A_418 = arith.constant 1 : i32
      %add3A_419 = arith.addi %mul3A_250, %add3A_418 : i32
      %mul3A_420 = arith.constant 8 : i32
      %mul3A_421 = arith.muli %add3A_419, %mul3A_420 : i32
      %add3A_422 = arith.addi %mul3A_2, %mul3A_421 : i32
      %dma_wait3A_423 = arith.constant 0 : i32
      %dma_wait3A_424 = arith.constant 0 : i32
      %dma_wait3A_425 = tpu.memref_slice %arg4[%add3A_422, %dma_wait3A_423, %dma_wait3A_424] : memref<4096x50x32xf32, #tpu.memory_space<hbm>> -> memref<8x50x32xf32, #tpu.memory_space<hbm>>
      %dma_wait3A_426 = arith.constant 0 : i32
      %dma_wait3A_427 = arith.constant 0 : i32
      %dma_wait3A_428 = tpu.memref_slice %arg4[%add3A_422, %dma_wait3A_426, %dma_wait3A_427] : memref<4096x50x32xf32, #tpu.memory_space<hbm>> -> memref<8x50x32xf32, #tpu.memory_space<hbm>>
      tpu.wait_dma2 semaphore(%arg11 : memref<!tpu.dma_semaphore, #tpu.memory_space<semaphore_mem>>) src(%arg7 : memref<8x50x32xf32, #tpu.memory_space<vmem>>) dst(%dma_wait3A_428 : memref<8x50x32xf32, #tpu.memory_space<hbm>>)
      %add3A_429 = arith.constant 3 : i32
      %add3A_430 = arith.addi %mul3A_250, %add3A_429 : i32
      %mul3A_431 = arith.constant 8 : i32
      %mul3A_432 = arith.muli %add3A_430, %mul3A_431 : i32
      %add3A_433 = arith.constant 0 : i32
      %add3A_434 = arith.addi %mul3A_432, %add3A_433 : i32
      %dma_start3A_435 = arith.constant 0 : i32
      %dma_start3A_436 = arith.constant 0 : i32
      %dma_start3A_437 = arith.constant 0 : i32
      %dma_start3A_438 = tpu.memref_slice %arg7[%dma_start3A_435, %dma_start3A_436, %dma_start3A_437] : memref<8x50x32xf32, #tpu.memory_space<vmem>> -> memref<1x50x32xf32, #tpu.memory_space<vmem>>
      %dma_start3A_439 = tpu.memref_squeeze %dma_start3A_438 : memref<1x50x32xf32, #tpu.memory_space<vmem>> -> memref<50x32xf32, #tpu.memory_space<vmem>>
      %dma_start3A_440 = arith.constant 0 : i32
      %dma_start3A_441 = tpu.memref_slice %arg5[%add3A_434, %dma_start3A_440] : memref<128x50xi32, #tpu.memory_space<vmem>> -> memref<1x50xi32, #tpu.memory_space<vmem>>
      %dma_start3A_442 = tpu.memref_squeeze %dma_start3A_441 : memref<1x50xi32, #tpu.memory_space<vmem>> -> memref<50xi32, #tpu.memory_space<vmem>>
      %dma_start3A_443 = arith.constant 0 : i32
      %dma_start3A_444 = arith.constant 0 : i32
      %dma_start3A_445 = tpu.memref_slice %arg3[%dma_start3A_443, %dma_start3A_444] : memref<1000000x32xf32, #tpu.memory_space<hbm>> -> memref<1000000x32xf32, #tpu.memory_space<hbm>>
      tpu.enqueue_indirect_dma source(%dma_start3A_445 : memref<1000000x32xf32, #tpu.memory_space<hbm>>) target(%dma_start3A_439 : memref<50x32xf32, #tpu.memory_space<vmem>>) offsets(%dma_start3A_442 : memref<50xi32, #tpu.memory_space<vmem>>) semaphore(%arg9 : memref<!tpu.dma_semaphore, #tpu.memory_space<semaphore_mem>>)
      %mul3A_446 = arith.constant 8 : i32
      %mul3A_447 = arith.muli %add3A_430, %mul3A_446 : i32
      %add3A_448 = arith.constant 1 : i32
      %add3A_449 = arith.addi %mul3A_447, %add3A_448 : i32
      %dma_start3A_450 = arith.constant 1 : i32
      %dma_start3A_451 = arith.constant 0 : i32
      %dma_start3A_452 = arith.constant 0 : i32
      %dma_start3A_453 = tpu.memref_slice %arg7[%dma_start3A_450, %dma_start3A_451, %dma_start3A_452] : memref<8x50x32xf32, #tpu.memory_space<vmem>> -> memref<1x50x32xf32, #tpu.memory_space<vmem>>
      %dma_start3A_454 = tpu.memref_squeeze %dma_start3A_453 : memref<1x50x32xf32, #tpu.memory_space<vmem>> -> memref<50x32xf32, #tpu.memory_space<vmem>>
      %dma_start3A_455 = arith.constant 0 : i32
      %dma_start3A_456 = tpu.memref_slice %arg5[%add3A_449, %dma_start3A_455] : memref<128x50xi32, #tpu.memory_space<vmem>> -> memref<1x50xi32, #tpu.memory_space<vmem>>
      %dma_start3A_457 = tpu.memref_squeeze %dma_start3A_456 : memref<1x50xi32, #tpu.memory_space<vmem>> -> memref<50xi32, #tpu.memory_space<vmem>>
      %dma_start3A_458 = arith.constant 0 : i32
      %dma_start3A_459 = arith.constant 0 : i32
      %dma_start3A_460 = tpu.memref_slice %arg3[%dma_start3A_458, %dma_start3A_459] : memref<1000000x32xf32, #tpu.memory_space<hbm>> -> memref<1000000x32xf32, #tpu.memory_space<hbm>>
      tpu.enqueue_indirect_dma source(%dma_start3A_460 : memref<1000000x32xf32, #tpu.memory_space<hbm>>) target(%dma_start3A_454 : memref<50x32xf32, #tpu.memory_space<vmem>>) offsets(%dma_start3A_457 : memref<50xi32, #tpu.memory_space<vmem>>) semaphore(%arg9 : memref<!tpu.dma_semaphore, #tpu.memory_space<semaphore_mem>>)
      %mul3A_461 = arith.constant 8 : i32
      %mul3A_462 = arith.muli %add3A_430, %mul3A_461 : i32
      %add3A_463 = arith.constant 2 : i32
      %add3A_464 = arith.addi %mul3A_462, %add3A_463 : i32
      %dma_start3A_465 = arith.constant 2 : i32
      %dma_start3A_466 = arith.constant 0 : i32
      %dma_start3A_467 = arith.constant 0 : i32
      %dma_start3A_468 = tpu.memref_slice %arg7[%dma_start3A_465, %dma_start3A_466, %dma_start3A_467] : memref<8x50x32xf32, #tpu.memory_space<vmem>> -> memref<1x50x32xf32, #tpu.memory_space<vmem>>
      %dma_start3A_469 = tpu.memref_squeeze %dma_start3A_468 : memref<1x50x32xf32, #tpu.memory_space<vmem>> -> memref<50x32xf32, #tpu.memory_space<vmem>>
      %dma_start3A_470 = arith.constant 0 : i32
      %dma_start3A_471 = tpu.memref_slice %arg5[%add3A_464, %dma_start3A_470] : memref<128x50xi32, #tpu.memory_space<vmem>> -> memref<1x50xi32, #tpu.memory_space<vmem>>
      %dma_start3A_472 = tpu.memref_squeeze %dma_start3A_471 : memref<1x50xi32, #tpu.memory_space<vmem>> -> memref<50xi32, #tpu.memory_space<vmem>>
      %dma_start3A_473 = arith.constant 0 : i32
      %dma_start3A_474 = arith.constant 0 : i32
      %dma_start3A_475 = tpu.memref_slice %arg3[%dma_start3A_473, %dma_start3A_474] : memref<1000000x32xf32, #tpu.memory_space<hbm>> -> memref<1000000x32xf32, #tpu.memory_space<hbm>>
      tpu.enqueue_indirect_dma source(%dma_start3A_475 : memref<1000000x32xf32, #tpu.memory_space<hbm>>) target(%dma_start3A_469 : memref<50x32xf32, #tpu.memory_space<vmem>>) offsets(%dma_start3A_472 : memref<50xi32, #tpu.memory_space<vmem>>) semaphore(%arg9 : memref<!tpu.dma_semaphore, #tpu.memory_space<semaphore_mem>>)
      %mul3A_476 = arith.constant 8 : i32
      %mul3A_477 = arith.muli %add3A_430, %mul3A_476 : i32
      %add3A_478 = arith.constant 3 : i32
      %add3A_479 = arith.addi %mul3A_477, %add3A_478 : i32
      %dma_start3A_480 = arith.constant 3 : i32
      %dma_start3A_481 = arith.constant 0 : i32
      %dma_start3A_482 = arith.constant 0 : i32
      %dma_start3A_483 = tpu.memref_slice %arg7[%dma_start3A_480, %dma_start3A_481, %dma_start3A_482] : memref<8x50x32xf32, #tpu.memory_space<vmem>> -> memref<1x50x32xf32, #tpu.memory_space<vmem>>
      %dma_start3A_484 = tpu.memref_squeeze %dma_start3A_483 : memref<1x50x32xf32, #tpu.memory_space<vmem>> -> memref<50x32xf32, #tpu.memory_space<vmem>>
      %dma_start3A_485 = arith.constant 0 : i32
      %dma_start3A_486 = tpu.memref_slice %arg5[%add3A_479, %dma_start3A_485] : memref<128x50xi32, #tpu.memory_space<vmem>> -> memref<1x50xi32, #tpu.memory_space<vmem>>
      %dma_start3A_487 = tpu.memref_squeeze %dma_start3A_486 : memref<1x50xi32, #tpu.memory_space<vmem>> -> memref<50xi32, #tpu.memory_space<vmem>>
      %dma_start3A_488 = arith.constant 0 : i32
      %dma_start3A_489 = arith.constant 0 : i32
      %dma_start3A_490 = tpu.memref_slice %arg3[%dma_start3A_488, %dma_start3A_489] : memref<1000000x32xf32, #tpu.memory_space<hbm>> -> memref<1000000x32xf32, #tpu.memory_space<hbm>>
      tpu.enqueue_indirect_dma source(%dma_start3A_490 : memref<1000000x32xf32, #tpu.memory_space<hbm>>) target(%dma_start3A_484 : memref<50x32xf32, #tpu.memory_space<vmem>>) offsets(%dma_start3A_487 : memref<50xi32, #tpu.memory_space<vmem>>) semaphore(%arg9 : memref<!tpu.dma_semaphore, #tpu.memory_space<semaphore_mem>>)
      %mul3A_491 = arith.constant 8 : i32
      %mul3A_492 = arith.muli %add3A_430, %mul3A_491 : i32
      %add3A_493 = arith.constant 4 : i32
      %add3A_494 = arith.addi %mul3A_492, %add3A_493 : i32
      %dma_start3A_495 = arith.constant 4 : i32
      %dma_start3A_496 = arith.constant 0 : i32
      %dma_start3A_497 = arith.constant 0 : i32
      %dma_start3A_498 = tpu.memref_slice %arg7[%dma_start3A_495, %dma_start3A_496, %dma_start3A_497] : memref<8x50x32xf32, #tpu.memory_space<vmem>> -> memref<1x50x32xf32, #tpu.memory_space<vmem>>
      %dma_start3A_499 = tpu.memref_squeeze %dma_start3A_498 : memref<1x50x32xf32, #tpu.memory_space<vmem>> -> memref<50x32xf32, #tpu.memory_space<vmem>>
      %dma_start3A_500 = arith.constant 0 : i32
      %dma_start3A_501 = tpu.memref_slice %arg5[%add3A_494, %dma_start3A_500] : memref<128x50xi32, #tpu.memory_space<vmem>> -> memref<1x50xi32, #tpu.memory_space<vmem>>
      %dma_start3A_502 = tpu.memref_squeeze %dma_start3A_501 : memref<1x50xi32, #tpu.memory_space<vmem>> -> memref<50xi32, #tpu.memory_space<vmem>>
      %dma_start3A_503 = arith.constant 0 : i32
      %dma_start3A_504 = arith.constant 0 : i32
      %dma_start3A_505 = tpu.memref_slice %arg3[%dma_start3A_503, %dma_start3A_504] : memref<1000000x32xf32, #tpu.memory_space<hbm>> -> memref<1000000x32xf32, #tpu.memory_space<hbm>>
      tpu.enqueue_indirect_dma source(%dma_start3A_505 : memref<1000000x32xf32, #tpu.memory_space<hbm>>) target(%dma_start3A_499 : memref<50x32xf32, #tpu.memory_space<vmem>>) offsets(%dma_start3A_502 : memref<50xi32, #tpu.memory_space<vmem>>) semaphore(%arg9 : memref<!tpu.dma_semaphore, #tpu.memory_space<semaphore_mem>>)
      %mul3A_506 = arith.constant 8 : i32
      %mul3A_507 = arith.muli %add3A_430, %mul3A_506 : i32
      %add3A_508 = arith.constant 5 : i32
      %add3A_509 = arith.addi %mul3A_507, %add3A_508 : i32
      %dma_start3A_510 = arith.constant 5 : i32
      %dma_start3A_511 = arith.constant 0 : i32
      %dma_start3A_512 = arith.constant 0 : i32
      %dma_start3A_513 = tpu.memref_slice %arg7[%dma_start3A_510, %dma_start3A_511, %dma_start3A_512] : memref<8x50x32xf32, #tpu.memory_space<vmem>> -> memref<1x50x32xf32, #tpu.memory_space<vmem>>
      %dma_start3A_514 = tpu.memref_squeeze %dma_start3A_513 : memref<1x50x32xf32, #tpu.memory_space<vmem>> -> memref<50x32xf32, #tpu.memory_space<vmem>>
      %dma_start3A_515 = arith.constant 0 : i32
      %dma_start3A_516 = tpu.memref_slice %arg5[%add3A_509, %dma_start3A_515] : memref<128x50xi32, #tpu.memory_space<vmem>> -> memref<1x50xi32, #tpu.memory_space<vmem>>
      %dma_start3A_517 = tpu.memref_squeeze %dma_start3A_516 : memref<1x50xi32, #tpu.memory_space<vmem>> -> memref<50xi32, #tpu.memory_space<vmem>>
      %dma_start3A_518 = arith.constant 0 : i32
      %dma_start3A_519 = arith.constant 0 : i32
      %dma_start3A_520 = tpu.memref_slice %arg3[%dma_start3A_518, %dma_start3A_519] : memref<1000000x32xf32, #tpu.memory_space<hbm>> -> memref<1000000x32xf32, #tpu.memory_space<hbm>>
      tpu.enqueue_indirect_dma source(%dma_start3A_520 : memref<1000000x32xf32, #tpu.memory_space<hbm>>) target(%dma_start3A_514 : memref<50x32xf32, #tpu.memory_space<vmem>>) offsets(%dma_start3A_517 : memref<50xi32, #tpu.memory_space<vmem>>) semaphore(%arg9 : memref<!tpu.dma_semaphore, #tpu.memory_space<semaphore_mem>>)
      %mul3A_521 = arith.constant 8 : i32
      %mul3A_522 = arith.muli %add3A_430, %mul3A_521 : i32
      %add3A_523 = arith.constant 6 : i32
      %add3A_524 = arith.addi %mul3A_522, %add3A_523 : i32
      %dma_start3A_525 = arith.constant 6 : i32
      %dma_start3A_526 = arith.constant 0 : i32
      %dma_start3A_527 = arith.constant 0 : i32
      %dma_start3A_528 = tpu.memref_slice %arg7[%dma_start3A_525, %dma_start3A_526, %dma_start3A_527] : memref<8x50x32xf32, #tpu.memory_space<vmem>> -> memref<1x50x32xf32, #tpu.memory_space<vmem>>
      %dma_start3A_529 = tpu.memref_squeeze %dma_start3A_528 : memref<1x50x32xf32, #tpu.memory_space<vmem>> -> memref<50x32xf32, #tpu.memory_space<vmem>>
      %dma_start3A_530 = arith.constant 0 : i32
      %dma_start3A_531 = tpu.memref_slice %arg5[%add3A_524, %dma_start3A_530] : memref<128x50xi32, #tpu.memory_space<vmem>> -> memref<1x50xi32, #tpu.memory_space<vmem>>
      %dma_start3A_532 = tpu.memref_squeeze %dma_start3A_531 : memref<1x50xi32, #tpu.memory_space<vmem>> -> memref<50xi32, #tpu.memory_space<vmem>>
      %dma_start3A_533 = arith.constant 0 : i32
      %dma_start3A_534 = arith.constant 0 : i32
      %dma_start3A_535 = tpu.memref_slice %arg3[%dma_start3A_533, %dma_start3A_534] : memref<1000000x32xf32, #tpu.memory_space<hbm>> -> memref<1000000x32xf32, #tpu.memory_space<hbm>>
      tpu.enqueue_indirect_dma source(%dma_start3A_535 : memref<1000000x32xf32, #tpu.memory_space<hbm>>) target(%dma_start3A_529 : memref<50x32xf32, #tpu.memory_space<vmem>>) offsets(%dma_start3A_532 : memref<50xi32, #tpu.memory_space<vmem>>) semaphore(%arg9 : memref<!tpu.dma_semaphore, #tpu.memory_space<semaphore_mem>>)
      %mul3A_536 = arith.constant 8 : i32
      %mul3A_537 = arith.muli %add3A_430, %mul3A_536 : i32
      %add3A_538 = arith.constant 7 : i32
      %add3A_539 = arith.addi %mul3A_537, %add3A_538 : i32
      %dma_start3A_540 = arith.constant 7 : i32
      %dma_start3A_541 = arith.constant 0 : i32
      %dma_start3A_542 = arith.constant 0 : i32
      %dma_start3A_543 = tpu.memref_slice %arg7[%dma_start3A_540, %dma_start3A_541, %dma_start3A_542] : memref<8x50x32xf32, #tpu.memory_space<vmem>> -> memref<1x50x32xf32, #tpu.memory_space<vmem>>
      %dma_start3A_544 = tpu.memref_squeeze %dma_start3A_543 : memref<1x50x32xf32, #tpu.memory_space<vmem>> -> memref<50x32xf32, #tpu.memory_space<vmem>>
      %dma_start3A_545 = arith.constant 0 : i32
      %dma_start3A_546 = tpu.memref_slice %arg5[%add3A_539, %dma_start3A_545] : memref<128x50xi32, #tpu.memory_space<vmem>> -> memref<1x50xi32, #tpu.memory_space<vmem>>
      %dma_start3A_547 = tpu.memref_squeeze %dma_start3A_546 : memref<1x50xi32, #tpu.memory_space<vmem>> -> memref<50xi32, #tpu.memory_space<vmem>>
      %dma_start3A_548 = arith.constant 0 : i32
      %dma_start3A_549 = arith.constant 0 : i32
      %dma_start3A_550 = tpu.memref_slice %arg3[%dma_start3A_548, %dma_start3A_549] : memref<1000000x32xf32, #tpu.memory_space<hbm>> -> memref<1000000x32xf32, #tpu.memory_space<hbm>>
      tpu.enqueue_indirect_dma source(%dma_start3A_550 : memref<1000000x32xf32, #tpu.memory_space<hbm>>) target(%dma_start3A_544 : memref<50x32xf32, #tpu.memory_space<vmem>>) offsets(%dma_start3A_547 : memref<50xi32, #tpu.memory_space<vmem>>) semaphore(%arg9 : memref<!tpu.dma_semaphore, #tpu.memory_space<semaphore_mem>>)
      %scan3A_551 = arith.constant 0 : i32
      scf.yield %scan3A_551 : i32
    }
    %scan3A_199 = arith.constant 7 : i32
    %dma_wait3A = arith.constant 0 : i32
    %dma_wait3A_200 = arith.constant 0 : i32
    %dma_wait3A_201 = arith.constant 0 : i32
    %dma_wait3A_202 = tpu.memref_slice %arg4[%dma_wait3A, %dma_wait3A_200, %dma_wait3A_201] : memref<4096x50x32xf32, #tpu.memory_space<hbm>> -> memref<8x50x32xf32, #tpu.memory_space<hbm>>
    %dma_wait3A_203 = arith.constant 0 : i32
    %dma_wait3A_204 = arith.constant 0 : i32
    %dma_wait3A_205 = arith.constant 0 : i32
    %dma_wait3A_206 = tpu.memref_slice %arg4[%dma_wait3A_203, %dma_wait3A_204, %dma_wait3A_205] : memref<4096x50x32xf32, #tpu.memory_space<hbm>> -> memref<8x50x32xf32, #tpu.memory_space<hbm>>
    tpu.wait_dma2 semaphore(%arg8 : memref<!tpu.dma_semaphore, #tpu.memory_space<semaphore_mem>>) src(%dma_wait3A_206 : memref<8x50x32xf32, #tpu.memory_space<hbm>>) dst(%arg6 : memref<8x50x32xf32, #tpu.memory_space<vmem>>)
    %add3A_207 = arith.constant 112 : i32
    %add3A_208 = arith.addi %mul3A_2, %add3A_207 : i32
    %dma_start3A_209 = arith.constant 0 : i32
    %dma_start3A_210 = arith.constant 0 : i32
    %dma_start3A_211 = tpu.memref_slice %arg4[%add3A_208, %dma_start3A_209, %dma_start3A_210] : memref<4096x50x32xf32, #tpu.memory_space<hbm>> -> memref<8x50x32xf32, #tpu.memory_space<hbm>>
    %dma_start3A_212 = arith.constant 0 : i32
    %dma_start3A_213 = arith.constant 0 : i32
    %dma_start3A_214 = tpu.memref_slice %arg4[%add3A_208, %dma_start3A_212, %dma_start3A_213] : memref<4096x50x32xf32, #tpu.memory_space<hbm>> -> memref<8x50x32xf32, #tpu.memory_space<hbm>>
    tpu.enqueue_dma source(%arg6 : memref<8x50x32xf32, #tpu.memory_space<vmem>>) target(%dma_start3A_214 : memref<8x50x32xf32, #tpu.memory_space<hbm>>) target_semaphore(%arg10 : memref<!tpu.dma_semaphore, #tpu.memory_space<semaphore_mem>>)
    %dma_wait3A_215 = arith.constant 0 : i32
    %dma_wait3A_216 = arith.constant 0 : i32
    %dma_wait3A_217 = arith.constant 0 : i32
    %dma_wait3A_218 = tpu.memref_slice %arg4[%dma_wait3A_215, %dma_wait3A_216, %dma_wait3A_217] : memref<4096x50x32xf32, #tpu.memory_space<hbm>> -> memref<8x50x32xf32, #tpu.memory_space<hbm>>
    %dma_wait3A_219 = arith.constant 0 : i32
    %dma_wait3A_220 = arith.constant 0 : i32
    %dma_wait3A_221 = arith.constant 0 : i32
    %dma_wait3A_222 = tpu.memref_slice %arg4[%dma_wait3A_219, %dma_wait3A_220, %dma_wait3A_221] : memref<4096x50x32xf32, #tpu.memory_space<hbm>> -> memref<8x50x32xf32, #tpu.memory_space<hbm>>
    tpu.wait_dma2 semaphore(%arg9 : memref<!tpu.dma_semaphore, #tpu.memory_space<semaphore_mem>>) src(%dma_wait3A_222 : memref<8x50x32xf32, #tpu.memory_space<hbm>>) dst(%arg7 : memref<8x50x32xf32, #tpu.memory_space<vmem>>)
    %add3A_223 = arith.constant 120 : i32
    %add3A_224 = arith.addi %mul3A_2, %add3A_223 : i32
    %dma_start3A_225 = arith.constant 0 : i32
    %dma_start3A_226 = arith.constant 0 : i32
    %dma_start3A_227 = tpu.memref_slice %arg4[%add3A_224, %dma_start3A_225, %dma_start3A_226] : memref<4096x50x32xf32, #tpu.memory_space<hbm>> -> memref<8x50x32xf32, #tpu.memory_space<hbm>>
    %dma_start3A_228 = arith.constant 0 : i32
    %dma_start3A_229 = arith.constant 0 : i32
    %dma_start3A_230 = tpu.memref_slice %arg4[%add3A_224, %dma_start3A_228, %dma_start3A_229] : memref<4096x50x32xf32, #tpu.memory_space<hbm>> -> memref<8x50x32xf32, #tpu.memory_space<hbm>>
    tpu.enqueue_dma source(%arg7 : memref<8x50x32xf32, #tpu.memory_space<vmem>>) target(%dma_start3A_230 : memref<8x50x32xf32, #tpu.memory_space<hbm>>) target_semaphore(%arg11 : memref<!tpu.dma_semaphore, #tpu.memory_space<semaphore_mem>>)
    %add3A_231 = arith.constant 112 : i32
    %add3A_232 = arith.addi %mul3A_2, %add3A_231 : i32
    %dma_wait3A_233 = arith.constant 0 : i32
    %dma_wait3A_234 = arith.constant 0 : i32
    %dma_wait3A_235 = tpu.memref_slice %arg4[%add3A_232, %dma_wait3A_233, %dma_wait3A_234] : memref<4096x50x32xf32, #tpu.memory_space<hbm>> -> memref<8x50x32xf32, #tpu.memory_space<hbm>>
    %dma_wait3A_236 = arith.constant 0 : i32
    %dma_wait3A_237 = arith.constant 0 : i32
    %dma_wait3A_238 = tpu.memref_slice %arg4[%add3A_232, %dma_wait3A_236, %dma_wait3A_237] : memref<4096x50x32xf32, #tpu.memory_space<hbm>> -> memref<8x50x32xf32, #tpu.memory_space<hbm>>
    tpu.wait_dma2 semaphore(%arg10 : memref<!tpu.dma_semaphore, #tpu.memory_space<semaphore_mem>>) src(%arg6 : memref<8x50x32xf32, #tpu.memory_space<vmem>>) dst(%dma_wait3A_238 : memref<8x50x32xf32, #tpu.memory_space<hbm>>)
    %add3A_239 = arith.constant 120 : i32
    %add3A_240 = arith.addi %mul3A_2, %add3A_239 : i32
    %dma_wait3A_241 = arith.constant 0 : i32
    %dma_wait3A_242 = arith.constant 0 : i32
    %dma_wait3A_243 = tpu.memref_slice %arg4[%add3A_240, %dma_wait3A_241, %dma_wait3A_242] : memref<4096x50x32xf32, #tpu.memory_space<hbm>> -> memref<8x50x32xf32, #tpu.memory_space<hbm>>
    %dma_wait3A_244 = arith.constant 0 : i32
    %dma_wait3A_245 = arith.constant 0 : i32
    %dma_wait3A_246 = tpu.memref_slice %arg4[%add3A_240, %dma_wait3A_244, %dma_wait3A_245] : memref<4096x50x32xf32, #tpu.memory_space<hbm>> -> memref<8x50x32xf32, #tpu.memory_space<hbm>>
    tpu.wait_dma2 semaphore(%arg11 : memref<!tpu.dma_semaphore, #tpu.memory_space<semaphore_mem>>) src(%arg7 : memref<8x50x32xf32, #tpu.memory_space<vmem>>) dst(%dma_wait3A_246 : memref<8x50x32xf32, #tpu.memory_space<hbm>>)
    return
  }
}

#map = affine_map<(d0, d1) -> (0, 0)>
#map1 = affine_map<(d0, d1) -> (0, 0, 0)>
module attributes {stable_mosaic.version = 14 : i64} {
  func.func @_gather_body(%arg0: i32, %arg1: i32, %arg2: memref<4096x50xi32, #tpu.memory_space<hbm>>, %arg3: memref<1000000x32xf32, #tpu.memory_space<hbm>>, %arg4: memref<4096x50x32xf32, #tpu.memory_space<hbm>>, %arg5: memref<128x50xi32, #tpu.memory_space<vmem>>, %arg6: memref<8x50x32xf32, #tpu.memory_space<vmem>>, %arg7: memref<8x50x32xf32, #tpu.memory_space<vmem>>, %arg8: memref<!tpu.dma_semaphore, #tpu.memory_space<semaphore_mem>>, %arg9: memref<!tpu.dma_semaphore, #tpu.memory_space<semaphore_mem>>, %arg10: memref<!tpu.dma_semaphore, #tpu.memory_space<semaphore_mem>>, %arg11: memref<!tpu.dma_semaphore, #tpu.memory_space<semaphore_mem>>) attributes {dimension_semantics = [#tpu.dimension_semantics<core_parallel>, #tpu.dimension_semantics<subcore_parallel>], iteration_bounds = array<i64: 2, 16>, scalar_prefetch = 0 : i64, scratch_operands = 7 : i64, tpu.core_type = #tpu.core_type<sc_vector_subcore>, window_params = [{transform_indices = #map}, {transform_indices = #map}, {transform_indices = #map1}]} {
    %mul3A = arith.constant 2 : i32
    %mul3A_0 = arith.muli %arg1, %mul3A : i32
    %add3A = arith.addi %mul3A_0, %arg0 : i32
    %mul3A_1 = arith.constant 128 : i32
    %mul3A_2 = arith.muli %add3A, %mul3A_1 : i32
    "tpu.region"() ({
      %run_scoped3A = tpu.sem_alloc : memref<!tpu.dma_semaphore, #tpu.memory_space<semaphore_mem>>
      %dma_start3A_247 = arith.constant 0 : i32
      %dma_start3A_248 = tpu.memref_slice %arg2[%mul3A_2, %dma_start3A_247] : memref<4096x50xi32, #tpu.memory_space<hbm>> -> memref<128x50xi32, #tpu.memory_space<hbm>>
      %dma_start3A_249 = arith.constant 0 : i32
      %dma_start3A_250 = tpu.memref_slice %arg2[%mul3A_2, %dma_start3A_249] : memref<4096x50xi32, #tpu.memory_space<hbm>> -> memref<128x50xi32, #tpu.memory_space<hbm>>
      tpu.enqueue_dma source(%dma_start3A_250 : memref<128x50xi32, #tpu.memory_space<hbm>>) target(%arg5 : memref<128x50xi32, #tpu.memory_space<vmem>>) target_semaphore(%run_scoped3A : memref<!tpu.dma_semaphore, #tpu.memory_space<semaphore_mem>>)
      %dma_wait3A_251 = arith.constant 0 : i32
      %dma_wait3A_252 = tpu.memref_slice %arg2[%mul3A_2, %dma_wait3A_251] : memref<4096x50xi32, #tpu.memory_space<hbm>> -> memref<128x50xi32, #tpu.memory_space<hbm>>
      %dma_wait3A_253 = arith.constant 0 : i32
      %dma_wait3A_254 = tpu.memref_slice %arg2[%mul3A_2, %dma_wait3A_253] : memref<4096x50xi32, #tpu.memory_space<hbm>> -> memref<128x50xi32, #tpu.memory_space<hbm>>
      tpu.wait_dma2 semaphore(%run_scoped3A : memref<!tpu.dma_semaphore, #tpu.memory_space<semaphore_mem>>) src(%dma_wait3A_254 : memref<128x50xi32, #tpu.memory_space<hbm>>) dst(%arg5 : memref<128x50xi32, #tpu.memory_space<vmem>>)
      tpu.yield
    }) : () -> ()
    %dma_start3A = arith.constant 0 : i32
    %dma_start3A_3 = arith.constant 0 : i32
    %dma_start3A_4 = arith.constant 0 : i32
    %dma_start3A_5 = arith.constant 0 : i32
    %dma_start3A_6 = tpu.memref_slice %arg6[%dma_start3A_3, %dma_start3A_4, %dma_start3A_5] : memref<8x50x32xf32, #tpu.memory_space<vmem>> -> memref<1x50x32xf32, #tpu.memory_space<vmem>>
    %dma_start3A_7 = tpu.memref_squeeze %dma_start3A_6 : memref<1x50x32xf32, #tpu.memory_space<vmem>> -> memref<50x32xf32, #tpu.memory_space<vmem>>
    %dma_start3A_8 = arith.constant 0 : i32
    %dma_start3A_9 = tpu.memref_slice %arg5[%dma_start3A, %dma_start3A_8] : memref<128x50xi32, #tpu.memory_space<vmem>> -> memref<1x50xi32, #tpu.memory_space<vmem>>
    %dma_start3A_10 = tpu.memref_squeeze %dma_start3A_9 : memref<1x50xi32, #tpu.memory_space<vmem>> -> memref<50xi32, #tpu.memory_space<vmem>>
    %dma_start3A_11 = arith.constant 0 : i32
    %dma_start3A_12 = arith.constant 0 : i32
    %dma_start3A_13 = tpu.memref_slice %arg3[%dma_start3A_11, %dma_start3A_12] : memref<1000000x32xf32, #tpu.memory_space<hbm>> -> memref<1000000x32xf32, #tpu.memory_space<hbm>>
    tpu.enqueue_indirect_dma source(%dma_start3A_13 : memref<1000000x32xf32, #tpu.memory_space<hbm>>) target(%dma_start3A_7 : memref<50x32xf32, #tpu.memory_space<vmem>>) offsets(%dma_start3A_10 : memref<50xi32, #tpu.memory_space<vmem>>) semaphore(%arg8 : memref<!tpu.dma_semaphore, #tpu.memory_space<semaphore_mem>>)
    %dma_start3A_14 = arith.constant 1 : i32
    %dma_start3A_15 = arith.constant 1 : i32
    %dma_start3A_16 = arith.constant 0 : i32
    %dma_start3A_17 = arith.constant 0 : i32
    %dma_start3A_18 = tpu.memref_slice %arg6[%dma_start3A_15, %dma_start3A_16, %dma_start3A_17] : memref<8x50x32xf32, #tpu.memory_space<vmem>> -> memref<1x50x32xf32, #tpu.memory_space<vmem>>
    %dma_start3A_19 = tpu.memref_squeeze %dma_start3A_18 : memref<1x50x32xf32, #tpu.memory_space<vmem>> -> memref<50x32xf32, #tpu.memory_space<vmem>>
    %dma_start3A_20 = arith.constant 0 : i32
    %dma_start3A_21 = tpu.memref_slice %arg5[%dma_start3A_14, %dma_start3A_20] : memref<128x50xi32, #tpu.memory_space<vmem>> -> memref<1x50xi32, #tpu.memory_space<vmem>>
    %dma_start3A_22 = tpu.memref_squeeze %dma_start3A_21 : memref<1x50xi32, #tpu.memory_space<vmem>> -> memref<50xi32, #tpu.memory_space<vmem>>
    %dma_start3A_23 = arith.constant 0 : i32
    %dma_start3A_24 = arith.constant 0 : i32
    %dma_start3A_25 = tpu.memref_slice %arg3[%dma_start3A_23, %dma_start3A_24] : memref<1000000x32xf32, #tpu.memory_space<hbm>> -> memref<1000000x32xf32, #tpu.memory_space<hbm>>
    tpu.enqueue_indirect_dma source(%dma_start3A_25 : memref<1000000x32xf32, #tpu.memory_space<hbm>>) target(%dma_start3A_19 : memref<50x32xf32, #tpu.memory_space<vmem>>) offsets(%dma_start3A_22 : memref<50xi32, #tpu.memory_space<vmem>>) semaphore(%arg8 : memref<!tpu.dma_semaphore, #tpu.memory_space<semaphore_mem>>)
    %dma_start3A_26 = arith.constant 2 : i32
    %dma_start3A_27 = arith.constant 2 : i32
    %dma_start3A_28 = arith.constant 0 : i32
    %dma_start3A_29 = arith.constant 0 : i32
    %dma_start3A_30 = tpu.memref_slice %arg6[%dma_start3A_27, %dma_start3A_28, %dma_start3A_29] : memref<8x50x32xf32, #tpu.memory_space<vmem>> -> memref<1x50x32xf32, #tpu.memory_space<vmem>>
    %dma_start3A_31 = tpu.memref_squeeze %dma_start3A_30 : memref<1x50x32xf32, #tpu.memory_space<vmem>> -> memref<50x32xf32, #tpu.memory_space<vmem>>
    %dma_start3A_32 = arith.constant 0 : i32
    %dma_start3A_33 = tpu.memref_slice %arg5[%dma_start3A_26, %dma_start3A_32] : memref<128x50xi32, #tpu.memory_space<vmem>> -> memref<1x50xi32, #tpu.memory_space<vmem>>
    %dma_start3A_34 = tpu.memref_squeeze %dma_start3A_33 : memref<1x50xi32, #tpu.memory_space<vmem>> -> memref<50xi32, #tpu.memory_space<vmem>>
    %dma_start3A_35 = arith.constant 0 : i32
    %dma_start3A_36 = arith.constant 0 : i32
    %dma_start3A_37 = tpu.memref_slice %arg3[%dma_start3A_35, %dma_start3A_36] : memref<1000000x32xf32, #tpu.memory_space<hbm>> -> memref<1000000x32xf32, #tpu.memory_space<hbm>>
    tpu.enqueue_indirect_dma source(%dma_start3A_37 : memref<1000000x32xf32, #tpu.memory_space<hbm>>) target(%dma_start3A_31 : memref<50x32xf32, #tpu.memory_space<vmem>>) offsets(%dma_start3A_34 : memref<50xi32, #tpu.memory_space<vmem>>) semaphore(%arg8 : memref<!tpu.dma_semaphore, #tpu.memory_space<semaphore_mem>>)
    %dma_start3A_38 = arith.constant 3 : i32
    %dma_start3A_39 = arith.constant 3 : i32
    %dma_start3A_40 = arith.constant 0 : i32
    %dma_start3A_41 = arith.constant 0 : i32
    %dma_start3A_42 = tpu.memref_slice %arg6[%dma_start3A_39, %dma_start3A_40, %dma_start3A_41] : memref<8x50x32xf32, #tpu.memory_space<vmem>> -> memref<1x50x32xf32, #tpu.memory_space<vmem>>
    %dma_start3A_43 = tpu.memref_squeeze %dma_start3A_42 : memref<1x50x32xf32, #tpu.memory_space<vmem>> -> memref<50x32xf32, #tpu.memory_space<vmem>>
    %dma_start3A_44 = arith.constant 0 : i32
    %dma_start3A_45 = tpu.memref_slice %arg5[%dma_start3A_38, %dma_start3A_44] : memref<128x50xi32, #tpu.memory_space<vmem>> -> memref<1x50xi32, #tpu.memory_space<vmem>>
    %dma_start3A_46 = tpu.memref_squeeze %dma_start3A_45 : memref<1x50xi32, #tpu.memory_space<vmem>> -> memref<50xi32, #tpu.memory_space<vmem>>
    %dma_start3A_47 = arith.constant 0 : i32
    %dma_start3A_48 = arith.constant 0 : i32
    %dma_start3A_49 = tpu.memref_slice %arg3[%dma_start3A_47, %dma_start3A_48] : memref<1000000x32xf32, #tpu.memory_space<hbm>> -> memref<1000000x32xf32, #tpu.memory_space<hbm>>
    tpu.enqueue_indirect_dma source(%dma_start3A_49 : memref<1000000x32xf32, #tpu.memory_space<hbm>>) target(%dma_start3A_43 : memref<50x32xf32, #tpu.memory_space<vmem>>) offsets(%dma_start3A_46 : memref<50xi32, #tpu.memory_space<vmem>>) semaphore(%arg8 : memref<!tpu.dma_semaphore, #tpu.memory_space<semaphore_mem>>)
    %dma_start3A_50 = arith.constant 4 : i32
    %dma_start3A_51 = arith.constant 4 : i32
    %dma_start3A_52 = arith.constant 0 : i32
    %dma_start3A_53 = arith.constant 0 : i32
    %dma_start3A_54 = tpu.memref_slice %arg6[%dma_start3A_51, %dma_start3A_52, %dma_start3A_53] : memref<8x50x32xf32, #tpu.memory_space<vmem>> -> memref<1x50x32xf32, #tpu.memory_space<vmem>>
    %dma_start3A_55 = tpu.memref_squeeze %dma_start3A_54 : memref<1x50x32xf32, #tpu.memory_space<vmem>> -> memref<50x32xf32, #tpu.memory_space<vmem>>
    %dma_start3A_56 = arith.constant 0 : i32
    %dma_start3A_57 = tpu.memref_slice %arg5[%dma_start3A_50, %dma_start3A_56] : memref<128x50xi32, #tpu.memory_space<vmem>> -> memref<1x50xi32, #tpu.memory_space<vmem>>
    %dma_start3A_58 = tpu.memref_squeeze %dma_start3A_57 : memref<1x50xi32, #tpu.memory_space<vmem>> -> memref<50xi32, #tpu.memory_space<vmem>>
    %dma_start3A_59 = arith.constant 0 : i32
    %dma_start3A_60 = arith.constant 0 : i32
    %dma_start3A_61 = tpu.memref_slice %arg3[%dma_start3A_59, %dma_start3A_60] : memref<1000000x32xf32, #tpu.memory_space<hbm>> -> memref<1000000x32xf32, #tpu.memory_space<hbm>>
    tpu.enqueue_indirect_dma source(%dma_start3A_61 : memref<1000000x32xf32, #tpu.memory_space<hbm>>) target(%dma_start3A_55 : memref<50x32xf32, #tpu.memory_space<vmem>>) offsets(%dma_start3A_58 : memref<50xi32, #tpu.memory_space<vmem>>) semaphore(%arg8 : memref<!tpu.dma_semaphore, #tpu.memory_space<semaphore_mem>>)
    %dma_start3A_62 = arith.constant 5 : i32
    %dma_start3A_63 = arith.constant 5 : i32
    %dma_start3A_64 = arith.constant 0 : i32
    %dma_start3A_65 = arith.constant 0 : i32
    %dma_start3A_66 = tpu.memref_slice %arg6[%dma_start3A_63, %dma_start3A_64, %dma_start3A_65] : memref<8x50x32xf32, #tpu.memory_space<vmem>> -> memref<1x50x32xf32, #tpu.memory_space<vmem>>
    %dma_start3A_67 = tpu.memref_squeeze %dma_start3A_66 : memref<1x50x32xf32, #tpu.memory_space<vmem>> -> memref<50x32xf32, #tpu.memory_space<vmem>>
    %dma_start3A_68 = arith.constant 0 : i32
    %dma_start3A_69 = tpu.memref_slice %arg5[%dma_start3A_62, %dma_start3A_68] : memref<128x50xi32, #tpu.memory_space<vmem>> -> memref<1x50xi32, #tpu.memory_space<vmem>>
    %dma_start3A_70 = tpu.memref_squeeze %dma_start3A_69 : memref<1x50xi32, #tpu.memory_space<vmem>> -> memref<50xi32, #tpu.memory_space<vmem>>
    %dma_start3A_71 = arith.constant 0 : i32
    %dma_start3A_72 = arith.constant 0 : i32
    %dma_start3A_73 = tpu.memref_slice %arg3[%dma_start3A_71, %dma_start3A_72] : memref<1000000x32xf32, #tpu.memory_space<hbm>> -> memref<1000000x32xf32, #tpu.memory_space<hbm>>
    tpu.enqueue_indirect_dma source(%dma_start3A_73 : memref<1000000x32xf32, #tpu.memory_space<hbm>>) target(%dma_start3A_67 : memref<50x32xf32, #tpu.memory_space<vmem>>) offsets(%dma_start3A_70 : memref<50xi32, #tpu.memory_space<vmem>>) semaphore(%arg8 : memref<!tpu.dma_semaphore, #tpu.memory_space<semaphore_mem>>)
    %dma_start3A_74 = arith.constant 6 : i32
    %dma_start3A_75 = arith.constant 6 : i32
    %dma_start3A_76 = arith.constant 0 : i32
    %dma_start3A_77 = arith.constant 0 : i32
    %dma_start3A_78 = tpu.memref_slice %arg6[%dma_start3A_75, %dma_start3A_76, %dma_start3A_77] : memref<8x50x32xf32, #tpu.memory_space<vmem>> -> memref<1x50x32xf32, #tpu.memory_space<vmem>>
    %dma_start3A_79 = tpu.memref_squeeze %dma_start3A_78 : memref<1x50x32xf32, #tpu.memory_space<vmem>> -> memref<50x32xf32, #tpu.memory_space<vmem>>
    %dma_start3A_80 = arith.constant 0 : i32
    %dma_start3A_81 = tpu.memref_slice %arg5[%dma_start3A_74, %dma_start3A_80] : memref<128x50xi32, #tpu.memory_space<vmem>> -> memref<1x50xi32, #tpu.memory_space<vmem>>
    %dma_start3A_82 = tpu.memref_squeeze %dma_start3A_81 : memref<1x50xi32, #tpu.memory_space<vmem>> -> memref<50xi32, #tpu.memory_space<vmem>>
    %dma_start3A_83 = arith.constant 0 : i32
    %dma_start3A_84 = arith.constant 0 : i32
    %dma_start3A_85 = tpu.memref_slice %arg3[%dma_start3A_83, %dma_start3A_84] : memref<1000000x32xf32, #tpu.memory_space<hbm>> -> memref<1000000x32xf32, #tpu.memory_space<hbm>>
    tpu.enqueue_indirect_dma source(%dma_start3A_85 : memref<1000000x32xf32, #tpu.memory_space<hbm>>) target(%dma_start3A_79 : memref<50x32xf32, #tpu.memory_space<vmem>>) offsets(%dma_start3A_82 : memref<50xi32, #tpu.memory_space<vmem>>) semaphore(%arg8 : memref<!tpu.dma_semaphore, #tpu.memory_space<semaphore_mem>>)
    %dma_start3A_86 = arith.constant 7 : i32
    %dma_start3A_87 = arith.constant 7 : i32
    %dma_start3A_88 = arith.constant 0 : i32
    %dma_start3A_89 = arith.constant 0 : i32
    %dma_start3A_90 = tpu.memref_slice %arg6[%dma_start3A_87, %dma_start3A_88, %dma_start3A_89] : memref<8x50x32xf32, #tpu.memory_space<vmem>> -> memref<1x50x32xf32, #tpu.memory_space<vmem>>
    %dma_start3A_91 = tpu.memref_squeeze %dma_start3A_90 : memref<1x50x32xf32, #tpu.memory_space<vmem>> -> memref<50x32xf32, #tpu.memory_space<vmem>>
    %dma_start3A_92 = arith.constant 0 : i32
    %dma_start3A_93 = tpu.memref_slice %arg5[%dma_start3A_86, %dma_start3A_92] : memref<128x50xi32, #tpu.memory_space<vmem>> -> memref<1x50xi32, #tpu.memory_space<vmem>>
    %dma_start3A_94 = tpu.memref_squeeze %dma_start3A_93 : memref<1x50xi32, #tpu.memory_space<vmem>> -> memref<50xi32, #tpu.memory_space<vmem>>
    %dma_start3A_95 = arith.constant 0 : i32
    %dma_start3A_96 = arith.constant 0 : i32
    %dma_start3A_97 = tpu.memref_slice %arg3[%dma_start3A_95, %dma_start3A_96] : memref<1000000x32xf32, #tpu.memory_space<hbm>> -> memref<1000000x32xf32, #tpu.memory_space<hbm>>
    tpu.enqueue_indirect_dma source(%dma_start3A_97 : memref<1000000x32xf32, #tpu.memory_space<hbm>>) target(%dma_start3A_91 : memref<50x32xf32, #tpu.memory_space<vmem>>) offsets(%dma_start3A_94 : memref<50xi32, #tpu.memory_space<vmem>>) semaphore(%arg8 : memref<!tpu.dma_semaphore, #tpu.memory_space<semaphore_mem>>)
    %dma_start3A_98 = arith.constant 8 : i32
    %dma_start3A_99 = arith.constant 0 : i32
    %dma_start3A_100 = arith.constant 0 : i32
    %dma_start3A_101 = arith.constant 0 : i32
    %dma_start3A_102 = tpu.memref_slice %arg7[%dma_start3A_99, %dma_start3A_100, %dma_start3A_101] : memref<8x50x32xf32, #tpu.memory_space<vmem>> -> memref<1x50x32xf32, #tpu.memory_space<vmem>>
    %dma_start3A_103 = tpu.memref_squeeze %dma_start3A_102 : memref<1x50x32xf32, #tpu.memory_space<vmem>> -> memref<50x32xf32, #tpu.memory_space<vmem>>
    %dma_start3A_104 = arith.constant 0 : i32
    %dma_start3A_105 = tpu.memref_slice %arg5[%dma_start3A_98, %dma_start3A_104] : memref<128x50xi32, #tpu.memory_space<vmem>> -> memref<1x50xi32, #tpu.memory_space<vmem>>
    %dma_start3A_106 = tpu.memref_squeeze %dma_start3A_105 : memref<1x50xi32, #tpu.memory_space<vmem>> -> memref<50xi32, #tpu.memory_space<vmem>>
    %dma_start3A_107 = arith.constant 0 : i32
    %dma_start3A_108 = arith.constant 0 : i32
    %dma_start3A_109 = tpu.memref_slice %arg3[%dma_start3A_107, %dma_start3A_108] : memref<1000000x32xf32, #tpu.memory_space<hbm>> -> memref<1000000x32xf32, #tpu.memory_space<hbm>>
    tpu.enqueue_indirect_dma source(%dma_start3A_109 : memref<1000000x32xf32, #tpu.memory_space<hbm>>) target(%dma_start3A_103 : memref<50x32xf32, #tpu.memory_space<vmem>>) offsets(%dma_start3A_106 : memref<50xi32, #tpu.memory_space<vmem>>) semaphore(%arg9 : memref<!tpu.dma_semaphore, #tpu.memory_space<semaphore_mem>>)
    %dma_start3A_110 = arith.constant 9 : i32
    %dma_start3A_111 = arith.constant 1 : i32
    %dma_start3A_112 = arith.constant 0 : i32
    %dma_start3A_113 = arith.constant 0 : i32
    %dma_start3A_114 = tpu.memref_slice %arg7[%dma_start3A_111, %dma_start3A_112, %dma_start3A_113] : memref<8x50x32xf32, #tpu.memory_space<vmem>> -> memref<1x50x32xf32, #tpu.memory_space<vmem>>
    %dma_start3A_115 = tpu.memref_squeeze %dma_start3A_114 : memref<1x50x32xf32, #tpu.memory_space<vmem>> -> memref<50x32xf32, #tpu.memory_space<vmem>>
    %dma_start3A_116 = arith.constant 0 : i32
    %dma_start3A_117 = tpu.memref_slice %arg5[%dma_start3A_110, %dma_start3A_116] : memref<128x50xi32, #tpu.memory_space<vmem>> -> memref<1x50xi32, #tpu.memory_space<vmem>>
    %dma_start3A_118 = tpu.memref_squeeze %dma_start3A_117 : memref<1x50xi32, #tpu.memory_space<vmem>> -> memref<50xi32, #tpu.memory_space<vmem>>
    %dma_start3A_119 = arith.constant 0 : i32
    %dma_start3A_120 = arith.constant 0 : i32
    %dma_start3A_121 = tpu.memref_slice %arg3[%dma_start3A_119, %dma_start3A_120] : memref<1000000x32xf32, #tpu.memory_space<hbm>> -> memref<1000000x32xf32, #tpu.memory_space<hbm>>
    tpu.enqueue_indirect_dma source(%dma_start3A_121 : memref<1000000x32xf32, #tpu.memory_space<hbm>>) target(%dma_start3A_115 : memref<50x32xf32, #tpu.memory_space<vmem>>) offsets(%dma_start3A_118 : memref<50xi32, #tpu.memory_space<vmem>>) semaphore(%arg9 : memref<!tpu.dma_semaphore, #tpu.memory_space<semaphore_mem>>)
    %dma_start3A_122 = arith.constant 10 : i32
    %dma_start3A_123 = arith.constant 2 : i32
    %dma_start3A_124 = arith.constant 0 : i32
    %dma_start3A_125 = arith.constant 0 : i32
    %dma_start3A_126 = tpu.memref_slice %arg7[%dma_start3A_123, %dma_start3A_124, %dma_start3A_125] : memref<8x50x32xf32, #tpu.memory_space<vmem>> -> memref<1x50x32xf32, #tpu.memory_space<vmem>>
    %dma_start3A_127 = tpu.memref_squeeze %dma_start3A_126 : memref<1x50x32xf32, #tpu.memory_space<vmem>> -> memref<50x32xf32, #tpu.memory_space<vmem>>
    %dma_start3A_128 = arith.constant 0 : i32
    %dma_start3A_129 = tpu.memref_slice %arg5[%dma_start3A_122, %dma_start3A_128] : memref<128x50xi32, #tpu.memory_space<vmem>> -> memref<1x50xi32, #tpu.memory_space<vmem>>
    %dma_start3A_130 = tpu.memref_squeeze %dma_start3A_129 : memref<1x50xi32, #tpu.memory_space<vmem>> -> memref<50xi32, #tpu.memory_space<vmem>>
    %dma_start3A_131 = arith.constant 0 : i32
    %dma_start3A_132 = arith.constant 0 : i32
    %dma_start3A_133 = tpu.memref_slice %arg3[%dma_start3A_131, %dma_start3A_132] : memref<1000000x32xf32, #tpu.memory_space<hbm>> -> memref<1000000x32xf32, #tpu.memory_space<hbm>>
    tpu.enqueue_indirect_dma source(%dma_start3A_133 : memref<1000000x32xf32, #tpu.memory_space<hbm>>) target(%dma_start3A_127 : memref<50x32xf32, #tpu.memory_space<vmem>>) offsets(%dma_start3A_130 : memref<50xi32, #tpu.memory_space<vmem>>) semaphore(%arg9 : memref<!tpu.dma_semaphore, #tpu.memory_space<semaphore_mem>>)
    %dma_start3A_134 = arith.constant 11 : i32
    %dma_start3A_135 = arith.constant 3 : i32
    %dma_start3A_136 = arith.constant 0 : i32
    %dma_start3A_137 = arith.constant 0 : i32
    %dma_start3A_138 = tpu.memref_slice %arg7[%dma_start3A_135, %dma_start3A_136, %dma_start3A_137] : memref<8x50x32xf32, #tpu.memory_space<vmem>> -> memref<1x50x32xf32, #tpu.memory_space<vmem>>
    %dma_start3A_139 = tpu.memref_squeeze %dma_start3A_138 : memref<1x50x32xf32, #tpu.memory_space<vmem>> -> memref<50x32xf32, #tpu.memory_space<vmem>>
    %dma_start3A_140 = arith.constant 0 : i32
    %dma_start3A_141 = tpu.memref_slice %arg5[%dma_start3A_134, %dma_start3A_140] : memref<128x50xi32, #tpu.memory_space<vmem>> -> memref<1x50xi32, #tpu.memory_space<vmem>>
    %dma_start3A_142 = tpu.memref_squeeze %dma_start3A_141 : memref<1x50xi32, #tpu.memory_space<vmem>> -> memref<50xi32, #tpu.memory_space<vmem>>
    %dma_start3A_143 = arith.constant 0 : i32
    %dma_start3A_144 = arith.constant 0 : i32
    %dma_start3A_145 = tpu.memref_slice %arg3[%dma_start3A_143, %dma_start3A_144] : memref<1000000x32xf32, #tpu.memory_space<hbm>> -> memref<1000000x32xf32, #tpu.memory_space<hbm>>
    tpu.enqueue_indirect_dma source(%dma_start3A_145 : memref<1000000x32xf32, #tpu.memory_space<hbm>>) target(%dma_start3A_139 : memref<50x32xf32, #tpu.memory_space<vmem>>) offsets(%dma_start3A_142 : memref<50xi32, #tpu.memory_space<vmem>>) semaphore(%arg9 : memref<!tpu.dma_semaphore, #tpu.memory_space<semaphore_mem>>)
    %dma_start3A_146 = arith.constant 12 : i32
    %dma_start3A_147 = arith.constant 4 : i32
    %dma_start3A_148 = arith.constant 0 : i32
    %dma_start3A_149 = arith.constant 0 : i32
    %dma_start3A_150 = tpu.memref_slice %arg7[%dma_start3A_147, %dma_start3A_148, %dma_start3A_149] : memref<8x50x32xf32, #tpu.memory_space<vmem>> -> memref<1x50x32xf32, #tpu.memory_space<vmem>>
    %dma_start3A_151 = tpu.memref_squeeze %dma_start3A_150 : memref<1x50x32xf32, #tpu.memory_space<vmem>> -> memref<50x32xf32, #tpu.memory_space<vmem>>
    %dma_start3A_152 = arith.constant 0 : i32
    %dma_start3A_153 = tpu.memref_slice %arg5[%dma_start3A_146, %dma_start3A_152] : memref<128x50xi32, #tpu.memory_space<vmem>> -> memref<1x50xi32, #tpu.memory_space<vmem>>
    %dma_start3A_154 = tpu.memref_squeeze %dma_start3A_153 : memref<1x50xi32, #tpu.memory_space<vmem>> -> memref<50xi32, #tpu.memory_space<vmem>>
    %dma_start3A_155 = arith.constant 0 : i32
    %dma_start3A_156 = arith.constant 0 : i32
    %dma_start3A_157 = tpu.memref_slice %arg3[%dma_start3A_155, %dma_start3A_156] : memref<1000000x32xf32, #tpu.memory_space<hbm>> -> memref<1000000x32xf32, #tpu.memory_space<hbm>>
    tpu.enqueue_indirect_dma source(%dma_start3A_157 : memref<1000000x32xf32, #tpu.memory_space<hbm>>) target(%dma_start3A_151 : memref<50x32xf32, #tpu.memory_space<vmem>>) offsets(%dma_start3A_154 : memref<50xi32, #tpu.memory_space<vmem>>) semaphore(%arg9 : memref<!tpu.dma_semaphore, #tpu.memory_space<semaphore_mem>>)
    %dma_start3A_158 = arith.constant 13 : i32
    %dma_start3A_159 = arith.constant 5 : i32
    %dma_start3A_160 = arith.constant 0 : i32
    %dma_start3A_161 = arith.constant 0 : i32
    %dma_start3A_162 = tpu.memref_slice %arg7[%dma_start3A_159, %dma_start3A_160, %dma_start3A_161] : memref<8x50x32xf32, #tpu.memory_space<vmem>> -> memref<1x50x32xf32, #tpu.memory_space<vmem>>
    %dma_start3A_163 = tpu.memref_squeeze %dma_start3A_162 : memref<1x50x32xf32, #tpu.memory_space<vmem>> -> memref<50x32xf32, #tpu.memory_space<vmem>>
    %dma_start3A_164 = arith.constant 0 : i32
    %dma_start3A_165 = tpu.memref_slice %arg5[%dma_start3A_158, %dma_start3A_164] : memref<128x50xi32, #tpu.memory_space<vmem>> -> memref<1x50xi32, #tpu.memory_space<vmem>>
    %dma_start3A_166 = tpu.memref_squeeze %dma_start3A_165 : memref<1x50xi32, #tpu.memory_space<vmem>> -> memref<50xi32, #tpu.memory_space<vmem>>
    %dma_start3A_167 = arith.constant 0 : i32
    %dma_start3A_168 = arith.constant 0 : i32
    %dma_start3A_169 = tpu.memref_slice %arg3[%dma_start3A_167, %dma_start3A_168] : memref<1000000x32xf32, #tpu.memory_space<hbm>> -> memref<1000000x32xf32, #tpu.memory_space<hbm>>
    tpu.enqueue_indirect_dma source(%dma_start3A_169 : memref<1000000x32xf32, #tpu.memory_space<hbm>>) target(%dma_start3A_163 : memref<50x32xf32, #tpu.memory_space<vmem>>) offsets(%dma_start3A_166 : memref<50xi32, #tpu.memory_space<vmem>>) semaphore(%arg9 : memref<!tpu.dma_semaphore, #tpu.memory_space<semaphore_mem>>)
    %dma_start3A_170 = arith.constant 14 : i32
    %dma_start3A_171 = arith.constant 6 : i32
    %dma_start3A_172 = arith.constant 0 : i32
    %dma_start3A_173 = arith.constant 0 : i32
    %dma_start3A_174 = tpu.memref_slice %arg7[%dma_start3A_171, %dma_start3A_172, %dma_start3A_173] : memref<8x50x32xf32, #tpu.memory_space<vmem>> -> memref<1x50x32xf32, #tpu.memory_space<vmem>>
    %dma_start3A_175 = tpu.memref_squeeze %dma_start3A_174 : memref<1x50x32xf32, #tpu.memory_space<vmem>> -> memref<50x32xf32, #tpu.memory_space<vmem>>
    %dma_start3A_176 = arith.constant 0 : i32
    %dma_start3A_177 = tpu.memref_slice %arg5[%dma_start3A_170, %dma_start3A_176] : memref<128x50xi32, #tpu.memory_space<vmem>> -> memref<1x50xi32, #tpu.memory_space<vmem>>
    %dma_start3A_178 = tpu.memref_squeeze %dma_start3A_177 : memref<1x50xi32, #tpu.memory_space<vmem>> -> memref<50xi32, #tpu.memory_space<vmem>>
    %dma_start3A_179 = arith.constant 0 : i32
    %dma_start3A_180 = arith.constant 0 : i32
    %dma_start3A_181 = tpu.memref_slice %arg3[%dma_start3A_179, %dma_start3A_180] : memref<1000000x32xf32, #tpu.memory_space<hbm>> -> memref<1000000x32xf32, #tpu.memory_space<hbm>>
    tpu.enqueue_indirect_dma source(%dma_start3A_181 : memref<1000000x32xf32, #tpu.memory_space<hbm>>) target(%dma_start3A_175 : memref<50x32xf32, #tpu.memory_space<vmem>>) offsets(%dma_start3A_178 : memref<50xi32, #tpu.memory_space<vmem>>) semaphore(%arg9 : memref<!tpu.dma_semaphore, #tpu.memory_space<semaphore_mem>>)
    %dma_start3A_182 = arith.constant 15 : i32
    %dma_start3A_183 = arith.constant 7 : i32
    %dma_start3A_184 = arith.constant 0 : i32
    %dma_start3A_185 = arith.constant 0 : i32
    %dma_start3A_186 = tpu.memref_slice %arg7[%dma_start3A_183, %dma_start3A_184, %dma_start3A_185] : memref<8x50x32xf32, #tpu.memory_space<vmem>> -> memref<1x50x32xf32, #tpu.memory_space<vmem>>
    %dma_start3A_187 = tpu.memref_squeeze %dma_start3A_186 : memref<1x50x32xf32, #tpu.memory_space<vmem>> -> memref<50x32xf32, #tpu.memory_space<vmem>>
    %dma_start3A_188 = arith.constant 0 : i32
    %dma_start3A_189 = tpu.memref_slice %arg5[%dma_start3A_182, %dma_start3A_188] : memref<128x50xi32, #tpu.memory_space<vmem>> -> memref<1x50xi32, #tpu.memory_space<vmem>>
    %dma_start3A_190 = tpu.memref_squeeze %dma_start3A_189 : memref<1x50xi32, #tpu.memory_space<vmem>> -> memref<50xi32, #tpu.memory_space<vmem>>
    %dma_start3A_191 = arith.constant 0 : i32
    %dma_start3A_192 = arith.constant 0 : i32
    %dma_start3A_193 = tpu.memref_slice %arg3[%dma_start3A_191, %dma_start3A_192] : memref<1000000x32xf32, #tpu.memory_space<hbm>> -> memref<1000000x32xf32, #tpu.memory_space<hbm>>
    tpu.enqueue_indirect_dma source(%dma_start3A_193 : memref<1000000x32xf32, #tpu.memory_space<hbm>>) target(%dma_start3A_187 : memref<50x32xf32, #tpu.memory_space<vmem>>) offsets(%dma_start3A_190 : memref<50xi32, #tpu.memory_space<vmem>>) semaphore(%arg9 : memref<!tpu.dma_semaphore, #tpu.memory_space<semaphore_mem>>)
    %scan3A = arith.constant 0 : i32
    %scan3A_194 = arith.constant 0 : i32
    %scan3A_195 = arith.constant 7 : i32
    %scan3A_196 = arith.addi %scan3A_194, %scan3A_195 : i32
    %scan3A_197 = arith.constant 1 : i32
    %scan3A_198 = scf.for %scan3A_247 = %scan3A_194 to %scan3A_196 step %scan3A_197 iter_args(%scan3A_248 = %scan3A) -> (i32)  : i32 {
      %mul3A_249 = arith.constant 2 : i32
      %mul3A_250 = arith.muli %mul3A_249, %scan3A_247 : i32
      %dma_wait3A_251 = arith.constant 0 : i32
      %dma_wait3A_252 = arith.constant 0 : i32
      %dma_wait3A_253 = arith.constant 0 : i32
      %dma_wait3A_254 = tpu.memref_slice %arg4[%dma_wait3A_251, %dma_wait3A_252, %dma_wait3A_253] : memref<4096x50x32xf32, #tpu.memory_space<hbm>> -> memref<8x50x32xf32, #tpu.memory_space<hbm>>
      %dma_wait3A_255 = arith.constant 0 : i32
      %dma_wait3A_256 = arith.constant 0 : i32
      %dma_wait3A_257 = arith.constant 0 : i32
      %dma_wait3A_258 = tpu.memref_slice %arg4[%dma_wait3A_255, %dma_wait3A_256, %dma_wait3A_257] : memref<4096x50x32xf32, #tpu.memory_space<hbm>> -> memref<8x50x32xf32, #tpu.memory_space<hbm>>
      tpu.wait_dma2 semaphore(%arg8 : memref<!tpu.dma_semaphore, #tpu.memory_space<semaphore_mem>>) src(%dma_wait3A_258 : memref<8x50x32xf32, #tpu.memory_space<hbm>>) dst(%arg6 : memref<8x50x32xf32, #tpu.memory_space<vmem>>)
      %mul3A_259 = arith.constant 8 : i32
      %mul3A_260 = arith.muli %mul3A_250, %mul3A_259 : i32
      %add3A_261 = arith.addi %mul3A_2, %mul3A_260 : i32
      %dma_start3A_262 = arith.constant 0 : i32
      %dma_start3A_263 = arith.constant 0 : i32
      %dma_start3A_264 = tpu.memref_slice %arg4[%add3A_261, %dma_start3A_262, %dma_start3A_263] : memref<4096x50x32xf32, #tpu.memory_space<hbm>> -> memref<8x50x32xf32, #tpu.memory_space<hbm>>
      %dma_start3A_265 = arith.constant 0 : i32
      %dma_start3A_266 = arith.constant 0 : i32
      %dma_start3A_267 = tpu.memref_slice %arg4[%add3A_261, %dma_start3A_265, %dma_start3A_266] : memref<4096x50x32xf32, #tpu.memory_space<hbm>> -> memref<8x50x32xf32, #tpu.memory_space<hbm>>
      tpu.enqueue_dma source(%arg6 : memref<8x50x32xf32, #tpu.memory_space<vmem>>) target(%dma_start3A_267 : memref<8x50x32xf32, #tpu.memory_space<hbm>>) target_semaphore(%arg10 : memref<!tpu.dma_semaphore, #tpu.memory_space<semaphore_mem>>)
      %dma_wait3A_268 = arith.constant 0 : i32
      %dma_wait3A_269 = arith.constant 0 : i32
      %dma_wait3A_270 = arith.constant 0 : i32
      %dma_wait3A_271 = tpu.memref_slice %arg4[%dma_wait3A_268, %dma_wait3A_269, %dma_wait3A_270] : memref<4096x50x32xf32, #tpu.memory_space<hbm>> -> memref<8x50x32xf32, #tpu.memory_space<hbm>>
      %dma_wait3A_272 = arith.constant 0 : i32
      %dma_wait3A_273 = arith.constant 0 : i32
      %dma_wait3A_274 = arith.constant 0 : i32
      %dma_wait3A_275 = tpu.memref_slice %arg4[%dma_wait3A_272, %dma_wait3A_273, %dma_wait3A_274] : memref<4096x50x32xf32, #tpu.memory_space<hbm>> -> memref<8x50x32xf32, #tpu.memory_space<hbm>>
      tpu.wait_dma2 semaphore(%arg9 : memref<!tpu.dma_semaphore, #tpu.memory_space<semaphore_mem>>) src(%dma_wait3A_275 : memref<8x50x32xf32, #tpu.memory_space<hbm>>) dst(%arg7 : memref<8x50x32xf32, #tpu.memory_space<vmem>>)
      %add3A_276 = arith.constant 1 : i32
      %add3A_277 = arith.addi %mul3A_250, %add3A_276 : i32
      %mul3A_278 = arith.constant 8 : i32
      %mul3A_279 = arith.muli %add3A_277, %mul3A_278 : i32
      %add3A_280 = arith.addi %mul3A_2, %mul3A_279 : i32
      %dma_start3A_281 = arith.constant 0 : i32
      %dma_start3A_282 = arith.constant 0 : i32
      %dma_start3A_283 = tpu.memref_slice %arg4[%add3A_280, %dma_start3A_281, %dma_start3A_282] : memref<4096x50x32xf32, #tpu.memory_space<hbm>> -> memref<8x50x32xf32, #tpu.memory_space<hbm>>
      %dma_start3A_284 = arith.constant 0 : i32
      %dma_start3A_285 = arith.constant 0 : i32
      %dma_start3A_286 = tpu.memref_slice %arg4[%add3A_280, %dma_start3A_284, %dma_start3A_285] : memref<4096x50x32xf32, #tpu.memory_space<hbm>> -> memref<8x50x32xf32, #tpu.memory_space<hbm>>
      tpu.enqueue_dma source(%arg7 : memref<8x50x32xf32, #tpu.memory_space<vmem>>) target(%dma_start3A_286 : memref<8x50x32xf32, #tpu.memory_space<hbm>>) target_semaphore(%arg11 : memref<!tpu.dma_semaphore, #tpu.memory_space<semaphore_mem>>)
      %mul3A_287 = arith.constant 8 : i32
      %mul3A_288 = arith.muli %mul3A_250, %mul3A_287 : i32
      %add3A_289 = arith.addi %mul3A_2, %mul3A_288 : i32
      %dma_wait3A_290 = arith.constant 0 : i32
      %dma_wait3A_291 = arith.constant 0 : i32
      %dma_wait3A_292 = tpu.memref_slice %arg4[%add3A_289, %dma_wait3A_290, %dma_wait3A_291] : memref<4096x50x32xf32, #tpu.memory_space<hbm>> -> memref<8x50x32xf32, #tpu.memory_space<hbm>>
      %dma_wait3A_293 = arith.constant 0 : i32
      %dma_wait3A_294 = arith.constant 0 : i32
      %dma_wait3A_295 = tpu.memref_slice %arg4[%add3A_289, %dma_wait3A_293, %dma_wait3A_294] : memref<4096x50x32xf32, #tpu.memory_space<hbm>> -> memref<8x50x32xf32, #tpu.memory_space<hbm>>
      tpu.wait_dma2 semaphore(%arg10 : memref<!tpu.dma_semaphore, #tpu.memory_space<semaphore_mem>>) src(%arg6 : memref<8x50x32xf32, #tpu.memory_space<vmem>>) dst(%dma_wait3A_295 : memref<8x50x32xf32, #tpu.memory_space<hbm>>)
      %add3A_296 = arith.constant 2 : i32
      %add3A_297 = arith.addi %mul3A_250, %add3A_296 : i32
      %mul3A_298 = arith.constant 8 : i32
      %mul3A_299 = arith.muli %add3A_297, %mul3A_298 : i32
      %add3A_300 = arith.constant 0 : i32
      %add3A_301 = arith.addi %mul3A_299, %add3A_300 : i32
      %dma_start3A_302 = arith.constant 0 : i32
      %dma_start3A_303 = arith.constant 0 : i32
      %dma_start3A_304 = arith.constant 0 : i32
      %dma_start3A_305 = tpu.memref_slice %arg6[%dma_start3A_302, %dma_start3A_303, %dma_start3A_304] : memref<8x50x32xf32, #tpu.memory_space<vmem>> -> memref<1x50x32xf32, #tpu.memory_space<vmem>>
      %dma_start3A_306 = tpu.memref_squeeze %dma_start3A_305 : memref<1x50x32xf32, #tpu.memory_space<vmem>> -> memref<50x32xf32, #tpu.memory_space<vmem>>
      %dma_start3A_307 = arith.constant 0 : i32
      %dma_start3A_308 = tpu.memref_slice %arg5[%add3A_301, %dma_start3A_307] : memref<128x50xi32, #tpu.memory_space<vmem>> -> memref<1x50xi32, #tpu.memory_space<vmem>>
      %dma_start3A_309 = tpu.memref_squeeze %dma_start3A_308 : memref<1x50xi32, #tpu.memory_space<vmem>> -> memref<50xi32, #tpu.memory_space<vmem>>
      %dma_start3A_310 = arith.constant 0 : i32
      %dma_start3A_311 = arith.constant 0 : i32
      %dma_start3A_312 = tpu.memref_slice %arg3[%dma_start3A_310, %dma_start3A_311] : memref<1000000x32xf32, #tpu.memory_space<hbm>> -> memref<1000000x32xf32, #tpu.memory_space<hbm>>
      tpu.enqueue_indirect_dma source(%dma_start3A_312 : memref<1000000x32xf32, #tpu.memory_space<hbm>>) target(%dma_start3A_306 : memref<50x32xf32, #tpu.memory_space<vmem>>) offsets(%dma_start3A_309 : memref<50xi32, #tpu.memory_space<vmem>>) semaphore(%arg8 : memref<!tpu.dma_semaphore, #tpu.memory_space<semaphore_mem>>)
      %mul3A_313 = arith.constant 8 : i32
      %mul3A_314 = arith.muli %add3A_297, %mul3A_313 : i32
      %add3A_315 = arith.constant 1 : i32
      %add3A_316 = arith.addi %mul3A_314, %add3A_315 : i32
      %dma_start3A_317 = arith.constant 1 : i32
      %dma_start3A_318 = arith.constant 0 : i32
      %dma_start3A_319 = arith.constant 0 : i32
      %dma_start3A_320 = tpu.memref_slice %arg6[%dma_start3A_317, %dma_start3A_318, %dma_start3A_319] : memref<8x50x32xf32, #tpu.memory_space<vmem>> -> memref<1x50x32xf32, #tpu.memory_space<vmem>>
      %dma_start3A_321 = tpu.memref_squeeze %dma_start3A_320 : memref<1x50x32xf32, #tpu.memory_space<vmem>> -> memref<50x32xf32, #tpu.memory_space<vmem>>
      %dma_start3A_322 = arith.constant 0 : i32
      %dma_start3A_323 = tpu.memref_slice %arg5[%add3A_316, %dma_start3A_322] : memref<128x50xi32, #tpu.memory_space<vmem>> -> memref<1x50xi32, #tpu.memory_space<vmem>>
      %dma_start3A_324 = tpu.memref_squeeze %dma_start3A_323 : memref<1x50xi32, #tpu.memory_space<vmem>> -> memref<50xi32, #tpu.memory_space<vmem>>
      %dma_start3A_325 = arith.constant 0 : i32
      %dma_start3A_326 = arith.constant 0 : i32
      %dma_start3A_327 = tpu.memref_slice %arg3[%dma_start3A_325, %dma_start3A_326] : memref<1000000x32xf32, #tpu.memory_space<hbm>> -> memref<1000000x32xf32, #tpu.memory_space<hbm>>
      tpu.enqueue_indirect_dma source(%dma_start3A_327 : memref<1000000x32xf32, #tpu.memory_space<hbm>>) target(%dma_start3A_321 : memref<50x32xf32, #tpu.memory_space<vmem>>) offsets(%dma_start3A_324 : memref<50xi32, #tpu.memory_space<vmem>>) semaphore(%arg8 : memref<!tpu.dma_semaphore, #tpu.memory_space<semaphore_mem>>)
      %mul3A_328 = arith.constant 8 : i32
      %mul3A_329 = arith.muli %add3A_297, %mul3A_328 : i32
      %add3A_330 = arith.constant 2 : i32
      %add3A_331 = arith.addi %mul3A_329, %add3A_330 : i32
      %dma_start3A_332 = arith.constant 2 : i32
      %dma_start3A_333 = arith.constant 0 : i32
      %dma_start3A_334 = arith.constant 0 : i32
      %dma_start3A_335 = tpu.memref_slice %arg6[%dma_start3A_332, %dma_start3A_333, %dma_start3A_334] : memref<8x50x32xf32, #tpu.memory_space<vmem>> -> memref<1x50x32xf32, #tpu.memory_space<vmem>>
      %dma_start3A_336 = tpu.memref_squeeze %dma_start3A_335 : memref<1x50x32xf32, #tpu.memory_space<vmem>> -> memref<50x32xf32, #tpu.memory_space<vmem>>
      %dma_start3A_337 = arith.constant 0 : i32
      %dma_start3A_338 = tpu.memref_slice %arg5[%add3A_331, %dma_start3A_337] : memref<128x50xi32, #tpu.memory_space<vmem>> -> memref<1x50xi32, #tpu.memory_space<vmem>>
      %dma_start3A_339 = tpu.memref_squeeze %dma_start3A_338 : memref<1x50xi32, #tpu.memory_space<vmem>> -> memref<50xi32, #tpu.memory_space<vmem>>
      %dma_start3A_340 = arith.constant 0 : i32
      %dma_start3A_341 = arith.constant 0 : i32
      %dma_start3A_342 = tpu.memref_slice %arg3[%dma_start3A_340, %dma_start3A_341] : memref<1000000x32xf32, #tpu.memory_space<hbm>> -> memref<1000000x32xf32, #tpu.memory_space<hbm>>
      tpu.enqueue_indirect_dma source(%dma_start3A_342 : memref<1000000x32xf32, #tpu.memory_space<hbm>>) target(%dma_start3A_336 : memref<50x32xf32, #tpu.memory_space<vmem>>) offsets(%dma_start3A_339 : memref<50xi32, #tpu.memory_space<vmem>>) semaphore(%arg8 : memref<!tpu.dma_semaphore, #tpu.memory_space<semaphore_mem>>)
      %mul3A_343 = arith.constant 8 : i32
      %mul3A_344 = arith.muli %add3A_297, %mul3A_343 : i32
      %add3A_345 = arith.constant 3 : i32
      %add3A_346 = arith.addi %mul3A_344, %add3A_345 : i32
      %dma_start3A_347 = arith.constant 3 : i32
      %dma_start3A_348 = arith.constant 0 : i32
      %dma_start3A_349 = arith.constant 0 : i32
      %dma_start3A_350 = tpu.memref_slice %arg6[%dma_start3A_347, %dma_start3A_348, %dma_start3A_349] : memref<8x50x32xf32, #tpu.memory_space<vmem>> -> memref<1x50x32xf32, #tpu.memory_space<vmem>>
      %dma_start3A_351 = tpu.memref_squeeze %dma_start3A_350 : memref<1x50x32xf32, #tpu.memory_space<vmem>> -> memref<50x32xf32, #tpu.memory_space<vmem>>
      %dma_start3A_352 = arith.constant 0 : i32
      %dma_start3A_353 = tpu.memref_slice %arg5[%add3A_346, %dma_start3A_352] : memref<128x50xi32, #tpu.memory_space<vmem>> -> memref<1x50xi32, #tpu.memory_space<vmem>>
      %dma_start3A_354 = tpu.memref_squeeze %dma_start3A_353 : memref<1x50xi32, #tpu.memory_space<vmem>> -> memref<50xi32, #tpu.memory_space<vmem>>
      %dma_start3A_355 = arith.constant 0 : i32
      %dma_start3A_356 = arith.constant 0 : i32
      %dma_start3A_357 = tpu.memref_slice %arg3[%dma_start3A_355, %dma_start3A_356] : memref<1000000x32xf32, #tpu.memory_space<hbm>> -> memref<1000000x32xf32, #tpu.memory_space<hbm>>
      tpu.enqueue_indirect_dma source(%dma_start3A_357 : memref<1000000x32xf32, #tpu.memory_space<hbm>>) target(%dma_start3A_351 : memref<50x32xf32, #tpu.memory_space<vmem>>) offsets(%dma_start3A_354 : memref<50xi32, #tpu.memory_space<vmem>>) semaphore(%arg8 : memref<!tpu.dma_semaphore, #tpu.memory_space<semaphore_mem>>)
      %mul3A_358 = arith.constant 8 : i32
      %mul3A_359 = arith.muli %add3A_297, %mul3A_358 : i32
      %add3A_360 = arith.constant 4 : i32
      %add3A_361 = arith.addi %mul3A_359, %add3A_360 : i32
      %dma_start3A_362 = arith.constant 4 : i32
      %dma_start3A_363 = arith.constant 0 : i32
      %dma_start3A_364 = arith.constant 0 : i32
      %dma_start3A_365 = tpu.memref_slice %arg6[%dma_start3A_362, %dma_start3A_363, %dma_start3A_364] : memref<8x50x32xf32, #tpu.memory_space<vmem>> -> memref<1x50x32xf32, #tpu.memory_space<vmem>>
      %dma_start3A_366 = tpu.memref_squeeze %dma_start3A_365 : memref<1x50x32xf32, #tpu.memory_space<vmem>> -> memref<50x32xf32, #tpu.memory_space<vmem>>
      %dma_start3A_367 = arith.constant 0 : i32
      %dma_start3A_368 = tpu.memref_slice %arg5[%add3A_361, %dma_start3A_367] : memref<128x50xi32, #tpu.memory_space<vmem>> -> memref<1x50xi32, #tpu.memory_space<vmem>>
      %dma_start3A_369 = tpu.memref_squeeze %dma_start3A_368 : memref<1x50xi32, #tpu.memory_space<vmem>> -> memref<50xi32, #tpu.memory_space<vmem>>
      %dma_start3A_370 = arith.constant 0 : i32
      %dma_start3A_371 = arith.constant 0 : i32
      %dma_start3A_372 = tpu.memref_slice %arg3[%dma_start3A_370, %dma_start3A_371] : memref<1000000x32xf32, #tpu.memory_space<hbm>> -> memref<1000000x32xf32, #tpu.memory_space<hbm>>
      tpu.enqueue_indirect_dma source(%dma_start3A_372 : memref<1000000x32xf32, #tpu.memory_space<hbm>>) target(%dma_start3A_366 : memref<50x32xf32, #tpu.memory_space<vmem>>) offsets(%dma_start3A_369 : memref<50xi32, #tpu.memory_space<vmem>>) semaphore(%arg8 : memref<!tpu.dma_semaphore, #tpu.memory_space<semaphore_mem>>)
      %mul3A_373 = arith.constant 8 : i32
      %mul3A_374 = arith.muli %add3A_297, %mul3A_373 : i32
      %add3A_375 = arith.constant 5 : i32
      %add3A_376 = arith.addi %mul3A_374, %add3A_375 : i32
      %dma_start3A_377 = arith.constant 5 : i32
      %dma_start3A_378 = arith.constant 0 : i32
      %dma_start3A_379 = arith.constant 0 : i32
      %dma_start3A_380 = tpu.memref_slice %arg6[%dma_start3A_377, %dma_start3A_378, %dma_start3A_379] : memref<8x50x32xf32, #tpu.memory_space<vmem>> -> memref<1x50x32xf32, #tpu.memory_space<vmem>>
      %dma_start3A_381 = tpu.memref_squeeze %dma_start3A_380 : memref<1x50x32xf32, #tpu.memory_space<vmem>> -> memref<50x32xf32, #tpu.memory_space<vmem>>
      %dma_start3A_382 = arith.constant 0 : i32
      %dma_start3A_383 = tpu.memref_slice %arg5[%add3A_376, %dma_start3A_382] : memref<128x50xi32, #tpu.memory_space<vmem>> -> memref<1x50xi32, #tpu.memory_space<vmem>>
      %dma_start3A_384 = tpu.memref_squeeze %dma_start3A_383 : memref<1x50xi32, #tpu.memory_space<vmem>> -> memref<50xi32, #tpu.memory_space<vmem>>
      %dma_start3A_385 = arith.constant 0 : i32
      %dma_start3A_386 = arith.constant 0 : i32
      %dma_start3A_387 = tpu.memref_slice %arg3[%dma_start3A_385, %dma_start3A_386] : memref<1000000x32xf32, #tpu.memory_space<hbm>> -> memref<1000000x32xf32, #tpu.memory_space<hbm>>
      tpu.enqueue_indirect_dma source(%dma_start3A_387 : memref<1000000x32xf32, #tpu.memory_space<hbm>>) target(%dma_start3A_381 : memref<50x32xf32, #tpu.memory_space<vmem>>) offsets(%dma_start3A_384 : memref<50xi32, #tpu.memory_space<vmem>>) semaphore(%arg8 : memref<!tpu.dma_semaphore, #tpu.memory_space<semaphore_mem>>)
      %mul3A_388 = arith.constant 8 : i32
      %mul3A_389 = arith.muli %add3A_297, %mul3A_388 : i32
      %add3A_390 = arith.constant 6 : i32
      %add3A_391 = arith.addi %mul3A_389, %add3A_390 : i32
      %dma_start3A_392 = arith.constant 6 : i32
      %dma_start3A_393 = arith.constant 0 : i32
      %dma_start3A_394 = arith.constant 0 : i32
      %dma_start3A_395 = tpu.memref_slice %arg6[%dma_start3A_392, %dma_start3A_393, %dma_start3A_394] : memref<8x50x32xf32, #tpu.memory_space<vmem>> -> memref<1x50x32xf32, #tpu.memory_space<vmem>>
      %dma_start3A_396 = tpu.memref_squeeze %dma_start3A_395 : memref<1x50x32xf32, #tpu.memory_space<vmem>> -> memref<50x32xf32, #tpu.memory_space<vmem>>
      %dma_start3A_397 = arith.constant 0 : i32
      %dma_start3A_398 = tpu.memref_slice %arg5[%add3A_391, %dma_start3A_397] : memref<128x50xi32, #tpu.memory_space<vmem>> -> memref<1x50xi32, #tpu.memory_space<vmem>>
      %dma_start3A_399 = tpu.memref_squeeze %dma_start3A_398 : memref<1x50xi32, #tpu.memory_space<vmem>> -> memref<50xi32, #tpu.memory_space<vmem>>
      %dma_start3A_400 = arith.constant 0 : i32
      %dma_start3A_401 = arith.constant 0 : i32
      %dma_start3A_402 = tpu.memref_slice %arg3[%dma_start3A_400, %dma_start3A_401] : memref<1000000x32xf32, #tpu.memory_space<hbm>> -> memref<1000000x32xf32, #tpu.memory_space<hbm>>
      tpu.enqueue_indirect_dma source(%dma_start3A_402 : memref<1000000x32xf32, #tpu.memory_space<hbm>>) target(%dma_start3A_396 : memref<50x32xf32, #tpu.memory_space<vmem>>) offsets(%dma_start3A_399 : memref<50xi32, #tpu.memory_space<vmem>>) semaphore(%arg8 : memref<!tpu.dma_semaphore, #tpu.memory_space<semaphore_mem>>)
      %mul3A_403 = arith.constant 8 : i32
      %mul3A_404 = arith.muli %add3A_297, %mul3A_403 : i32
      %add3A_405 = arith.constant 7 : i32
      %add3A_406 = arith.addi %mul3A_404, %add3A_405 : i32
      %dma_start3A_407 = arith.constant 7 : i32
      %dma_start3A_408 = arith.constant 0 : i32
      %dma_start3A_409 = arith.constant 0 : i32
      %dma_start3A_410 = tpu.memref_slice %arg6[%dma_start3A_407, %dma_start3A_408, %dma_start3A_409] : memref<8x50x32xf32, #tpu.memory_space<vmem>> -> memref<1x50x32xf32, #tpu.memory_space<vmem>>
      %dma_start3A_411 = tpu.memref_squeeze %dma_start3A_410 : memref<1x50x32xf32, #tpu.memory_space<vmem>> -> memref<50x32xf32, #tpu.memory_space<vmem>>
      %dma_start3A_412 = arith.constant 0 : i32
      %dma_start3A_413 = tpu.memref_slice %arg5[%add3A_406, %dma_start3A_412] : memref<128x50xi32, #tpu.memory_space<vmem>> -> memref<1x50xi32, #tpu.memory_space<vmem>>
      %dma_start3A_414 = tpu.memref_squeeze %dma_start3A_413 : memref<1x50xi32, #tpu.memory_space<vmem>> -> memref<50xi32, #tpu.memory_space<vmem>>
      %dma_start3A_415 = arith.constant 0 : i32
      %dma_start3A_416 = arith.constant 0 : i32
      %dma_start3A_417 = tpu.memref_slice %arg3[%dma_start3A_415, %dma_start3A_416] : memref<1000000x32xf32, #tpu.memory_space<hbm>> -> memref<1000000x32xf32, #tpu.memory_space<hbm>>
      tpu.enqueue_indirect_dma source(%dma_start3A_417 : memref<1000000x32xf32, #tpu.memory_space<hbm>>) target(%dma_start3A_411 : memref<50x32xf32, #tpu.memory_space<vmem>>) offsets(%dma_start3A_414 : memref<50xi32, #tpu.memory_space<vmem>>) semaphore(%arg8 : memref<!tpu.dma_semaphore, #tpu.memory_space<semaphore_mem>>)
      %add3A_418 = arith.constant 1 : i32
      %add3A_419 = arith.addi %mul3A_250, %add3A_418 : i32
      %mul3A_420 = arith.constant 8 : i32
      %mul3A_421 = arith.muli %add3A_419, %mul3A_420 : i32
      %add3A_422 = arith.addi %mul3A_2, %mul3A_421 : i32
      %dma_wait3A_423 = arith.constant 0 : i32
      %dma_wait3A_424 = arith.constant 0 : i32
      %dma_wait3A_425 = tpu.memref_slice %arg4[%add3A_422, %dma_wait3A_423, %dma_wait3A_424] : memref<4096x50x32xf32, #tpu.memory_space<hbm>> -> memref<8x50x32xf32, #tpu.memory_space<hbm>>
      %dma_wait3A_426 = arith.constant 0 : i32
      %dma_wait3A_427 = arith.constant 0 : i32
      %dma_wait3A_428 = tpu.memref_slice %arg4[%add3A_422, %dma_wait3A_426, %dma_wait3A_427] : memref<4096x50x32xf32, #tpu.memory_space<hbm>> -> memref<8x50x32xf32, #tpu.memory_space<hbm>>
      tpu.wait_dma2 semaphore(%arg11 : memref<!tpu.dma_semaphore, #tpu.memory_space<semaphore_mem>>) src(%arg7 : memref<8x50x32xf32, #tpu.memory_space<vmem>>) dst(%dma_wait3A_428 : memref<8x50x32xf32, #tpu.memory_space<hbm>>)
      %add3A_429 = arith.constant 3 : i32
      %add3A_430 = arith.addi %mul3A_250, %add3A_429 : i32
      %mul3A_431 = arith.constant 8 : i32
      %mul3A_432 = arith.muli %add3A_430, %mul3A_431 : i32
      %add3A_433 = arith.constant 0 : i32
      %add3A_434 = arith.addi %mul3A_432, %add3A_433 : i32
      %dma_start3A_435 = arith.constant 0 : i32
      %dma_start3A_436 = arith.constant 0 : i32
      %dma_start3A_437 = arith.constant 0 : i32
      %dma_start3A_438 = tpu.memref_slice %arg7[%dma_start3A_435, %dma_start3A_436, %dma_start3A_437] : memref<8x50x32xf32, #tpu.memory_space<vmem>> -> memref<1x50x32xf32, #tpu.memory_space<vmem>>
      %dma_start3A_439 = tpu.memref_squeeze %dma_start3A_438 : memref<1x50x32xf32, #tpu.memory_space<vmem>> -> memref<50x32xf32, #tpu.memory_space<vmem>>
      %dma_start3A_440 = arith.constant 0 : i32
      %dma_start3A_441 = tpu.memref_slice %arg5[%add3A_434, %dma_start3A_440] : memref<128x50xi32, #tpu.memory_space<vmem>> -> memref<1x50xi32, #tpu.memory_space<vmem>>
      %dma_start3A_442 = tpu.memref_squeeze %dma_start3A_441 : memref<1x50xi32, #tpu.memory_space<vmem>> -> memref<50xi32, #tpu.memory_space<vmem>>
      %dma_start3A_443 = arith.constant 0 : i32
      %dma_start3A_444 = arith.constant 0 : i32
      %dma_start3A_445 = tpu.memref_slice %arg3[%dma_start3A_443, %dma_start3A_444] : memref<1000000x32xf32, #tpu.memory_space<hbm>> -> memref<1000000x32xf32, #tpu.memory_space<hbm>>
      tpu.enqueue_indirect_dma source(%dma_start3A_445 : memref<1000000x32xf32, #tpu.memory_space<hbm>>) target(%dma_start3A_439 : memref<50x32xf32, #tpu.memory_space<vmem>>) offsets(%dma_start3A_442 : memref<50xi32, #tpu.memory_space<vmem>>) semaphore(%arg9 : memref<!tpu.dma_semaphore, #tpu.memory_space<semaphore_mem>>)
      %mul3A_446 = arith.constant 8 : i32
      %mul3A_447 = arith.muli %add3A_430, %mul3A_446 : i32
      %add3A_448 = arith.constant 1 : i32
      %add3A_449 = arith.addi %mul3A_447, %add3A_448 : i32
      %dma_start3A_450 = arith.constant 1 : i32
      %dma_start3A_451 = arith.constant 0 : i32
      %dma_start3A_452 = arith.constant 0 : i32
      %dma_start3A_453 = tpu.memref_slice %arg7[%dma_start3A_450, %dma_start3A_451, %dma_start3A_452] : memref<8x50x32xf32, #tpu.memory_space<vmem>> -> memref<1x50x32xf32, #tpu.memory_space<vmem>>
      %dma_start3A_454 = tpu.memref_squeeze %dma_start3A_453 : memref<1x50x32xf32, #tpu.memory_space<vmem>> -> memref<50x32xf32, #tpu.memory_space<vmem>>
      %dma_start3A_455 = arith.constant 0 : i32
      %dma_start3A_456 = tpu.memref_slice %arg5[%add3A_449, %dma_start3A_455] : memref<128x50xi32, #tpu.memory_space<vmem>> -> memref<1x50xi32, #tpu.memory_space<vmem>>
      %dma_start3A_457 = tpu.memref_squeeze %dma_start3A_456 : memref<1x50xi32, #tpu.memory_space<vmem>> -> memref<50xi32, #tpu.memory_space<vmem>>
      %dma_start3A_458 = arith.constant 0 : i32
      %dma_start3A_459 = arith.constant 0 : i32
      %dma_start3A_460 = tpu.memref_slice %arg3[%dma_start3A_458, %dma_start3A_459] : memref<1000000x32xf32, #tpu.memory_space<hbm>> -> memref<1000000x32xf32, #tpu.memory_space<hbm>>
      tpu.enqueue_indirect_dma source(%dma_start3A_460 : memref<1000000x32xf32, #tpu.memory_space<hbm>>) target(%dma_start3A_454 : memref<50x32xf32, #tpu.memory_space<vmem>>) offsets(%dma_start3A_457 : memref<50xi32, #tpu.memory_space<vmem>>) semaphore(%arg9 : memref<!tpu.dma_semaphore, #tpu.memory_space<semaphore_mem>>)
      %mul3A_461 = arith.constant 8 : i32
      %mul3A_462 = arith.muli %add3A_430, %mul3A_461 : i32
      %add3A_463 = arith.constant 2 : i32
      %add3A_464 = arith.addi %mul3A_462, %add3A_463 : i32
      %dma_start3A_465 = arith.constant 2 : i32
      %dma_start3A_466 = arith.constant 0 : i32
      %dma_start3A_467 = arith.constant 0 : i32
      %dma_start3A_468 = tpu.memref_slice %arg7[%dma_start3A_465, %dma_start3A_466, %dma_start3A_467] : memref<8x50x32xf32, #tpu.memory_space<vmem>> -> memref<1x50x32xf32, #tpu.memory_space<vmem>>
      %dma_start3A_469 = tpu.memref_squeeze %dma_start3A_468 : memref<1x50x32xf32, #tpu.memory_space<vmem>> -> memref<50x32xf32, #tpu.memory_space<vmem>>
      %dma_start3A_470 = arith.constant 0 : i32
      %dma_start3A_471 = tpu.memref_slice %arg5[%add3A_464, %dma_start3A_470] : memref<128x50xi32, #tpu.memory_space<vmem>> -> memref<1x50xi32, #tpu.memory_space<vmem>>
      %dma_start3A_472 = tpu.memref_squeeze %dma_start3A_471 : memref<1x50xi32, #tpu.memory_space<vmem>> -> memref<50xi32, #tpu.memory_space<vmem>>
      %dma_start3A_473 = arith.constant 0 : i32
      %dma_start3A_474 = arith.constant 0 : i32
      %dma_start3A_475 = tpu.memref_slice %arg3[%dma_start3A_473, %dma_start3A_474] : memref<1000000x32xf32, #tpu.memory_space<hbm>> -> memref<1000000x32xf32, #tpu.memory_space<hbm>>
      tpu.enqueue_indirect_dma source(%dma_start3A_475 : memref<1000000x32xf32, #tpu.memory_space<hbm>>) target(%dma_start3A_469 : memref<50x32xf32, #tpu.memory_space<vmem>>) offsets(%dma_start3A_472 : memref<50xi32, #tpu.memory_space<vmem>>) semaphore(%arg9 : memref<!tpu.dma_semaphore, #tpu.memory_space<semaphore_mem>>)
      %mul3A_476 = arith.constant 8 : i32
      %mul3A_477 = arith.muli %add3A_430, %mul3A_476 : i32
      %add3A_478 = arith.constant 3 : i32
      %add3A_479 = arith.addi %mul3A_477, %add3A_478 : i32
      %dma_start3A_480 = arith.constant 3 : i32
      %dma_start3A_481 = arith.constant 0 : i32
      %dma_start3A_482 = arith.constant 0 : i32
      %dma_start3A_483 = tpu.memref_slice %arg7[%dma_start3A_480, %dma_start3A_481, %dma_start3A_482] : memref<8x50x32xf32, #tpu.memory_space<vmem>> -> memref<1x50x32xf32, #tpu.memory_space<vmem>>
      %dma_start3A_484 = tpu.memref_squeeze %dma_start3A_483 : memref<1x50x32xf32, #tpu.memory_space<vmem>> -> memref<50x32xf32, #tpu.memory_space<vmem>>
      %dma_start3A_485 = arith.constant 0 : i32
      %dma_start3A_486 = tpu.memref_slice %arg5[%add3A_479, %dma_start3A_485] : memref<128x50xi32, #tpu.memory_space<vmem>> -> memref<1x50xi32, #tpu.memory_space<vmem>>
      %dma_start3A_487 = tpu.memref_squeeze %dma_start3A_486 : memref<1x50xi32, #tpu.memory_space<vmem>> -> memref<50xi32, #tpu.memory_space<vmem>>
      %dma_start3A_488 = arith.constant 0 : i32
      %dma_start3A_489 = arith.constant 0 : i32
      %dma_start3A_490 = tpu.memref_slice %arg3[%dma_start3A_488, %dma_start3A_489] : memref<1000000x32xf32, #tpu.memory_space<hbm>> -> memref<1000000x32xf32, #tpu.memory_space<hbm>>
      tpu.enqueue_indirect_dma source(%dma_start3A_490 : memref<1000000x32xf32, #tpu.memory_space<hbm>>) target(%dma_start3A_484 : memref<50x32xf32, #tpu.memory_space<vmem>>) offsets(%dma_start3A_487 : memref<50xi32, #tpu.memory_space<vmem>>) semaphore(%arg9 : memref<!tpu.dma_semaphore, #tpu.memory_space<semaphore_mem>>)
      %mul3A_491 = arith.constant 8 : i32
      %mul3A_492 = arith.muli %add3A_430, %mul3A_491 : i32
      %add3A_493 = arith.constant 4 : i32
      %add3A_494 = arith.addi %mul3A_492, %add3A_493 : i32
      %dma_start3A_495 = arith.constant 4 : i32
      %dma_start3A_496 = arith.constant 0 : i32
      %dma_start3A_497 = arith.constant 0 : i32
      %dma_start3A_498 = tpu.memref_slice %arg7[%dma_start3A_495, %dma_start3A_496, %dma_start3A_497] : memref<8x50x32xf32, #tpu.memory_space<vmem>> -> memref<1x50x32xf32, #tpu.memory_space<vmem>>
      %dma_start3A_499 = tpu.memref_squeeze %dma_start3A_498 : memref<1x50x32xf32, #tpu.memory_space<vmem>> -> memref<50x32xf32, #tpu.memory_space<vmem>>
      %dma_start3A_500 = arith.constant 0 : i32
      %dma_start3A_501 = tpu.memref_slice %arg5[%add3A_494, %dma_start3A_500] : memref<128x50xi32, #tpu.memory_space<vmem>> -> memref<1x50xi32, #tpu.memory_space<vmem>>
      %dma_start3A_502 = tpu.memref_squeeze %dma_start3A_501 : memref<1x50xi32, #tpu.memory_space<vmem>> -> memref<50xi32, #tpu.memory_space<vmem>>
      %dma_start3A_503 = arith.constant 0 : i32
      %dma_start3A_504 = arith.constant 0 : i32
      %dma_start3A_505 = tpu.memref_slice %arg3[%dma_start3A_503, %dma_start3A_504] : memref<1000000x32xf32, #tpu.memory_space<hbm>> -> memref<1000000x32xf32, #tpu.memory_space<hbm>>
      tpu.enqueue_indirect_dma source(%dma_start3A_505 : memref<1000000x32xf32, #tpu.memory_space<hbm>>) target(%dma_start3A_499 : memref<50x32xf32, #tpu.memory_space<vmem>>) offsets(%dma_start3A_502 : memref<50xi32, #tpu.memory_space<vmem>>) semaphore(%arg9 : memref<!tpu.dma_semaphore, #tpu.memory_space<semaphore_mem>>)
      %mul3A_506 = arith.constant 8 : i32
      %mul3A_507 = arith.muli %add3A_430, %mul3A_506 : i32
      %add3A_508 = arith.constant 5 : i32
      %add3A_509 = arith.addi %mul3A_507, %add3A_508 : i32
      %dma_start3A_510 = arith.constant 5 : i32
      %dma_start3A_511 = arith.constant 0 : i32
      %dma_start3A_512 = arith.constant 0 : i32
      %dma_start3A_513 = tpu.memref_slice %arg7[%dma_start3A_510, %dma_start3A_511, %dma_start3A_512] : memref<8x50x32xf32, #tpu.memory_space<vmem>> -> memref<1x50x32xf32, #tpu.memory_space<vmem>>
      %dma_start3A_514 = tpu.memref_squeeze %dma_start3A_513 : memref<1x50x32xf32, #tpu.memory_space<vmem>> -> memref<50x32xf32, #tpu.memory_space<vmem>>
      %dma_start3A_515 = arith.constant 0 : i32
      %dma_start3A_516 = tpu.memref_slice %arg5[%add3A_509, %dma_start3A_515] : memref<128x50xi32, #tpu.memory_space<vmem>> -> memref<1x50xi32, #tpu.memory_space<vmem>>
      %dma_start3A_517 = tpu.memref_squeeze %dma_start3A_516 : memref<1x50xi32, #tpu.memory_space<vmem>> -> memref<50xi32, #tpu.memory_space<vmem>>
      %dma_start3A_518 = arith.constant 0 : i32
      %dma_start3A_519 = arith.constant 0 : i32
      %dma_start3A_520 = tpu.memref_slice %arg3[%dma_start3A_518, %dma_start3A_519] : memref<1000000x32xf32, #tpu.memory_space<hbm>> -> memref<1000000x32xf32, #tpu.memory_space<hbm>>
      tpu.enqueue_indirect_dma source(%dma_start3A_520 : memref<1000000x32xf32, #tpu.memory_space<hbm>>) target(%dma_start3A_514 : memref<50x32xf32, #tpu.memory_space<vmem>>) offsets(%dma_start3A_517 : memref<50xi32, #tpu.memory_space<vmem>>) semaphore(%arg9 : memref<!tpu.dma_semaphore, #tpu.memory_space<semaphore_mem>>)
      %mul3A_521 = arith.constant 8 : i32
      %mul3A_522 = arith.muli %add3A_430, %mul3A_521 : i32
      %add3A_523 = arith.constant 6 : i32
      %add3A_524 = arith.addi %mul3A_522, %add3A_523 : i32
      %dma_start3A_525 = arith.constant 6 : i32
      %dma_start3A_526 = arith.constant 0 : i32
      %dma_start3A_527 = arith.constant 0 : i32
      %dma_start3A_528 = tpu.memref_slice %arg7[%dma_start3A_525, %dma_start3A_526, %dma_start3A_527] : memref<8x50x32xf32, #tpu.memory_space<vmem>> -> memref<1x50x32xf32, #tpu.memory_space<vmem>>
      %dma_start3A_529 = tpu.memref_squeeze %dma_start3A_528 : memref<1x50x32xf32, #tpu.memory_space<vmem>> -> memref<50x32xf32, #tpu.memory_space<vmem>>
      %dma_start3A_530 = arith.constant 0 : i32
      %dma_start3A_531 = tpu.memref_slice %arg5[%add3A_524, %dma_start3A_530] : memref<128x50xi32, #tpu.memory_space<vmem>> -> memref<1x50xi32, #tpu.memory_space<vmem>>
      %dma_start3A_532 = tpu.memref_squeeze %dma_start3A_531 : memref<1x50xi32, #tpu.memory_space<vmem>> -> memref<50xi32, #tpu.memory_space<vmem>>
      %dma_start3A_533 = arith.constant 0 : i32
      %dma_start3A_534 = arith.constant 0 : i32
      %dma_start3A_535 = tpu.memref_slice %arg3[%dma_start3A_533, %dma_start3A_534] : memref<1000000x32xf32, #tpu.memory_space<hbm>> -> memref<1000000x32xf32, #tpu.memory_space<hbm>>
      tpu.enqueue_indirect_dma source(%dma_start3A_535 : memref<1000000x32xf32, #tpu.memory_space<hbm>>) target(%dma_start3A_529 : memref<50x32xf32, #tpu.memory_space<vmem>>) offsets(%dma_start3A_532 : memref<50xi32, #tpu.memory_space<vmem>>) semaphore(%arg9 : memref<!tpu.dma_semaphore, #tpu.memory_space<semaphore_mem>>)
      %mul3A_536 = arith.constant 8 : i32
      %mul3A_537 = arith.muli %add3A_430, %mul3A_536 : i32
      %add3A_538 = arith.constant 7 : i32
      %add3A_539 = arith.addi %mul3A_537, %add3A_538 : i32
      %dma_start3A_540 = arith.constant 7 : i32
      %dma_start3A_541 = arith.constant 0 : i32
      %dma_start3A_542 = arith.constant 0 : i32
      %dma_start3A_543 = tpu.memref_slice %arg7[%dma_start3A_540, %dma_start3A_541, %dma_start3A_542] : memref<8x50x32xf32, #tpu.memory_space<vmem>> -> memref<1x50x32xf32, #tpu.memory_space<vmem>>
      %dma_start3A_544 = tpu.memref_squeeze %dma_start3A_543 : memref<1x50x32xf32, #tpu.memory_space<vmem>> -> memref<50x32xf32, #tpu.memory_space<vmem>>
      %dma_start3A_545 = arith.constant 0 : i32
      %dma_start3A_546 = tpu.memref_slice %arg5[%add3A_539, %dma_start3A_545] : memref<128x50xi32, #tpu.memory_space<vmem>> -> memref<1x50xi32, #tpu.memory_space<vmem>>
      %dma_start3A_547 = tpu.memref_squeeze %dma_start3A_546 : memref<1x50xi32, #tpu.memory_space<vmem>> -> memref<50xi32, #tpu.memory_space<vmem>>
      %dma_start3A_548 = arith.constant 0 : i32
      %dma_start3A_549 = arith.constant 0 : i32
      %dma_start3A_550 = tpu.memref_slice %arg3[%dma_start3A_548, %dma_start3A_549] : memref<1000000x32xf32, #tpu.memory_space<hbm>> -> memref<1000000x32xf32, #tpu.memory_space<hbm>>
      tpu.enqueue_indirect_dma source(%dma_start3A_550 : memref<1000000x32xf32, #tpu.memory_space<hbm>>) target(%dma_start3A_544 : memref<50x32xf32, #tpu.memory_space<vmem>>) offsets(%dma_start3A_547 : memref<50xi32, #tpu.memory_space<vmem>>) semaphore(%arg9 : memref<!tpu.dma_semaphore, #tpu.memory_space<semaphore_mem>>)
      %scan3A_551 = arith.constant 0 : i32
      scf.yield %scan3A_551 : i32
    }
    %scan3A_199 = arith.constant 7 : i32
    %dma_wait3A = arith.constant 0 : i32
    %dma_wait3A_200 = arith.constant 0 : i32
    %dma_wait3A_201 = arith.constant 0 : i32
    %dma_wait3A_202 = tpu.memref_slice %arg4[%dma_wait3A, %dma_wait3A_200, %dma_wait3A_201] : memref<4096x50x32xf32, #tpu.memory_space<hbm>> -> memref<8x50x32xf32, #tpu.memory_space<hbm>>
    %dma_wait3A_203 = arith.constant 0 : i32
    %dma_wait3A_204 = arith.constant 0 : i32
    %dma_wait3A_205 = arith.constant 0 : i32
    %dma_wait3A_206 = tpu.memref_slice %arg4[%dma_wait3A_203, %dma_wait3A_204, %dma_wait3A_205] : memref<4096x50x32xf32, #tpu.memory_space<hbm>> -> memref<8x50x32xf32, #tpu.memory_space<hbm>>
    tpu.wait_dma2 semaphore(%arg8 : memref<!tpu.dma_semaphore, #tpu.memory_space<semaphore_mem>>) src(%dma_wait3A_206 : memref<8x50x32xf32, #tpu.memory_space<hbm>>) dst(%arg6 : memref<8x50x32xf32, #tpu.memory_space<vmem>>)
    %add3A_207 = arith.constant 112 : i32
    %add3A_208 = arith.addi %mul3A_2, %add3A_207 : i32
    %dma_start3A_209 = arith.constant 0 : i32
    %dma_start3A_210 = arith.constant 0 : i32
    %dma_start3A_211 = tpu.memref_slice %arg4[%add3A_208, %dma_start3A_209, %dma_start3A_210] : memref<4096x50x32xf32, #tpu.memory_space<hbm>> -> memref<8x50x32xf32, #tpu.memory_space<hbm>>
    %dma_start3A_212 = arith.constant 0 : i32
    %dma_start3A_213 = arith.constant 0 : i32
    %dma_start3A_214 = tpu.memref_slice %arg4[%add3A_208, %dma_start3A_212, %dma_start3A_213] : memref<4096x50x32xf32, #tpu.memory_space<hbm>> -> memref<8x50x32xf32, #tpu.memory_space<hbm>>
    tpu.enqueue_dma source(%arg6 : memref<8x50x32xf32, #tpu.memory_space<vmem>>) target(%dma_start3A_214 : memref<8x50x32xf32, #tpu.memory_space<hbm>>) target_semaphore(%arg10 : memref<!tpu.dma_semaphore, #tpu.memory_space<semaphore_mem>>)
    %dma_wait3A_215 = arith.constant 0 : i32
    %dma_wait3A_216 = arith.constant 0 : i32
    %dma_wait3A_217 = arith.constant 0 : i32
    %dma_wait3A_218 = tpu.memref_slice %arg4[%dma_wait3A_215, %dma_wait3A_216, %dma_wait3A_217] : memref<4096x50x32xf32, #tpu.memory_space<hbm>> -> memref<8x50x32xf32, #tpu.memory_space<hbm>>
    %dma_wait3A_219 = arith.constant 0 : i32
    %dma_wait3A_220 = arith.constant 0 : i32
    %dma_wait3A_221 = arith.constant 0 : i32
    %dma_wait3A_222 = tpu.memref_slice %arg4[%dma_wait3A_219, %dma_wait3A_220, %dma_wait3A_221] : memref<4096x50x32xf32, #tpu.memory_space<hbm>> -> memref<8x50x32xf32, #tpu.memory_space<hbm>>
    tpu.wait_dma2 semaphore(%arg9 : memref<!tpu.dma_semaphore, #tpu.memory_space<semaphore_mem>>) src(%dma_wait3A_222 : memref<8x50x32xf32, #tpu.memory_space<hbm>>) dst(%arg7 : memref<8x50x32xf32, #tpu.memory_space<vmem>>)
    %add3A_223 = arith.constant 120 : i32
    %add3A_224 = arith.addi %mul3A_2, %add3A_223 : i32
    %dma_start3A_225 = arith.constant 0 : i32
    %dma_start3A_226 = arith.constant 0 : i32
    %dma_start3A_227 = tpu.memref_slice %arg4[%add3A_224, %dma_start3A_225, %dma_start3A_226] : memref<4096x50x32xf32, #tpu.memory_space<hbm>> -> memref<8x50x32xf32, #tpu.memory_space<hbm>>
    %dma_start3A_228 = arith.constant 0 : i32
    %dma_start3A_229 = arith.constant 0 : i32
    %dma_start3A_230 = tpu.memref_slice %arg4[%add3A_224, %dma_start3A_228, %dma_start3A_229] : memref<4096x50x32xf32, #tpu.memory_space<hbm>> -> memref<8x50x32xf32, #tpu.memory_space<hbm>>
    tpu.enqueue_dma source(%arg7 : memref<8x50x32xf32, #tpu.memory_space<vmem>>) target(%dma_start3A_230 : memref<8x50x32xf32, #tpu.memory_space<hbm>>) target_semaphore(%arg11 : memref<!tpu.dma_semaphore, #tpu.memory_space<semaphore_mem>>)
    %add3A_231 = arith.constant 112 : i32
    %add3A_232 = arith.addi %mul3A_2, %add3A_231 : i32
    %dma_wait3A_233 = arith.constant 0 : i32
    %dma_wait3A_234 = arith.constant 0 : i32
    %dma_wait3A_235 = tpu.memref_slice %arg4[%add3A_232, %dma_wait3A_233, %dma_wait3A_234] : memref<4096x50x32xf32, #tpu.memory_space<hbm>> -> memref<8x50x32xf32, #tpu.memory_space<hbm>>
    %dma_wait3A_236 = arith.constant 0 : i32
    %dma_wait3A_237 = arith.constant 0 : i32
    %dma_wait3A_238 = tpu.memref_slice %arg4[%add3A_232, %dma_wait3A_236, %dma_wait3A_237] : memref<4096x50x32xf32, #tpu.memory_space<hbm>> -> memref<8x50x32xf32, #tpu.memory_space<hbm>>
    tpu.wait_dma2 semaphore(%arg10 : memref<!tpu.dma_semaphore, #tpu.memory_space<semaphore_mem>>) src(%arg6 : memref<8x50x32xf32, #tpu.memory_space<vmem>>) dst(%dma_wait3A_238 : memref<8x50x32xf32, #tpu.memory_space<hbm>>)
    %add3A_239 = arith.constant 120 : i32
    %add3A_240 = arith.addi %mul3A_2, %add3A_239 : i32
    %dma_wait3A_241 = arith.constant 0 : i32
    %dma_wait3A_242 = arith.constant 0 : i32
    %dma_wait3A_243 = tpu.memref_slice %arg4[%add3A_240, %dma_wait3A_241, %dma_wait3A_242] : memref<4096x50x32xf32, #tpu.memory_space<hbm>> -> memref<8x50x32xf32, #tpu.memory_space<hbm>>
    %dma_wait3A_244 = arith.constant 0 : i32
    %dma_wait3A_245 = arith.constant 0 : i32
    %dma_wait3A_246 = tpu.memref_slice %arg4[%add3A_240, %dma_wait3A_244, %dma_wait3A_245] : memref<4096x50x32xf32, #tpu.memory_space<hbm>> -> memref<8x50x32xf32, #tpu.memory_space<hbm>>
    tpu.wait_dma2 semaphore(%arg11 : memref<!tpu.dma_semaphore, #tpu.memory_space<semaphore_mem>>) src(%arg7 : memref<8x50x32xf32, #tpu.memory_space<vmem>>) dst(%dma_wait3A_246 : memref<8x50x32xf32, #tpu.memory_space<hbm>>)
    return
  }
}

#map = affine_map<(d0, d1) -> (0, 0)>
#map1 = affine_map<(d0, d1) -> (0, 0, 0)>
module attributes {stable_mosaic.version = 14 : i64} {
  func.func @_gather_body(%arg0: i32, %arg1: i32, %arg2: memref<4096x50xi32, #tpu.memory_space<hbm>>, %arg3: memref<1000000x32xf32, #tpu.memory_space<hbm>>, %arg4: memref<4096x50x32xf32, #tpu.memory_space<hbm>>, %arg5: memref<128x50xi32, #tpu.memory_space<vmem>>, %arg6: memref<8x50x32xf32, #tpu.memory_space<vmem>>, %arg7: memref<8x50x32xf32, #tpu.memory_space<vmem>>, %arg8: memref<!tpu.dma_semaphore, #tpu.memory_space<semaphore_mem>>, %arg9: memref<!tpu.dma_semaphore, #tpu.memory_space<semaphore_mem>>, %arg10: memref<!tpu.dma_semaphore, #tpu.memory_space<semaphore_mem>>, %arg11: memref<!tpu.dma_semaphore, #tpu.memory_space<semaphore_mem>>) attributes {dimension_semantics = [#tpu.dimension_semantics<core_parallel>, #tpu.dimension_semantics<subcore_parallel>], iteration_bounds = array<i64: 2, 16>, scalar_prefetch = 0 : i64, scratch_operands = 7 : i64, tpu.core_type = #tpu.core_type<sc_vector_subcore>, window_params = [{transform_indices = #map}, {transform_indices = #map}, {transform_indices = #map1}]} {
    %mul3A = arith.constant 2 : i32
    %mul3A_0 = arith.muli %arg1, %mul3A : i32
    %add3A = arith.addi %mul3A_0, %arg0 : i32
    %mul3A_1 = arith.constant 128 : i32
    %mul3A_2 = arith.muli %add3A, %mul3A_1 : i32
    "tpu.region"() ({
      %run_scoped3A = tpu.sem_alloc : memref<!tpu.dma_semaphore, #tpu.memory_space<semaphore_mem>>
      %dma_start3A_247 = arith.constant 0 : i32
      %dma_start3A_248 = tpu.memref_slice %arg2[%mul3A_2, %dma_start3A_247] : memref<4096x50xi32, #tpu.memory_space<hbm>> -> memref<128x50xi32, #tpu.memory_space<hbm>>
      %dma_start3A_249 = arith.constant 0 : i32
      %dma_start3A_250 = tpu.memref_slice %arg2[%mul3A_2, %dma_start3A_249] : memref<4096x50xi32, #tpu.memory_space<hbm>> -> memref<128x50xi32, #tpu.memory_space<hbm>>
      tpu.enqueue_dma source(%dma_start3A_250 : memref<128x50xi32, #tpu.memory_space<hbm>>) target(%arg5 : memref<128x50xi32, #tpu.memory_space<vmem>>) target_semaphore(%run_scoped3A : memref<!tpu.dma_semaphore, #tpu.memory_space<semaphore_mem>>)
      %dma_wait3A_251 = arith.constant 0 : i32
      %dma_wait3A_252 = tpu.memref_slice %arg2[%mul3A_2, %dma_wait3A_251] : memref<4096x50xi32, #tpu.memory_space<hbm>> -> memref<128x50xi32, #tpu.memory_space<hbm>>
      %dma_wait3A_253 = arith.constant 0 : i32
      %dma_wait3A_254 = tpu.memref_slice %arg2[%mul3A_2, %dma_wait3A_253] : memref<4096x50xi32, #tpu.memory_space<hbm>> -> memref<128x50xi32, #tpu.memory_space<hbm>>
      tpu.wait_dma2 semaphore(%run_scoped3A : memref<!tpu.dma_semaphore, #tpu.memory_space<semaphore_mem>>) src(%dma_wait3A_254 : memref<128x50xi32, #tpu.memory_space<hbm>>) dst(%arg5 : memref<128x50xi32, #tpu.memory_space<vmem>>)
      tpu.yield
    }) : () -> ()
    %dma_start3A = arith.constant 0 : i32
    %dma_start3A_3 = arith.constant 0 : i32
    %dma_start3A_4 = arith.constant 0 : i32
    %dma_start3A_5 = arith.constant 0 : i32
    %dma_start3A_6 = tpu.memref_slice %arg6[%dma_start3A_3, %dma_start3A_4, %dma_start3A_5] : memref<8x50x32xf32, #tpu.memory_space<vmem>> -> memref<1x50x32xf32, #tpu.memory_space<vmem>>
    %dma_start3A_7 = tpu.memref_squeeze %dma_start3A_6 : memref<1x50x32xf32, #tpu.memory_space<vmem>> -> memref<50x32xf32, #tpu.memory_space<vmem>>
    %dma_start3A_8 = arith.constant 0 : i32
    %dma_start3A_9 = tpu.memref_slice %arg5[%dma_start3A, %dma_start3A_8] : memref<128x50xi32, #tpu.memory_space<vmem>> -> memref<1x50xi32, #tpu.memory_space<vmem>>
    %dma_start3A_10 = tpu.memref_squeeze %dma_start3A_9 : memref<1x50xi32, #tpu.memory_space<vmem>> -> memref<50xi32, #tpu.memory_space<vmem>>
    %dma_start3A_11 = arith.constant 0 : i32
    %dma_start3A_12 = arith.constant 0 : i32
    %dma_start3A_13 = tpu.memref_slice %arg3[%dma_start3A_11, %dma_start3A_12] : memref<1000000x32xf32, #tpu.memory_space<hbm>> -> memref<1000000x32xf32, #tpu.memory_space<hbm>>
    tpu.enqueue_indirect_dma source(%dma_start3A_13 : memref<1000000x32xf32, #tpu.memory_space<hbm>>) target(%dma_start3A_7 : memref<50x32xf32, #tpu.memory_space<vmem>>) offsets(%dma_start3A_10 : memref<50xi32, #tpu.memory_space<vmem>>) semaphore(%arg8 : memref<!tpu.dma_semaphore, #tpu.memory_space<semaphore_mem>>)
    %dma_start3A_14 = arith.constant 1 : i32
    %dma_start3A_15 = arith.constant 1 : i32
    %dma_start3A_16 = arith.constant 0 : i32
    %dma_start3A_17 = arith.constant 0 : i32
    %dma_start3A_18 = tpu.memref_slice %arg6[%dma_start3A_15, %dma_start3A_16, %dma_start3A_17] : memref<8x50x32xf32, #tpu.memory_space<vmem>> -> memref<1x50x32xf32, #tpu.memory_space<vmem>>
    %dma_start3A_19 = tpu.memref_squeeze %dma_start3A_18 : memref<1x50x32xf32, #tpu.memory_space<vmem>> -> memref<50x32xf32, #tpu.memory_space<vmem>>
    %dma_start3A_20 = arith.constant 0 : i32
    %dma_start3A_21 = tpu.memref_slice %arg5[%dma_start3A_14, %dma_start3A_20] : memref<128x50xi32, #tpu.memory_space<vmem>> -> memref<1x50xi32, #tpu.memory_space<vmem>>
    %dma_start3A_22 = tpu.memref_squeeze %dma_start3A_21 : memref<1x50xi32, #tpu.memory_space<vmem>> -> memref<50xi32, #tpu.memory_space<vmem>>
    %dma_start3A_23 = arith.constant 0 : i32
    %dma_start3A_24 = arith.constant 0 : i32
    %dma_start3A_25 = tpu.memref_slice %arg3[%dma_start3A_23, %dma_start3A_24] : memref<1000000x32xf32, #tpu.memory_space<hbm>> -> memref<1000000x32xf32, #tpu.memory_space<hbm>>
    tpu.enqueue_indirect_dma source(%dma_start3A_25 : memref<1000000x32xf32, #tpu.memory_space<hbm>>) target(%dma_start3A_19 : memref<50x32xf32, #tpu.memory_space<vmem>>) offsets(%dma_start3A_22 : memref<50xi32, #tpu.memory_space<vmem>>) semaphore(%arg8 : memref<!tpu.dma_semaphore, #tpu.memory_space<semaphore_mem>>)
    %dma_start3A_26 = arith.constant 2 : i32
    %dma_start3A_27 = arith.constant 2 : i32
    %dma_start3A_28 = arith.constant 0 : i32
    %dma_start3A_29 = arith.constant 0 : i32
    %dma_start3A_30 = tpu.memref_slice %arg6[%dma_start3A_27, %dma_start3A_28, %dma_start3A_29] : memref<8x50x32xf32, #tpu.memory_space<vmem>> -> memref<1x50x32xf32, #tpu.memory_space<vmem>>
    %dma_start3A_31 = tpu.memref_squeeze %dma_start3A_30 : memref<1x50x32xf32, #tpu.memory_space<vmem>> -> memref<50x32xf32, #tpu.memory_space<vmem>>
    %dma_start3A_32 = arith.constant 0 : i32
    %dma_start3A_33 = tpu.memref_slice %arg5[%dma_start3A_26, %dma_start3A_32] : memref<128x50xi32, #tpu.memory_space<vmem>> -> memref<1x50xi32, #tpu.memory_space<vmem>>
    %dma_start3A_34 = tpu.memref_squeeze %dma_start3A_33 : memref<1x50xi32, #tpu.memory_space<vmem>> -> memref<50xi32, #tpu.memory_space<vmem>>
    %dma_start3A_35 = arith.constant 0 : i32
    %dma_start3A_36 = arith.constant 0 : i32
    %dma_start3A_37 = tpu.memref_slice %arg3[%dma_start3A_35, %dma_start3A_36] : memref<1000000x32xf32, #tpu.memory_space<hbm>> -> memref<1000000x32xf32, #tpu.memory_space<hbm>>
    tpu.enqueue_indirect_dma source(%dma_start3A_37 : memref<1000000x32xf32, #tpu.memory_space<hbm>>) target(%dma_start3A_31 : memref<50x32xf32, #tpu.memory_space<vmem>>) offsets(%dma_start3A_34 : memref<50xi32, #tpu.memory_space<vmem>>) semaphore(%arg8 : memref<!tpu.dma_semaphore, #tpu.memory_space<semaphore_mem>>)
    %dma_start3A_38 = arith.constant 3 : i32
    %dma_start3A_39 = arith.constant 3 : i32
    %dma_start3A_40 = arith.constant 0 : i32
    %dma_start3A_41 = arith.constant 0 : i32
    %dma_start3A_42 = tpu.memref_slice %arg6[%dma_start3A_39, %dma_start3A_40, %dma_start3A_41] : memref<8x50x32xf32, #tpu.memory_space<vmem>> -> memref<1x50x32xf32, #tpu.memory_space<vmem>>
    %dma_start3A_43 = tpu.memref_squeeze %dma_start3A_42 : memref<1x50x32xf32, #tpu.memory_space<vmem>> -> memref<50x32xf32, #tpu.memory_space<vmem>>
    %dma_start3A_44 = arith.constant 0 : i32
    %dma_start3A_45 = tpu.memref_slice %arg5[%dma_start3A_38, %dma_start3A_44] : memref<128x50xi32, #tpu.memory_space<vmem>> -> memref<1x50xi32, #tpu.memory_space<vmem>>
    %dma_start3A_46 = tpu.memref_squeeze %dma_start3A_45 : memref<1x50xi32, #tpu.memory_space<vmem>> -> memref<50xi32, #tpu.memory_space<vmem>>
    %dma_start3A_47 = arith.constant 0 : i32
    %dma_start3A_48 = arith.constant 0 : i32
    %dma_start3A_49 = tpu.memref_slice %arg3[%dma_start3A_47, %dma_start3A_48] : memref<1000000x32xf32, #tpu.memory_space<hbm>> -> memref<1000000x32xf32, #tpu.memory_space<hbm>>
    tpu.enqueue_indirect_dma source(%dma_start3A_49 : memref<1000000x32xf32, #tpu.memory_space<hbm>>) target(%dma_start3A_43 : memref<50x32xf32, #tpu.memory_space<vmem>>) offsets(%dma_start3A_46 : memref<50xi32, #tpu.memory_space<vmem>>) semaphore(%arg8 : memref<!tpu.dma_semaphore, #tpu.memory_space<semaphore_mem>>)
    %dma_start3A_50 = arith.constant 4 : i32
    %dma_start3A_51 = arith.constant 4 : i32
    %dma_start3A_52 = arith.constant 0 : i32
    %dma_start3A_53 = arith.constant 0 : i32
    %dma_start3A_54 = tpu.memref_slice %arg6[%dma_start3A_51, %dma_start3A_52, %dma_start3A_53] : memref<8x50x32xf32, #tpu.memory_space<vmem>> -> memref<1x50x32xf32, #tpu.memory_space<vmem>>
    %dma_start3A_55 = tpu.memref_squeeze %dma_start3A_54 : memref<1x50x32xf32, #tpu.memory_space<vmem>> -> memref<50x32xf32, #tpu.memory_space<vmem>>
    %dma_start3A_56 = arith.constant 0 : i32
    %dma_start3A_57 = tpu.memref_slice %arg5[%dma_start3A_50, %dma_start3A_56] : memref<128x50xi32, #tpu.memory_space<vmem>> -> memref<1x50xi32, #tpu.memory_space<vmem>>
    %dma_start3A_58 = tpu.memref_squeeze %dma_start3A_57 : memref<1x50xi32, #tpu.memory_space<vmem>> -> memref<50xi32, #tpu.memory_space<vmem>>
    %dma_start3A_59 = arith.constant 0 : i32
    %dma_start3A_60 = arith.constant 0 : i32
    %dma_start3A_61 = tpu.memref_slice %arg3[%dma_start3A_59, %dma_start3A_60] : memref<1000000x32xf32, #tpu.memory_space<hbm>> -> memref<1000000x32xf32, #tpu.memory_space<hbm>>
    tpu.enqueue_indirect_dma source(%dma_start3A_61 : memref<1000000x32xf32, #tpu.memory_space<hbm>>) target(%dma_start3A_55 : memref<50x32xf32, #tpu.memory_space<vmem>>) offsets(%dma_start3A_58 : memref<50xi32, #tpu.memory_space<vmem>>) semaphore(%arg8 : memref<!tpu.dma_semaphore, #tpu.memory_space<semaphore_mem>>)
    %dma_start3A_62 = arith.constant 5 : i32
    %dma_start3A_63 = arith.constant 5 : i32
    %dma_start3A_64 = arith.constant 0 : i32
    %dma_start3A_65 = arith.constant 0 : i32
    %dma_start3A_66 = tpu.memref_slice %arg6[%dma_start3A_63, %dma_start3A_64, %dma_start3A_65] : memref<8x50x32xf32, #tpu.memory_space<vmem>> -> memref<1x50x32xf32, #tpu.memory_space<vmem>>
    %dma_start3A_67 = tpu.memref_squeeze %dma_start3A_66 : memref<1x50x32xf32, #tpu.memory_space<vmem>> -> memref<50x32xf32, #tpu.memory_space<vmem>>
    %dma_start3A_68 = arith.constant 0 : i32
    %dma_start3A_69 = tpu.memref_slice %arg5[%dma_start3A_62, %dma_start3A_68] : memref<128x50xi32, #tpu.memory_space<vmem>> -> memref<1x50xi32, #tpu.memory_space<vmem>>
    %dma_start3A_70 = tpu.memref_squeeze %dma_start3A_69 : memref<1x50xi32, #tpu.memory_space<vmem>> -> memref<50xi32, #tpu.memory_space<vmem>>
    %dma_start3A_71 = arith.constant 0 : i32
    %dma_start3A_72 = arith.constant 0 : i32
    %dma_start3A_73 = tpu.memref_slice %arg3[%dma_start3A_71, %dma_start3A_72] : memref<1000000x32xf32, #tpu.memory_space<hbm>> -> memref<1000000x32xf32, #tpu.memory_space<hbm>>
    tpu.enqueue_indirect_dma source(%dma_start3A_73 : memref<1000000x32xf32, #tpu.memory_space<hbm>>) target(%dma_start3A_67 : memref<50x32xf32, #tpu.memory_space<vmem>>) offsets(%dma_start3A_70 : memref<50xi32, #tpu.memory_space<vmem>>) semaphore(%arg8 : memref<!tpu.dma_semaphore, #tpu.memory_space<semaphore_mem>>)
    %dma_start3A_74 = arith.constant 6 : i32
    %dma_start3A_75 = arith.constant 6 : i32
    %dma_start3A_76 = arith.constant 0 : i32
    %dma_start3A_77 = arith.constant 0 : i32
    %dma_start3A_78 = tpu.memref_slice %arg6[%dma_start3A_75, %dma_start3A_76, %dma_start3A_77] : memref<8x50x32xf32, #tpu.memory_space<vmem>> -> memref<1x50x32xf32, #tpu.memory_space<vmem>>
    %dma_start3A_79 = tpu.memref_squeeze %dma_start3A_78 : memref<1x50x32xf32, #tpu.memory_space<vmem>> -> memref<50x32xf32, #tpu.memory_space<vmem>>
    %dma_start3A_80 = arith.constant 0 : i32
    %dma_start3A_81 = tpu.memref_slice %arg5[%dma_start3A_74, %dma_start3A_80] : memref<128x50xi32, #tpu.memory_space<vmem>> -> memref<1x50xi32, #tpu.memory_space<vmem>>
    %dma_start3A_82 = tpu.memref_squeeze %dma_start3A_81 : memref<1x50xi32, #tpu.memory_space<vmem>> -> memref<50xi32, #tpu.memory_space<vmem>>
    %dma_start3A_83 = arith.constant 0 : i32
    %dma_start3A_84 = arith.constant 0 : i32
    %dma_start3A_85 = tpu.memref_slice %arg3[%dma_start3A_83, %dma_start3A_84] : memref<1000000x32xf32, #tpu.memory_space<hbm>> -> memref<1000000x32xf32, #tpu.memory_space<hbm>>
    tpu.enqueue_indirect_dma source(%dma_start3A_85 : memref<1000000x32xf32, #tpu.memory_space<hbm>>) target(%dma_start3A_79 : memref<50x32xf32, #tpu.memory_space<vmem>>) offsets(%dma_start3A_82 : memref<50xi32, #tpu.memory_space<vmem>>) semaphore(%arg8 : memref<!tpu.dma_semaphore, #tpu.memory_space<semaphore_mem>>)
    %dma_start3A_86 = arith.constant 7 : i32
    %dma_start3A_87 = arith.constant 7 : i32
    %dma_start3A_88 = arith.constant 0 : i32
    %dma_start3A_89 = arith.constant 0 : i32
    %dma_start3A_90 = tpu.memref_slice %arg6[%dma_start3A_87, %dma_start3A_88, %dma_start3A_89] : memref<8x50x32xf32, #tpu.memory_space<vmem>> -> memref<1x50x32xf32, #tpu.memory_space<vmem>>
    %dma_start3A_91 = tpu.memref_squeeze %dma_start3A_90 : memref<1x50x32xf32, #tpu.memory_space<vmem>> -> memref<50x32xf32, #tpu.memory_space<vmem>>
    %dma_start3A_92 = arith.constant 0 : i32
    %dma_start3A_93 = tpu.memref_slice %arg5[%dma_start3A_86, %dma_start3A_92] : memref<128x50xi32, #tpu.memory_space<vmem>> -> memref<1x50xi32, #tpu.memory_space<vmem>>
    %dma_start3A_94 = tpu.memref_squeeze %dma_start3A_93 : memref<1x50xi32, #tpu.memory_space<vmem>> -> memref<50xi32, #tpu.memory_space<vmem>>
    %dma_start3A_95 = arith.constant 0 : i32
    %dma_start3A_96 = arith.constant 0 : i32
    %dma_start3A_97 = tpu.memref_slice %arg3[%dma_start3A_95, %dma_start3A_96] : memref<1000000x32xf32, #tpu.memory_space<hbm>> -> memref<1000000x32xf32, #tpu.memory_space<hbm>>
    tpu.enqueue_indirect_dma source(%dma_start3A_97 : memref<1000000x32xf32, #tpu.memory_space<hbm>>) target(%dma_start3A_91 : memref<50x32xf32, #tpu.memory_space<vmem>>) offsets(%dma_start3A_94 : memref<50xi32, #tpu.memory_space<vmem>>) semaphore(%arg8 : memref<!tpu.dma_semaphore, #tpu.memory_space<semaphore_mem>>)
    %dma_start3A_98 = arith.constant 8 : i32
    %dma_start3A_99 = arith.constant 0 : i32
    %dma_start3A_100 = arith.constant 0 : i32
    %dma_start3A_101 = arith.constant 0 : i32
    %dma_start3A_102 = tpu.memref_slice %arg7[%dma_start3A_99, %dma_start3A_100, %dma_start3A_101] : memref<8x50x32xf32, #tpu.memory_space<vmem>> -> memref<1x50x32xf32, #tpu.memory_space<vmem>>
    %dma_start3A_103 = tpu.memref_squeeze %dma_start3A_102 : memref<1x50x32xf32, #tpu.memory_space<vmem>> -> memref<50x32xf32, #tpu.memory_space<vmem>>
    %dma_start3A_104 = arith.constant 0 : i32
    %dma_start3A_105 = tpu.memref_slice %arg5[%dma_start3A_98, %dma_start3A_104] : memref<128x50xi32, #tpu.memory_space<vmem>> -> memref<1x50xi32, #tpu.memory_space<vmem>>
    %dma_start3A_106 = tpu.memref_squeeze %dma_start3A_105 : memref<1x50xi32, #tpu.memory_space<vmem>> -> memref<50xi32, #tpu.memory_space<vmem>>
    %dma_start3A_107 = arith.constant 0 : i32
    %dma_start3A_108 = arith.constant 0 : i32
    %dma_start3A_109 = tpu.memref_slice %arg3[%dma_start3A_107, %dma_start3A_108] : memref<1000000x32xf32, #tpu.memory_space<hbm>> -> memref<1000000x32xf32, #tpu.memory_space<hbm>>
    tpu.enqueue_indirect_dma source(%dma_start3A_109 : memref<1000000x32xf32, #tpu.memory_space<hbm>>) target(%dma_start3A_103 : memref<50x32xf32, #tpu.memory_space<vmem>>) offsets(%dma_start3A_106 : memref<50xi32, #tpu.memory_space<vmem>>) semaphore(%arg9 : memref<!tpu.dma_semaphore, #tpu.memory_space<semaphore_mem>>)
    %dma_start3A_110 = arith.constant 9 : i32
    %dma_start3A_111 = arith.constant 1 : i32
    %dma_start3A_112 = arith.constant 0 : i32
    %dma_start3A_113 = arith.constant 0 : i32
    %dma_start3A_114 = tpu.memref_slice %arg7[%dma_start3A_111, %dma_start3A_112, %dma_start3A_113] : memref<8x50x32xf32, #tpu.memory_space<vmem>> -> memref<1x50x32xf32, #tpu.memory_space<vmem>>
    %dma_start3A_115 = tpu.memref_squeeze %dma_start3A_114 : memref<1x50x32xf32, #tpu.memory_space<vmem>> -> memref<50x32xf32, #tpu.memory_space<vmem>>
    %dma_start3A_116 = arith.constant 0 : i32
    %dma_start3A_117 = tpu.memref_slice %arg5[%dma_start3A_110, %dma_start3A_116] : memref<128x50xi32, #tpu.memory_space<vmem>> -> memref<1x50xi32, #tpu.memory_space<vmem>>
    %dma_start3A_118 = tpu.memref_squeeze %dma_start3A_117 : memref<1x50xi32, #tpu.memory_space<vmem>> -> memref<50xi32, #tpu.memory_space<vmem>>
    %dma_start3A_119 = arith.constant 0 : i32
    %dma_start3A_120 = arith.constant 0 : i32
    %dma_start3A_121 = tpu.memref_slice %arg3[%dma_start3A_119, %dma_start3A_120] : memref<1000000x32xf32, #tpu.memory_space<hbm>> -> memref<1000000x32xf32, #tpu.memory_space<hbm>>
    tpu.enqueue_indirect_dma source(%dma_start3A_121 : memref<1000000x32xf32, #tpu.memory_space<hbm>>) target(%dma_start3A_115 : memref<50x32xf32, #tpu.memory_space<vmem>>) offsets(%dma_start3A_118 : memref<50xi32, #tpu.memory_space<vmem>>) semaphore(%arg9 : memref<!tpu.dma_semaphore, #tpu.memory_space<semaphore_mem>>)
    %dma_start3A_122 = arith.constant 10 : i32
    %dma_start3A_123 = arith.constant 2 : i32
    %dma_start3A_124 = arith.constant 0 : i32
    %dma_start3A_125 = arith.constant 0 : i32
    %dma_start3A_126 = tpu.memref_slice %arg7[%dma_start3A_123, %dma_start3A_124, %dma_start3A_125] : memref<8x50x32xf32, #tpu.memory_space<vmem>> -> memref<1x50x32xf32, #tpu.memory_space<vmem>>
    %dma_start3A_127 = tpu.memref_squeeze %dma_start3A_126 : memref<1x50x32xf32, #tpu.memory_space<vmem>> -> memref<50x32xf32, #tpu.memory_space<vmem>>
    %dma_start3A_128 = arith.constant 0 : i32
    %dma_start3A_129 = tpu.memref_slice %arg5[%dma_start3A_122, %dma_start3A_128] : memref<128x50xi32, #tpu.memory_space<vmem>> -> memref<1x50xi32, #tpu.memory_space<vmem>>
    %dma_start3A_130 = tpu.memref_squeeze %dma_start3A_129 : memref<1x50xi32, #tpu.memory_space<vmem>> -> memref<50xi32, #tpu.memory_space<vmem>>
    %dma_start3A_131 = arith.constant 0 : i32
    %dma_start3A_132 = arith.constant 0 : i32
    %dma_start3A_133 = tpu.memref_slice %arg3[%dma_start3A_131, %dma_start3A_132] : memref<1000000x32xf32, #tpu.memory_space<hbm>> -> memref<1000000x32xf32, #tpu.memory_space<hbm>>
    tpu.enqueue_indirect_dma source(%dma_start3A_133 : memref<1000000x32xf32, #tpu.memory_space<hbm>>) target(%dma_start3A_127 : memref<50x32xf32, #tpu.memory_space<vmem>>) offsets(%dma_start3A_130 : memref<50xi32, #tpu.memory_space<vmem>>) semaphore(%arg9 : memref<!tpu.dma_semaphore, #tpu.memory_space<semaphore_mem>>)
    %dma_start3A_134 = arith.constant 11 : i32
    %dma_start3A_135 = arith.constant 3 : i32
    %dma_start3A_136 = arith.constant 0 : i32
    %dma_start3A_137 = arith.constant 0 : i32
    %dma_start3A_138 = tpu.memref_slice %arg7[%dma_start3A_135, %dma_start3A_136, %dma_start3A_137] : memref<8x50x32xf32, #tpu.memory_space<vmem>> -> memref<1x50x32xf32, #tpu.memory_space<vmem>>
    %dma_start3A_139 = tpu.memref_squeeze %dma_start3A_138 : memref<1x50x32xf32, #tpu.memory_space<vmem>> -> memref<50x32xf32, #tpu.memory_space<vmem>>
    %dma_start3A_140 = arith.constant 0 : i32
    %dma_start3A_141 = tpu.memref_slice %arg5[%dma_start3A_134, %dma_start3A_140] : memref<128x50xi32, #tpu.memory_space<vmem>> -> memref<1x50xi32, #tpu.memory_space<vmem>>
    %dma_start3A_142 = tpu.memref_squeeze %dma_start3A_141 : memref<1x50xi32, #tpu.memory_space<vmem>> -> memref<50xi32, #tpu.memory_space<vmem>>
    %dma_start3A_143 = arith.constant 0 : i32
    %dma_start3A_144 = arith.constant 0 : i32
    %dma_start3A_145 = tpu.memref_slice %arg3[%dma_start3A_143, %dma_start3A_144] : memref<1000000x32xf32, #tpu.memory_space<hbm>> -> memref<1000000x32xf32, #tpu.memory_space<hbm>>
    tpu.enqueue_indirect_dma source(%dma_start3A_145 : memref<1000000x32xf32, #tpu.memory_space<hbm>>) target(%dma_start3A_139 : memref<50x32xf32, #tpu.memory_space<vmem>>) offsets(%dma_start3A_142 : memref<50xi32, #tpu.memory_space<vmem>>) semaphore(%arg9 : memref<!tpu.dma_semaphore, #tpu.memory_space<semaphore_mem>>)
    %dma_start3A_146 = arith.constant 12 : i32
    %dma_start3A_147 = arith.constant 4 : i32
    %dma_start3A_148 = arith.constant 0 : i32
    %dma_start3A_149 = arith.constant 0 : i32
    %dma_start3A_150 = tpu.memref_slice %arg7[%dma_start3A_147, %dma_start3A_148, %dma_start3A_149] : memref<8x50x32xf32, #tpu.memory_space<vmem>> -> memref<1x50x32xf32, #tpu.memory_space<vmem>>
    %dma_start3A_151 = tpu.memref_squeeze %dma_start3A_150 : memref<1x50x32xf32, #tpu.memory_space<vmem>> -> memref<50x32xf32, #tpu.memory_space<vmem>>
    %dma_start3A_152 = arith.constant 0 : i32
    %dma_start3A_153 = tpu.memref_slice %arg5[%dma_start3A_146, %dma_start3A_152] : memref<128x50xi32, #tpu.memory_space<vmem>> -> memref<1x50xi32, #tpu.memory_space<vmem>>
    %dma_start3A_154 = tpu.memref_squeeze %dma_start3A_153 : memref<1x50xi32, #tpu.memory_space<vmem>> -> memref<50xi32, #tpu.memory_space<vmem>>
    %dma_start3A_155 = arith.constant 0 : i32
    %dma_start3A_156 = arith.constant 0 : i32
    %dma_start3A_157 = tpu.memref_slice %arg3[%dma_start3A_155, %dma_start3A_156] : memref<1000000x32xf32, #tpu.memory_space<hbm>> -> memref<1000000x32xf32, #tpu.memory_space<hbm>>
    tpu.enqueue_indirect_dma source(%dma_start3A_157 : memref<1000000x32xf32, #tpu.memory_space<hbm>>) target(%dma_start3A_151 : memref<50x32xf32, #tpu.memory_space<vmem>>) offsets(%dma_start3A_154 : memref<50xi32, #tpu.memory_space<vmem>>) semaphore(%arg9 : memref<!tpu.dma_semaphore, #tpu.memory_space<semaphore_mem>>)
    %dma_start3A_158 = arith.constant 13 : i32
    %dma_start3A_159 = arith.constant 5 : i32
    %dma_start3A_160 = arith.constant 0 : i32
    %dma_start3A_161 = arith.constant 0 : i32
    %dma_start3A_162 = tpu.memref_slice %arg7[%dma_start3A_159, %dma_start3A_160, %dma_start3A_161] : memref<8x50x32xf32, #tpu.memory_space<vmem>> -> memref<1x50x32xf32, #tpu.memory_space<vmem>>
    %dma_start3A_163 = tpu.memref_squeeze %dma_start3A_162 : memref<1x50x32xf32, #tpu.memory_space<vmem>> -> memref<50x32xf32, #tpu.memory_space<vmem>>
    %dma_start3A_164 = arith.constant 0 : i32
    %dma_start3A_165 = tpu.memref_slice %arg5[%dma_start3A_158, %dma_start3A_164] : memref<128x50xi32, #tpu.memory_space<vmem>> -> memref<1x50xi32, #tpu.memory_space<vmem>>
    %dma_start3A_166 = tpu.memref_squeeze %dma_start3A_165 : memref<1x50xi32, #tpu.memory_space<vmem>> -> memref<50xi32, #tpu.memory_space<vmem>>
    %dma_start3A_167 = arith.constant 0 : i32
    %dma_start3A_168 = arith.constant 0 : i32
    %dma_start3A_169 = tpu.memref_slice %arg3[%dma_start3A_167, %dma_start3A_168] : memref<1000000x32xf32, #tpu.memory_space<hbm>> -> memref<1000000x32xf32, #tpu.memory_space<hbm>>
    tpu.enqueue_indirect_dma source(%dma_start3A_169 : memref<1000000x32xf32, #tpu.memory_space<hbm>>) target(%dma_start3A_163 : memref<50x32xf32, #tpu.memory_space<vmem>>) offsets(%dma_start3A_166 : memref<50xi32, #tpu.memory_space<vmem>>) semaphore(%arg9 : memref<!tpu.dma_semaphore, #tpu.memory_space<semaphore_mem>>)
    %dma_start3A_170 = arith.constant 14 : i32
    %dma_start3A_171 = arith.constant 6 : i32
    %dma_start3A_172 = arith.constant 0 : i32
    %dma_start3A_173 = arith.constant 0 : i32
    %dma_start3A_174 = tpu.memref_slice %arg7[%dma_start3A_171, %dma_start3A_172, %dma_start3A_173] : memref<8x50x32xf32, #tpu.memory_space<vmem>> -> memref<1x50x32xf32, #tpu.memory_space<vmem>>
    %dma_start3A_175 = tpu.memref_squeeze %dma_start3A_174 : memref<1x50x32xf32, #tpu.memory_space<vmem>> -> memref<50x32xf32, #tpu.memory_space<vmem>>
    %dma_start3A_176 = arith.constant 0 : i32
    %dma_start3A_177 = tpu.memref_slice %arg5[%dma_start3A_170, %dma_start3A_176] : memref<128x50xi32, #tpu.memory_space<vmem>> -> memref<1x50xi32, #tpu.memory_space<vmem>>
    %dma_start3A_178 = tpu.memref_squeeze %dma_start3A_177 : memref<1x50xi32, #tpu.memory_space<vmem>> -> memref<50xi32, #tpu.memory_space<vmem>>
    %dma_start3A_179 = arith.constant 0 : i32
    %dma_start3A_180 = arith.constant 0 : i32
    %dma_start3A_181 = tpu.memref_slice %arg3[%dma_start3A_179, %dma_start3A_180] : memref<1000000x32xf32, #tpu.memory_space<hbm>> -> memref<1000000x32xf32, #tpu.memory_space<hbm>>
    tpu.enqueue_indirect_dma source(%dma_start3A_181 : memref<1000000x32xf32, #tpu.memory_space<hbm>>) target(%dma_start3A_175 : memref<50x32xf32, #tpu.memory_space<vmem>>) offsets(%dma_start3A_178 : memref<50xi32, #tpu.memory_space<vmem>>) semaphore(%arg9 : memref<!tpu.dma_semaphore, #tpu.memory_space<semaphore_mem>>)
    %dma_start3A_182 = arith.constant 15 : i32
    %dma_start3A_183 = arith.constant 7 : i32
    %dma_start3A_184 = arith.constant 0 : i32
    %dma_start3A_185 = arith.constant 0 : i32
    %dma_start3A_186 = tpu.memref_slice %arg7[%dma_start3A_183, %dma_start3A_184, %dma_start3A_185] : memref<8x50x32xf32, #tpu.memory_space<vmem>> -> memref<1x50x32xf32, #tpu.memory_space<vmem>>
    %dma_start3A_187 = tpu.memref_squeeze %dma_start3A_186 : memref<1x50x32xf32, #tpu.memory_space<vmem>> -> memref<50x32xf32, #tpu.memory_space<vmem>>
    %dma_start3A_188 = arith.constant 0 : i32
    %dma_start3A_189 = tpu.memref_slice %arg5[%dma_start3A_182, %dma_start3A_188] : memref<128x50xi32, #tpu.memory_space<vmem>> -> memref<1x50xi32, #tpu.memory_space<vmem>>
    %dma_start3A_190 = tpu.memref_squeeze %dma_start3A_189 : memref<1x50xi32, #tpu.memory_space<vmem>> -> memref<50xi32, #tpu.memory_space<vmem>>
    %dma_start3A_191 = arith.constant 0 : i32
    %dma_start3A_192 = arith.constant 0 : i32
    %dma_start3A_193 = tpu.memref_slice %arg3[%dma_start3A_191, %dma_start3A_192] : memref<1000000x32xf32, #tpu.memory_space<hbm>> -> memref<1000000x32xf32, #tpu.memory_space<hbm>>
    tpu.enqueue_indirect_dma source(%dma_start3A_193 : memref<1000000x32xf32, #tpu.memory_space<hbm>>) target(%dma_start3A_187 : memref<50x32xf32, #tpu.memory_space<vmem>>) offsets(%dma_start3A_190 : memref<50xi32, #tpu.memory_space<vmem>>) semaphore(%arg9 : memref<!tpu.dma_semaphore, #tpu.memory_space<semaphore_mem>>)
    %scan3A = arith.constant 0 : i32
    %scan3A_194 = arith.constant 0 : i32
    %scan3A_195 = arith.constant 7 : i32
    %scan3A_196 = arith.addi %scan3A_194, %scan3A_195 : i32
    %scan3A_197 = arith.constant 1 : i32
    %scan3A_198 = scf.for %scan3A_247 = %scan3A_194 to %scan3A_196 step %scan3A_197 iter_args(%scan3A_248 = %scan3A) -> (i32)  : i32 {
      %mul3A_249 = arith.constant 2 : i32
      %mul3A_250 = arith.muli %mul3A_249, %scan3A_247 : i32
      %dma_wait3A_251 = arith.constant 0 : i32
      %dma_wait3A_252 = arith.constant 0 : i32
      %dma_wait3A_253 = arith.constant 0 : i32
      %dma_wait3A_254 = tpu.memref_slice %arg4[%dma_wait3A_251, %dma_wait3A_252, %dma_wait3A_253] : memref<4096x50x32xf32, #tpu.memory_space<hbm>> -> memref<8x50x32xf32, #tpu.memory_space<hbm>>
      %dma_wait3A_255 = arith.constant 0 : i32
      %dma_wait3A_256 = arith.constant 0 : i32
      %dma_wait3A_257 = arith.constant 0 : i32
      %dma_wait3A_258 = tpu.memref_slice %arg4[%dma_wait3A_255, %dma_wait3A_256, %dma_wait3A_257] : memref<4096x50x32xf32, #tpu.memory_space<hbm>> -> memref<8x50x32xf32, #tpu.memory_space<hbm>>
      tpu.wait_dma2 semaphore(%arg8 : memref<!tpu.dma_semaphore, #tpu.memory_space<semaphore_mem>>) src(%dma_wait3A_258 : memref<8x50x32xf32, #tpu.memory_space<hbm>>) dst(%arg6 : memref<8x50x32xf32, #tpu.memory_space<vmem>>)
      %mul3A_259 = arith.constant 8 : i32
      %mul3A_260 = arith.muli %mul3A_250, %mul3A_259 : i32
      %add3A_261 = arith.addi %mul3A_2, %mul3A_260 : i32
      %dma_start3A_262 = arith.constant 0 : i32
      %dma_start3A_263 = arith.constant 0 : i32
      %dma_start3A_264 = tpu.memref_slice %arg4[%add3A_261, %dma_start3A_262, %dma_start3A_263] : memref<4096x50x32xf32, #tpu.memory_space<hbm>> -> memref<8x50x32xf32, #tpu.memory_space<hbm>>
      %dma_start3A_265 = arith.constant 0 : i32
      %dma_start3A_266 = arith.constant 0 : i32
      %dma_start3A_267 = tpu.memref_slice %arg4[%add3A_261, %dma_start3A_265, %dma_start3A_266] : memref<4096x50x32xf32, #tpu.memory_space<hbm>> -> memref<8x50x32xf32, #tpu.memory_space<hbm>>
      tpu.enqueue_dma source(%arg6 : memref<8x50x32xf32, #tpu.memory_space<vmem>>) target(%dma_start3A_267 : memref<8x50x32xf32, #tpu.memory_space<hbm>>) target_semaphore(%arg10 : memref<!tpu.dma_semaphore, #tpu.memory_space<semaphore_mem>>)
      %dma_wait3A_268 = arith.constant 0 : i32
      %dma_wait3A_269 = arith.constant 0 : i32
      %dma_wait3A_270 = arith.constant 0 : i32
      %dma_wait3A_271 = tpu.memref_slice %arg4[%dma_wait3A_268, %dma_wait3A_269, %dma_wait3A_270] : memref<4096x50x32xf32, #tpu.memory_space<hbm>> -> memref<8x50x32xf32, #tpu.memory_space<hbm>>
      %dma_wait3A_272 = arith.constant 0 : i32
      %dma_wait3A_273 = arith.constant 0 : i32
      %dma_wait3A_274 = arith.constant 0 : i32
      %dma_wait3A_275 = tpu.memref_slice %arg4[%dma_wait3A_272, %dma_wait3A_273, %dma_wait3A_274] : memref<4096x50x32xf32, #tpu.memory_space<hbm>> -> memref<8x50x32xf32, #tpu.memory_space<hbm>>
      tpu.wait_dma2 semaphore(%arg9 : memref<!tpu.dma_semaphore, #tpu.memory_space<semaphore_mem>>) src(%dma_wait3A_275 : memref<8x50x32xf32, #tpu.memory_space<hbm>>) dst(%arg7 : memref<8x50x32xf32, #tpu.memory_space<vmem>>)
      %add3A_276 = arith.constant 1 : i32
      %add3A_277 = arith.addi %mul3A_250, %add3A_276 : i32
      %mul3A_278 = arith.constant 8 : i32
      %mul3A_279 = arith.muli %add3A_277, %mul3A_278 : i32
      %add3A_280 = arith.addi %mul3A_2, %mul3A_279 : i32
      %dma_start3A_281 = arith.constant 0 : i32
      %dma_start3A_282 = arith.constant 0 : i32
      %dma_start3A_283 = tpu.memref_slice %arg4[%add3A_280, %dma_start3A_281, %dma_start3A_282] : memref<4096x50x32xf32, #tpu.memory_space<hbm>> -> memref<8x50x32xf32, #tpu.memory_space<hbm>>
      %dma_start3A_284 = arith.constant 0 : i32
      %dma_start3A_285 = arith.constant 0 : i32
      %dma_start3A_286 = tpu.memref_slice %arg4[%add3A_280, %dma_start3A_284, %dma_start3A_285] : memref<4096x50x32xf32, #tpu.memory_space<hbm>> -> memref<8x50x32xf32, #tpu.memory_space<hbm>>
      tpu.enqueue_dma source(%arg7 : memref<8x50x32xf32, #tpu.memory_space<vmem>>) target(%dma_start3A_286 : memref<8x50x32xf32, #tpu.memory_space<hbm>>) target_semaphore(%arg11 : memref<!tpu.dma_semaphore, #tpu.memory_space<semaphore_mem>>)
      %mul3A_287 = arith.constant 8 : i32
      %mul3A_288 = arith.muli %mul3A_250, %mul3A_287 : i32
      %add3A_289 = arith.addi %mul3A_2, %mul3A_288 : i32
      %dma_wait3A_290 = arith.constant 0 : i32
      %dma_wait3A_291 = arith.constant 0 : i32
      %dma_wait3A_292 = tpu.memref_slice %arg4[%add3A_289, %dma_wait3A_290, %dma_wait3A_291] : memref<4096x50x32xf32, #tpu.memory_space<hbm>> -> memref<8x50x32xf32, #tpu.memory_space<hbm>>
      %dma_wait3A_293 = arith.constant 0 : i32
      %dma_wait3A_294 = arith.constant 0 : i32
      %dma_wait3A_295 = tpu.memref_slice %arg4[%add3A_289, %dma_wait3A_293, %dma_wait3A_294] : memref<4096x50x32xf32, #tpu.memory_space<hbm>> -> memref<8x50x32xf32, #tpu.memory_space<hbm>>
      tpu.wait_dma2 semaphore(%arg10 : memref<!tpu.dma_semaphore, #tpu.memory_space<semaphore_mem>>) src(%arg6 : memref<8x50x32xf32, #tpu.memory_space<vmem>>) dst(%dma_wait3A_295 : memref<8x50x32xf32, #tpu.memory_space<hbm>>)
      %add3A_296 = arith.constant 2 : i32
      %add3A_297 = arith.addi %mul3A_250, %add3A_296 : i32
      %mul3A_298 = arith.constant 8 : i32
      %mul3A_299 = arith.muli %add3A_297, %mul3A_298 : i32
      %add3A_300 = arith.constant 0 : i32
      %add3A_301 = arith.addi %mul3A_299, %add3A_300 : i32
      %dma_start3A_302 = arith.constant 0 : i32
      %dma_start3A_303 = arith.constant 0 : i32
      %dma_start3A_304 = arith.constant 0 : i32
      %dma_start3A_305 = tpu.memref_slice %arg6[%dma_start3A_302, %dma_start3A_303, %dma_start3A_304] : memref<8x50x32xf32, #tpu.memory_space<vmem>> -> memref<1x50x32xf32, #tpu.memory_space<vmem>>
      %dma_start3A_306 = tpu.memref_squeeze %dma_start3A_305 : memref<1x50x32xf32, #tpu.memory_space<vmem>> -> memref<50x32xf32, #tpu.memory_space<vmem>>
      %dma_start3A_307 = arith.constant 0 : i32
      %dma_start3A_308 = tpu.memref_slice %arg5[%add3A_301, %dma_start3A_307] : memref<128x50xi32, #tpu.memory_space<vmem>> -> memref<1x50xi32, #tpu.memory_space<vmem>>
      %dma_start3A_309 = tpu.memref_squeeze %dma_start3A_308 : memref<1x50xi32, #tpu.memory_space<vmem>> -> memref<50xi32, #tpu.memory_space<vmem>>
      %dma_start3A_310 = arith.constant 0 : i32
      %dma_start3A_311 = arith.constant 0 : i32
      %dma_start3A_312 = tpu.memref_slice %arg3[%dma_start3A_310, %dma_start3A_311] : memref<1000000x32xf32, #tpu.memory_space<hbm>> -> memref<1000000x32xf32, #tpu.memory_space<hbm>>
      tpu.enqueue_indirect_dma source(%dma_start3A_312 : memref<1000000x32xf32, #tpu.memory_space<hbm>>) target(%dma_start3A_306 : memref<50x32xf32, #tpu.memory_space<vmem>>) offsets(%dma_start3A_309 : memref<50xi32, #tpu.memory_space<vmem>>) semaphore(%arg8 : memref<!tpu.dma_semaphore, #tpu.memory_space<semaphore_mem>>)
      %mul3A_313 = arith.constant 8 : i32
      %mul3A_314 = arith.muli %add3A_297, %mul3A_313 : i32
      %add3A_315 = arith.constant 1 : i32
      %add3A_316 = arith.addi %mul3A_314, %add3A_315 : i32
      %dma_start3A_317 = arith.constant 1 : i32
      %dma_start3A_318 = arith.constant 0 : i32
      %dma_start3A_319 = arith.constant 0 : i32
      %dma_start3A_320 = tpu.memref_slice %arg6[%dma_start3A_317, %dma_start3A_318, %dma_start3A_319] : memref<8x50x32xf32, #tpu.memory_space<vmem>> -> memref<1x50x32xf32, #tpu.memory_space<vmem>>
      %dma_start3A_321 = tpu.memref_squeeze %dma_start3A_320 : memref<1x50x32xf32, #tpu.memory_space<vmem>> -> memref<50x32xf32, #tpu.memory_space<vmem>>
      %dma_start3A_322 = arith.constant 0 : i32
      %dma_start3A_323 = tpu.memref_slice %arg5[%add3A_316, %dma_start3A_322] : memref<128x50xi32, #tpu.memory_space<vmem>> -> memref<1x50xi32, #tpu.memory_space<vmem>>
      %dma_start3A_324 = tpu.memref_squeeze %dma_start3A_323 : memref<1x50xi32, #tpu.memory_space<vmem>> -> memref<50xi32, #tpu.memory_space<vmem>>
      %dma_start3A_325 = arith.constant 0 : i32
      %dma_start3A_326 = arith.constant 0 : i32
      %dma_start3A_327 = tpu.memref_slice %arg3[%dma_start3A_325, %dma_start3A_326] : memref<1000000x32xf32, #tpu.memory_space<hbm>> -> memref<1000000x32xf32, #tpu.memory_space<hbm>>
      tpu.enqueue_indirect_dma source(%dma_start3A_327 : memref<1000000x32xf32, #tpu.memory_space<hbm>>) target(%dma_start3A_321 : memref<50x32xf32, #tpu.memory_space<vmem>>) offsets(%dma_start3A_324 : memref<50xi32, #tpu.memory_space<vmem>>) semaphore(%arg8 : memref<!tpu.dma_semaphore, #tpu.memory_space<semaphore_mem>>)
      %mul3A_328 = arith.constant 8 : i32
      %mul3A_329 = arith.muli %add3A_297, %mul3A_328 : i32
      %add3A_330 = arith.constant 2 : i32
      %add3A_331 = arith.addi %mul3A_329, %add3A_330 : i32
      %dma_start3A_332 = arith.constant 2 : i32
      %dma_start3A_333 = arith.constant 0 : i32
      %dma_start3A_334 = arith.constant 0 : i32
      %dma_start3A_335 = tpu.memref_slice %arg6[%dma_start3A_332, %dma_start3A_333, %dma_start3A_334] : memref<8x50x32xf32, #tpu.memory_space<vmem>> -> memref<1x50x32xf32, #tpu.memory_space<vmem>>
      %dma_start3A_336 = tpu.memref_squeeze %dma_start3A_335 : memref<1x50x32xf32, #tpu.memory_space<vmem>> -> memref<50x32xf32, #tpu.memory_space<vmem>>
      %dma_start3A_337 = arith.constant 0 : i32
      %dma_start3A_338 = tpu.memref_slice %arg5[%add3A_331, %dma_start3A_337] : memref<128x50xi32, #tpu.memory_space<vmem>> -> memref<1x50xi32, #tpu.memory_space<vmem>>
      %dma_start3A_339 = tpu.memref_squeeze %dma_start3A_338 : memref<1x50xi32, #tpu.memory_space<vmem>> -> memref<50xi32, #tpu.memory_space<vmem>>
      %dma_start3A_340 = arith.constant 0 : i32
      %dma_start3A_341 = arith.constant 0 : i32
      %dma_start3A_342 = tpu.memref_slice %arg3[%dma_start3A_340, %dma_start3A_341] : memref<1000000x32xf32, #tpu.memory_space<hbm>> -> memref<1000000x32xf32, #tpu.memory_space<hbm>>
      tpu.enqueue_indirect_dma source(%dma_start3A_342 : memref<1000000x32xf32, #tpu.memory_space<hbm>>) target(%dma_start3A_336 : memref<50x32xf32, #tpu.memory_space<vmem>>) offsets(%dma_start3A_339 : memref<50xi32, #tpu.memory_space<vmem>>) semaphore(%arg8 : memref<!tpu.dma_semaphore, #tpu.memory_space<semaphore_mem>>)
      %mul3A_343 = arith.constant 8 : i32
      %mul3A_344 = arith.muli %add3A_297, %mul3A_343 : i32
      %add3A_345 = arith.constant 3 : i32
      %add3A_346 = arith.addi %mul3A_344, %add3A_345 : i32
      %dma_start3A_347 = arith.constant 3 : i32
      %dma_start3A_348 = arith.constant 0 : i32
      %dma_start3A_349 = arith.constant 0 : i32
      %dma_start3A_350 = tpu.memref_slice %arg6[%dma_start3A_347, %dma_start3A_348, %dma_start3A_349] : memref<8x50x32xf32, #tpu.memory_space<vmem>> -> memref<1x50x32xf32, #tpu.memory_space<vmem>>
      %dma_start3A_351 = tpu.memref_squeeze %dma_start3A_350 : memref<1x50x32xf32, #tpu.memory_space<vmem>> -> memref<50x32xf32, #tpu.memory_space<vmem>>
      %dma_start3A_352 = arith.constant 0 : i32
      %dma_start3A_353 = tpu.memref_slice %arg5[%add3A_346, %dma_start3A_352] : memref<128x50xi32, #tpu.memory_space<vmem>> -> memref<1x50xi32, #tpu.memory_space<vmem>>
      %dma_start3A_354 = tpu.memref_squeeze %dma_start3A_353 : memref<1x50xi32, #tpu.memory_space<vmem>> -> memref<50xi32, #tpu.memory_space<vmem>>
      %dma_start3A_355 = arith.constant 0 : i32
      %dma_start3A_356 = arith.constant 0 : i32
      %dma_start3A_357 = tpu.memref_slice %arg3[%dma_start3A_355, %dma_start3A_356] : memref<1000000x32xf32, #tpu.memory_space<hbm>> -> memref<1000000x32xf32, #tpu.memory_space<hbm>>
      tpu.enqueue_indirect_dma source(%dma_start3A_357 : memref<1000000x32xf32, #tpu.memory_space<hbm>>) target(%dma_start3A_351 : memref<50x32xf32, #tpu.memory_space<vmem>>) offsets(%dma_start3A_354 : memref<50xi32, #tpu.memory_space<vmem>>) semaphore(%arg8 : memref<!tpu.dma_semaphore, #tpu.memory_space<semaphore_mem>>)
      %mul3A_358 = arith.constant 8 : i32
      %mul3A_359 = arith.muli %add3A_297, %mul3A_358 : i32
      %add3A_360 = arith.constant 4 : i32
      %add3A_361 = arith.addi %mul3A_359, %add3A_360 : i32
      %dma_start3A_362 = arith.constant 4 : i32
      %dma_start3A_363 = arith.constant 0 : i32
      %dma_start3A_364 = arith.constant 0 : i32
      %dma_start3A_365 = tpu.memref_slice %arg6[%dma_start3A_362, %dma_start3A_363, %dma_start3A_364] : memref<8x50x32xf32, #tpu.memory_space<vmem>> -> memref<1x50x32xf32, #tpu.memory_space<vmem>>
      %dma_start3A_366 = tpu.memref_squeeze %dma_start3A_365 : memref<1x50x32xf32, #tpu.memory_space<vmem>> -> memref<50x32xf32, #tpu.memory_space<vmem>>
      %dma_start3A_367 = arith.constant 0 : i32
      %dma_start3A_368 = tpu.memref_slice %arg5[%add3A_361, %dma_start3A_367] : memref<128x50xi32, #tpu.memory_space<vmem>> -> memref<1x50xi32, #tpu.memory_space<vmem>>
      %dma_start3A_369 = tpu.memref_squeeze %dma_start3A_368 : memref<1x50xi32, #tpu.memory_space<vmem>> -> memref<50xi32, #tpu.memory_space<vmem>>
      %dma_start3A_370 = arith.constant 0 : i32
      %dma_start3A_371 = arith.constant 0 : i32
      %dma_start3A_372 = tpu.memref_slice %arg3[%dma_start3A_370, %dma_start3A_371] : memref<1000000x32xf32, #tpu.memory_space<hbm>> -> memref<1000000x32xf32, #tpu.memory_space<hbm>>
      tpu.enqueue_indirect_dma source(%dma_start3A_372 : memref<1000000x32xf32, #tpu.memory_space<hbm>>) target(%dma_start3A_366 : memref<50x32xf32, #tpu.memory_space<vmem>>) offsets(%dma_start3A_369 : memref<50xi32, #tpu.memory_space<vmem>>) semaphore(%arg8 : memref<!tpu.dma_semaphore, #tpu.memory_space<semaphore_mem>>)
      %mul3A_373 = arith.constant 8 : i32
      %mul3A_374 = arith.muli %add3A_297, %mul3A_373 : i32
      %add3A_375 = arith.constant 5 : i32
      %add3A_376 = arith.addi %mul3A_374, %add3A_375 : i32
      %dma_start3A_377 = arith.constant 5 : i32
      %dma_start3A_378 = arith.constant 0 : i32
      %dma_start3A_379 = arith.constant 0 : i32
      %dma_start3A_380 = tpu.memref_slice %arg6[%dma_start3A_377, %dma_start3A_378, %dma_start3A_379] : memref<8x50x32xf32, #tpu.memory_space<vmem>> -> memref<1x50x32xf32, #tpu.memory_space<vmem>>
      %dma_start3A_381 = tpu.memref_squeeze %dma_start3A_380 : memref<1x50x32xf32, #tpu.memory_space<vmem>> -> memref<50x32xf32, #tpu.memory_space<vmem>>
      %dma_start3A_382 = arith.constant 0 : i32
      %dma_start3A_383 = tpu.memref_slice %arg5[%add3A_376, %dma_start3A_382] : memref<128x50xi32, #tpu.memory_space<vmem>> -> memref<1x50xi32, #tpu.memory_space<vmem>>
      %dma_start3A_384 = tpu.memref_squeeze %dma_start3A_383 : memref<1x50xi32, #tpu.memory_space<vmem>> -> memref<50xi32, #tpu.memory_space<vmem>>
      %dma_start3A_385 = arith.constant 0 : i32
      %dma_start3A_386 = arith.constant 0 : i32
      %dma_start3A_387 = tpu.memref_slice %arg3[%dma_start3A_385, %dma_start3A_386] : memref<1000000x32xf32, #tpu.memory_space<hbm>> -> memref<1000000x32xf32, #tpu.memory_space<hbm>>
      tpu.enqueue_indirect_dma source(%dma_start3A_387 : memref<1000000x32xf32, #tpu.memory_space<hbm>>) target(%dma_start3A_381 : memref<50x32xf32, #tpu.memory_space<vmem>>) offsets(%dma_start3A_384 : memref<50xi32, #tpu.memory_space<vmem>>) semaphore(%arg8 : memref<!tpu.dma_semaphore, #tpu.memory_space<semaphore_mem>>)
      %mul3A_388 = arith.constant 8 : i32
      %mul3A_389 = arith.muli %add3A_297, %mul3A_388 : i32
      %add3A_390 = arith.constant 6 : i32
      %add3A_391 = arith.addi %mul3A_389, %add3A_390 : i32
      %dma_start3A_392 = arith.constant 6 : i32
      %dma_start3A_393 = arith.constant 0 : i32
      %dma_start3A_394 = arith.constant 0 : i32
      %dma_start3A_395 = tpu.memref_slice %arg6[%dma_start3A_392, %dma_start3A_393, %dma_start3A_394] : memref<8x50x32xf32, #tpu.memory_space<vmem>> -> memref<1x50x32xf32, #tpu.memory_space<vmem>>
      %dma_start3A_396 = tpu.memref_squeeze %dma_start3A_395 : memref<1x50x32xf32, #tpu.memory_space<vmem>> -> memref<50x32xf32, #tpu.memory_space<vmem>>
      %dma_start3A_397 = arith.constant 0 : i32
      %dma_start3A_398 = tpu.memref_slice %arg5[%add3A_391, %dma_start3A_397] : memref<128x50xi32, #tpu.memory_space<vmem>> -> memref<1x50xi32, #tpu.memory_space<vmem>>
      %dma_start3A_399 = tpu.memref_squeeze %dma_start3A_398 : memref<1x50xi32, #tpu.memory_space<vmem>> -> memref<50xi32, #tpu.memory_space<vmem>>
      %dma_start3A_400 = arith.constant 0 : i32
      %dma_start3A_401 = arith.constant 0 : i32
      %dma_start3A_402 = tpu.memref_slice %arg3[%dma_start3A_400, %dma_start3A_401] : memref<1000000x32xf32, #tpu.memory_space<hbm>> -> memref<1000000x32xf32, #tpu.memory_space<hbm>>
      tpu.enqueue_indirect_dma source(%dma_start3A_402 : memref<1000000x32xf32, #tpu.memory_space<hbm>>) target(%dma_start3A_396 : memref<50x32xf32, #tpu.memory_space<vmem>>) offsets(%dma_start3A_399 : memref<50xi32, #tpu.memory_space<vmem>>) semaphore(%arg8 : memref<!tpu.dma_semaphore, #tpu.memory_space<semaphore_mem>>)
      %mul3A_403 = arith.constant 8 : i32
      %mul3A_404 = arith.muli %add3A_297, %mul3A_403 : i32
      %add3A_405 = arith.constant 7 : i32
      %add3A_406 = arith.addi %mul3A_404, %add3A_405 : i32
      %dma_start3A_407 = arith.constant 7 : i32
      %dma_start3A_408 = arith.constant 0 : i32
      %dma_start3A_409 = arith.constant 0 : i32
      %dma_start3A_410 = tpu.memref_slice %arg6[%dma_start3A_407, %dma_start3A_408, %dma_start3A_409] : memref<8x50x32xf32, #tpu.memory_space<vmem>> -> memref<1x50x32xf32, #tpu.memory_space<vmem>>
      %dma_start3A_411 = tpu.memref_squeeze %dma_start3A_410 : memref<1x50x32xf32, #tpu.memory_space<vmem>> -> memref<50x32xf32, #tpu.memory_space<vmem>>
      %dma_start3A_412 = arith.constant 0 : i32
      %dma_start3A_413 = tpu.memref_slice %arg5[%add3A_406, %dma_start3A_412] : memref<128x50xi32, #tpu.memory_space<vmem>> -> memref<1x50xi32, #tpu.memory_space<vmem>>
      %dma_start3A_414 = tpu.memref_squeeze %dma_start3A_413 : memref<1x50xi32, #tpu.memory_space<vmem>> -> memref<50xi32, #tpu.memory_space<vmem>>
      %dma_start3A_415 = arith.constant 0 : i32
      %dma_start3A_416 = arith.constant 0 : i32
      %dma_start3A_417 = tpu.memref_slice %arg3[%dma_start3A_415, %dma_start3A_416] : memref<1000000x32xf32, #tpu.memory_space<hbm>> -> memref<1000000x32xf32, #tpu.memory_space<hbm>>
      tpu.enqueue_indirect_dma source(%dma_start3A_417 : memref<1000000x32xf32, #tpu.memory_space<hbm>>) target(%dma_start3A_411 : memref<50x32xf32, #tpu.memory_space<vmem>>) offsets(%dma_start3A_414 : memref<50xi32, #tpu.memory_space<vmem>>) semaphore(%arg8 : memref<!tpu.dma_semaphore, #tpu.memory_space<semaphore_mem>>)
      %add3A_418 = arith.constant 1 : i32
      %add3A_419 = arith.addi %mul3A_250, %add3A_418 : i32
      %mul3A_420 = arith.constant 8 : i32
      %mul3A_421 = arith.muli %add3A_419, %mul3A_420 : i32
      %add3A_422 = arith.addi %mul3A_2, %mul3A_421 : i32
      %dma_wait3A_423 = arith.constant 0 : i32
      %dma_wait3A_424 = arith.constant 0 : i32
      %dma_wait3A_425 = tpu.memref_slice %arg4[%add3A_422, %dma_wait3A_423, %dma_wait3A_424] : memref<4096x50x32xf32, #tpu.memory_space<hbm>> -> memref<8x50x32xf32, #tpu.memory_space<hbm>>
      %dma_wait3A_426 = arith.constant 0 : i32
      %dma_wait3A_427 = arith.constant 0 : i32
      %dma_wait3A_428 = tpu.memref_slice %arg4[%add3A_422, %dma_wait3A_426, %dma_wait3A_427] : memref<4096x50x32xf32, #tpu.memory_space<hbm>> -> memref<8x50x32xf32, #tpu.memory_space<hbm>>
      tpu.wait_dma2 semaphore(%arg11 : memref<!tpu.dma_semaphore, #tpu.memory_space<semaphore_mem>>) src(%arg7 : memref<8x50x32xf32, #tpu.memory_space<vmem>>) dst(%dma_wait3A_428 : memref<8x50x32xf32, #tpu.memory_space<hbm>>)
      %add3A_429 = arith.constant 3 : i32
      %add3A_430 = arith.addi %mul3A_250, %add3A_429 : i32
      %mul3A_431 = arith.constant 8 : i32
      %mul3A_432 = arith.muli %add3A_430, %mul3A_431 : i32
      %add3A_433 = arith.constant 0 : i32
      %add3A_434 = arith.addi %mul3A_432, %add3A_433 : i32
      %dma_start3A_435 = arith.constant 0 : i32
      %dma_start3A_436 = arith.constant 0 : i32
      %dma_start3A_437 = arith.constant 0 : i32
      %dma_start3A_438 = tpu.memref_slice %arg7[%dma_start3A_435, %dma_start3A_436, %dma_start3A_437] : memref<8x50x32xf32, #tpu.memory_space<vmem>> -> memref<1x50x32xf32, #tpu.memory_space<vmem>>
      %dma_start3A_439 = tpu.memref_squeeze %dma_start3A_438 : memref<1x50x32xf32, #tpu.memory_space<vmem>> -> memref<50x32xf32, #tpu.memory_space<vmem>>
      %dma_start3A_440 = arith.constant 0 : i32
      %dma_start3A_441 = tpu.memref_slice %arg5[%add3A_434, %dma_start3A_440] : memref<128x50xi32, #tpu.memory_space<vmem>> -> memref<1x50xi32, #tpu.memory_space<vmem>>
      %dma_start3A_442 = tpu.memref_squeeze %dma_start3A_441 : memref<1x50xi32, #tpu.memory_space<vmem>> -> memref<50xi32, #tpu.memory_space<vmem>>
      %dma_start3A_443 = arith.constant 0 : i32
      %dma_start3A_444 = arith.constant 0 : i32
      %dma_start3A_445 = tpu.memref_slice %arg3[%dma_start3A_443, %dma_start3A_444] : memref<1000000x32xf32, #tpu.memory_space<hbm>> -> memref<1000000x32xf32, #tpu.memory_space<hbm>>
      tpu.enqueue_indirect_dma source(%dma_start3A_445 : memref<1000000x32xf32, #tpu.memory_space<hbm>>) target(%dma_start3A_439 : memref<50x32xf32, #tpu.memory_space<vmem>>) offsets(%dma_start3A_442 : memref<50xi32, #tpu.memory_space<vmem>>) semaphore(%arg9 : memref<!tpu.dma_semaphore, #tpu.memory_space<semaphore_mem>>)
      %mul3A_446 = arith.constant 8 : i32
      %mul3A_447 = arith.muli %add3A_430, %mul3A_446 : i32
      %add3A_448 = arith.constant 1 : i32
      %add3A_449 = arith.addi %mul3A_447, %add3A_448 : i32
      %dma_start3A_450 = arith.constant 1 : i32
      %dma_start3A_451 = arith.constant 0 : i32
      %dma_start3A_452 = arith.constant 0 : i32
      %dma_start3A_453 = tpu.memref_slice %arg7[%dma_start3A_450, %dma_start3A_451, %dma_start3A_452] : memref<8x50x32xf32, #tpu.memory_space<vmem>> -> memref<1x50x32xf32, #tpu.memory_space<vmem>>
      %dma_start3A_454 = tpu.memref_squeeze %dma_start3A_453 : memref<1x50x32xf32, #tpu.memory_space<vmem>> -> memref<50x32xf32, #tpu.memory_space<vmem>>
      %dma_start3A_455 = arith.constant 0 : i32
      %dma_start3A_456 = tpu.memref_slice %arg5[%add3A_449, %dma_start3A_455] : memref<128x50xi32, #tpu.memory_space<vmem>> -> memref<1x50xi32, #tpu.memory_space<vmem>>
      %dma_start3A_457 = tpu.memref_squeeze %dma_start3A_456 : memref<1x50xi32, #tpu.memory_space<vmem>> -> memref<50xi32, #tpu.memory_space<vmem>>
      %dma_start3A_458 = arith.constant 0 : i32
      %dma_start3A_459 = arith.constant 0 : i32
      %dma_start3A_460 = tpu.memref_slice %arg3[%dma_start3A_458, %dma_start3A_459] : memref<1000000x32xf32, #tpu.memory_space<hbm>> -> memref<1000000x32xf32, #tpu.memory_space<hbm>>
      tpu.enqueue_indirect_dma source(%dma_start3A_460 : memref<1000000x32xf32, #tpu.memory_space<hbm>>) target(%dma_start3A_454 : memref<50x32xf32, #tpu.memory_space<vmem>>) offsets(%dma_start3A_457 : memref<50xi32, #tpu.memory_space<vmem>>) semaphore(%arg9 : memref<!tpu.dma_semaphore, #tpu.memory_space<semaphore_mem>>)
      %mul3A_461 = arith.constant 8 : i32
      %mul3A_462 = arith.muli %add3A_430, %mul3A_461 : i32
      %add3A_463 = arith.constant 2 : i32
      %add3A_464 = arith.addi %mul3A_462, %add3A_463 : i32
      %dma_start3A_465 = arith.constant 2 : i32
      %dma_start3A_466 = arith.constant 0 : i32
      %dma_start3A_467 = arith.constant 0 : i32
      %dma_start3A_468 = tpu.memref_slice %arg7[%dma_start3A_465, %dma_start3A_466, %dma_start3A_467] : memref<8x50x32xf32, #tpu.memory_space<vmem>> -> memref<1x50x32xf32, #tpu.memory_space<vmem>>
      %dma_start3A_469 = tpu.memref_squeeze %dma_start3A_468 : memref<1x50x32xf32, #tpu.memory_space<vmem>> -> memref<50x32xf32, #tpu.memory_space<vmem>>
      %dma_start3A_470 = arith.constant 0 : i32
      %dma_start3A_471 = tpu.memref_slice %arg5[%add3A_464, %dma_start3A_470] : memref<128x50xi32, #tpu.memory_space<vmem>> -> memref<1x50xi32, #tpu.memory_space<vmem>>
      %dma_start3A_472 = tpu.memref_squeeze %dma_start3A_471 : memref<1x50xi32, #tpu.memory_space<vmem>> -> memref<50xi32, #tpu.memory_space<vmem>>
      %dma_start3A_473 = arith.constant 0 : i32
      %dma_start3A_474 = arith.constant 0 : i32
      %dma_start3A_475 = tpu.memref_slice %arg3[%dma_start3A_473, %dma_start3A_474] : memref<1000000x32xf32, #tpu.memory_space<hbm>> -> memref<1000000x32xf32, #tpu.memory_space<hbm>>
      tpu.enqueue_indirect_dma source(%dma_start3A_475 : memref<1000000x32xf32, #tpu.memory_space<hbm>>) target(%dma_start3A_469 : memref<50x32xf32, #tpu.memory_space<vmem>>) offsets(%dma_start3A_472 : memref<50xi32, #tpu.memory_space<vmem>>) semaphore(%arg9 : memref<!tpu.dma_semaphore, #tpu.memory_space<semaphore_mem>>)
      %mul3A_476 = arith.constant 8 : i32
      %mul3A_477 = arith.muli %add3A_430, %mul3A_476 : i32
      %add3A_478 = arith.constant 3 : i32
      %add3A_479 = arith.addi %mul3A_477, %add3A_478 : i32
      %dma_start3A_480 = arith.constant 3 : i32
      %dma_start3A_481 = arith.constant 0 : i32
      %dma_start3A_482 = arith.constant 0 : i32
      %dma_start3A_483 = tpu.memref_slice %arg7[%dma_start3A_480, %dma_start3A_481, %dma_start3A_482] : memref<8x50x32xf32, #tpu.memory_space<vmem>> -> memref<1x50x32xf32, #tpu.memory_space<vmem>>
      %dma_start3A_484 = tpu.memref_squeeze %dma_start3A_483 : memref<1x50x32xf32, #tpu.memory_space<vmem>> -> memref<50x32xf32, #tpu.memory_space<vmem>>
      %dma_start3A_485 = arith.constant 0 : i32
      %dma_start3A_486 = tpu.memref_slice %arg5[%add3A_479, %dma_start3A_485] : memref<128x50xi32, #tpu.memory_space<vmem>> -> memref<1x50xi32, #tpu.memory_space<vmem>>
      %dma_start3A_487 = tpu.memref_squeeze %dma_start3A_486 : memref<1x50xi32, #tpu.memory_space<vmem>> -> memref<50xi32, #tpu.memory_space<vmem>>
      %dma_start3A_488 = arith.constant 0 : i32
      %dma_start3A_489 = arith.constant 0 : i32
      %dma_start3A_490 = tpu.memref_slice %arg3[%dma_start3A_488, %dma_start3A_489] : memref<1000000x32xf32, #tpu.memory_space<hbm>> -> memref<1000000x32xf32, #tpu.memory_space<hbm>>
      tpu.enqueue_indirect_dma source(%dma_start3A_490 : memref<1000000x32xf32, #tpu.memory_space<hbm>>) target(%dma_start3A_484 : memref<50x32xf32, #tpu.memory_space<vmem>>) offsets(%dma_start3A_487 : memref<50xi32, #tpu.memory_space<vmem>>) semaphore(%arg9 : memref<!tpu.dma_semaphore, #tpu.memory_space<semaphore_mem>>)
      %mul3A_491 = arith.constant 8 : i32
      %mul3A_492 = arith.muli %add3A_430, %mul3A_491 : i32
      %add3A_493 = arith.constant 4 : i32
      %add3A_494 = arith.addi %mul3A_492, %add3A_493 : i32
      %dma_start3A_495 = arith.constant 4 : i32
      %dma_start3A_496 = arith.constant 0 : i32
      %dma_start3A_497 = arith.constant 0 : i32
      %dma_start3A_498 = tpu.memref_slice %arg7[%dma_start3A_495, %dma_start3A_496, %dma_start3A_497] : memref<8x50x32xf32, #tpu.memory_space<vmem>> -> memref<1x50x32xf32, #tpu.memory_space<vmem>>
      %dma_start3A_499 = tpu.memref_squeeze %dma_start3A_498 : memref<1x50x32xf32, #tpu.memory_space<vmem>> -> memref<50x32xf32, #tpu.memory_space<vmem>>
      %dma_start3A_500 = arith.constant 0 : i32
      %dma_start3A_501 = tpu.memref_slice %arg5[%add3A_494, %dma_start3A_500] : memref<128x50xi32, #tpu.memory_space<vmem>> -> memref<1x50xi32, #tpu.memory_space<vmem>>
      %dma_start3A_502 = tpu.memref_squeeze %dma_start3A_501 : memref<1x50xi32, #tpu.memory_space<vmem>> -> memref<50xi32, #tpu.memory_space<vmem>>
      %dma_start3A_503 = arith.constant 0 : i32
      %dma_start3A_504 = arith.constant 0 : i32
      %dma_start3A_505 = tpu.memref_slice %arg3[%dma_start3A_503, %dma_start3A_504] : memref<1000000x32xf32, #tpu.memory_space<hbm>> -> memref<1000000x32xf32, #tpu.memory_space<hbm>>
      tpu.enqueue_indirect_dma source(%dma_start3A_505 : memref<1000000x32xf32, #tpu.memory_space<hbm>>) target(%dma_start3A_499 : memref<50x32xf32, #tpu.memory_space<vmem>>) offsets(%dma_start3A_502 : memref<50xi32, #tpu.memory_space<vmem>>) semaphore(%arg9 : memref<!tpu.dma_semaphore, #tpu.memory_space<semaphore_mem>>)
      %mul3A_506 = arith.constant 8 : i32
      %mul3A_507 = arith.muli %add3A_430, %mul3A_506 : i32
      %add3A_508 = arith.constant 5 : i32
      %add3A_509 = arith.addi %mul3A_507, %add3A_508 : i32
      %dma_start3A_510 = arith.constant 5 : i32
      %dma_start3A_511 = arith.constant 0 : i32
      %dma_start3A_512 = arith.constant 0 : i32
      %dma_start3A_513 = tpu.memref_slice %arg7[%dma_start3A_510, %dma_start3A_511, %dma_start3A_512] : memref<8x50x32xf32, #tpu.memory_space<vmem>> -> memref<1x50x32xf32, #tpu.memory_space<vmem>>
      %dma_start3A_514 = tpu.memref_squeeze %dma_start3A_513 : memref<1x50x32xf32, #tpu.memory_space<vmem>> -> memref<50x32xf32, #tpu.memory_space<vmem>>
      %dma_start3A_515 = arith.constant 0 : i32
      %dma_start3A_516 = tpu.memref_slice %arg5[%add3A_509, %dma_start3A_515] : memref<128x50xi32, #tpu.memory_space<vmem>> -> memref<1x50xi32, #tpu.memory_space<vmem>>
      %dma_start3A_517 = tpu.memref_squeeze %dma_start3A_516 : memref<1x50xi32, #tpu.memory_space<vmem>> -> memref<50xi32, #tpu.memory_space<vmem>>
      %dma_start3A_518 = arith.constant 0 : i32
      %dma_start3A_519 = arith.constant 0 : i32
      %dma_start3A_520 = tpu.memref_slice %arg3[%dma_start3A_518, %dma_start3A_519] : memref<1000000x32xf32, #tpu.memory_space<hbm>> -> memref<1000000x32xf32, #tpu.memory_space<hbm>>
      tpu.enqueue_indirect_dma source(%dma_start3A_520 : memref<1000000x32xf32, #tpu.memory_space<hbm>>) target(%dma_start3A_514 : memref<50x32xf32, #tpu.memory_space<vmem>>) offsets(%dma_start3A_517 : memref<50xi32, #tpu.memory_space<vmem>>) semaphore(%arg9 : memref<!tpu.dma_semaphore, #tpu.memory_space<semaphore_mem>>)
      %mul3A_521 = arith.constant 8 : i32
      %mul3A_522 = arith.muli %add3A_430, %mul3A_521 : i32
      %add3A_523 = arith.constant 6 : i32
      %add3A_524 = arith.addi %mul3A_522, %add3A_523 : i32
      %dma_start3A_525 = arith.constant 6 : i32
      %dma_start3A_526 = arith.constant 0 : i32
      %dma_start3A_527 = arith.constant 0 : i32
      %dma_start3A_528 = tpu.memref_slice %arg7[%dma_start3A_525, %dma_start3A_526, %dma_start3A_527] : memref<8x50x32xf32, #tpu.memory_space<vmem>> -> memref<1x50x32xf32, #tpu.memory_space<vmem>>
      %dma_start3A_529 = tpu.memref_squeeze %dma_start3A_528 : memref<1x50x32xf32, #tpu.memory_space<vmem>> -> memref<50x32xf32, #tpu.memory_space<vmem>>
      %dma_start3A_530 = arith.constant 0 : i32
      %dma_start3A_531 = tpu.memref_slice %arg5[%add3A_524, %dma_start3A_530] : memref<128x50xi32, #tpu.memory_space<vmem>> -> memref<1x50xi32, #tpu.memory_space<vmem>>
      %dma_start3A_532 = tpu.memref_squeeze %dma_start3A_531 : memref<1x50xi32, #tpu.memory_space<vmem>> -> memref<50xi32, #tpu.memory_space<vmem>>
      %dma_start3A_533 = arith.constant 0 : i32
      %dma_start3A_534 = arith.constant 0 : i32
      %dma_start3A_535 = tpu.memref_slice %arg3[%dma_start3A_533, %dma_start3A_534] : memref<1000000x32xf32, #tpu.memory_space<hbm>> -> memref<1000000x32xf32, #tpu.memory_space<hbm>>
      tpu.enqueue_indirect_dma source(%dma_start3A_535 : memref<1000000x32xf32, #tpu.memory_space<hbm>>) target(%dma_start3A_529 : memref<50x32xf32, #tpu.memory_space<vmem>>) offsets(%dma_start3A_532 : memref<50xi32, #tpu.memory_space<vmem>>) semaphore(%arg9 : memref<!tpu.dma_semaphore, #tpu.memory_space<semaphore_mem>>)
      %mul3A_536 = arith.constant 8 : i32
      %mul3A_537 = arith.muli %add3A_430, %mul3A_536 : i32
      %add3A_538 = arith.constant 7 : i32
      %add3A_539 = arith.addi %mul3A_537, %add3A_538 : i32
      %dma_start3A_540 = arith.constant 7 : i32
      %dma_start3A_541 = arith.constant 0 : i32
      %dma_start3A_542 = arith.constant 0 : i32
      %dma_start3A_543 = tpu.memref_slice %arg7[%dma_start3A_540, %dma_start3A_541, %dma_start3A_542] : memref<8x50x32xf32, #tpu.memory_space<vmem>> -> memref<1x50x32xf32, #tpu.memory_space<vmem>>
      %dma_start3A_544 = tpu.memref_squeeze %dma_start3A_543 : memref<1x50x32xf32, #tpu.memory_space<vmem>> -> memref<50x32xf32, #tpu.memory_space<vmem>>
      %dma_start3A_545 = arith.constant 0 : i32
      %dma_start3A_546 = tpu.memref_slice %arg5[%add3A_539, %dma_start3A_545] : memref<128x50xi32, #tpu.memory_space<vmem>> -> memref<1x50xi32, #tpu.memory_space<vmem>>
      %dma_start3A_547 = tpu.memref_squeeze %dma_start3A_546 : memref<1x50xi32, #tpu.memory_space<vmem>> -> memref<50xi32, #tpu.memory_space<vmem>>
      %dma_start3A_548 = arith.constant 0 : i32
      %dma_start3A_549 = arith.constant 0 : i32
      %dma_start3A_550 = tpu.memref_slice %arg3[%dma_start3A_548, %dma_start3A_549] : memref<1000000x32xf32, #tpu.memory_space<hbm>> -> memref<1000000x32xf32, #tpu.memory_space<hbm>>
      tpu.enqueue_indirect_dma source(%dma_start3A_550 : memref<1000000x32xf32, #tpu.memory_space<hbm>>) target(%dma_start3A_544 : memref<50x32xf32, #tpu.memory_space<vmem>>) offsets(%dma_start3A_547 : memref<50xi32, #tpu.memory_space<vmem>>) semaphore(%arg9 : memref<!tpu.dma_semaphore, #tpu.memory_space<semaphore_mem>>)
      %scan3A_551 = arith.constant 0 : i32
      scf.yield %scan3A_551 : i32
    }
    %scan3A_199 = arith.constant 7 : i32
    %dma_wait3A = arith.constant 0 : i32
    %dma_wait3A_200 = arith.constant 0 : i32
    %dma_wait3A_201 = arith.constant 0 : i32
    %dma_wait3A_202 = tpu.memref_slice %arg4[%dma_wait3A, %dma_wait3A_200, %dma_wait3A_201] : memref<4096x50x32xf32, #tpu.memory_space<hbm>> -> memref<8x50x32xf32, #tpu.memory_space<hbm>>
    %dma_wait3A_203 = arith.constant 0 : i32
    %dma_wait3A_204 = arith.constant 0 : i32
    %dma_wait3A_205 = arith.constant 0 : i32
    %dma_wait3A_206 = tpu.memref_slice %arg4[%dma_wait3A_203, %dma_wait3A_204, %dma_wait3A_205] : memref<4096x50x32xf32, #tpu.memory_space<hbm>> -> memref<8x50x32xf32, #tpu.memory_space<hbm>>
    tpu.wait_dma2 semaphore(%arg8 : memref<!tpu.dma_semaphore, #tpu.memory_space<semaphore_mem>>) src(%dma_wait3A_206 : memref<8x50x32xf32, #tpu.memory_space<hbm>>) dst(%arg6 : memref<8x50x32xf32, #tpu.memory_space<vmem>>)
    %add3A_207 = arith.constant 112 : i32
    %add3A_208 = arith.addi %mul3A_2, %add3A_207 : i32
    %dma_start3A_209 = arith.constant 0 : i32
    %dma_start3A_210 = arith.constant 0 : i32
    %dma_start3A_211 = tpu.memref_slice %arg4[%add3A_208, %dma_start3A_209, %dma_start3A_210] : memref<4096x50x32xf32, #tpu.memory_space<hbm>> -> memref<8x50x32xf32, #tpu.memory_space<hbm>>
    %dma_start3A_212 = arith.constant 0 : i32
    %dma_start3A_213 = arith.constant 0 : i32
    %dma_start3A_214 = tpu.memref_slice %arg4[%add3A_208, %dma_start3A_212, %dma_start3A_213] : memref<4096x50x32xf32, #tpu.memory_space<hbm>> -> memref<8x50x32xf32, #tpu.memory_space<hbm>>
    tpu.enqueue_dma source(%arg6 : memref<8x50x32xf32, #tpu.memory_space<vmem>>) target(%dma_start3A_214 : memref<8x50x32xf32, #tpu.memory_space<hbm>>) target_semaphore(%arg10 : memref<!tpu.dma_semaphore, #tpu.memory_space<semaphore_mem>>)
    %dma_wait3A_215 = arith.constant 0 : i32
    %dma_wait3A_216 = arith.constant 0 : i32
    %dma_wait3A_217 = arith.constant 0 : i32
    %dma_wait3A_218 = tpu.memref_slice %arg4[%dma_wait3A_215, %dma_wait3A_216, %dma_wait3A_217] : memref<4096x50x32xf32, #tpu.memory_space<hbm>> -> memref<8x50x32xf32, #tpu.memory_space<hbm>>
    %dma_wait3A_219 = arith.constant 0 : i32
    %dma_wait3A_220 = arith.constant 0 : i32
    %dma_wait3A_221 = arith.constant 0 : i32
    %dma_wait3A_222 = tpu.memref_slice %arg4[%dma_wait3A_219, %dma_wait3A_220, %dma_wait3A_221] : memref<4096x50x32xf32, #tpu.memory_space<hbm>> -> memref<8x50x32xf32, #tpu.memory_space<hbm>>
    tpu.wait_dma2 semaphore(%arg9 : memref<!tpu.dma_semaphore, #tpu.memory_space<semaphore_mem>>) src(%dma_wait3A_222 : memref<8x50x32xf32, #tpu.memory_space<hbm>>) dst(%arg7 : memref<8x50x32xf32, #tpu.memory_space<vmem>>)
    %add3A_223 = arith.constant 120 : i32
    %add3A_224 = arith.addi %mul3A_2, %add3A_223 : i32
    %dma_start3A_225 = arith.constant 0 : i32
    %dma_start3A_226 = arith.constant 0 : i32
    %dma_start3A_227 = tpu.memref_slice %arg4[%add3A_224, %dma_start3A_225, %dma_start3A_226] : memref<4096x50x32xf32, #tpu.memory_space<hbm>> -> memref<8x50x32xf32, #tpu.memory_space<hbm>>
    %dma_start3A_228 = arith.constant 0 : i32
    %dma_start3A_229 = arith.constant 0 : i32
    %dma_start3A_230 = tpu.memref_slice %arg4[%add3A_224, %dma_start3A_228, %dma_start3A_229] : memref<4096x50x32xf32, #tpu.memory_space<hbm>> -> memref<8x50x32xf32, #tpu.memory_space<hbm>>
    tpu.enqueue_dma source(%arg7 : memref<8x50x32xf32, #tpu.memory_space<vmem>>) target(%dma_start3A_230 : memref<8x50x32xf32, #tpu.memory_space<hbm>>) target_semaphore(%arg11 : memref<!tpu.dma_semaphore, #tpu.memory_space<semaphore_mem>>)
    %add3A_231 = arith.constant 112 : i32
    %add3A_232 = arith.addi %mul3A_2, %add3A_231 : i32
    %dma_wait3A_233 = arith.constant 0 : i32
    %dma_wait3A_234 = arith.constant 0 : i32
    %dma_wait3A_235 = tpu.memref_slice %arg4[%add3A_232, %dma_wait3A_233, %dma_wait3A_234] : memref<4096x50x32xf32, #tpu.memory_space<hbm>> -> memref<8x50x32xf32, #tpu.memory_space<hbm>>
    %dma_wait3A_236 = arith.constant 0 : i32
    %dma_wait3A_237 = arith.constant 0 : i32
    %dma_wait3A_238 = tpu.memref_slice %arg4[%add3A_232, %dma_wait3A_236, %dma_wait3A_237] : memref<4096x50x32xf32, #tpu.memory_space<hbm>> -> memref<8x50x32xf32, #tpu.memory_space<hbm>>
    tpu.wait_dma2 semaphore(%arg10 : memref<!tpu.dma_semaphore, #tpu.memory_space<semaphore_mem>>) src(%arg6 : memref<8x50x32xf32, #tpu.memory_space<vmem>>) dst(%dma_wait3A_238 : memref<8x50x32xf32, #tpu.memory_space<hbm>>)
    %add3A_239 = arith.constant 120 : i32
    %add3A_240 = arith.addi %mul3A_2, %add3A_239 : i32
    %dma_wait3A_241 = arith.constant 0 : i32
    %dma_wait3A_242 = arith.constant 0 : i32
    %dma_wait3A_243 = tpu.memref_slice %arg4[%add3A_240, %dma_wait3A_241, %dma_wait3A_242] : memref<4096x50x32xf32, #tpu.memory_space<hbm>> -> memref<8x50x32xf32, #tpu.memory_space<hbm>>
    %dma_wait3A_244 = arith.constant 0 : i32
    %dma_wait3A_245 = arith.constant 0 : i32
    %dma_wait3A_246 = tpu.memref_slice %arg4[%add3A_240, %dma_wait3A_244, %dma_wait3A_245] : memref<4096x50x32xf32, #tpu.memory_space<hbm>> -> memref<8x50x32xf32, #tpu.memory_space<hbm>>
    tpu.wait_dma2 semaphore(%arg11 : memref<!tpu.dma_semaphore, #tpu.memory_space<semaphore_mem>>) src(%arg7 : memref<8x50x32xf32, #tpu.memory_space<vmem>>) dst(%dma_wait3A_246 : memref<8x50x32xf32, #tpu.memory_space<hbm>>)
    return
  }
}

#map = affine_map<(d0, d1) -> (0, 0)>
#map1 = affine_map<(d0, d1) -> (0, 0, 0)>
module attributes {stable_mosaic.version = 14 : i64} {
  func.func @_gather_body(%arg0: i32, %arg1: i32, %arg2: memref<4096x50xi32, #tpu.memory_space<hbm>>, %arg3: memref<1000000x32xf32, #tpu.memory_space<hbm>>, %arg4: memref<4096x50x32xf32, #tpu.memory_space<hbm>>, %arg5: memref<128x50xi32, #tpu.memory_space<vmem>>, %arg6: memref<8x50x32xf32, #tpu.memory_space<vmem>>, %arg7: memref<8x50x32xf32, #tpu.memory_space<vmem>>, %arg8: memref<!tpu.dma_semaphore, #tpu.memory_space<semaphore_mem>>, %arg9: memref<!tpu.dma_semaphore, #tpu.memory_space<semaphore_mem>>, %arg10: memref<!tpu.dma_semaphore, #tpu.memory_space<semaphore_mem>>, %arg11: memref<!tpu.dma_semaphore, #tpu.memory_space<semaphore_mem>>) attributes {dimension_semantics = [#tpu.dimension_semantics<core_parallel>, #tpu.dimension_semantics<subcore_parallel>], iteration_bounds = array<i64: 2, 16>, scalar_prefetch = 0 : i64, scratch_operands = 7 : i64, tpu.core_type = #tpu.core_type<sc_vector_subcore>, window_params = [{transform_indices = #map}, {transform_indices = #map}, {transform_indices = #map1}]} {
    %mul3A = arith.constant 2 : i32
    %mul3A_0 = arith.muli %arg1, %mul3A : i32
    %add3A = arith.addi %mul3A_0, %arg0 : i32
    %mul3A_1 = arith.constant 128 : i32
    %mul3A_2 = arith.muli %add3A, %mul3A_1 : i32
    "tpu.region"() ({
      %run_scoped3A = tpu.sem_alloc : memref<!tpu.dma_semaphore, #tpu.memory_space<semaphore_mem>>
      %dma_start3A_247 = arith.constant 0 : i32
      %dma_start3A_248 = tpu.memref_slice %arg2[%mul3A_2, %dma_start3A_247] : memref<4096x50xi32, #tpu.memory_space<hbm>> -> memref<128x50xi32, #tpu.memory_space<hbm>>
      %dma_start3A_249 = arith.constant 0 : i32
      %dma_start3A_250 = tpu.memref_slice %arg2[%mul3A_2, %dma_start3A_249] : memref<4096x50xi32, #tpu.memory_space<hbm>> -> memref<128x50xi32, #tpu.memory_space<hbm>>
      tpu.enqueue_dma source(%dma_start3A_250 : memref<128x50xi32, #tpu.memory_space<hbm>>) target(%arg5 : memref<128x50xi32, #tpu.memory_space<vmem>>) target_semaphore(%run_scoped3A : memref<!tpu.dma_semaphore, #tpu.memory_space<semaphore_mem>>)
      %dma_wait3A_251 = arith.constant 0 : i32
      %dma_wait3A_252 = tpu.memref_slice %arg2[%mul3A_2, %dma_wait3A_251] : memref<4096x50xi32, #tpu.memory_space<hbm>> -> memref<128x50xi32, #tpu.memory_space<hbm>>
      %dma_wait3A_253 = arith.constant 0 : i32
      %dma_wait3A_254 = tpu.memref_slice %arg2[%mul3A_2, %dma_wait3A_253] : memref<4096x50xi32, #tpu.memory_space<hbm>> -> memref<128x50xi32, #tpu.memory_space<hbm>>
      tpu.wait_dma2 semaphore(%run_scoped3A : memref<!tpu.dma_semaphore, #tpu.memory_space<semaphore_mem>>) src(%dma_wait3A_254 : memref<128x50xi32, #tpu.memory_space<hbm>>) dst(%arg5 : memref<128x50xi32, #tpu.memory_space<vmem>>)
      tpu.yield
    }) : () -> ()
    %dma_start3A = arith.constant 0 : i32
    %dma_start3A_3 = arith.constant 0 : i32
    %dma_start3A_4 = arith.constant 0 : i32
    %dma_start3A_5 = arith.constant 0 : i32
    %dma_start3A_6 = tpu.memref_slice %arg6[%dma_start3A_3, %dma_start3A_4, %dma_start3A_5] : memref<8x50x32xf32, #tpu.memory_space<vmem>> -> memref<1x50x32xf32, #tpu.memory_space<vmem>>
    %dma_start3A_7 = tpu.memref_squeeze %dma_start3A_6 : memref<1x50x32xf32, #tpu.memory_space<vmem>> -> memref<50x32xf32, #tpu.memory_space<vmem>>
    %dma_start3A_8 = arith.constant 0 : i32
    %dma_start3A_9 = tpu.memref_slice %arg5[%dma_start3A, %dma_start3A_8] : memref<128x50xi32, #tpu.memory_space<vmem>> -> memref<1x50xi32, #tpu.memory_space<vmem>>
    %dma_start3A_10 = tpu.memref_squeeze %dma_start3A_9 : memref<1x50xi32, #tpu.memory_space<vmem>> -> memref<50xi32, #tpu.memory_space<vmem>>
    %dma_start3A_11 = arith.constant 0 : i32
    %dma_start3A_12 = arith.constant 0 : i32
    %dma_start3A_13 = tpu.memref_slice %arg3[%dma_start3A_11, %dma_start3A_12] : memref<1000000x32xf32, #tpu.memory_space<hbm>> -> memref<1000000x32xf32, #tpu.memory_space<hbm>>
    tpu.enqueue_indirect_dma source(%dma_start3A_13 : memref<1000000x32xf32, #tpu.memory_space<hbm>>) target(%dma_start3A_7 : memref<50x32xf32, #tpu.memory_space<vmem>>) offsets(%dma_start3A_10 : memref<50xi32, #tpu.memory_space<vmem>>) semaphore(%arg8 : memref<!tpu.dma_semaphore, #tpu.memory_space<semaphore_mem>>)
    %dma_start3A_14 = arith.constant 1 : i32
    %dma_start3A_15 = arith.constant 1 : i32
    %dma_start3A_16 = arith.constant 0 : i32
    %dma_start3A_17 = arith.constant 0 : i32
    %dma_start3A_18 = tpu.memref_slice %arg6[%dma_start3A_15, %dma_start3A_16, %dma_start3A_17] : memref<8x50x32xf32, #tpu.memory_space<vmem>> -> memref<1x50x32xf32, #tpu.memory_space<vmem>>
    %dma_start3A_19 = tpu.memref_squeeze %dma_start3A_18 : memref<1x50x32xf32, #tpu.memory_space<vmem>> -> memref<50x32xf32, #tpu.memory_space<vmem>>
    %dma_start3A_20 = arith.constant 0 : i32
    %dma_start3A_21 = tpu.memref_slice %arg5[%dma_start3A_14, %dma_start3A_20] : memref<128x50xi32, #tpu.memory_space<vmem>> -> memref<1x50xi32, #tpu.memory_space<vmem>>
    %dma_start3A_22 = tpu.memref_squeeze %dma_start3A_21 : memref<1x50xi32, #tpu.memory_space<vmem>> -> memref<50xi32, #tpu.memory_space<vmem>>
    %dma_start3A_23 = arith.constant 0 : i32
    %dma_start3A_24 = arith.constant 0 : i32
    %dma_start3A_25 = tpu.memref_slice %arg3[%dma_start3A_23, %dma_start3A_24] : memref<1000000x32xf32, #tpu.memory_space<hbm>> -> memref<1000000x32xf32, #tpu.memory_space<hbm>>
    tpu.enqueue_indirect_dma source(%dma_start3A_25 : memref<1000000x32xf32, #tpu.memory_space<hbm>>) target(%dma_start3A_19 : memref<50x32xf32, #tpu.memory_space<vmem>>) offsets(%dma_start3A_22 : memref<50xi32, #tpu.memory_space<vmem>>) semaphore(%arg8 : memref<!tpu.dma_semaphore, #tpu.memory_space<semaphore_mem>>)
    %dma_start3A_26 = arith.constant 2 : i32
    %dma_start3A_27 = arith.constant 2 : i32
    %dma_start3A_28 = arith.constant 0 : i32
    %dma_start3A_29 = arith.constant 0 : i32
    %dma_start3A_30 = tpu.memref_slice %arg6[%dma_start3A_27, %dma_start3A_28, %dma_start3A_29] : memref<8x50x32xf32, #tpu.memory_space<vmem>> -> memref<1x50x32xf32, #tpu.memory_space<vmem>>
    %dma_start3A_31 = tpu.memref_squeeze %dma_start3A_30 : memref<1x50x32xf32, #tpu.memory_space<vmem>> -> memref<50x32xf32, #tpu.memory_space<vmem>>
    %dma_start3A_32 = arith.constant 0 : i32
    %dma_start3A_33 = tpu.memref_slice %arg5[%dma_start3A_26, %dma_start3A_32] : memref<128x50xi32, #tpu.memory_space<vmem>> -> memref<1x50xi32, #tpu.memory_space<vmem>>
    %dma_start3A_34 = tpu.memref_squeeze %dma_start3A_33 : memref<1x50xi32, #tpu.memory_space<vmem>> -> memref<50xi32, #tpu.memory_space<vmem>>
    %dma_start3A_35 = arith.constant 0 : i32
    %dma_start3A_36 = arith.constant 0 : i32
    %dma_start3A_37 = tpu.memref_slice %arg3[%dma_start3A_35, %dma_start3A_36] : memref<1000000x32xf32, #tpu.memory_space<hbm>> -> memref<1000000x32xf32, #tpu.memory_space<hbm>>
    tpu.enqueue_indirect_dma source(%dma_start3A_37 : memref<1000000x32xf32, #tpu.memory_space<hbm>>) target(%dma_start3A_31 : memref<50x32xf32, #tpu.memory_space<vmem>>) offsets(%dma_start3A_34 : memref<50xi32, #tpu.memory_space<vmem>>) semaphore(%arg8 : memref<!tpu.dma_semaphore, #tpu.memory_space<semaphore_mem>>)
    %dma_start3A_38 = arith.constant 3 : i32
    %dma_start3A_39 = arith.constant 3 : i32
    %dma_start3A_40 = arith.constant 0 : i32
    %dma_start3A_41 = arith.constant 0 : i32
    %dma_start3A_42 = tpu.memref_slice %arg6[%dma_start3A_39, %dma_start3A_40, %dma_start3A_41] : memref<8x50x32xf32, #tpu.memory_space<vmem>> -> memref<1x50x32xf32, #tpu.memory_space<vmem>>
    %dma_start3A_43 = tpu.memref_squeeze %dma_start3A_42 : memref<1x50x32xf32, #tpu.memory_space<vmem>> -> memref<50x32xf32, #tpu.memory_space<vmem>>
    %dma_start3A_44 = arith.constant 0 : i32
    %dma_start3A_45 = tpu.memref_slice %arg5[%dma_start3A_38, %dma_start3A_44] : memref<128x50xi32, #tpu.memory_space<vmem>> -> memref<1x50xi32, #tpu.memory_space<vmem>>
    %dma_start3A_46 = tpu.memref_squeeze %dma_start3A_45 : memref<1x50xi32, #tpu.memory_space<vmem>> -> memref<50xi32, #tpu.memory_space<vmem>>
    %dma_start3A_47 = arith.constant 0 : i32
    %dma_start3A_48 = arith.constant 0 : i32
    %dma_start3A_49 = tpu.memref_slice %arg3[%dma_start3A_47, %dma_start3A_48] : memref<1000000x32xf32, #tpu.memory_space<hbm>> -> memref<1000000x32xf32, #tpu.memory_space<hbm>>
    tpu.enqueue_indirect_dma source(%dma_start3A_49 : memref<1000000x32xf32, #tpu.memory_space<hbm>>) target(%dma_start3A_43 : memref<50x32xf32, #tpu.memory_space<vmem>>) offsets(%dma_start3A_46 : memref<50xi32, #tpu.memory_space<vmem>>) semaphore(%arg8 : memref<!tpu.dma_semaphore, #tpu.memory_space<semaphore_mem>>)
    %dma_start3A_50 = arith.constant 4 : i32
    %dma_start3A_51 = arith.constant 4 : i32
    %dma_start3A_52 = arith.constant 0 : i32
    %dma_start3A_53 = arith.constant 0 : i32
    %dma_start3A_54 = tpu.memref_slice %arg6[%dma_start3A_51, %dma_start3A_52, %dma_start3A_53] : memref<8x50x32xf32, #tpu.memory_space<vmem>> -> memref<1x50x32xf32, #tpu.memory_space<vmem>>
    %dma_start3A_55 = tpu.memref_squeeze %dma_start3A_54 : memref<1x50x32xf32, #tpu.memory_space<vmem>> -> memref<50x32xf32, #tpu.memory_space<vmem>>
    %dma_start3A_56 = arith.constant 0 : i32
    %dma_start3A_57 = tpu.memref_slice %arg5[%dma_start3A_50, %dma_start3A_56] : memref<128x50xi32, #tpu.memory_space<vmem>> -> memref<1x50xi32, #tpu.memory_space<vmem>>
    %dma_start3A_58 = tpu.memref_squeeze %dma_start3A_57 : memref<1x50xi32, #tpu.memory_space<vmem>> -> memref<50xi32, #tpu.memory_space<vmem>>
    %dma_start3A_59 = arith.constant 0 : i32
    %dma_start3A_60 = arith.constant 0 : i32
    %dma_start3A_61 = tpu.memref_slice %arg3[%dma_start3A_59, %dma_start3A_60] : memref<1000000x32xf32, #tpu.memory_space<hbm>> -> memref<1000000x32xf32, #tpu.memory_space<hbm>>
    tpu.enqueue_indirect_dma source(%dma_start3A_61 : memref<1000000x32xf32, #tpu.memory_space<hbm>>) target(%dma_start3A_55 : memref<50x32xf32, #tpu.memory_space<vmem>>) offsets(%dma_start3A_58 : memref<50xi32, #tpu.memory_space<vmem>>) semaphore(%arg8 : memref<!tpu.dma_semaphore, #tpu.memory_space<semaphore_mem>>)
    %dma_start3A_62 = arith.constant 5 : i32
    %dma_start3A_63 = arith.constant 5 : i32
    %dma_start3A_64 = arith.constant 0 : i32
    %dma_start3A_65 = arith.constant 0 : i32
    %dma_start3A_66 = tpu.memref_slice %arg6[%dma_start3A_63, %dma_start3A_64, %dma_start3A_65] : memref<8x50x32xf32, #tpu.memory_space<vmem>> -> memref<1x50x32xf32, #tpu.memory_space<vmem>>
    %dma_start3A_67 = tpu.memref_squeeze %dma_start3A_66 : memref<1x50x32xf32, #tpu.memory_space<vmem>> -> memref<50x32xf32, #tpu.memory_space<vmem>>
    %dma_start3A_68 = arith.constant 0 : i32
    %dma_start3A_69 = tpu.memref_slice %arg5[%dma_start3A_62, %dma_start3A_68] : memref<128x50xi32, #tpu.memory_space<vmem>> -> memref<1x50xi32, #tpu.memory_space<vmem>>
    %dma_start3A_70 = tpu.memref_squeeze %dma_start3A_69 : memref<1x50xi32, #tpu.memory_space<vmem>> -> memref<50xi32, #tpu.memory_space<vmem>>
    %dma_start3A_71 = arith.constant 0 : i32
    %dma_start3A_72 = arith.constant 0 : i32
    %dma_start3A_73 = tpu.memref_slice %arg3[%dma_start3A_71, %dma_start3A_72] : memref<1000000x32xf32, #tpu.memory_space<hbm>> -> memref<1000000x32xf32, #tpu.memory_space<hbm>>
    tpu.enqueue_indirect_dma source(%dma_start3A_73 : memref<1000000x32xf32, #tpu.memory_space<hbm>>) target(%dma_start3A_67 : memref<50x32xf32, #tpu.memory_space<vmem>>) offsets(%dma_start3A_70 : memref<50xi32, #tpu.memory_space<vmem>>) semaphore(%arg8 : memref<!tpu.dma_semaphore, #tpu.memory_space<semaphore_mem>>)
    %dma_start3A_74 = arith.constant 6 : i32
    %dma_start3A_75 = arith.constant 6 : i32
    %dma_start3A_76 = arith.constant 0 : i32
    %dma_start3A_77 = arith.constant 0 : i32
    %dma_start3A_78 = tpu.memref_slice %arg6[%dma_start3A_75, %dma_start3A_76, %dma_start3A_77] : memref<8x50x32xf32, #tpu.memory_space<vmem>> -> memref<1x50x32xf32, #tpu.memory_space<vmem>>
    %dma_start3A_79 = tpu.memref_squeeze %dma_start3A_78 : memref<1x50x32xf32, #tpu.memory_space<vmem>> -> memref<50x32xf32, #tpu.memory_space<vmem>>
    %dma_start3A_80 = arith.constant 0 : i32
    %dma_start3A_81 = tpu.memref_slice %arg5[%dma_start3A_74, %dma_start3A_80] : memref<128x50xi32, #tpu.memory_space<vmem>> -> memref<1x50xi32, #tpu.memory_space<vmem>>
    %dma_start3A_82 = tpu.memref_squeeze %dma_start3A_81 : memref<1x50xi32, #tpu.memory_space<vmem>> -> memref<50xi32, #tpu.memory_space<vmem>>
    %dma_start3A_83 = arith.constant 0 : i32
    %dma_start3A_84 = arith.constant 0 : i32
    %dma_start3A_85 = tpu.memref_slice %arg3[%dma_start3A_83, %dma_start3A_84] : memref<1000000x32xf32, #tpu.memory_space<hbm>> -> memref<1000000x32xf32, #tpu.memory_space<hbm>>
    tpu.enqueue_indirect_dma source(%dma_start3A_85 : memref<1000000x32xf32, #tpu.memory_space<hbm>>) target(%dma_start3A_79 : memref<50x32xf32, #tpu.memory_space<vmem>>) offsets(%dma_start3A_82 : memref<50xi32, #tpu.memory_space<vmem>>) semaphore(%arg8 : memref<!tpu.dma_semaphore, #tpu.memory_space<semaphore_mem>>)
    %dma_start3A_86 = arith.constant 7 : i32
    %dma_start3A_87 = arith.constant 7 : i32
    %dma_start3A_88 = arith.constant 0 : i32
    %dma_start3A_89 = arith.constant 0 : i32
    %dma_start3A_90 = tpu.memref_slice %arg6[%dma_start3A_87, %dma_start3A_88, %dma_start3A_89] : memref<8x50x32xf32, #tpu.memory_space<vmem>> -> memref<1x50x32xf32, #tpu.memory_space<vmem>>
    %dma_start3A_91 = tpu.memref_squeeze %dma_start3A_90 : memref<1x50x32xf32, #tpu.memory_space<vmem>> -> memref<50x32xf32, #tpu.memory_space<vmem>>
    %dma_start3A_92 = arith.constant 0 : i32
    %dma_start3A_93 = tpu.memref_slice %arg5[%dma_start3A_86, %dma_start3A_92] : memref<128x50xi32, #tpu.memory_space<vmem>> -> memref<1x50xi32, #tpu.memory_space<vmem>>
    %dma_start3A_94 = tpu.memref_squeeze %dma_start3A_93 : memref<1x50xi32, #tpu.memory_space<vmem>> -> memref<50xi32, #tpu.memory_space<vmem>>
    %dma_start3A_95 = arith.constant 0 : i32
    %dma_start3A_96 = arith.constant 0 : i32
    %dma_start3A_97 = tpu.memref_slice %arg3[%dma_start3A_95, %dma_start3A_96] : memref<1000000x32xf32, #tpu.memory_space<hbm>> -> memref<1000000x32xf32, #tpu.memory_space<hbm>>
    tpu.enqueue_indirect_dma source(%dma_start3A_97 : memref<1000000x32xf32, #tpu.memory_space<hbm>>) target(%dma_start3A_91 : memref<50x32xf32, #tpu.memory_space<vmem>>) offsets(%dma_start3A_94 : memref<50xi32, #tpu.memory_space<vmem>>) semaphore(%arg8 : memref<!tpu.dma_semaphore, #tpu.memory_space<semaphore_mem>>)
    %dma_start3A_98 = arith.constant 8 : i32
    %dma_start3A_99 = arith.constant 0 : i32
    %dma_start3A_100 = arith.constant 0 : i32
    %dma_start3A_101 = arith.constant 0 : i32
    %dma_start3A_102 = tpu.memref_slice %arg7[%dma_start3A_99, %dma_start3A_100, %dma_start3A_101] : memref<8x50x32xf32, #tpu.memory_space<vmem>> -> memref<1x50x32xf32, #tpu.memory_space<vmem>>
    %dma_start3A_103 = tpu.memref_squeeze %dma_start3A_102 : memref<1x50x32xf32, #tpu.memory_space<vmem>> -> memref<50x32xf32, #tpu.memory_space<vmem>>
    %dma_start3A_104 = arith.constant 0 : i32
    %dma_start3A_105 = tpu.memref_slice %arg5[%dma_start3A_98, %dma_start3A_104] : memref<128x50xi32, #tpu.memory_space<vmem>> -> memref<1x50xi32, #tpu.memory_space<vmem>>
    %dma_start3A_106 = tpu.memref_squeeze %dma_start3A_105 : memref<1x50xi32, #tpu.memory_space<vmem>> -> memref<50xi32, #tpu.memory_space<vmem>>
    %dma_start3A_107 = arith.constant 0 : i32
    %dma_start3A_108 = arith.constant 0 : i32
    %dma_start3A_109 = tpu.memref_slice %arg3[%dma_start3A_107, %dma_start3A_108] : memref<1000000x32xf32, #tpu.memory_space<hbm>> -> memref<1000000x32xf32, #tpu.memory_space<hbm>>
    tpu.enqueue_indirect_dma source(%dma_start3A_109 : memref<1000000x32xf32, #tpu.memory_space<hbm>>) target(%dma_start3A_103 : memref<50x32xf32, #tpu.memory_space<vmem>>) offsets(%dma_start3A_106 : memref<50xi32, #tpu.memory_space<vmem>>) semaphore(%arg9 : memref<!tpu.dma_semaphore, #tpu.memory_space<semaphore_mem>>)
    %dma_start3A_110 = arith.constant 9 : i32
    %dma_start3A_111 = arith.constant 1 : i32
    %dma_start3A_112 = arith.constant 0 : i32
    %dma_start3A_113 = arith.constant 0 : i32
    %dma_start3A_114 = tpu.memref_slice %arg7[%dma_start3A_111, %dma_start3A_112, %dma_start3A_113] : memref<8x50x32xf32, #tpu.memory_space<vmem>> -> memref<1x50x32xf32, #tpu.memory_space<vmem>>
    %dma_start3A_115 = tpu.memref_squeeze %dma_start3A_114 : memref<1x50x32xf32, #tpu.memory_space<vmem>> -> memref<50x32xf32, #tpu.memory_space<vmem>>
    %dma_start3A_116 = arith.constant 0 : i32
    %dma_start3A_117 = tpu.memref_slice %arg5[%dma_start3A_110, %dma_start3A_116] : memref<128x50xi32, #tpu.memory_space<vmem>> -> memref<1x50xi32, #tpu.memory_space<vmem>>
    %dma_start3A_118 = tpu.memref_squeeze %dma_start3A_117 : memref<1x50xi32, #tpu.memory_space<vmem>> -> memref<50xi32, #tpu.memory_space<vmem>>
    %dma_start3A_119 = arith.constant 0 : i32
    %dma_start3A_120 = arith.constant 0 : i32
    %dma_start3A_121 = tpu.memref_slice %arg3[%dma_start3A_119, %dma_start3A_120] : memref<1000000x32xf32, #tpu.memory_space<hbm>> -> memref<1000000x32xf32, #tpu.memory_space<hbm>>
    tpu.enqueue_indirect_dma source(%dma_start3A_121 : memref<1000000x32xf32, #tpu.memory_space<hbm>>) target(%dma_start3A_115 : memref<50x32xf32, #tpu.memory_space<vmem>>) offsets(%dma_start3A_118 : memref<50xi32, #tpu.memory_space<vmem>>) semaphore(%arg9 : memref<!tpu.dma_semaphore, #tpu.memory_space<semaphore_mem>>)
    %dma_start3A_122 = arith.constant 10 : i32
    %dma_start3A_123 = arith.constant 2 : i32
    %dma_start3A_124 = arith.constant 0 : i32
    %dma_start3A_125 = arith.constant 0 : i32
    %dma_start3A_126 = tpu.memref_slice %arg7[%dma_start3A_123, %dma_start3A_124, %dma_start3A_125] : memref<8x50x32xf32, #tpu.memory_space<vmem>> -> memref<1x50x32xf32, #tpu.memory_space<vmem>>
    %dma_start3A_127 = tpu.memref_squeeze %dma_start3A_126 : memref<1x50x32xf32, #tpu.memory_space<vmem>> -> memref<50x32xf32, #tpu.memory_space<vmem>>
    %dma_start3A_128 = arith.constant 0 : i32
    %dma_start3A_129 = tpu.memref_slice %arg5[%dma_start3A_122, %dma_start3A_128] : memref<128x50xi32, #tpu.memory_space<vmem>> -> memref<1x50xi32, #tpu.memory_space<vmem>>
    %dma_start3A_130 = tpu.memref_squeeze %dma_start3A_129 : memref<1x50xi32, #tpu.memory_space<vmem>> -> memref<50xi32, #tpu.memory_space<vmem>>
    %dma_start3A_131 = arith.constant 0 : i32
    %dma_start3A_132 = arith.constant 0 : i32
    %dma_start3A_133 = tpu.memref_slice %arg3[%dma_start3A_131, %dma_start3A_132] : memref<1000000x32xf32, #tpu.memory_space<hbm>> -> memref<1000000x32xf32, #tpu.memory_space<hbm>>
    tpu.enqueue_indirect_dma source(%dma_start3A_133 : memref<1000000x32xf32, #tpu.memory_space<hbm>>) target(%dma_start3A_127 : memref<50x32xf32, #tpu.memory_space<vmem>>) offsets(%dma_start3A_130 : memref<50xi32, #tpu.memory_space<vmem>>) semaphore(%arg9 : memref<!tpu.dma_semaphore, #tpu.memory_space<semaphore_mem>>)
    %dma_start3A_134 = arith.constant 11 : i32
    %dma_start3A_135 = arith.constant 3 : i32
    %dma_start3A_136 = arith.constant 0 : i32
    %dma_start3A_137 = arith.constant 0 : i32
    %dma_start3A_138 = tpu.memref_slice %arg7[%dma_start3A_135, %dma_start3A_136, %dma_start3A_137] : memref<8x50x32xf32, #tpu.memory_space<vmem>> -> memref<1x50x32xf32, #tpu.memory_space<vmem>>
    %dma_start3A_139 = tpu.memref_squeeze %dma_start3A_138 : memref<1x50x32xf32, #tpu.memory_space<vmem>> -> memref<50x32xf32, #tpu.memory_space<vmem>>
    %dma_start3A_140 = arith.constant 0 : i32
    %dma_start3A_141 = tpu.memref_slice %arg5[%dma_start3A_134, %dma_start3A_140] : memref<128x50xi32, #tpu.memory_space<vmem>> -> memref<1x50xi32, #tpu.memory_space<vmem>>
    %dma_start3A_142 = tpu.memref_squeeze %dma_start3A_141 : memref<1x50xi32, #tpu.memory_space<vmem>> -> memref<50xi32, #tpu.memory_space<vmem>>
    %dma_start3A_143 = arith.constant 0 : i32
    %dma_start3A_144 = arith.constant 0 : i32
    %dma_start3A_145 = tpu.memref_slice %arg3[%dma_start3A_143, %dma_start3A_144] : memref<1000000x32xf32, #tpu.memory_space<hbm>> -> memref<1000000x32xf32, #tpu.memory_space<hbm>>
    tpu.enqueue_indirect_dma source(%dma_start3A_145 : memref<1000000x32xf32, #tpu.memory_space<hbm>>) target(%dma_start3A_139 : memref<50x32xf32, #tpu.memory_space<vmem>>) offsets(%dma_start3A_142 : memref<50xi32, #tpu.memory_space<vmem>>) semaphore(%arg9 : memref<!tpu.dma_semaphore, #tpu.memory_space<semaphore_mem>>)
    %dma_start3A_146 = arith.constant 12 : i32
    %dma_start3A_147 = arith.constant 4 : i32
    %dma_start3A_148 = arith.constant 0 : i32
    %dma_start3A_149 = arith.constant 0 : i32
    %dma_start3A_150 = tpu.memref_slice %arg7[%dma_start3A_147, %dma_start3A_148, %dma_start3A_149] : memref<8x50x32xf32, #tpu.memory_space<vmem>> -> memref<1x50x32xf32, #tpu.memory_space<vmem>>
    %dma_start3A_151 = tpu.memref_squeeze %dma_start3A_150 : memref<1x50x32xf32, #tpu.memory_space<vmem>> -> memref<50x32xf32, #tpu.memory_space<vmem>>
    %dma_start3A_152 = arith.constant 0 : i32
    %dma_start3A_153 = tpu.memref_slice %arg5[%dma_start3A_146, %dma_start3A_152] : memref<128x50xi32, #tpu.memory_space<vmem>> -> memref<1x50xi32, #tpu.memory_space<vmem>>
    %dma_start3A_154 = tpu.memref_squeeze %dma_start3A_153 : memref<1x50xi32, #tpu.memory_space<vmem>> -> memref<50xi32, #tpu.memory_space<vmem>>
    %dma_start3A_155 = arith.constant 0 : i32
    %dma_start3A_156 = arith.constant 0 : i32
    %dma_start3A_157 = tpu.memref_slice %arg3[%dma_start3A_155, %dma_start3A_156] : memref<1000000x32xf32, #tpu.memory_space<hbm>> -> memref<1000000x32xf32, #tpu.memory_space<hbm>>
    tpu.enqueue_indirect_dma source(%dma_start3A_157 : memref<1000000x32xf32, #tpu.memory_space<hbm>>) target(%dma_start3A_151 : memref<50x32xf32, #tpu.memory_space<vmem>>) offsets(%dma_start3A_154 : memref<50xi32, #tpu.memory_space<vmem>>) semaphore(%arg9 : memref<!tpu.dma_semaphore, #tpu.memory_space<semaphore_mem>>)
    %dma_start3A_158 = arith.constant 13 : i32
    %dma_start3A_159 = arith.constant 5 : i32
    %dma_start3A_160 = arith.constant 0 : i32
    %dma_start3A_161 = arith.constant 0 : i32
    %dma_start3A_162 = tpu.memref_slice %arg7[%dma_start3A_159, %dma_start3A_160, %dma_start3A_161] : memref<8x50x32xf32, #tpu.memory_space<vmem>> -> memref<1x50x32xf32, #tpu.memory_space<vmem>>
    %dma_start3A_163 = tpu.memref_squeeze %dma_start3A_162 : memref<1x50x32xf32, #tpu.memory_space<vmem>> -> memref<50x32xf32, #tpu.memory_space<vmem>>
    %dma_start3A_164 = arith.constant 0 : i32
    %dma_start3A_165 = tpu.memref_slice %arg5[%dma_start3A_158, %dma_start3A_164] : memref<128x50xi32, #tpu.memory_space<vmem>> -> memref<1x50xi32, #tpu.memory_space<vmem>>
    %dma_start3A_166 = tpu.memref_squeeze %dma_start3A_165 : memref<1x50xi32, #tpu.memory_space<vmem>> -> memref<50xi32, #tpu.memory_space<vmem>>
    %dma_start3A_167 = arith.constant 0 : i32
    %dma_start3A_168 = arith.constant 0 : i32
    %dma_start3A_169 = tpu.memref_slice %arg3[%dma_start3A_167, %dma_start3A_168] : memref<1000000x32xf32, #tpu.memory_space<hbm>> -> memref<1000000x32xf32, #tpu.memory_space<hbm>>
    tpu.enqueue_indirect_dma source(%dma_start3A_169 : memref<1000000x32xf32, #tpu.memory_space<hbm>>) target(%dma_start3A_163 : memref<50x32xf32, #tpu.memory_space<vmem>>) offsets(%dma_start3A_166 : memref<50xi32, #tpu.memory_space<vmem>>) semaphore(%arg9 : memref<!tpu.dma_semaphore, #tpu.memory_space<semaphore_mem>>)
    %dma_start3A_170 = arith.constant 14 : i32
    %dma_start3A_171 = arith.constant 6 : i32
    %dma_start3A_172 = arith.constant 0 : i32
    %dma_start3A_173 = arith.constant 0 : i32
    %dma_start3A_174 = tpu.memref_slice %arg7[%dma_start3A_171, %dma_start3A_172, %dma_start3A_173] : memref<8x50x32xf32, #tpu.memory_space<vmem>> -> memref<1x50x32xf32, #tpu.memory_space<vmem>>
    %dma_start3A_175 = tpu.memref_squeeze %dma_start3A_174 : memref<1x50x32xf32, #tpu.memory_space<vmem>> -> memref<50x32xf32, #tpu.memory_space<vmem>>
    %dma_start3A_176 = arith.constant 0 : i32
    %dma_start3A_177 = tpu.memref_slice %arg5[%dma_start3A_170, %dma_start3A_176] : memref<128x50xi32, #tpu.memory_space<vmem>> -> memref<1x50xi32, #tpu.memory_space<vmem>>
    %dma_start3A_178 = tpu.memref_squeeze %dma_start3A_177 : memref<1x50xi32, #tpu.memory_space<vmem>> -> memref<50xi32, #tpu.memory_space<vmem>>
    %dma_start3A_179 = arith.constant 0 : i32
    %dma_start3A_180 = arith.constant 0 : i32
    %dma_start3A_181 = tpu.memref_slice %arg3[%dma_start3A_179, %dma_start3A_180] : memref<1000000x32xf32, #tpu.memory_space<hbm>> -> memref<1000000x32xf32, #tpu.memory_space<hbm>>
    tpu.enqueue_indirect_dma source(%dma_start3A_181 : memref<1000000x32xf32, #tpu.memory_space<hbm>>) target(%dma_start3A_175 : memref<50x32xf32, #tpu.memory_space<vmem>>) offsets(%dma_start3A_178 : memref<50xi32, #tpu.memory_space<vmem>>) semaphore(%arg9 : memref<!tpu.dma_semaphore, #tpu.memory_space<semaphore_mem>>)
    %dma_start3A_182 = arith.constant 15 : i32
    %dma_start3A_183 = arith.constant 7 : i32
    %dma_start3A_184 = arith.constant 0 : i32
    %dma_start3A_185 = arith.constant 0 : i32
    %dma_start3A_186 = tpu.memref_slice %arg7[%dma_start3A_183, %dma_start3A_184, %dma_start3A_185] : memref<8x50x32xf32, #tpu.memory_space<vmem>> -> memref<1x50x32xf32, #tpu.memory_space<vmem>>
    %dma_start3A_187 = tpu.memref_squeeze %dma_start3A_186 : memref<1x50x32xf32, #tpu.memory_space<vmem>> -> memref<50x32xf32, #tpu.memory_space<vmem>>
    %dma_start3A_188 = arith.constant 0 : i32
    %dma_start3A_189 = tpu.memref_slice %arg5[%dma_start3A_182, %dma_start3A_188] : memref<128x50xi32, #tpu.memory_space<vmem>> -> memref<1x50xi32, #tpu.memory_space<vmem>>
    %dma_start3A_190 = tpu.memref_squeeze %dma_start3A_189 : memref<1x50xi32, #tpu.memory_space<vmem>> -> memref<50xi32, #tpu.memory_space<vmem>>
    %dma_start3A_191 = arith.constant 0 : i32
    %dma_start3A_192 = arith.constant 0 : i32
    %dma_start3A_193 = tpu.memref_slice %arg3[%dma_start3A_191, %dma_start3A_192] : memref<1000000x32xf32, #tpu.memory_space<hbm>> -> memref<1000000x32xf32, #tpu.memory_space<hbm>>
    tpu.enqueue_indirect_dma source(%dma_start3A_193 : memref<1000000x32xf32, #tpu.memory_space<hbm>>) target(%dma_start3A_187 : memref<50x32xf32, #tpu.memory_space<vmem>>) offsets(%dma_start3A_190 : memref<50xi32, #tpu.memory_space<vmem>>) semaphore(%arg9 : memref<!tpu.dma_semaphore, #tpu.memory_space<semaphore_mem>>)
    %scan3A = arith.constant 0 : i32
    %scan3A_194 = arith.constant 0 : i32
    %scan3A_195 = arith.constant 7 : i32
    %scan3A_196 = arith.addi %scan3A_194, %scan3A_195 : i32
    %scan3A_197 = arith.constant 1 : i32
    %scan3A_198 = scf.for %scan3A_247 = %scan3A_194 to %scan3A_196 step %scan3A_197 iter_args(%scan3A_248 = %scan3A) -> (i32)  : i32 {
      %mul3A_249 = arith.constant 2 : i32
      %mul3A_250 = arith.muli %mul3A_249, %scan3A_247 : i32
      %dma_wait3A_251 = arith.constant 0 : i32
      %dma_wait3A_252 = arith.constant 0 : i32
      %dma_wait3A_253 = arith.constant 0 : i32
      %dma_wait3A_254 = tpu.memref_slice %arg4[%dma_wait3A_251, %dma_wait3A_252, %dma_wait3A_253] : memref<4096x50x32xf32, #tpu.memory_space<hbm>> -> memref<8x50x32xf32, #tpu.memory_space<hbm>>
      %dma_wait3A_255 = arith.constant 0 : i32
      %dma_wait3A_256 = arith.constant 0 : i32
      %dma_wait3A_257 = arith.constant 0 : i32
      %dma_wait3A_258 = tpu.memref_slice %arg4[%dma_wait3A_255, %dma_wait3A_256, %dma_wait3A_257] : memref<4096x50x32xf32, #tpu.memory_space<hbm>> -> memref<8x50x32xf32, #tpu.memory_space<hbm>>
      tpu.wait_dma2 semaphore(%arg8 : memref<!tpu.dma_semaphore, #tpu.memory_space<semaphore_mem>>) src(%dma_wait3A_258 : memref<8x50x32xf32, #tpu.memory_space<hbm>>) dst(%arg6 : memref<8x50x32xf32, #tpu.memory_space<vmem>>)
      %mul3A_259 = arith.constant 8 : i32
      %mul3A_260 = arith.muli %mul3A_250, %mul3A_259 : i32
      %add3A_261 = arith.addi %mul3A_2, %mul3A_260 : i32
      %dma_start3A_262 = arith.constant 0 : i32
      %dma_start3A_263 = arith.constant 0 : i32
      %dma_start3A_264 = tpu.memref_slice %arg4[%add3A_261, %dma_start3A_262, %dma_start3A_263] : memref<4096x50x32xf32, #tpu.memory_space<hbm>> -> memref<8x50x32xf32, #tpu.memory_space<hbm>>
      %dma_start3A_265 = arith.constant 0 : i32
      %dma_start3A_266 = arith.constant 0 : i32
      %dma_start3A_267 = tpu.memref_slice %arg4[%add3A_261, %dma_start3A_265, %dma_start3A_266] : memref<4096x50x32xf32, #tpu.memory_space<hbm>> -> memref<8x50x32xf32, #tpu.memory_space<hbm>>
      tpu.enqueue_dma source(%arg6 : memref<8x50x32xf32, #tpu.memory_space<vmem>>) target(%dma_start3A_267 : memref<8x50x32xf32, #tpu.memory_space<hbm>>) target_semaphore(%arg10 : memref<!tpu.dma_semaphore, #tpu.memory_space<semaphore_mem>>)
      %dma_wait3A_268 = arith.constant 0 : i32
      %dma_wait3A_269 = arith.constant 0 : i32
      %dma_wait3A_270 = arith.constant 0 : i32
      %dma_wait3A_271 = tpu.memref_slice %arg4[%dma_wait3A_268, %dma_wait3A_269, %dma_wait3A_270] : memref<4096x50x32xf32, #tpu.memory_space<hbm>> -> memref<8x50x32xf32, #tpu.memory_space<hbm>>
      %dma_wait3A_272 = arith.constant 0 : i32
      %dma_wait3A_273 = arith.constant 0 : i32
      %dma_wait3A_274 = arith.constant 0 : i32
      %dma_wait3A_275 = tpu.memref_slice %arg4[%dma_wait3A_272, %dma_wait3A_273, %dma_wait3A_274] : memref<4096x50x32xf32, #tpu.memory_space<hbm>> -> memref<8x50x32xf32, #tpu.memory_space<hbm>>
      tpu.wait_dma2 semaphore(%arg9 : memref<!tpu.dma_semaphore, #tpu.memory_space<semaphore_mem>>) src(%dma_wait3A_275 : memref<8x50x32xf32, #tpu.memory_space<hbm>>) dst(%arg7 : memref<8x50x32xf32, #tpu.memory_space<vmem>>)
      %add3A_276 = arith.constant 1 : i32
      %add3A_277 = arith.addi %mul3A_250, %add3A_276 : i32
      %mul3A_278 = arith.constant 8 : i32
      %mul3A_279 = arith.muli %add3A_277, %mul3A_278 : i32
      %add3A_280 = arith.addi %mul3A_2, %mul3A_279 : i32
      %dma_start3A_281 = arith.constant 0 : i32
      %dma_start3A_282 = arith.constant 0 : i32
      %dma_start3A_283 = tpu.memref_slice %arg4[%add3A_280, %dma_start3A_281, %dma_start3A_282] : memref<4096x50x32xf32, #tpu.memory_space<hbm>> -> memref<8x50x32xf32, #tpu.memory_space<hbm>>
      %dma_start3A_284 = arith.constant 0 : i32
      %dma_start3A_285 = arith.constant 0 : i32
      %dma_start3A_286 = tpu.memref_slice %arg4[%add3A_280, %dma_start3A_284, %dma_start3A_285] : memref<4096x50x32xf32, #tpu.memory_space<hbm>> -> memref<8x50x32xf32, #tpu.memory_space<hbm>>
      tpu.enqueue_dma source(%arg7 : memref<8x50x32xf32, #tpu.memory_space<vmem>>) target(%dma_start3A_286 : memref<8x50x32xf32, #tpu.memory_space<hbm>>) target_semaphore(%arg11 : memref<!tpu.dma_semaphore, #tpu.memory_space<semaphore_mem>>)
      %mul3A_287 = arith.constant 8 : i32
      %mul3A_288 = arith.muli %mul3A_250, %mul3A_287 : i32
      %add3A_289 = arith.addi %mul3A_2, %mul3A_288 : i32
      %dma_wait3A_290 = arith.constant 0 : i32
      %dma_wait3A_291 = arith.constant 0 : i32
      %dma_wait3A_292 = tpu.memref_slice %arg4[%add3A_289, %dma_wait3A_290, %dma_wait3A_291] : memref<4096x50x32xf32, #tpu.memory_space<hbm>> -> memref<8x50x32xf32, #tpu.memory_space<hbm>>
      %dma_wait3A_293 = arith.constant 0 : i32
      %dma_wait3A_294 = arith.constant 0 : i32
      %dma_wait3A_295 = tpu.memref_slice %arg4[%add3A_289, %dma_wait3A_293, %dma_wait3A_294] : memref<4096x50x32xf32, #tpu.memory_space<hbm>> -> memref<8x50x32xf32, #tpu.memory_space<hbm>>
      tpu.wait_dma2 semaphore(%arg10 : memref<!tpu.dma_semaphore, #tpu.memory_space<semaphore_mem>>) src(%arg6 : memref<8x50x32xf32, #tpu.memory_space<vmem>>) dst(%dma_wait3A_295 : memref<8x50x32xf32, #tpu.memory_space<hbm>>)
      %add3A_296 = arith.constant 2 : i32
      %add3A_297 = arith.addi %mul3A_250, %add3A_296 : i32
      %mul3A_298 = arith.constant 8 : i32
      %mul3A_299 = arith.muli %add3A_297, %mul3A_298 : i32
      %add3A_300 = arith.constant 0 : i32
      %add3A_301 = arith.addi %mul3A_299, %add3A_300 : i32
      %dma_start3A_302 = arith.constant 0 : i32
      %dma_start3A_303 = arith.constant 0 : i32
      %dma_start3A_304 = arith.constant 0 : i32
      %dma_start3A_305 = tpu.memref_slice %arg6[%dma_start3A_302, %dma_start3A_303, %dma_start3A_304] : memref<8x50x32xf32, #tpu.memory_space<vmem>> -> memref<1x50x32xf32, #tpu.memory_space<vmem>>
      %dma_start3A_306 = tpu.memref_squeeze %dma_start3A_305 : memref<1x50x32xf32, #tpu.memory_space<vmem>> -> memref<50x32xf32, #tpu.memory_space<vmem>>
      %dma_start3A_307 = arith.constant 0 : i32
      %dma_start3A_308 = tpu.memref_slice %arg5[%add3A_301, %dma_start3A_307] : memref<128x50xi32, #tpu.memory_space<vmem>> -> memref<1x50xi32, #tpu.memory_space<vmem>>
      %dma_start3A_309 = tpu.memref_squeeze %dma_start3A_308 : memref<1x50xi32, #tpu.memory_space<vmem>> -> memref<50xi32, #tpu.memory_space<vmem>>
      %dma_start3A_310 = arith.constant 0 : i32
      %dma_start3A_311 = arith.constant 0 : i32
      %dma_start3A_312 = tpu.memref_slice %arg3[%dma_start3A_310, %dma_start3A_311] : memref<1000000x32xf32, #tpu.memory_space<hbm>> -> memref<1000000x32xf32, #tpu.memory_space<hbm>>
      tpu.enqueue_indirect_dma source(%dma_start3A_312 : memref<1000000x32xf32, #tpu.memory_space<hbm>>) target(%dma_start3A_306 : memref<50x32xf32, #tpu.memory_space<vmem>>) offsets(%dma_start3A_309 : memref<50xi32, #tpu.memory_space<vmem>>) semaphore(%arg8 : memref<!tpu.dma_semaphore, #tpu.memory_space<semaphore_mem>>)
      %mul3A_313 = arith.constant 8 : i32
      %mul3A_314 = arith.muli %add3A_297, %mul3A_313 : i32
      %add3A_315 = arith.constant 1 : i32
      %add3A_316 = arith.addi %mul3A_314, %add3A_315 : i32
      %dma_start3A_317 = arith.constant 1 : i32
      %dma_start3A_318 = arith.constant 0 : i32
      %dma_start3A_319 = arith.constant 0 : i32
      %dma_start3A_320 = tpu.memref_slice %arg6[%dma_start3A_317, %dma_start3A_318, %dma_start3A_319] : memref<8x50x32xf32, #tpu.memory_space<vmem>> -> memref<1x50x32xf32, #tpu.memory_space<vmem>>
      %dma_start3A_321 = tpu.memref_squeeze %dma_start3A_320 : memref<1x50x32xf32, #tpu.memory_space<vmem>> -> memref<50x32xf32, #tpu.memory_space<vmem>>
      %dma_start3A_322 = arith.constant 0 : i32
      %dma_start3A_323 = tpu.memref_slice %arg5[%add3A_316, %dma_start3A_322] : memref<128x50xi32, #tpu.memory_space<vmem>> -> memref<1x50xi32, #tpu.memory_space<vmem>>
      %dma_start3A_324 = tpu.memref_squeeze %dma_start3A_323 : memref<1x50xi32, #tpu.memory_space<vmem>> -> memref<50xi32, #tpu.memory_space<vmem>>
      %dma_start3A_325 = arith.constant 0 : i32
      %dma_start3A_326 = arith.constant 0 : i32
      %dma_start3A_327 = tpu.memref_slice %arg3[%dma_start3A_325, %dma_start3A_326] : memref<1000000x32xf32, #tpu.memory_space<hbm>> -> memref<1000000x32xf32, #tpu.memory_space<hbm>>
      tpu.enqueue_indirect_dma source(%dma_start3A_327 : memref<1000000x32xf32, #tpu.memory_space<hbm>>) target(%dma_start3A_321 : memref<50x32xf32, #tpu.memory_space<vmem>>) offsets(%dma_start3A_324 : memref<50xi32, #tpu.memory_space<vmem>>) semaphore(%arg8 : memref<!tpu.dma_semaphore, #tpu.memory_space<semaphore_mem>>)
      %mul3A_328 = arith.constant 8 : i32
      %mul3A_329 = arith.muli %add3A_297, %mul3A_328 : i32
      %add3A_330 = arith.constant 2 : i32
      %add3A_331 = arith.addi %mul3A_329, %add3A_330 : i32
      %dma_start3A_332 = arith.constant 2 : i32
      %dma_start3A_333 = arith.constant 0 : i32
      %dma_start3A_334 = arith.constant 0 : i32
      %dma_start3A_335 = tpu.memref_slice %arg6[%dma_start3A_332, %dma_start3A_333, %dma_start3A_334] : memref<8x50x32xf32, #tpu.memory_space<vmem>> -> memref<1x50x32xf32, #tpu.memory_space<vmem>>
      %dma_start3A_336 = tpu.memref_squeeze %dma_start3A_335 : memref<1x50x32xf32, #tpu.memory_space<vmem>> -> memref<50x32xf32, #tpu.memory_space<vmem>>
      %dma_start3A_337 = arith.constant 0 : i32
      %dma_start3A_338 = tpu.memref_slice %arg5[%add3A_331, %dma_start3A_337] : memref<128x50xi32, #tpu.memory_space<vmem>> -> memref<1x50xi32, #tpu.memory_space<vmem>>
      %dma_start3A_339 = tpu.memref_squeeze %dma_start3A_338 : memref<1x50xi32, #tpu.memory_space<vmem>> -> memref<50xi32, #tpu.memory_space<vmem>>
      %dma_start3A_340 = arith.constant 0 : i32
      %dma_start3A_341 = arith.constant 0 : i32
      %dma_start3A_342 = tpu.memref_slice %arg3[%dma_start3A_340, %dma_start3A_341] : memref<1000000x32xf32, #tpu.memory_space<hbm>> -> memref<1000000x32xf32, #tpu.memory_space<hbm>>
      tpu.enqueue_indirect_dma source(%dma_start3A_342 : memref<1000000x32xf32, #tpu.memory_space<hbm>>) target(%dma_start3A_336 : memref<50x32xf32, #tpu.memory_space<vmem>>) offsets(%dma_start3A_339 : memref<50xi32, #tpu.memory_space<vmem>>) semaphore(%arg8 : memref<!tpu.dma_semaphore, #tpu.memory_space<semaphore_mem>>)
      %mul3A_343 = arith.constant 8 : i32
      %mul3A_344 = arith.muli %add3A_297, %mul3A_343 : i32
      %add3A_345 = arith.constant 3 : i32
      %add3A_346 = arith.addi %mul3A_344, %add3A_345 : i32
      %dma_start3A_347 = arith.constant 3 : i32
      %dma_start3A_348 = arith.constant 0 : i32
      %dma_start3A_349 = arith.constant 0 : i32
      %dma_start3A_350 = tpu.memref_slice %arg6[%dma_start3A_347, %dma_start3A_348, %dma_start3A_349] : memref<8x50x32xf32, #tpu.memory_space<vmem>> -> memref<1x50x32xf32, #tpu.memory_space<vmem>>
      %dma_start3A_351 = tpu.memref_squeeze %dma_start3A_350 : memref<1x50x32xf32, #tpu.memory_space<vmem>> -> memref<50x32xf32, #tpu.memory_space<vmem>>
      %dma_start3A_352 = arith.constant 0 : i32
      %dma_start3A_353 = tpu.memref_slice %arg5[%add3A_346, %dma_start3A_352] : memref<128x50xi32, #tpu.memory_space<vmem>> -> memref<1x50xi32, #tpu.memory_space<vmem>>
      %dma_start3A_354 = tpu.memref_squeeze %dma_start3A_353 : memref<1x50xi32, #tpu.memory_space<vmem>> -> memref<50xi32, #tpu.memory_space<vmem>>
      %dma_start3A_355 = arith.constant 0 : i32
      %dma_start3A_356 = arith.constant 0 : i32
      %dma_start3A_357 = tpu.memref_slice %arg3[%dma_start3A_355, %dma_start3A_356] : memref<1000000x32xf32, #tpu.memory_space<hbm>> -> memref<1000000x32xf32, #tpu.memory_space<hbm>>
      tpu.enqueue_indirect_dma source(%dma_start3A_357 : memref<1000000x32xf32, #tpu.memory_space<hbm>>) target(%dma_start3A_351 : memref<50x32xf32, #tpu.memory_space<vmem>>) offsets(%dma_start3A_354 : memref<50xi32, #tpu.memory_space<vmem>>) semaphore(%arg8 : memref<!tpu.dma_semaphore, #tpu.memory_space<semaphore_mem>>)
      %mul3A_358 = arith.constant 8 : i32
      %mul3A_359 = arith.muli %add3A_297, %mul3A_358 : i32
      %add3A_360 = arith.constant 4 : i32
      %add3A_361 = arith.addi %mul3A_359, %add3A_360 : i32
      %dma_start3A_362 = arith.constant 4 : i32
      %dma_start3A_363 = arith.constant 0 : i32
      %dma_start3A_364 = arith.constant 0 : i32
      %dma_start3A_365 = tpu.memref_slice %arg6[%dma_start3A_362, %dma_start3A_363, %dma_start3A_364] : memref<8x50x32xf32, #tpu.memory_space<vmem>> -> memref<1x50x32xf32, #tpu.memory_space<vmem>>
      %dma_start3A_366 = tpu.memref_squeeze %dma_start3A_365 : memref<1x50x32xf32, #tpu.memory_space<vmem>> -> memref<50x32xf32, #tpu.memory_space<vmem>>
      %dma_start3A_367 = arith.constant 0 : i32
      %dma_start3A_368 = tpu.memref_slice %arg5[%add3A_361, %dma_start3A_367] : memref<128x50xi32, #tpu.memory_space<vmem>> -> memref<1x50xi32, #tpu.memory_space<vmem>>
      %dma_start3A_369 = tpu.memref_squeeze %dma_start3A_368 : memref<1x50xi32, #tpu.memory_space<vmem>> -> memref<50xi32, #tpu.memory_space<vmem>>
      %dma_start3A_370 = arith.constant 0 : i32
      %dma_start3A_371 = arith.constant 0 : i32
      %dma_start3A_372 = tpu.memref_slice %arg3[%dma_start3A_370, %dma_start3A_371] : memref<1000000x32xf32, #tpu.memory_space<hbm>> -> memref<1000000x32xf32, #tpu.memory_space<hbm>>
      tpu.enqueue_indirect_dma source(%dma_start3A_372 : memref<1000000x32xf32, #tpu.memory_space<hbm>>) target(%dma_start3A_366 : memref<50x32xf32, #tpu.memory_space<vmem>>) offsets(%dma_start3A_369 : memref<50xi32, #tpu.memory_space<vmem>>) semaphore(%arg8 : memref<!tpu.dma_semaphore, #tpu.memory_space<semaphore_mem>>)
      %mul3A_373 = arith.constant 8 : i32
      %mul3A_374 = arith.muli %add3A_297, %mul3A_373 : i32
      %add3A_375 = arith.constant 5 : i32
      %add3A_376 = arith.addi %mul3A_374, %add3A_375 : i32
      %dma_start3A_377 = arith.constant 5 : i32
      %dma_start3A_378 = arith.constant 0 : i32
      %dma_start3A_379 = arith.constant 0 : i32
      %dma_start3A_380 = tpu.memref_slice %arg6[%dma_start3A_377, %dma_start3A_378, %dma_start3A_379] : memref<8x50x32xf32, #tpu.memory_space<vmem>> -> memref<1x50x32xf32, #tpu.memory_space<vmem>>
      %dma_start3A_381 = tpu.memref_squeeze %dma_start3A_380 : memref<1x50x32xf32, #tpu.memory_space<vmem>> -> memref<50x32xf32, #tpu.memory_space<vmem>>
      %dma_start3A_382 = arith.constant 0 : i32
      %dma_start3A_383 = tpu.memref_slice %arg5[%add3A_376, %dma_start3A_382] : memref<128x50xi32, #tpu.memory_space<vmem>> -> memref<1x50xi32, #tpu.memory_space<vmem>>
      %dma_start3A_384 = tpu.memref_squeeze %dma_start3A_383 : memref<1x50xi32, #tpu.memory_space<vmem>> -> memref<50xi32, #tpu.memory_space<vmem>>
      %dma_start3A_385 = arith.constant 0 : i32
      %dma_start3A_386 = arith.constant 0 : i32
      %dma_start3A_387 = tpu.memref_slice %arg3[%dma_start3A_385, %dma_start3A_386] : memref<1000000x32xf32, #tpu.memory_space<hbm>> -> memref<1000000x32xf32, #tpu.memory_space<hbm>>
      tpu.enqueue_indirect_dma source(%dma_start3A_387 : memref<1000000x32xf32, #tpu.memory_space<hbm>>) target(%dma_start3A_381 : memref<50x32xf32, #tpu.memory_space<vmem>>) offsets(%dma_start3A_384 : memref<50xi32, #tpu.memory_space<vmem>>) semaphore(%arg8 : memref<!tpu.dma_semaphore, #tpu.memory_space<semaphore_mem>>)
      %mul3A_388 = arith.constant 8 : i32
      %mul3A_389 = arith.muli %add3A_297, %mul3A_388 : i32
      %add3A_390 = arith.constant 6 : i32
      %add3A_391 = arith.addi %mul3A_389, %add3A_390 : i32
      %dma_start3A_392 = arith.constant 6 : i32
      %dma_start3A_393 = arith.constant 0 : i32
      %dma_start3A_394 = arith.constant 0 : i32
      %dma_start3A_395 = tpu.memref_slice %arg6[%dma_start3A_392, %dma_start3A_393, %dma_start3A_394] : memref<8x50x32xf32, #tpu.memory_space<vmem>> -> memref<1x50x32xf32, #tpu.memory_space<vmem>>
      %dma_start3A_396 = tpu.memref_squeeze %dma_start3A_395 : memref<1x50x32xf32, #tpu.memory_space<vmem>> -> memref<50x32xf32, #tpu.memory_space<vmem>>
      %dma_start3A_397 = arith.constant 0 : i32
      %dma_start3A_398 = tpu.memref_slice %arg5[%add3A_391, %dma_start3A_397] : memref<128x50xi32, #tpu.memory_space<vmem>> -> memref<1x50xi32, #tpu.memory_space<vmem>>
      %dma_start3A_399 = tpu.memref_squeeze %dma_start3A_398 : memref<1x50xi32, #tpu.memory_space<vmem>> -> memref<50xi32, #tpu.memory_space<vmem>>
      %dma_start3A_400 = arith.constant 0 : i32
      %dma_start3A_401 = arith.constant 0 : i32
      %dma_start3A_402 = tpu.memref_slice %arg3[%dma_start3A_400, %dma_start3A_401] : memref<1000000x32xf32, #tpu.memory_space<hbm>> -> memref<1000000x32xf32, #tpu.memory_space<hbm>>
      tpu.enqueue_indirect_dma source(%dma_start3A_402 : memref<1000000x32xf32, #tpu.memory_space<hbm>>) target(%dma_start3A_396 : memref<50x32xf32, #tpu.memory_space<vmem>>) offsets(%dma_start3A_399 : memref<50xi32, #tpu.memory_space<vmem>>) semaphore(%arg8 : memref<!tpu.dma_semaphore, #tpu.memory_space<semaphore_mem>>)
      %mul3A_403 = arith.constant 8 : i32
      %mul3A_404 = arith.muli %add3A_297, %mul3A_403 : i32
      %add3A_405 = arith.constant 7 : i32
      %add3A_406 = arith.addi %mul3A_404, %add3A_405 : i32
      %dma_start3A_407 = arith.constant 7 : i32
      %dma_start3A_408 = arith.constant 0 : i32
      %dma_start3A_409 = arith.constant 0 : i32
      %dma_start3A_410 = tpu.memref_slice %arg6[%dma_start3A_407, %dma_start3A_408, %dma_start3A_409] : memref<8x50x32xf32, #tpu.memory_space<vmem>> -> memref<1x50x32xf32, #tpu.memory_space<vmem>>
      %dma_start3A_411 = tpu.memref_squeeze %dma_start3A_410 : memref<1x50x32xf32, #tpu.memory_space<vmem>> -> memref<50x32xf32, #tpu.memory_space<vmem>>
      %dma_start3A_412 = arith.constant 0 : i32
      %dma_start3A_413 = tpu.memref_slice %arg5[%add3A_406, %dma_start3A_412] : memref<128x50xi32, #tpu.memory_space<vmem>> -> memref<1x50xi32, #tpu.memory_space<vmem>>
      %dma_start3A_414 = tpu.memref_squeeze %dma_start3A_413 : memref<1x50xi32, #tpu.memory_space<vmem>> -> memref<50xi32, #tpu.memory_space<vmem>>
      %dma_start3A_415 = arith.constant 0 : i32
      %dma_start3A_416 = arith.constant 0 : i32
      %dma_start3A_417 = tpu.memref_slice %arg3[%dma_start3A_415, %dma_start3A_416] : memref<1000000x32xf32, #tpu.memory_space<hbm>> -> memref<1000000x32xf32, #tpu.memory_space<hbm>>
      tpu.enqueue_indirect_dma source(%dma_start3A_417 : memref<1000000x32xf32, #tpu.memory_space<hbm>>) target(%dma_start3A_411 : memref<50x32xf32, #tpu.memory_space<vmem>>) offsets(%dma_start3A_414 : memref<50xi32, #tpu.memory_space<vmem>>) semaphore(%arg8 : memref<!tpu.dma_semaphore, #tpu.memory_space<semaphore_mem>>)
      %add3A_418 = arith.constant 1 : i32
      %add3A_419 = arith.addi %mul3A_250, %add3A_418 : i32
      %mul3A_420 = arith.constant 8 : i32
      %mul3A_421 = arith.muli %add3A_419, %mul3A_420 : i32
      %add3A_422 = arith.addi %mul3A_2, %mul3A_421 : i32
      %dma_wait3A_423 = arith.constant 0 : i32
      %dma_wait3A_424 = arith.constant 0 : i32
      %dma_wait3A_425 = tpu.memref_slice %arg4[%add3A_422, %dma_wait3A_423, %dma_wait3A_424] : memref<4096x50x32xf32, #tpu.memory_space<hbm>> -> memref<8x50x32xf32, #tpu.memory_space<hbm>>
      %dma_wait3A_426 = arith.constant 0 : i32
      %dma_wait3A_427 = arith.constant 0 : i32
      %dma_wait3A_428 = tpu.memref_slice %arg4[%add3A_422, %dma_wait3A_426, %dma_wait3A_427] : memref<4096x50x32xf32, #tpu.memory_space<hbm>> -> memref<8x50x32xf32, #tpu.memory_space<hbm>>
      tpu.wait_dma2 semaphore(%arg11 : memref<!tpu.dma_semaphore, #tpu.memory_space<semaphore_mem>>) src(%arg7 : memref<8x50x32xf32, #tpu.memory_space<vmem>>) dst(%dma_wait3A_428 : memref<8x50x32xf32, #tpu.memory_space<hbm>>)
      %add3A_429 = arith.constant 3 : i32
      %add3A_430 = arith.addi %mul3A_250, %add3A_429 : i32
      %mul3A_431 = arith.constant 8 : i32
      %mul3A_432 = arith.muli %add3A_430, %mul3A_431 : i32
      %add3A_433 = arith.constant 0 : i32
      %add3A_434 = arith.addi %mul3A_432, %add3A_433 : i32
      %dma_start3A_435 = arith.constant 0 : i32
      %dma_start3A_436 = arith.constant 0 : i32
      %dma_start3A_437 = arith.constant 0 : i32
      %dma_start3A_438 = tpu.memref_slice %arg7[%dma_start3A_435, %dma_start3A_436, %dma_start3A_437] : memref<8x50x32xf32, #tpu.memory_space<vmem>> -> memref<1x50x32xf32, #tpu.memory_space<vmem>>
      %dma_start3A_439 = tpu.memref_squeeze %dma_start3A_438 : memref<1x50x32xf32, #tpu.memory_space<vmem>> -> memref<50x32xf32, #tpu.memory_space<vmem>>
      %dma_start3A_440 = arith.constant 0 : i32
      %dma_start3A_441 = tpu.memref_slice %arg5[%add3A_434, %dma_start3A_440] : memref<128x50xi32, #tpu.memory_space<vmem>> -> memref<1x50xi32, #tpu.memory_space<vmem>>
      %dma_start3A_442 = tpu.memref_squeeze %dma_start3A_441 : memref<1x50xi32, #tpu.memory_space<vmem>> -> memref<50xi32, #tpu.memory_space<vmem>>
      %dma_start3A_443 = arith.constant 0 : i32
      %dma_start3A_444 = arith.constant 0 : i32
      %dma_start3A_445 = tpu.memref_slice %arg3[%dma_start3A_443, %dma_start3A_444] : memref<1000000x32xf32, #tpu.memory_space<hbm>> -> memref<1000000x32xf32, #tpu.memory_space<hbm>>
      tpu.enqueue_indirect_dma source(%dma_start3A_445 : memref<1000000x32xf32, #tpu.memory_space<hbm>>) target(%dma_start3A_439 : memref<50x32xf32, #tpu.memory_space<vmem>>) offsets(%dma_start3A_442 : memref<50xi32, #tpu.memory_space<vmem>>) semaphore(%arg9 : memref<!tpu.dma_semaphore, #tpu.memory_space<semaphore_mem>>)
      %mul3A_446 = arith.constant 8 : i32
      %mul3A_447 = arith.muli %add3A_430, %mul3A_446 : i32
      %add3A_448 = arith.constant 1 : i32
      %add3A_449 = arith.addi %mul3A_447, %add3A_448 : i32
      %dma_start3A_450 = arith.constant 1 : i32
      %dma_start3A_451 = arith.constant 0 : i32
      %dma_start3A_452 = arith.constant 0 : i32
      %dma_start3A_453 = tpu.memref_slice %arg7[%dma_start3A_450, %dma_start3A_451, %dma_start3A_452] : memref<8x50x32xf32, #tpu.memory_space<vmem>> -> memref<1x50x32xf32, #tpu.memory_space<vmem>>
      %dma_start3A_454 = tpu.memref_squeeze %dma_start3A_453 : memref<1x50x32xf32, #tpu.memory_space<vmem>> -> memref<50x32xf32, #tpu.memory_space<vmem>>
      %dma_start3A_455 = arith.constant 0 : i32
      %dma_start3A_456 = tpu.memref_slice %arg5[%add3A_449, %dma_start3A_455] : memref<128x50xi32, #tpu.memory_space<vmem>> -> memref<1x50xi32, #tpu.memory_space<vmem>>
      %dma_start3A_457 = tpu.memref_squeeze %dma_start3A_456 : memref<1x50xi32, #tpu.memory_space<vmem>> -> memref<50xi32, #tpu.memory_space<vmem>>
      %dma_start3A_458 = arith.constant 0 : i32
      %dma_start3A_459 = arith.constant 0 : i32
      %dma_start3A_460 = tpu.memref_slice %arg3[%dma_start3A_458, %dma_start3A_459] : memref<1000000x32xf32, #tpu.memory_space<hbm>> -> memref<1000000x32xf32, #tpu.memory_space<hbm>>
      tpu.enqueue_indirect_dma source(%dma_start3A_460 : memref<1000000x32xf32, #tpu.memory_space<hbm>>) target(%dma_start3A_454 : memref<50x32xf32, #tpu.memory_space<vmem>>) offsets(%dma_start3A_457 : memref<50xi32, #tpu.memory_space<vmem>>) semaphore(%arg9 : memref<!tpu.dma_semaphore, #tpu.memory_space<semaphore_mem>>)
      %mul3A_461 = arith.constant 8 : i32
      %mul3A_462 = arith.muli %add3A_430, %mul3A_461 : i32
      %add3A_463 = arith.constant 2 : i32
      %add3A_464 = arith.addi %mul3A_462, %add3A_463 : i32
      %dma_start3A_465 = arith.constant 2 : i32
      %dma_start3A_466 = arith.constant 0 : i32
      %dma_start3A_467 = arith.constant 0 : i32
      %dma_start3A_468 = tpu.memref_slice %arg7[%dma_start3A_465, %dma_start3A_466, %dma_start3A_467] : memref<8x50x32xf32, #tpu.memory_space<vmem>> -> memref<1x50x32xf32, #tpu.memory_space<vmem>>
      %dma_start3A_469 = tpu.memref_squeeze %dma_start3A_468 : memref<1x50x32xf32, #tpu.memory_space<vmem>> -> memref<50x32xf32, #tpu.memory_space<vmem>>
      %dma_start3A_470 = arith.constant 0 : i32
      %dma_start3A_471 = tpu.memref_slice %arg5[%add3A_464, %dma_start3A_470] : memref<128x50xi32, #tpu.memory_space<vmem>> -> memref<1x50xi32, #tpu.memory_space<vmem>>
      %dma_start3A_472 = tpu.memref_squeeze %dma_start3A_471 : memref<1x50xi32, #tpu.memory_space<vmem>> -> memref<50xi32, #tpu.memory_space<vmem>>
      %dma_start3A_473 = arith.constant 0 : i32
      %dma_start3A_474 = arith.constant 0 : i32
      %dma_start3A_475 = tpu.memref_slice %arg3[%dma_start3A_473, %dma_start3A_474] : memref<1000000x32xf32, #tpu.memory_space<hbm>> -> memref<1000000x32xf32, #tpu.memory_space<hbm>>
      tpu.enqueue_indirect_dma source(%dma_start3A_475 : memref<1000000x32xf32, #tpu.memory_space<hbm>>) target(%dma_start3A_469 : memref<50x32xf32, #tpu.memory_space<vmem>>) offsets(%dma_start3A_472 : memref<50xi32, #tpu.memory_space<vmem>>) semaphore(%arg9 : memref<!tpu.dma_semaphore, #tpu.memory_space<semaphore_mem>>)
      %mul3A_476 = arith.constant 8 : i32
      %mul3A_477 = arith.muli %add3A_430, %mul3A_476 : i32
      %add3A_478 = arith.constant 3 : i32
      %add3A_479 = arith.addi %mul3A_477, %add3A_478 : i32
      %dma_start3A_480 = arith.constant 3 : i32
      %dma_start3A_481 = arith.constant 0 : i32
      %dma_start3A_482 = arith.constant 0 : i32
      %dma_start3A_483 = tpu.memref_slice %arg7[%dma_start3A_480, %dma_start3A_481, %dma_start3A_482] : memref<8x50x32xf32, #tpu.memory_space<vmem>> -> memref<1x50x32xf32, #tpu.memory_space<vmem>>
      %dma_start3A_484 = tpu.memref_squeeze %dma_start3A_483 : memref<1x50x32xf32, #tpu.memory_space<vmem>> -> memref<50x32xf32, #tpu.memory_space<vmem>>
      %dma_start3A_485 = arith.constant 0 : i32
      %dma_start3A_486 = tpu.memref_slice %arg5[%add3A_479, %dma_start3A_485] : memref<128x50xi32, #tpu.memory_space<vmem>> -> memref<1x50xi32, #tpu.memory_space<vmem>>
      %dma_start3A_487 = tpu.memref_squeeze %dma_start3A_486 : memref<1x50xi32, #tpu.memory_space<vmem>> -> memref<50xi32, #tpu.memory_space<vmem>>
      %dma_start3A_488 = arith.constant 0 : i32
      %dma_start3A_489 = arith.constant 0 : i32
      %dma_start3A_490 = tpu.memref_slice %arg3[%dma_start3A_488, %dma_start3A_489] : memref<1000000x32xf32, #tpu.memory_space<hbm>> -> memref<1000000x32xf32, #tpu.memory_space<hbm>>
      tpu.enqueue_indirect_dma source(%dma_start3A_490 : memref<1000000x32xf32, #tpu.memory_space<hbm>>) target(%dma_start3A_484 : memref<50x32xf32, #tpu.memory_space<vmem>>) offsets(%dma_start3A_487 : memref<50xi32, #tpu.memory_space<vmem>>) semaphore(%arg9 : memref<!tpu.dma_semaphore, #tpu.memory_space<semaphore_mem>>)
      %mul3A_491 = arith.constant 8 : i32
      %mul3A_492 = arith.muli %add3A_430, %mul3A_491 : i32
      %add3A_493 = arith.constant 4 : i32
      %add3A_494 = arith.addi %mul3A_492, %add3A_493 : i32
      %dma_start3A_495 = arith.constant 4 : i32
      %dma_start3A_496 = arith.constant 0 : i32
      %dma_start3A_497 = arith.constant 0 : i32
      %dma_start3A_498 = tpu.memref_slice %arg7[%dma_start3A_495, %dma_start3A_496, %dma_start3A_497] : memref<8x50x32xf32, #tpu.memory_space<vmem>> -> memref<1x50x32xf32, #tpu.memory_space<vmem>>
      %dma_start3A_499 = tpu.memref_squeeze %dma_start3A_498 : memref<1x50x32xf32, #tpu.memory_space<vmem>> -> memref<50x32xf32, #tpu.memory_space<vmem>>
      %dma_start3A_500 = arith.constant 0 : i32
      %dma_start3A_501 = tpu.memref_slice %arg5[%add3A_494, %dma_start3A_500] : memref<128x50xi32, #tpu.memory_space<vmem>> -> memref<1x50xi32, #tpu.memory_space<vmem>>
      %dma_start3A_502 = tpu.memref_squeeze %dma_start3A_501 : memref<1x50xi32, #tpu.memory_space<vmem>> -> memref<50xi32, #tpu.memory_space<vmem>>
      %dma_start3A_503 = arith.constant 0 : i32
      %dma_start3A_504 = arith.constant 0 : i32
      %dma_start3A_505 = tpu.memref_slice %arg3[%dma_start3A_503, %dma_start3A_504] : memref<1000000x32xf32, #tpu.memory_space<hbm>> -> memref<1000000x32xf32, #tpu.memory_space<hbm>>
      tpu.enqueue_indirect_dma source(%dma_start3A_505 : memref<1000000x32xf32, #tpu.memory_space<hbm>>) target(%dma_start3A_499 : memref<50x32xf32, #tpu.memory_space<vmem>>) offsets(%dma_start3A_502 : memref<50xi32, #tpu.memory_space<vmem>>) semaphore(%arg9 : memref<!tpu.dma_semaphore, #tpu.memory_space<semaphore_mem>>)
      %mul3A_506 = arith.constant 8 : i32
      %mul3A_507 = arith.muli %add3A_430, %mul3A_506 : i32
      %add3A_508 = arith.constant 5 : i32
      %add3A_509 = arith.addi %mul3A_507, %add3A_508 : i32
      %dma_start3A_510 = arith.constant 5 : i32
      %dma_start3A_511 = arith.constant 0 : i32
      %dma_start3A_512 = arith.constant 0 : i32
      %dma_start3A_513 = tpu.memref_slice %arg7[%dma_start3A_510, %dma_start3A_511, %dma_start3A_512] : memref<8x50x32xf32, #tpu.memory_space<vmem>> -> memref<1x50x32xf32, #tpu.memory_space<vmem>>
      %dma_start3A_514 = tpu.memref_squeeze %dma_start3A_513 : memref<1x50x32xf32, #tpu.memory_space<vmem>> -> memref<50x32xf32, #tpu.memory_space<vmem>>
      %dma_start3A_515 = arith.constant 0 : i32
      %dma_start3A_516 = tpu.memref_slice %arg5[%add3A_509, %dma_start3A_515] : memref<128x50xi32, #tpu.memory_space<vmem>> -> memref<1x50xi32, #tpu.memory_space<vmem>>
      %dma_start3A_517 = tpu.memref_squeeze %dma_start3A_516 : memref<1x50xi32, #tpu.memory_space<vmem>> -> memref<50xi32, #tpu.memory_space<vmem>>
      %dma_start3A_518 = arith.constant 0 : i32
      %dma_start3A_519 = arith.constant 0 : i32
      %dma_start3A_520 = tpu.memref_slice %arg3[%dma_start3A_518, %dma_start3A_519] : memref<1000000x32xf32, #tpu.memory_space<hbm>> -> memref<1000000x32xf32, #tpu.memory_space<hbm>>
      tpu.enqueue_indirect_dma source(%dma_start3A_520 : memref<1000000x32xf32, #tpu.memory_space<hbm>>) target(%dma_start3A_514 : memref<50x32xf32, #tpu.memory_space<vmem>>) offsets(%dma_start3A_517 : memref<50xi32, #tpu.memory_space<vmem>>) semaphore(%arg9 : memref<!tpu.dma_semaphore, #tpu.memory_space<semaphore_mem>>)
      %mul3A_521 = arith.constant 8 : i32
      %mul3A_522 = arith.muli %add3A_430, %mul3A_521 : i32
      %add3A_523 = arith.constant 6 : i32
      %add3A_524 = arith.addi %mul3A_522, %add3A_523 : i32
      %dma_start3A_525 = arith.constant 6 : i32
      %dma_start3A_526 = arith.constant 0 : i32
      %dma_start3A_527 = arith.constant 0 : i32
      %dma_start3A_528 = tpu.memref_slice %arg7[%dma_start3A_525, %dma_start3A_526, %dma_start3A_527] : memref<8x50x32xf32, #tpu.memory_space<vmem>> -> memref<1x50x32xf32, #tpu.memory_space<vmem>>
      %dma_start3A_529 = tpu.memref_squeeze %dma_start3A_528 : memref<1x50x32xf32, #tpu.memory_space<vmem>> -> memref<50x32xf32, #tpu.memory_space<vmem>>
      %dma_start3A_530 = arith.constant 0 : i32
      %dma_start3A_531 = tpu.memref_slice %arg5[%add3A_524, %dma_start3A_530] : memref<128x50xi32, #tpu.memory_space<vmem>> -> memref<1x50xi32, #tpu.memory_space<vmem>>
      %dma_start3A_532 = tpu.memref_squeeze %dma_start3A_531 : memref<1x50xi32, #tpu.memory_space<vmem>> -> memref<50xi32, #tpu.memory_space<vmem>>
      %dma_start3A_533 = arith.constant 0 : i32
      %dma_start3A_534 = arith.constant 0 : i32
      %dma_start3A_535 = tpu.memref_slice %arg3[%dma_start3A_533, %dma_start3A_534] : memref<1000000x32xf32, #tpu.memory_space<hbm>> -> memref<1000000x32xf32, #tpu.memory_space<hbm>>
      tpu.enqueue_indirect_dma source(%dma_start3A_535 : memref<1000000x32xf32, #tpu.memory_space<hbm>>) target(%dma_start3A_529 : memref<50x32xf32, #tpu.memory_space<vmem>>) offsets(%dma_start3A_532 : memref<50xi32, #tpu.memory_space<vmem>>) semaphore(%arg9 : memref<!tpu.dma_semaphore, #tpu.memory_space<semaphore_mem>>)
      %mul3A_536 = arith.constant 8 : i32
      %mul3A_537 = arith.muli %add3A_430, %mul3A_536 : i32
      %add3A_538 = arith.constant 7 : i32
      %add3A_539 = arith.addi %mul3A_537, %add3A_538 : i32
      %dma_start3A_540 = arith.constant 7 : i32
      %dma_start3A_541 = arith.constant 0 : i32
      %dma_start3A_542 = arith.constant 0 : i32
      %dma_start3A_543 = tpu.memref_slice %arg7[%dma_start3A_540, %dma_start3A_541, %dma_start3A_542] : memref<8x50x32xf32, #tpu.memory_space<vmem>> -> memref<1x50x32xf32, #tpu.memory_space<vmem>>
      %dma_start3A_544 = tpu.memref_squeeze %dma_start3A_543 : memref<1x50x32xf32, #tpu.memory_space<vmem>> -> memref<50x32xf32, #tpu.memory_space<vmem>>
      %dma_start3A_545 = arith.constant 0 : i32
      %dma_start3A_546 = tpu.memref_slice %arg5[%add3A_539, %dma_start3A_545] : memref<128x50xi32, #tpu.memory_space<vmem>> -> memref<1x50xi32, #tpu.memory_space<vmem>>
      %dma_start3A_547 = tpu.memref_squeeze %dma_start3A_546 : memref<1x50xi32, #tpu.memory_space<vmem>> -> memref<50xi32, #tpu.memory_space<vmem>>
      %dma_start3A_548 = arith.constant 0 : i32
      %dma_start3A_549 = arith.constant 0 : i32
      %dma_start3A_550 = tpu.memref_slice %arg3[%dma_start3A_548, %dma_start3A_549] : memref<1000000x32xf32, #tpu.memory_space<hbm>> -> memref<1000000x32xf32, #tpu.memory_space<hbm>>
      tpu.enqueue_indirect_dma source(%dma_start3A_550 : memref<1000000x32xf32, #tpu.memory_space<hbm>>) target(%dma_start3A_544 : memref<50x32xf32, #tpu.memory_space<vmem>>) offsets(%dma_start3A_547 : memref<50xi32, #tpu.memory_space<vmem>>) semaphore(%arg9 : memref<!tpu.dma_semaphore, #tpu.memory_space<semaphore_mem>>)
      %scan3A_551 = arith.constant 0 : i32
      scf.yield %scan3A_551 : i32
    }
    %scan3A_199 = arith.constant 7 : i32
    %dma_wait3A = arith.constant 0 : i32
    %dma_wait3A_200 = arith.constant 0 : i32
    %dma_wait3A_201 = arith.constant 0 : i32
    %dma_wait3A_202 = tpu.memref_slice %arg4[%dma_wait3A, %dma_wait3A_200, %dma_wait3A_201] : memref<4096x50x32xf32, #tpu.memory_space<hbm>> -> memref<8x50x32xf32, #tpu.memory_space<hbm>>
    %dma_wait3A_203 = arith.constant 0 : i32
    %dma_wait3A_204 = arith.constant 0 : i32
    %dma_wait3A_205 = arith.constant 0 : i32
    %dma_wait3A_206 = tpu.memref_slice %arg4[%dma_wait3A_203, %dma_wait3A_204, %dma_wait3A_205] : memref<4096x50x32xf32, #tpu.memory_space<hbm>> -> memref<8x50x32xf32, #tpu.memory_space<hbm>>
    tpu.wait_dma2 semaphore(%arg8 : memref<!tpu.dma_semaphore, #tpu.memory_space<semaphore_mem>>) src(%dma_wait3A_206 : memref<8x50x32xf32, #tpu.memory_space<hbm>>) dst(%arg6 : memref<8x50x32xf32, #tpu.memory_space<vmem>>)
    %add3A_207 = arith.constant 112 : i32
    %add3A_208 = arith.addi %mul3A_2, %add3A_207 : i32
    %dma_start3A_209 = arith.constant 0 : i32
    %dma_start3A_210 = arith.constant 0 : i32
    %dma_start3A_211 = tpu.memref_slice %arg4[%add3A_208, %dma_start3A_209, %dma_start3A_210] : memref<4096x50x32xf32, #tpu.memory_space<hbm>> -> memref<8x50x32xf32, #tpu.memory_space<hbm>>
    %dma_start3A_212 = arith.constant 0 : i32
    %dma_start3A_213 = arith.constant 0 : i32
    %dma_start3A_214 = tpu.memref_slice %arg4[%add3A_208, %dma_start3A_212, %dma_start3A_213] : memref<4096x50x32xf32, #tpu.memory_space<hbm>> -> memref<8x50x32xf32, #tpu.memory_space<hbm>>
    tpu.enqueue_dma source(%arg6 : memref<8x50x32xf32, #tpu.memory_space<vmem>>) target(%dma_start3A_214 : memref<8x50x32xf32, #tpu.memory_space<hbm>>) target_semaphore(%arg10 : memref<!tpu.dma_semaphore, #tpu.memory_space<semaphore_mem>>)
    %dma_wait3A_215 = arith.constant 0 : i32
    %dma_wait3A_216 = arith.constant 0 : i32
    %dma_wait3A_217 = arith.constant 0 : i32
    %dma_wait3A_218 = tpu.memref_slice %arg4[%dma_wait3A_215, %dma_wait3A_216, %dma_wait3A_217] : memref<4096x50x32xf32, #tpu.memory_space<hbm>> -> memref<8x50x32xf32, #tpu.memory_space<hbm>>
    %dma_wait3A_219 = arith.constant 0 : i32
    %dma_wait3A_220 = arith.constant 0 : i32
    %dma_wait3A_221 = arith.constant 0 : i32
    %dma_wait3A_222 = tpu.memref_slice %arg4[%dma_wait3A_219, %dma_wait3A_220, %dma_wait3A_221] : memref<4096x50x32xf32, #tpu.memory_space<hbm>> -> memref<8x50x32xf32, #tpu.memory_space<hbm>>
    tpu.wait_dma2 semaphore(%arg9 : memref<!tpu.dma_semaphore, #tpu.memory_space<semaphore_mem>>) src(%dma_wait3A_222 : memref<8x50x32xf32, #tpu.memory_space<hbm>>) dst(%arg7 : memref<8x50x32xf32, #tpu.memory_space<vmem>>)
    %add3A_223 = arith.constant 120 : i32
    %add3A_224 = arith.addi %mul3A_2, %add3A_223 : i32
    %dma_start3A_225 = arith.constant 0 : i32
    %dma_start3A_226 = arith.constant 0 : i32
    %dma_start3A_227 = tpu.memref_slice %arg4[%add3A_224, %dma_start3A_225, %dma_start3A_226] : memref<4096x50x32xf32, #tpu.memory_space<hbm>> -> memref<8x50x32xf32, #tpu.memory_space<hbm>>
    %dma_start3A_228 = arith.constant 0 : i32
    %dma_start3A_229 = arith.constant 0 : i32
    %dma_start3A_230 = tpu.memref_slice %arg4[%add3A_224, %dma_start3A_228, %dma_start3A_229] : memref<4096x50x32xf32, #tpu.memory_space<hbm>> -> memref<8x50x32xf32, #tpu.memory_space<hbm>>
    tpu.enqueue_dma source(%arg7 : memref<8x50x32xf32, #tpu.memory_space<vmem>>) target(%dma_start3A_230 : memref<8x50x32xf32, #tpu.memory_space<hbm>>) target_semaphore(%arg11 : memref<!tpu.dma_semaphore, #tpu.memory_space<semaphore_mem>>)
    %add3A_231 = arith.constant 112 : i32
    %add3A_232 = arith.addi %mul3A_2, %add3A_231 : i32
    %dma_wait3A_233 = arith.constant 0 : i32
    %dma_wait3A_234 = arith.constant 0 : i32
    %dma_wait3A_235 = tpu.memref_slice %arg4[%add3A_232, %dma_wait3A_233, %dma_wait3A_234] : memref<4096x50x32xf32, #tpu.memory_space<hbm>> -> memref<8x50x32xf32, #tpu.memory_space<hbm>>
    %dma_wait3A_236 = arith.constant 0 : i32
    %dma_wait3A_237 = arith.constant 0 : i32
    %dma_wait3A_238 = tpu.memref_slice %arg4[%add3A_232, %dma_wait3A_236, %dma_wait3A_237] : memref<4096x50x32xf32, #tpu.memory_space<hbm>> -> memref<8x50x32xf32, #tpu.memory_space<hbm>>
    tpu.wait_dma2 semaphore(%arg10 : memref<!tpu.dma_semaphore, #tpu.memory_space<semaphore_mem>>) src(%arg6 : memref<8x50x32xf32, #tpu.memory_space<vmem>>) dst(%dma_wait3A_238 : memref<8x50x32xf32, #tpu.memory_space<hbm>>)
    %add3A_239 = arith.constant 120 : i32
    %add3A_240 = arith.addi %mul3A_2, %add3A_239 : i32
    %dma_wait3A_241 = arith.constant 0 : i32
    %dma_wait3A_242 = arith.constant 0 : i32
    %dma_wait3A_243 = tpu.memref_slice %arg4[%add3A_240, %dma_wait3A_241, %dma_wait3A_242] : memref<4096x50x32xf32, #tpu.memory_space<hbm>> -> memref<8x50x32xf32, #tpu.memory_space<hbm>>
    %dma_wait3A_244 = arith.constant 0 : i32
    %dma_wait3A_245 = arith.constant 0 : i32
    %dma_wait3A_246 = tpu.memref_slice %arg4[%add3A_240, %dma_wait3A_244, %dma_wait3A_245] : memref<4096x50x32xf32, #tpu.memory_space<hbm>> -> memref<8x50x32xf32, #tpu.memory_space<hbm>>
    tpu.wait_dma2 semaphore(%arg11 : memref<!tpu.dma_semaphore, #tpu.memory_space<semaphore_mem>>) src(%arg7 : memref<8x50x32xf32, #tpu.memory_space<vmem>>) dst(%dma_wait3A_246 : memref<8x50x32xf32, #tpu.memory_space<hbm>>)
    return
  }
}

</mosaic_0001>

<sc_bundles>
// kernel: kernel.12.cloned.1.call-start
scs
__scs_entry_jumppad:
0x0: {  	(pc) =	sbr.rel $0x88, $3  }
0x1: {  	(tag) =	ssettag $0x0;
	lr =	simm.s32 $0x1  }
0x2: {  	[smem:$0x3F9F] =	sst lr;
	_ =	strace $0xD0000000  }
0x3: {  	_ = 	snop  }
0x4: {  	_ = 	snop  }
0x5: {  	_ = 	snop  }
0x6: {  	_ = 	snop  }
0x7: {  	_ = 	snop  }
__scs_overlays_trampoline_lowered:
0x8: {  	[smem:$0x3FAE] =	sst s0  }
0x9: {  	[smem:$0x3FAF] =	sst s1  }
0xa: {  	[smem:$0x3FB0] =	sst s2  }
0xb: {  	[smem:$0x3FB1] =	sst s3  }
0xc: {  	[smem:$0x3FB2] =	sst s4  }
0xd: {  	[smem:$0x3FB3] =	sst s5  }
0xe: {  	[smem:$0x3FB4] =	sst s6  }
0xf: {  	[smem:$0x3FB5] =	sst s7  }
0x10: {  	[smem:$0x3FB6] =	sst s8  }
0x11: {  	[smem:$0x3FB7] =	sst s9;
	s0 =	simm.s32 @!p0 $0x0  }
0x12: {  	s1 =	sld [smem:$0x3F9D];
	s0 =	simm.s32 @p0 $0x1  }
0x13: {  	[smem:$0x3FB8] =	sst s0;
	s0 =	simm.s32 @!p1 $0x0  }
0x14: {  	s2 =	sld [smem:$0x3F9C];
	s0 =	simm.s32 @p1 $0x1  }
0x15: {  	[smem:$0x3FB9] =	sst s0;
	s0 =	simm.s32 @!p2 $0x0  }
0x16: {  	s3 =	sld [smem:$0x3FDB];
	s0 =	simm.s32 @p2 $0x1  }
0x17: {  	s4 =	simm.s32 $0x1BF5;
	[smem:$0x3FBB] =	sst s0  }
0x18: {  	s0 =	sld [smem:$0x3F9E];
	_ =	swait.ge [sflag:s4], $0x0  }
0x19: {  	s7 =	sld [smem:$0x3F9F]  }
0x1a: {  	s8 =	sadd.s32 $0xFFFFE003, lr  }
0x1b: {  	s9 =	sadd.s32 $0xFFFFFEF7, lr;
	s5 =	simm.s32 $0xFFFFFFFF;
	p2 =	slt.u32 s8, $0xFFFFF086  }
0x1c: {  	p1 =	slt.u32 s9, $0xF7A;
	s5 =	simm.s32 @!p2 $0x0  }
0x1d: {  	s5 =	simm.s32 @p1 $0x1;
	p0 =	seq.s32 s7, s2  }
0x1e: {  	s7 =	smul.u32 @!p0 $0xF7A, s2;
	p2 =	seq.s32 @!p0 s5, $0x0  }
0x1f: {  	s9 =	smul.u32 $0xF7A, s1;
	s8 =	simm.s32 @!p0 $0x1BF5;
	p2 =	por !p2, p0  }
0x20: {  	[sflag:s8] =	ssyncset.s32 @!p0 $0xFFFFF086;
	s6 =	sadd.s32 @!p0 s3, s7;
	s7 =	simm.s32 @!p0 $0x108  }
0x21: {  	s3 =	sadd.s32 s3, s9;
	s6 =	sadd.s32 @!p0 $0x88, s6;
	s7 =	simm.s32 @p2 $0x1082  }
0x22: {  	[simem:s7], [sflag:s8] =	dma.local @!p0 [hbm:s6], $0xF7A  }
0x23: {  	s9 =	sor.u32 $0xD0000000, s2;
	s6 =	simm.s32 $0x108;
	_ =	swait.ge @!p0 [sflag:s8], $0x0  }
0x24: {  	s3 =	sadd.s32 $0x88, s3;
	s6 =	simm.s32 @!p1 $0x1082;
	[sflag:s4] =	ssyncset.s32 $0xFFFFF086  }
0x25: {  	[simem:s6], [sflag:s4] =	dma.local [hbm:s3], $0xF7A  }
0x26: {  	[smem:$0x3F9F] =	sst s1;
	(tag) =	ssettag s2;
	_ =	strace s9  }
0x27: {  	s1 =	sld [smem:$0x3FAF]  }
0x28: {  	s2 =	sld [smem:$0x3FB0]  }
0x29: {  	s4 =	sld [smem:$0x3FB2]  }
0x2a: {  	p0 =	seq.s32 s5, $0x0;
	s5 =	sld [smem:$0x3FB3]  }
0x2b: {  	s6 =	sld [smem:$0x3FB4]  }
0x2c: {  	s7 =	sld [smem:$0x3FB5]  }
0x2d: {  	s3 =	simm.s32 $0x108;
	s8 =	sld [smem:$0x3FB6]  }
0x2e: {  	s3 =	simm.s32 @!p0 $0x1082;
	s9 =	sld [smem:$0x3FB7]  }
0x2f: {  	lr =	sadd.s32 s0, s3;
	s0 =	sld [smem:$0x3FAE]  }
0x30: {  	s3 =	sld [smem:$0x3FB1]  }
0x31: {  	[smem:$0x3FBA] =	sst s10  }
0x32: {  	s10 =	sld [smem:$0x3FB8];
	_ =	sdelay $0x3  }
0x33: {  	p0 =	seq.s32 s10, $0x1;
	s10 =	sld [smem:$0x3FBA];
	_ =	sdelay $0x3  }
0x34: {  	[smem:$0x3FBA] =	sst s10  }
0x35: {  	s10 =	sld [smem:$0x3FB9];
	_ =	sdelay $0x3  }
0x36: {  	p1 =	seq.s32 s10, $0x1;
	s10 =	sld [smem:$0x3FBA];
	_ =	sdelay $0x3  }
0x37: {  	[smem:$0x3FBA] =	sst s10  }
0x38: {  	s10 =	sld [smem:$0x3FBB]  }
0x39: {  	_ = 	snop;
	(pc) =	sbr.ind lr, $3  }
0x3a: {  	_ = 	snop  }
0x3b: {  	_ = 	snop  }
0x3c: {  	p2 =	seq.s32 s10, $0x1;
	s10 =	sld [smem:$0x3FBA]  }
0x3d: {  	_ =	shalt  }
0x3e: {  	_ =	shalt  }
0x3f: {  	_ =	shalt  }
0x40: {  	_ =	shalt  }
0x41: {  	_ =	shalt  }
0x42: {  	_ =	shalt  }
0x43: {  	_ =	shalt  }
0x44: {  	_ =	shalt  }
0x45: {  	_ =	shalt  }
0x46: {  	_ =	shalt  }
0x47: {  	_ =	shalt  }
0x48: {  	_ =	shalt  }
0x49: {  	_ =	shalt  }
0x4a: {  	_ =	shalt  }
0x4b: {  	_ =	shalt  }
0x4c: {  	_ =	shalt  }
0x4d: {  	_ =	shalt  }
0x4e: {  	_ =	shalt  }
0x4f: {  	_ =	shalt  }
0x50: {  	_ =	shalt  }
0x51: {  	_ =	shalt  }
0x52: {  	_ =	shalt  }
0x53: {  	_ =	shalt  }
0x54: {  	_ =	shalt  }
0x55: {  	_ =	shalt  }
0x56: {  	_ =	shalt  }
0x57: {  	_ =	shalt  }
0x58: {  	_ =	shalt  }
0x59: {  	_ =	shalt  }
0x5a: {  	_ =	shalt  }
0x5b: {  	_ =	shalt  }
0x5c: {  	_ =	shalt  }
0x5d: {  	_ =	shalt  }
0x5e: {  	_ =	shalt  }
0x5f: {  	_ =	shalt  }
0x60: {  	_ =	shalt  }
0x61: {  	_ =	shalt  }
0x62: {  	_ =	shalt  }
0x63: {  	_ =	shalt  }
0x64: {  	_ =	shalt  }
0x65: {  	_ =	shalt  }
0x66: {  	_ =	shalt  }
0x67: {  	_ =	shalt  }
0x68: {  	_ =	shalt  }
0x69: {  	_ =	shalt  }
0x6a: {  	_ =	shalt  }
0x6b: {  	_ =	shalt  }
0x6c: {  	_ =	shalt  }
0x6d: {  	_ =	shalt  }
0x6e: {  	_ =	shalt  }
0x6f: {  	_ =	shalt  }
0x70: {  	_ =	shalt  }
0x71: {  	_ =	shalt  }
0x72: {  	_ =	shalt  }
0x73: {  	_ =	shalt  }
0x74: {  	_ =	shalt  }
0x75: {  	_ =	shalt  }
0x76: {  	_ =	shalt  }
0x77: {  	_ =	shalt  }
0x78: {  	_ =	shalt  }
0x79: {  	_ =	shalt  }
0x7a: {  	_ =	shalt  }
0x7b: {  	_ =	shalt  }
0x7c: {  	_ =	shalt  }
0x7d: {  	_ =	shalt  }
0x7e: {  	_ =	shalt  }
0x7f: {  	_ =	shalt  }
0x80: {  	_ =	shalt  }
0x81: {  	_ =	shalt  }
0x82: {  	_ =	shalt  }
0x83: {  	_ =	shalt  }
0x84: {  	_ =	shalt  }
0x85: {  	_ =	shalt  }
0x86: {  	_ =	shalt  }
0x87: {  	_ =	shalt  }
.Lfunc_end0:
.L_simem_size_0:
called_computation.2_lowered:
.L_overlay_start_0:
0x88: {  	s2 =	sld [smem:$0x3FD9]  }
0x89: {  	s3 =	sld [smem:$0x3FFE];
	_ =	sdelay $0x1  }
0x8a: {  	s1 =	srdreg.scid  }
0x8b: {  	s0 =	sand.u32 $0x1, s1  }
0x8c: {  	s17 =	sshll.u32 s0, $0xA;
	s2 =	sadd.s32 s3, s2  }
0x8d: {  	s2 =	sadd.s32 s2, s17  }
0x8e: {  	[smem:$0x3FC6] =	sst s2  }
0x8f: {  	_ = 	snop  }
0x90: {  	(tm) =	ssettm $0x1  }
0x91: {  	s18 =	sld [smem:$0x3FFB];
	_ =	sdelay $0x3  }
0x92: {  	_ =	strace s18  }
0x93: {  	s2 =	sld [smem:$0x3FFC];
	_ =	sdelay $0x3  }
0x94: {  	_ =	strace s2  }
0x95: {  	s2 =	sld [smem:$0x3FFD];
	_ =	sdelay $0x3  }
0x96: {  	_ =	strace s2  }
0x97: {  	_ =	strace $0x8FFFFFFF  }
0x98: {  	s19 =	sld [smem:$0x3FDB];
	_ =	sdelay $0x1  }
0x99: {  	s20 =	simm.s32 $_scs_section_size  }
0x9a: {  	s4 =	simm.s32 $_size__tile_overlayer_lowered;
	s5 =	simm.s32 $_tile_overlayer_lowered  }
0x9b: {  	s6 =	simm.s32 $0x1BFF;
	s21 =	sshll.u32 s5, $0x1;
	s3 =	sadd.s32 s20, s19  }
0x9c: {  	s22 =	simm.s32 $0x0;
	s4 =	sshll.u32 s4, $0x1;
	s5 =	sadd.s32 s21, s3  }
0x9d: {  	[timem:s22], [sflag:s6] =	dma.local [hbm:s5], s4  }
0x9e: {  	_ =	swait.ge [sflag:s6], s4  }
0x9f: {  	s4 =	ssub.s32 $0x0, s4;
	[sflag:s6] =	ssyncset.done $0x0  }
0xa0: {  	[sflag:s6] =	ssyncadd.s32 s4;
	_ =	sdelay $0x1  }
0xa1: {  	s23 =	simm.s32 $0x1B8B  }
0xa2: {  	_ =	swait.ge [sflag:s23], $0x1  }
0xa3: {  	[sflag:s23] =	ssyncset.done $0x0  }
0xa4: {  	[sflag:s23] =	ssyncadd.s32 $0xFFFFFFFF  }
0xa5: {  	s4 =	sld [smem:$0x0]  }
0xa6: {  	s5 =	sand.u32 $0xFFFFFFFE, s1  }
0xa7: {  	p0 =	sne.s32 s1, s5  }
0xa8: {  	s5 =	sshll.u32 @p0 s5, $0xE  }
0xa9: {  	s5 =	sadd.s32 @p0 $0x11B8D, s5;
	s6 =	sshll.u32 @p0 s4, $0x11  }
0xaa: {  	s5 =	sor.u32 @p0 s6, s5  }
0xab: {  	[sflag:s5] =	ssyncadd.remote.s32 @p0 $0x1;
	_ =	sdelay $0x1  }
0xac: {  	s5 =	simm.s32 @p0 $0x1B8D  }
0xad: {  	_ =	swait.eq @p0 [sflag:s5], $0x1  }
0xae: {  	[sflag:s5] =	ssyncadd.s32 @p0 $0xFFFFFFFF  }
0xaf: {  	s6 =	sshll.u32 @!p0 s1, $0xE  }
0xb0: {  	s6 =	sor.u32 @!p0 $0x4000, s6;
	s5 =	simm.s32 @!p0 $0x1B8D  }
0xb1: {  	s4 =	sshll.u32 @!p0 s4, $0x11;
	s6 =	sadd.s32 @!p0 $0x11B8D, s6;
	_ =	swait.eq @!p0 [sflag:s5], $0x1  }
0xb2: {  	s4 =	sor.u32 @!p0 s4, s6;
	[sflag:s5] =	ssyncadd.s32 @!p0 $0xFFFFFFFF  }
0xb3: {  	s25 =	simm.s32 $0x1B8E;
	s24 =	sld [smem:$0x3FFE];
	[sflag:s4] =	ssyncadd.remote.s32 @!p0 $0x1  }
0xb4: {  	s26 =	simm.s32 $execute0_lowered;
	[smem:$0x3FD2] =	sst s25  }
0xb5: {  	s5 =	sshll.u32 s26, $0x1;
	_ =	strace $0x8000004C;
	[dreg:$0x1] =	wrdreg $0xFFFFFFFF  }
0xb6: {  	s28 =	simm.s32 $_size_execute0_lowered;
	s3 =	sadd.s32 s3, s5;
	[dreg:$0x0] =	wrdreg $0x0  }
0xb7: {  	s5 =	sshll.u32 s28, $0x1;
	[dreg:$0x2] =	wrdreg s3  }
0xb8: {  	[dreg:$0x3] =	wrdreg s5  }
0xb9: {  	[dreg:$0x4] =	wrdreg $0xC0  }
0xba: {  	_ =	task [dreg:s22], $0x5FFFF  }
0xbb: {  	[dreg:$0x1] =	wrdreg $0xFFFFFFFF  }
0xbc: {  	[dreg:$0x0] =	wrdreg $0x60  }
0xbd: {  	[dreg:$0x2] =	wrdreg s24  }
0xbe: {  	[dreg:$0x3] =	wrdreg $0xB  }
0xbf: {  	_ =	task.clear_ibuf [dreg:s22], $0x4FFFF;
	_ =	strace $0x9000004C  }
0xc0: {  	s29 =	simm.s32 $0xB;
	_ =	strace $0x8000004E  }
0xc1: {  	_ =	swait.ge [sflag:s29], $0x1  }
0xc2: {  	[sflag:s29] =	ssyncadd.s32 $0xFFFFFFFF  }
0xc3: {  	_ =	strace $0x9000004E  }
0xc4: {  	_ =	sfence  }
0xc5: {  	s30 =	sld [smem:$0x0];
	_ =	sdelay $0x2  }
0xc6: {  	s31 =	sshll.u32 s1, $0xD;
	s1 =	sshrl.u32 s1, $0x2  }
0xc7: {  	s4 =	sand.u32 $0x4000, s31;
	s1 =	sadd.s32 s1, s30  }
0xc8: {  	s0 =	sor.u32 s4, s0;
	s1 =	sshll.u32 s1, $0x11  }
0xc9: {  	s0 =	sor.u32 s1, s0  }
0xca: {  	s0 =	sadd.s32 $0x8F2B, s0  }
0xcb: {  	[sflag:s0] =	ssyncadd.remote.s32 $0x1  }
0xcc: {  	_ =	sfence.sel $0xFFFF  }
0xcd: {  	[dreg:$0x0] =	wrdreg $0xFFFFFFFF;
	(pc) =	sbr.abs _section_cstart, $3  }
0xce: {  	[dreg:$0x1] =	wrdreg $0xFFFFFFFF  }
0xcf: {  	_ =	task.clear_ibuf [dreg:s22], $0x2FFFF;
	_ =	strace $0x9FFFFFFF  }
0xd0: {  	(tm) =	ssettm $0x7FFFFFFF  }
0xd1: {  	_ =	shalt  }
tec
execute0_lowered:
.L_overlay_start_1:
0x0: {  	(tag) =	ssettag $0x1  }
0x1: {  	s0 =	srdreg.scid  }
0x2: {  	s8 =	stileid.u32;
	s1 =	rddreg [dreg:$0x0]  }
0x3: {  	s2 =	simm.s32 $0x0;
	s9 =	simm.s32 $0x5;
	s10 =	simm.s32 $0x32  }
0x4: {  	s11 =	simm.s32 $0x1C00;
	s13 =	simm.s32 $0x2240;
	s15 =	simm.s32 $0x2880  }
0x5: {  	s17 =	simm.s32 $0x2EC0;
	s19 =	simm.s32 $0x3500;
	s21 =	simm.s32 $0x3B40  }
0x6: {  	s23 =	simm.s32 $0x4180;
	s28 =	simm.s32 $0x4E00;
	s30 =	simm.s32 $0x5440  }
0x7: {  	s12 =	simm.s32 $0x60C0;
	s16 =	simm.s32 $0x6700;
	s20 =	simm.s32 $0x6D40  }
0x8: {  	s24 =	simm.s32 $0x7380;
	s29 =	simm.s32 $0x79C0;
	s31 =	simm.s32 $0x1  }
0x9: {  	s14 =	simm.s32 $0x3;
	s18 =	simm.s32 $0x4;
	s0 =	sand.u32 $0x1, s0  }
0xa: {  	s22 =	simm.s32 $0x0;
	s3 =	sshll.u32 s8, $0x8;
	s4 =	sshll.u32 s0, $0x7  }
0xb: {  	s8 =	smul.u32 $0xC800, s8;
	s6 =	ssub.s32 $0x2, s0;
	s3 =	sor.u32 s4, s3  }
0xc: {  	[smem:$0x7FF] =	sst s2;
	s7 =	sshrl.u32 s6, $0x1;
	s4 =	smul.u32 $0x7, s3  }
0xd: {  	_ =	strace $0x8000004D;
	s5 =	smul.u32 $0x640, s3;
	s7 =	ssub.s32 s6, s7  }
0xe: {  	s0 =	smul.u32 $0x6400, s0;
	s3 =	sadd.s32 $0xF45800, s1;
	s7 =	smax.u32 s7, $0x1  }
0xf: {  	s4 =	sadd.s32 s4, s1;
	s1 =	sadd.s32 $0xE7400, s1;
	s5 =	sshrl.u32 s5, $0x3  }
0x10: {  	s5 =	sadd.s32 s1, s5;
	s4 =	sadd.s32 $0x3400, s4;
	s1 =	sadd.s32 s8, s1  }
0x11: {  	[dreg:$0x2] =	wrdreg s4;
	s25 =	sadd.s32 $0x5780, s5;
	s26 =	sadd.s32 $0x5DC0, s5  }
0x12: {  	s8 =	sadd.s32 s0, s1;
	s1 =	simm.s32 $0x5A80;
	[dreg:$0x3] =	wrdreg s25  }
0x13: {  	s0 =	simm.s32 $0x2;
	[dreg:$0x4] =	wrdreg s26;
	s25 =	simm.s32 $0x47C0  }
.LBB2_1:
0x14: {  	s4 =	rddreg [dreg:$0x2]  }
0x15: {  	[tilespmem:s2], [sflag:$0x5] =	stream.linear.gather [hbm4b:s4+s2], $0x1C00, $0x38;
	[tilespmem:$0x8000] =	vst v63  }
0x16: {  	_ =	swait.ge [sflag:s9], $0x1C00  }
0x17: {  	[sflag:s9] =	ssyncset.done $0x0  }
0x18: {  	[sflag:s9] =	ssyncadd.s32 $0xFFFFE400  }
0x19: {  	[tilespmem:s11], [sflag:$0x1] =	stream.indirect.gather [hbm4b:s3+s10], $0x20, s2, s10, $0xb8;
	[tilespmem:$0x8000] =	vst v63  }
0x1a: {  	s26 =	simm.s32 $0x38  }
0x1b: {  	[tilespmem:s13], [sflag:$0x1] =	stream.indirect.gather [hbm4b:s3+s10], $0x20, s26, s10, $0xb8;
	[tilespmem:$0x8000] =	vst v63  }
0x1c: {  	s5 =	simm.s32 $0x70  }
0x1d: {  	[tilespmem:s15], [sflag:$0x1] =	stream.indirect.gather [hbm4b:s3+s10], $0x20, s5, s10, $0xb8;
	[tilespmem:$0x8000] =	vst v63  }
0x1e: {  	s6 =	simm.s32 $0xA8  }
0x1f: {  	[tilespmem:s17], [sflag:$0x1] =	stream.indirect.gather [hbm4b:s3+s10], $0x20, s6, s10, $0xb8;
	[tilespmem:$0x8000] =	vst v63  }
0x20: {  	s26 =	simm.s32 $0xE0  }
0x21: {  	[tilespmem:s19], [sflag:$0x1] =	stream.indirect.gather [hbm4b:s3+s10], $0x20, s26, s10, $0xb8;
	[tilespmem:$0x8000] =	vst v63  }
0x22: {  	s5 =	simm.s32 $0x118  }
0x23: {  	[tilespmem:s21], [sflag:$0x1] =	stream.indirect.gather [hbm4b:s3+s10], $0x20, s5, s10, $0xb8;
	[tilespmem:$0x8000] =	vst v63  }
0x24: {  	s6 =	simm.s32 $0x150  }
0x25: {  	[tilespmem:s23], [sflag:$0x1] =	stream.indirect.gather [hbm4b:s3+s10], $0x20, s6, s10, $0xb8;
	[tilespmem:$0x8000] =	vst v63  }
0x26: {  	s26 =	simm.s32 $0x188  }
0x27: {  	[tilespmem:s25], [sflag:$0x1] =	stream.indirect.gather [hbm4b:s3+s10], $0x20, s26, s10, $0xb8;
	[tilespmem:$0x8000] =	vst v63  }
0x28: {  	s5 =	simm.s32 $0x1C0  }
0x29: {  	[tilespmem:s28], [sflag:$0x2] =	stream.indirect.gather [hbm4b:s3+s10], $0x20, s5, s10, $0xb8;
	[tilespmem:$0x8000] =	vst v63  }
0x2a: {  	s6 =	simm.s32 $0x1F8  }
0x2b: {  	[tilespmem:s30], [sflag:$0x2] =	stream.indirect.gather [hbm4b:s3+s10], $0x20, s6, s10, $0xb8;
	[tilespmem:$0x8000] =	vst v63  }
0x2c: {  	s26 =	simm.s32 $0x230  }
0x2d: {  	[tilespmem:s1], [sflag:$0x2] =	stream.indirect.gather [hbm4b:s3+s10], $0x20, s26, s10, $0xb8;
	[tilespmem:$0x8000] =	vst v63  }
0x2e: {  	s5 =	simm.s32 $0x268  }
0x2f: {  	[tilespmem:s12], [sflag:$0x2] =	stream.indirect.gather [hbm4b:s3+s10], $0x20, s5, s10, $0xb8;
	[tilespmem:$0x8000] =	vst v63  }
0x30: {  	s6 =	simm.s32 $0x2A0  }
0x31: {  	[tilespmem:s16], [sflag:$0x2] =	stream.indirect.gather [hbm4b:s3+s10], $0x20, s6, s10, $0xb8;
	[tilespmem:$0x8000] =	vst v63  }
0x32: {  	s26 =	simm.s32 $0x2D8  }
0x33: {  	[tilespmem:s20], [sflag:$0x2] =	stream.indirect.gather [hbm4b:s3+s10], $0x20, s26, s10, $0xb8;
	[tilespmem:$0x8000] =	vst v63  }
0x34: {  	s5 =	simm.s32 $0x310  }
0x35: {  	[tilespmem:s24], [sflag:$0x2] =	stream.indirect.gather [hbm4b:s3+s10], $0x20, s5, s10, $0xb8;
	[tilespmem:$0x8000] =	vst v63  }
0x36: {  	s6 =	simm.s32 $0x348  }
0x37: {  	[tilespmem:s29], [sflag:$0x2] =	stream.indirect.gather [hbm4b:s3+s10], $0x20, s6, s10, $0xb8;
	[tilespmem:$0x8000] =	vst v63  }
0x38: {  	_ =	swait.ge [sflag:s31], $0x3200  }
0x39: {  	[sflag:s31] =	ssyncset.done $0x0  }
0x3a: {  	[sflag:s31] =	ssyncadd.s32 $0xFFFFCE00  }
0x3b: {  	[hbm4b:s8+s2] =	stream.linear.scatter [tilespmem:s11], [sflag:$0x3], $0x3200, $0x38;
	[tilespmem:$0x8000] =	vst v63  }
0x3c: {  	_ =	swait.ge [sflag:s0], $0x3200  }
0x3d: {  	[sflag:s0] =	ssyncset.done $0x0  }
0x3e: {  	s26 =	sadd.s32 $0x640, s8;
	[sflag:s0] =	ssyncadd.s32 $0xFFFFCE00  }
0x3f: {  	[hbm4b:s26+s2] =	stream.linear.scatter [tilespmem:s28], [sflag:$0x4], $0x3200, $0x38;
	[tilespmem:$0x8000] =	vst v63  }
0x40: {  	_ =	swait.ge [sflag:s14], $0x3200  }
0x41: {  	[sflag:s14] =	ssyncset.done $0x0  }
0x42: {  	s5 =	simm.s32 $0x380;
	[sflag:s14] =	ssyncadd.s32 $0xFFFFCE00  }
0x43: {  	[tilespmem:s11], [sflag:$0x1] =	stream.indirect.gather [hbm4b:s3+s10], $0x20, s5, s10, $0xb8;
	[tilespmem:$0x8000] =	vst v63  }
0x44: {  	s6 =	simm.s32 $0x3B8  }
0x45: {  	[tilespmem:s13], [sflag:$0x1] =	stream.indirect.gather [hbm4b:s3+s10], $0x20, s6, s10, $0xb8;
	[tilespmem:$0x8000] =	vst v63  }
0x46: {  	s26 =	simm.s32 $0x3F0  }
0x47: {  	[tilespmem:s15], [sflag:$0x1] =	stream.indirect.gather [hbm4b:s3+s10], $0x20, s26, s10, $0xb8;
	[tilespmem:$0x8000] =	vst v63  }
0x48: {  	s5 =	simm.s32 $0x428  }
0x49: {  	[tilespmem:s17], [sflag:$0x1] =	stream.indirect.gather [hbm4b:s3+s10], $0x20, s5, s10, $0xb8;
	[tilespmem:$0x8000] =	vst v63  }
0x4a: {  	s6 =	simm.s32 $0x460  }
0x4b: {  	[tilespmem:s19], [sflag:$0x1] =	stream.indirect.gather [hbm4b:s3+s10], $0x20, s6, s10, $0xb8;
	[tilespmem:$0x8000] =	vst v63  }
0x4c: {  	s26 =	simm.s32 $0x498  }
0x4d: {  	[tilespmem:s21], [sflag:$0x1] =	stream.indirect.gather [hbm4b:s3+s10], $0x20, s26, s10, $0xb8;
	[tilespmem:$0x8000] =	vst v63  }
0x4e: {  	s5 =	simm.s32 $0x4D0  }
0x4f: {  	[tilespmem:s23], [sflag:$0x1] =	stream.indirect.gather [hbm4b:s3+s10], $0x20, s5, s10, $0xb8;
	[tilespmem:$0x8000] =	vst v63  }
0x50: {  	s6 =	simm.s32 $0x508  }
0x51: {  	[tilespmem:s25], [sflag:$0x1] =	stream.indirect.gather [hbm4b:s3+s10], $0x20, s6, s10, $0xb8;
	[tilespmem:$0x8000] =	vst v63  }
0x52: {  	_ =	swait.ge [sflag:s18], $0x3200  }
0x53: {  	[sflag:s18] =	ssyncset.done $0x0  }
0x54: {  	s26 =	simm.s32 $0x540;
	[sflag:s18] =	ssyncadd.s32 $0xFFFFCE00  }
0x55: {  	[tilespmem:s28], [sflag:$0x2] =	stream.indirect.gather [hbm4b:s3+s10], $0x20, s26, s10, $0xb8;
	[tilespmem:$0x8000] =	vst v63  }
0x56: {  	s5 =	simm.s32 $0x578  }
0x57: {  	[tilespmem:s30], [sflag:$0x2] =	stream.indirect.gather [hbm4b:s3+s10], $0x20, s5, s10, $0xb8;
	[tilespmem:$0x8000] =	vst v63  }
0x58: {  	s6 =	simm.s32 $0x5B0  }
0x59: {  	[tilespmem:s1], [sflag:$0x2] =	stream.indirect.gather [hbm4b:s3+s10], $0x20, s6, s10, $0xb8;
	[tilespmem:$0x8000] =	vst v63  }
0x5a: {  	s26 =	simm.s32 $0x5E8  }
0x5b: {  	[tilespmem:s12], [sflag:$0x2] =	stream.indirect.gather [hbm4b:s3+s10], $0x20, s26, s10, $0xb8;
	[tilespmem:$0x8000] =	vst v63  }
0x5c: {  	s5 =	simm.s32 $0x620  }
0x5d: {  	[tilespmem:s16], [sflag:$0x2] =	stream.indirect.gather [hbm4b:s3+s10], $0x20, s5, s10, $0xb8;
	[tilespmem:$0x8000] =	vst v63  }
0x5e: {  	s6 =	simm.s32 $0x658  }
0x5f: {  	[tilespmem:s20], [sflag:$0x2] =	stream.indirect.gather [hbm4b:s3+s10], $0x20, s6, s10, $0xb8;
	[tilespmem:$0x8000] =	vst v63  }
0x60: {  	s26 =	simm.s32 $0x690  }
0x61: {  	[tilespmem:s24], [sflag:$0x2] =	stream.indirect.gather [hbm4b:s3+s10], $0x20, s26, s10, $0xb8;
	[tilespmem:$0x8000] =	vst v63  }
0x62: {  	s4 =	sadd.s32 $0xC80, s8;
	s5 =	simm.s32 $0x6C8;
	s26 =	simm.s32 $0xE00  }
.LBB2_2:
0x63: {  	[tilespmem:s29], [sflag:$0x2] =	stream.indirect.gather [hbm4b:s3+s10], $0x20, s5, s10, $0xb8;
	[tilespmem:$0x8000] =	vst v63  }
0x64: {  	s5 =	smov.u32 s26  }
0x65: {  	p0 =	sne.s32 s26, $0x5400;
	s26 =	sadd.s32 $0xE00, s26;
	_ =	swait.ge [sflag:s31], $0x3200  }
0x66: {  	[sflag:s31] =	ssyncset.done $0x0  }
0x67: {  	[sflag:s31] =	ssyncadd.s32 $0xFFFFCE00  }
0x68: {  	[hbm4b:s4+s2] =	stream.linear.scatter [tilespmem:s11], [sflag:$0x3], $0x3200, $0x38;
	[tilespmem:$0x8000] =	vst v63  }
0x69: {  	_ =	swait.ge [sflag:s0], $0x3200  }
0x6a: {  	[sflag:s0] =	ssyncset.done $0x0  }
0x6b: {  	s6 =	sadd.s32 $0x640, s4;
	[sflag:s0] =	ssyncadd.s32 $0xFFFFCE00  }
0x6c: {  	[hbm4b:s6+s2] =	stream.linear.scatter [tilespmem:s28], [sflag:$0x4], $0x3200, $0x38;
	[tilespmem:$0x8000] =	vst v63  }
0x6d: {  	_ =	swait.ge [sflag:s14], $0x3200  }
0x6e: {  	s5 =	sshra.s32 s5, $0x2;
	[sflag:s14] =	ssyncset.done $0x0  }
0x6f: {  	s6 =	sadd.s32 $0x380, s5;
	[sflag:s14] =	ssyncadd.s32 $0xFFFFCE00  }
0x70: {  	[tilespmem:s11], [sflag:$0x1] =	stream.indirect.gather [hbm4b:s3+s10], $0x20, s6, s10, $0xb8;
	[tilespmem:$0x8000] =	vst v63  }
0x71: {  	s6 =	sadd.s32 $0x3B8, s5  }
0x72: {  	[tilespmem:s13], [sflag:$0x1] =	stream.indirect.gather [hbm4b:s3+s10], $0x20, s6, s10, $0xb8;
	[tilespmem:$0x8000] =	vst v63  }
0x73: {  	s6 =	sadd.s32 $0x3F0, s5  }
0x74: {  	[tilespmem:s15], [sflag:$0x1] =	stream.indirect.gather [hbm4b:s3+s10], $0x20, s6, s10, $0xb8;
	[tilespmem:$0x8000] =	vst v63  }
0x75: {  	s6 =	sadd.s32 $0x428, s5  }
0x76: {  	[tilespmem:s17], [sflag:$0x1] =	stream.indirect.gather [hbm4b:s3+s10], $0x20, s6, s10, $0xb8;
	[tilespmem:$0x8000] =	vst v63  }
0x77: {  	s6 =	sadd.s32 $0x460, s5  }
0x78: {  	[tilespmem:s19], [sflag:$0x1] =	stream.indirect.gather [hbm4b:s3+s10], $0x20, s6, s10, $0xb8;
	[tilespmem:$0x8000] =	vst v63  }
0x79: {  	s6 =	sadd.s32 $0x498, s5  }
0x7a: {  	[tilespmem:s21], [sflag:$0x1] =	stream.indirect.gather [hbm4b:s3+s10], $0x20, s6, s10, $0xb8;
	[tilespmem:$0x8000] =	vst v63  }
0x7b: {  	s6 =	sadd.s32 $0x4D0, s5  }
0x7c: {  	[tilespmem:s23], [sflag:$0x1] =	stream.indirect.gather [hbm4b:s3+s10], $0x20, s6, s10, $0xb8;
	[tilespmem:$0x8000] =	vst v63  }
0x7d: {  	s6 =	sadd.s32 $0x508, s5  }
0x7e: {  	[tilespmem:s25], [sflag:$0x1] =	stream.indirect.gather [hbm4b:s3+s10], $0x20, s6, s10, $0xb8;
	[tilespmem:$0x8000] =	vst v63  }
0x7f: {  	_ =	swait.ge [sflag:s18], $0x3200  }
0x80: {  	[sflag:s18] =	ssyncset.done $0x0  }
0x81: {  	s6 =	sadd.s32 $0x540, s5;
	[sflag:s18] =	ssyncadd.s32 $0xFFFFCE00  }
0x82: {  	[tilespmem:s28], [sflag:$0x2] =	stream.indirect.gather [hbm4b:s3+s10], $0x20, s6, s10, $0xb8;
	[tilespmem:$0x8000] =	vst v63  }
0x83: {  	s6 =	sadd.s32 $0x578, s5  }
0x84: {  	[tilespmem:s30], [sflag:$0x2] =	stream.indirect.gather [hbm4b:s3+s10], $0x20, s6, s10, $0xb8;
	[tilespmem:$0x8000] =	vst v63  }
0x85: {  	s6 =	sadd.s32 $0x5B0, s5  }
0x86: {  	[tilespmem:s1], [sflag:$0x2] =	stream.indirect.gather [hbm4b:s3+s10], $0x20, s6, s10, $0xb8;
	[tilespmem:$0x8000] =	vst v63  }
0x87: {  	s6 =	sadd.s32 $0x5E8, s5  }
0x88: {  	[tilespmem:s12], [sflag:$0x2] =	stream.indirect.gather [hbm4b:s3+s10], $0x20, s6, s10, $0xb8;
	[tilespmem:$0x8000] =	vst v63  }
0x89: {  	s6 =	sadd.s32 $0x620, s5  }
0x8a: {  	[tilespmem:s16], [sflag:$0x2] =	stream.indirect.gather [hbm4b:s3+s10], $0x20, s6, s10, $0xb8;
	[tilespmem:$0x8000] =	vst v63  }
.Ltmp0:
0x8b: {  	s6 =	sadd.s32 $0x658, s5;
	(pc) =	sbr.rel @p0 .LBB2_2-.Ltmp0, $4  }
0x8c: {  	[tilespmem:s20], [sflag:$0x2] =	stream.indirect.gather [hbm4b:s3+s10], $0x20, s6, s10, $0xb8;
	[tilespmem:$0x8000] =	vst v63  }
0x8d: {  	s6 =	sadd.s32 $0x690, s5  }
0x8e: {  	[tilespmem:s24], [sflag:$0x2] =	stream.indirect.gather [hbm4b:s3+s10], $0x20, s6, s10, $0xb8;
	[tilespmem:$0x8000] =	vst v63  }
0x8f: {  	s4 =	sadd.s32 $0xC80, s4;
	s5 =	sadd.s32 $0x6C8, s5  }
0x90: {  	[tilespmem:s29], [sflag:$0x2] =	stream.indirect.gather [hbm4b:s3+s10], $0x20, s5, s10, $0xb8;
	[tilespmem:$0x8000] =	vst v63  }
0x91: {  	_ =	swait.ge [sflag:s31], $0x3200  }
0x92: {  	[sflag:s31] =	ssyncset.done $0x0  }
0x93: {  	s4 =	rddreg [dreg:$0x3];
	[sflag:s31] =	ssyncadd.s32 $0xFFFFCE00  }
0x94: {  	[hbm4b:s4+s2] =	stream.linear.scatter [tilespmem:s11], [sflag:$0x3], $0x3200, $0x38;
	[tilespmem:$0x8000] =	vst v63  }
0x95: {  	_ =	swait.ge [sflag:s0], $0x3200  }
0x96: {  	[sflag:s0] =	ssyncset.done $0x0  }
0x97: {  	s22 =	sadd.s32 $0x1, s22;
	s26 =	rddreg [dreg:$0x4];
	[sflag:s0] =	ssyncadd.s32 $0xFFFFCE00  }
0x98: {  	[hbm4b:s26+s2] =	stream.linear.scatter [tilespmem:s28], [sflag:$0x4], $0x3200, $0x38;
	[tilespmem:$0x8000] =	vst v63  }
0x99: {  	p0 =	sne.s32 s22, s7;
	_ =	swait.ge [sflag:s14], $0x3200  }
.Ltmp1:
0x9a: {  	[sflag:s14] =	ssyncset.done $0x0;
	(pc) =	sbr.rel @p0 .LBB2_1-.Ltmp1, $4  }
0x9b: {  	[sflag:s14] =	ssyncadd.s32 $0xFFFFCE00  }
0x9c: {  	_ =	swait.ge [sflag:s18], $0x3200  }
0x9d: {  	[sflag:s18] =	ssyncset.done $0x0  }
0x9e: {  	[sflag:s18] =	ssyncadd.s32 $0xFFFFCE00  }
0x9f: {  	_ =	sfence.sel $0x180000  }
0xa0: {  	[bflag:$0x0] =	sbarrier.arrive $0xFFFF  }
0xa1: {  	_ =	strace $0x9000004D  }
0xa2: {  	s0 =	stileid.u32;
	[bflag:$0x2] =	sbarrier.arrive $0xFFFF  }
0xa3: {  	p0 =	sne.s32 s0, $0x0;
	s0 =	rddreg [dreg:$0x1]  }
0xa4: {  	s0 =	sadd.s32 @!p0 $0x100000, s0  }
0xa5: {  	[sflag:s0] =	ssyncadd.tile.s32 @!p0 $0x1;
	_ =	shalt  }
.Lfunc_end2:
_tile_overlayer_lowered:
.L_overlay_start_2:
0xa6: {  	(tag) =	ssettag $0x2  }
0xa7: {  	s0 =	rddreg [dreg:$0x0];
	s2 =	stileid.u32  }
0xa8: {  	s1 =	rddreg [dreg:$0x1];
	p0 =	sne.s32 s2, $0x0  }
0xa9: {  	s3 =	rddreg [dreg:$0x2];
	[bflag:$0x3] =	sbarrier.arrive $0xFFFF;
	s2 =	simm.s32 @!p0 $0x1C05  }
0xaa: {  	[timem:s3], [sflag:s2] =	dma.local @!p0 [hbm:s0], s1  }
0xab: {  	s0 =	simm.s32 @!p0 $0x5  }
0xac: {  	_ =	swait.ge @!p0 [sflag:s0], s1  }
0xad: {  	s1 =	ssub.s32 @!p0 $0x0, s1;
	[sflag:s0] =	ssyncset.done @!p0 $0x0  }
0xae: {  	[sflag:s0] =	ssyncadd.s32 @!p0 s1  }
0xaf: {  	[bflag:$0x3] =	sbarrier.arrive $0xFFFF  }
0xb0: {  	_ =	shalt  }

// kernel: kernel.15.cloned.1.call-start
scs
__scs_entry_jumppad:
0x0: {  	(pc) =	sbr.rel $0x88, $3  }
0x1: {  	(tag) =	ssettag $0x0;
	lr =	simm.s32 $0x1  }
0x2: {  	[smem:$0x3F9F] =	sst lr;
	_ =	strace $0xD0000000  }
0x3: {  	_ = 	snop  }
0x4: {  	_ = 	snop  }
0x5: {  	_ = 	snop  }
0x6: {  	_ = 	snop  }
0x7: {  	_ = 	snop  }
__scs_overlays_trampoline_lowered:
0x8: {  	[smem:$0x3FAE] =	sst s0  }
0x9: {  	[smem:$0x3FAF] =	sst s1  }
0xa: {  	[smem:$0x3FB0] =	sst s2  }
0xb: {  	[smem:$0x3FB1] =	sst s3  }
0xc: {  	[smem:$0x3FB2] =	sst s4  }
0xd: {  	[smem:$0x3FB3] =	sst s5  }
0xe: {  	[smem:$0x3FB4] =	sst s6  }
0xf: {  	[smem:$0x3FB5] =	sst s7  }
0x10: {  	[smem:$0x3FB6] =	sst s8  }
0x11: {  	[smem:$0x3FB7] =	sst s9;
	s0 =	simm.s32 @!p0 $0x0  }
0x12: {  	s1 =	sld [smem:$0x3F9D];
	s0 =	simm.s32 @p0 $0x1  }
0x13: {  	[smem:$0x3FB8] =	sst s0;
	s0 =	simm.s32 @!p1 $0x0  }
0x14: {  	s2 =	sld [smem:$0x3F9C];
	s0 =	simm.s32 @p1 $0x1  }
0x15: {  	[smem:$0x3FB9] =	sst s0;
	s0 =	simm.s32 @!p2 $0x0  }
0x16: {  	s3 =	sld [smem:$0x3FDB];
	s0 =	simm.s32 @p2 $0x1  }
0x17: {  	s4 =	simm.s32 $0x1BF5;
	[smem:$0x3FBB] =	sst s0  }
0x18: {  	s0 =	sld [smem:$0x3F9E];
	_ =	swait.ge [sflag:s4], $0x0  }
0x19: {  	s7 =	sld [smem:$0x3F9F]  }
0x1a: {  	s8 =	sadd.s32 $0xFFFFE003, lr  }
0x1b: {  	s9 =	sadd.s32 $0xFFFFFEF7, lr;
	s5 =	simm.s32 $0xFFFFFFFF;
	p2 =	slt.u32 s8, $0xFFFFF086  }
0x1c: {  	p1 =	slt.u32 s9, $0xF7A;
	s5 =	simm.s32 @!p2 $0x0  }
0x1d: {  	s5 =	simm.s32 @p1 $0x1;
	p0 =	seq.s32 s7, s2  }
0x1e: {  	s7 =	smul.u32 @!p0 $0xF7A, s2;
	p2 =	seq.s32 @!p0 s5, $0x0  }
0x1f: {  	s9 =	smul.u32 $0xF7A, s1;
	s8 =	simm.s32 @!p0 $0x1BF5;
	p2 =	por !p2, p0  }
0x20: {  	[sflag:s8] =	ssyncset.s32 @!p0 $0xFFFFF086;
	s6 =	sadd.s32 @!p0 s3, s7;
	s7 =	simm.s32 @!p0 $0x108  }
0x21: {  	s3 =	sadd.s32 s3, s9;
	s6 =	sadd.s32 @!p0 $0x88, s6;
	s7 =	simm.s32 @p2 $0x1082  }
0x22: {  	[simem:s7], [sflag:s8] =	dma.local @!p0 [hbm:s6], $0xF7A  }
0x23: {  	s9 =	sor.u32 $0xD0000000, s2;
	s6 =	simm.s32 $0x108;
	_ =	swait.ge @!p0 [sflag:s8], $0x0  }
0x24: {  	s3 =	sadd.s32 $0x88, s3;
	s6 =	simm.s32 @!p1 $0x1082;
	[sflag:s4] =	ssyncset.s32 $0xFFFFF086  }
0x25: {  	[simem:s6], [sflag:s4] =	dma.local [hbm:s3], $0xF7A  }
0x26: {  	[smem:$0x3F9F] =	sst s1;
	(tag) =	ssettag s2;
	_ =	strace s9  }
0x27: {  	s1 =	sld [smem:$0x3FAF]  }
0x28: {  	s2 =	sld [smem:$0x3FB0]  }
0x29: {  	s4 =	sld [smem:$0x3FB2]  }
0x2a: {  	p0 =	seq.s32 s5, $0x0;
	s5 =	sld [smem:$0x3FB3]  }
0x2b: {  	s6 =	sld [smem:$0x3FB4]  }
0x2c: {  	s7 =	sld [smem:$0x3FB5]  }
0x2d: {  	s3 =	simm.s32 $0x108;
	s8 =	sld [smem:$0x3FB6]  }
0x2e: {  	s3 =	simm.s32 @!p0 $0x1082;
	s9 =	sld [smem:$0x3FB7]  }
0x2f: {  	lr =	sadd.s32 s0, s3;
	s0 =	sld [smem:$0x3FAE]  }
0x30: {  	s3 =	sld [smem:$0x3FB1]  }
0x31: {  	[smem:$0x3FBA] =	sst s10  }
0x32: {  	s10 =	sld [smem:$0x3FB8];
	_ =	sdelay $0x3  }
0x33: {  	p0 =	seq.s32 s10, $0x1;
	s10 =	sld [smem:$0x3FBA];
	_ =	sdelay $0x3  }
0x34: {  	[smem:$0x3FBA] =	sst s10  }
0x35: {  	s10 =	sld [smem:$0x3FB9];
	_ =	sdelay $0x3  }
0x36: {  	p1 =	seq.s32 s10, $0x1;
	s10 =	sld [smem:$0x3FBA];
	_ =	sdelay $0x3  }
0x37: {  	[smem:$0x3FBA] =	sst s10  }
0x38: {  	s10 =	sld [smem:$0x3FBB]  }
0x39: {  	_ = 	snop;
	(pc) =	sbr.ind lr, $3  }
0x3a: {  	_ = 	snop  }
0x3b: {  	_ = 	snop  }
0x3c: {  	p2 =	seq.s32 s10, $0x1;
	s10 =	sld [smem:$0x3FBA]  }
0x3d: {  	_ =	shalt  }
0x3e: {  	_ =	shalt  }
0x3f: {  	_ =	shalt  }
0x40: {  	_ =	shalt  }
0x41: {  	_ =	shalt  }
0x42: {  	_ =	shalt  }
0x43: {  	_ =	shalt  }
0x44: {  	_ =	shalt  }
0x45: {  	_ =	shalt  }
0x46: {  	_ =	shalt  }
0x47: {  	_ =	shalt  }
0x48: {  	_ =	shalt  }
0x49: {  	_ =	shalt  }
0x4a: {  	_ =	shalt  }
0x4b: {  	_ =	shalt  }
0x4c: {  	_ =	shalt  }
0x4d: {  	_ =	shalt  }
0x4e: {  	_ =	shalt  }
0x4f: {  	_ =	shalt  }
0x50: {  	_ =	shalt  }
0x51: {  	_ =	shalt  }
0x52: {  	_ =	shalt  }
0x53: {  	_ =	shalt  }
0x54: {  	_ =	shalt  }
0x55: {  	_ =	shalt  }
0x56: {  	_ =	shalt  }
0x57: {  	_ =	shalt  }
0x58: {  	_ =	shalt  }
0x59: {  	_ =	shalt  }
0x5a: {  	_ =	shalt  }
0x5b: {  	_ =	shalt  }
0x5c: {  	_ =	shalt  }
0x5d: {  	_ =	shalt  }
0x5e: {  	_ =	shalt  }
0x5f: {  	_ =	shalt  }
0x60: {  	_ =	shalt  }
0x61: {  	_ =	shalt  }
0x62: {  	_ =	shalt  }
0x63: {  	_ =	shalt  }
0x64: {  	_ =	shalt  }
0x65: {  	_ =	shalt  }
0x66: {  	_ =	shalt  }
0x67: {  	_ =	shalt  }
0x68: {  	_ =	shalt  }
0x69: {  	_ =	shalt  }
0x6a: {  	_ =	shalt  }
0x6b: {  	_ =	shalt  }
0x6c: {  	_ =	shalt  }
0x6d: {  	_ =	shalt  }
0x6e: {  	_ =	shalt  }
0x6f: {  	_ =	shalt  }
0x70: {  	_ =	shalt  }
0x71: {  	_ =	shalt  }
0x72: {  	_ =	shalt  }
0x73: {  	_ =	shalt  }
0x74: {  	_ =	shalt  }
0x75: {  	_ =	shalt  }
0x76: {  	_ =	shalt  }
0x77: {  	_ =	shalt  }
0x78: {  	_ =	shalt  }
0x79: {  	_ =	shalt  }
0x7a: {  	_ =	shalt  }
0x7b: {  	_ =	shalt  }
0x7c: {  	_ =	shalt  }
0x7d: {  	_ =	shalt  }
0x7e: {  	_ =	shalt  }
0x7f: {  	_ =	shalt  }
0x80: {  	_ =	shalt  }
0x81: {  	_ =	shalt  }
0x82: {  	_ =	shalt  }
0x83: {  	_ =	shalt  }
0x84: {  	_ =	shalt  }
0x85: {  	_ =	shalt  }
0x86: {  	_ =	shalt  }
0x87: {  	_ =	shalt  }
.Lfunc_end0:
.L_simem_size_0:
called_computation.3_lowered:
.L_overlay_start_0:
0x88: {  	s2 =	sld [smem:$0x3FD9]  }
0x89: {  	s3 =	sld [smem:$0x3FFE];
	_ =	sdelay $0x1  }
0x8a: {  	s1 =	srdreg.scid  }
0x8b: {  	s0 =	sand.u32 $0x1, s1  }
0x8c: {  	s17 =	sshll.u32 s0, $0xA;
	s2 =	sadd.s32 s3, s2  }
0x8d: {  	s2 =	sadd.s32 s2, s17  }
0x8e: {  	[smem:$0x3FC6] =	sst s2  }
0x8f: {  	_ = 	snop  }
0x90: {  	(tm) =	ssettm $0x1  }
0x91: {  	s18 =	sld [smem:$0x3FFB];
	_ =	sdelay $0x3  }
0x92: {  	_ =	strace s18  }
0x93: {  	s2 =	sld [smem:$0x3FFC];
	_ =	sdelay $0x3  }
0x94: {  	_ =	strace s2  }
0x95: {  	s2 =	sld [smem:$0x3FFD];
	_ =	sdelay $0x3  }
0x96: {  	_ =	strace s2  }
0x97: {  	_ =	strace $0x8FFFFFFF  }
0x98: {  	s19 =	sld [smem:$0x3FDB];
	_ =	sdelay $0x1  }
0x99: {  	s20 =	simm.s32 $_scs_section_size  }
0x9a: {  	s4 =	simm.s32 $_size__tile_overlayer_lowered;
	s5 =	simm.s32 $_tile_overlayer_lowered  }
0x9b: {  	s6 =	simm.s32 $0x1BFF;
	s21 =	sshll.u32 s5, $0x1;
	s3 =	sadd.s32 s20, s19  }
0x9c: {  	s22 =	simm.s32 $0x0;
	s4 =	sshll.u32 s4, $0x1;
	s5 =	sadd.s32 s21, s3  }
0x9d: {  	[timem:s22], [sflag:s6] =	dma.local [hbm:s5], s4  }
0x9e: {  	_ =	swait.ge [sflag:s6], s4  }
0x9f: {  	s4 =	ssub.s32 $0x0, s4;
	[sflag:s6] =	ssyncset.done $0x0  }
0xa0: {  	[sflag:s6] =	ssyncadd.s32 s4;
	_ =	sdelay $0x1  }
0xa1: {  	s23 =	simm.s32 $0x1B8B  }
0xa2: {  	_ =	swait.ge [sflag:s23], $0x1  }
0xa3: {  	[sflag:s23] =	ssyncset.done $0x0  }
0xa4: {  	[sflag:s23] =	ssyncadd.s32 $0xFFFFFFFF  }
0xa5: {  	s4 =	sld [smem:$0x0]  }
0xa6: {  	s5 =	sand.u32 $0xFFFFFFFE, s1  }
0xa7: {  	p0 =	sne.s32 s1, s5  }
0xa8: {  	s5 =	sshll.u32 @p0 s5, $0xE  }
0xa9: {  	s5 =	sadd.s32 @p0 $0x11B8D, s5;
	s6 =	sshll.u32 @p0 s4, $0x11  }
0xaa: {  	s5 =	sor.u32 @p0 s6, s5  }
0xab: {  	[sflag:s5] =	ssyncadd.remote.s32 @p0 $0x1;
	_ =	sdelay $0x1  }
0xac: {  	s5 =	simm.s32 @p0 $0x1B8D  }
0xad: {  	_ =	swait.eq @p0 [sflag:s5], $0x1  }
0xae: {  	[sflag:s5] =	ssyncadd.s32 @p0 $0xFFFFFFFF  }
0xaf: {  	s6 =	sshll.u32 @!p0 s1, $0xE  }
0xb0: {  	s6 =	sor.u32 @!p0 $0x4000, s6;
	s5 =	simm.s32 @!p0 $0x1B8D  }
0xb1: {  	s4 =	sshll.u32 @!p0 s4, $0x11;
	s6 =	sadd.s32 @!p0 $0x11B8D, s6;
	_ =	swait.eq @!p0 [sflag:s5], $0x1  }
0xb2: {  	s4 =	sor.u32 @!p0 s4, s6;
	[sflag:s5] =	ssyncadd.s32 @!p0 $0xFFFFFFFF  }
0xb3: {  	s25 =	simm.s32 $0x1B8E;
	s24 =	sld [smem:$0x3FFE];
	[sflag:s4] =	ssyncadd.remote.s32 @!p0 $0x1  }
0xb4: {  	s26 =	simm.s32 $execute0_lowered;
	[smem:$0x3FD2] =	sst s25  }
0xb5: {  	s5 =	sshll.u32 s26, $0x1;
	_ =	strace $0x8000004F;
	[dreg:$0x1] =	wrdreg $0xFFFFFFFF  }
0xb6: {  	s28 =	simm.s32 $_size_execute0_lowered;
	s3 =	sadd.s32 s3, s5;
	[dreg:$0x0] =	wrdreg $0x0  }
0xb7: {  	s5 =	sshll.u32 s28, $0x1;
	[dreg:$0x2] =	wrdreg s3  }
0xb8: {  	[dreg:$0x3] =	wrdreg s5  }
0xb9: {  	[dreg:$0x4] =	wrdreg $0xC0  }
0xba: {  	_ =	task [dreg:s22], $0x5FFFF  }
0xbb: {  	[dreg:$0x1] =	wrdreg $0xFFFFFFFF  }
0xbc: {  	[dreg:$0x0] =	wrdreg $0x60  }
0xbd: {  	[dreg:$0x2] =	wrdreg s24  }
0xbe: {  	[dreg:$0x3] =	wrdreg $0xC  }
0xbf: {  	_ =	task.clear_ibuf [dreg:s22], $0x4FFFF;
	_ =	strace $0x9000004F  }
0xc0: {  	s29 =	simm.s32 $0xC;
	_ =	strace $0x80000051  }
0xc1: {  	_ =	swait.ge [sflag:s29], $0x1  }
0xc2: {  	[sflag:s29] =	ssyncadd.s32 $0xFFFFFFFF  }
0xc3: {  	_ =	strace $0x90000051  }
0xc4: {  	_ =	sfence  }
0xc5: {  	s30 =	sld [smem:$0x0];
	_ =	sdelay $0x2  }
0xc6: {  	s31 =	sshll.u32 s1, $0xD;
	s1 =	sshrl.u32 s1, $0x2  }
0xc7: {  	s4 =	sand.u32 $0x4000, s31;
	s1 =	sadd.s32 s1, s30  }
0xc8: {  	s0 =	sor.u32 s4, s0;
	s1 =	sshll.u32 s1, $0x11  }
0xc9: {  	s0 =	sor.u32 s1, s0  }
0xca: {  	s0 =	sadd.s32 $0x8F2B, s0  }
0xcb: {  	[sflag:s0] =	ssyncadd.remote.s32 $0x1  }
0xcc: {  	_ =	sfence.sel $0xFFFF  }
0xcd: {  	[dreg:$0x0] =	wrdreg $0xFFFFFFFF;
	(pc) =	sbr.abs _section_cstart, $3  }
0xce: {  	[dreg:$0x1] =	wrdreg $0xFFFFFFFF  }
0xcf: {  	_ =	task.clear_ibuf [dreg:s22], $0x2FFFF;
	_ =	strace $0x9FFFFFFF  }
0xd0: {  	(tm) =	ssettm $0x7FFFFFFF  }
0xd1: {  	_ =	shalt  }
tec
execute0_lowered:
.L_overlay_start_1:
0x0: {  	(tag) =	ssettag $0x1  }
0x1: {  	s0 =	srdreg.scid  }
0x2: {  	s8 =	stileid.u32;
	s1 =	rddreg [dreg:$0x0]  }
0x3: {  	s2 =	simm.s32 $0x0;
	s9 =	simm.s32 $0x5;
	s10 =	simm.s32 $0x32  }
0x4: {  	s11 =	simm.s32 $0x1C00;
	s13 =	simm.s32 $0x2240;
	s15 =	simm.s32 $0x2880  }
0x5: {  	s17 =	simm.s32 $0x2EC0;
	s19 =	simm.s32 $0x3500;
	s21 =	simm.s32 $0x3B40  }
0x6: {  	s23 =	simm.s32 $0x4180;
	s28 =	simm.s32 $0x4E00;
	s30 =	simm.s32 $0x5440  }
0x7: {  	s12 =	simm.s32 $0x60C0;
	s16 =	simm.s32 $0x6700;
	s20 =	simm.s32 $0x6D40  }
0x8: {  	s24 =	simm.s32 $0x7380;
	s29 =	simm.s32 $0x79C0;
	s31 =	simm.s32 $0x1  }
0x9: {  	s14 =	simm.s32 $0x3;
	s18 =	simm.s32 $0x4;
	s0 =	sand.u32 $0x1, s0  }
0xa: {  	s22 =	simm.s32 $0x0;
	s3 =	sshll.u32 s8, $0x8;
	s4 =	sshll.u32 s0, $0x7  }
0xb: {  	s8 =	smul.u32 $0xC800, s8;
	s6 =	ssub.s32 $0x2, s0;
	s3 =	sor.u32 s4, s3  }
0xc: {  	[smem:$0x7FF] =	sst s2;
	s7 =	sshrl.u32 s6, $0x1;
	s4 =	smul.u32 $0x7, s3  }
0xd: {  	_ =	strace $0x80000050;
	s5 =	smul.u32 $0x640, s3;
	s7 =	ssub.s32 s6, s7  }
0xe: {  	s0 =	smul.u32 $0x6400, s0;
	s3 =	sadd.s32 $0xF45800, s1;
	s7 =	smax.u32 s7, $0x1  }
0xf: {  	s4 =	sadd.s32 s4, s1;
	s1 =	sadd.s32 $0x1AF400, s1;
	s5 =	sshrl.u32 s5, $0x3  }
0x10: {  	s5 =	sadd.s32 s1, s5;
	s4 =	sadd.s32 $0xA400, s4;
	s1 =	sadd.s32 s8, s1  }
0x11: {  	[dreg:$0x2] =	wrdreg s4;
	s25 =	sadd.s32 $0x5780, s5;
	s26 =	sadd.s32 $0x5DC0, s5  }
0x12: {  	s8 =	sadd.s32 s0, s1;
	s1 =	simm.s32 $0x5A80;
	[dreg:$0x3] =	wrdreg s25  }
0x13: {  	s0 =	simm.s32 $0x2;
	[dreg:$0x4] =	wrdreg s26;
	s25 =	simm.s32 $0x47C0  }
.LBB2_1:
0x14: {  	s4 =	rddreg [dreg:$0x2]  }
0x15: {  	[tilespmem:s2], [sflag:$0x5] =	stream.linear.gather [hbm4b:s4+s2], $0x1C00, $0x38;
	[tilespmem:$0x8000] =	vst v63  }
0x16: {  	_ =	swait.ge [sflag:s9], $0x1C00  }
0x17: {  	[sflag:s9] =	ssyncset.done $0x0  }
0x18: {  	[sflag:s9] =	ssyncadd.s32 $0xFFFFE400  }
0x19: {  	[tilespmem:s11], [sflag:$0x1] =	stream.indirect.gather [hbm4b:s3+s10], $0x20, s2, s10, $0xb8;
	[tilespmem:$0x8000] =	vst v63  }
0x1a: {  	s26 =	simm.s32 $0x38  }
0x1b: {  	[tilespmem:s13], [sflag:$0x1] =	stream.indirect.gather [hbm4b:s3+s10], $0x20, s26, s10, $0xb8;
	[tilespmem:$0x8000] =	vst v63  }
0x1c: {  	s5 =	simm.s32 $0x70  }
0x1d: {  	[tilespmem:s15], [sflag:$0x1] =	stream.indirect.gather [hbm4b:s3+s10], $0x20, s5, s10, $0xb8;
	[tilespmem:$0x8000] =	vst v63  }
0x1e: {  	s6 =	simm.s32 $0xA8  }
0x1f: {  	[tilespmem:s17], [sflag:$0x1] =	stream.indirect.gather [hbm4b:s3+s10], $0x20, s6, s10, $0xb8;
	[tilespmem:$0x8000] =	vst v63  }
0x20: {  	s26 =	simm.s32 $0xE0  }
0x21: {  	[tilespmem:s19], [sflag:$0x1] =	stream.indirect.gather [hbm4b:s3+s10], $0x20, s26, s10, $0xb8;
	[tilespmem:$0x8000] =	vst v63  }
0x22: {  	s5 =	simm.s32 $0x118  }
0x23: {  	[tilespmem:s21], [sflag:$0x1] =	stream.indirect.gather [hbm4b:s3+s10], $0x20, s5, s10, $0xb8;
	[tilespmem:$0x8000] =	vst v63  }
0x24: {  	s6 =	simm.s32 $0x150  }
0x25: {  	[tilespmem:s23], [sflag:$0x1] =	stream.indirect.gather [hbm4b:s3+s10], $0x20, s6, s10, $0xb8;
	[tilespmem:$0x8000] =	vst v63  }
0x26: {  	s26 =	simm.s32 $0x188  }
0x27: {  	[tilespmem:s25], [sflag:$0x1] =	stream.indirect.gather [hbm4b:s3+s10], $0x20, s26, s10, $0xb8;
	[tilespmem:$0x8000] =	vst v63  }
0x28: {  	s5 =	simm.s32 $0x1C0  }
0x29: {  	[tilespmem:s28], [sflag:$0x2] =	stream.indirect.gather [hbm4b:s3+s10], $0x20, s5, s10, $0xb8;
	[tilespmem:$0x8000] =	vst v63  }
0x2a: {  	s6 =	simm.s32 $0x1F8  }
0x2b: {  	[tilespmem:s30], [sflag:$0x2] =	stream.indirect.gather [hbm4b:s3+s10], $0x20, s6, s10, $0xb8;
	[tilespmem:$0x8000] =	vst v63  }
0x2c: {  	s26 =	simm.s32 $0x230  }
0x2d: {  	[tilespmem:s1], [sflag:$0x2] =	stream.indirect.gather [hbm4b:s3+s10], $0x20, s26, s10, $0xb8;
	[tilespmem:$0x8000] =	vst v63  }
0x2e: {  	s5 =	simm.s32 $0x268  }
0x2f: {  	[tilespmem:s12], [sflag:$0x2] =	stream.indirect.gather [hbm4b:s3+s10], $0x20, s5, s10, $0xb8;
	[tilespmem:$0x8000] =	vst v63  }
0x30: {  	s6 =	simm.s32 $0x2A0  }
0x31: {  	[tilespmem:s16], [sflag:$0x2] =	stream.indirect.gather [hbm4b:s3+s10], $0x20, s6, s10, $0xb8;
	[tilespmem:$0x8000] =	vst v63  }
0x32: {  	s26 =	simm.s32 $0x2D8  }
0x33: {  	[tilespmem:s20], [sflag:$0x2] =	stream.indirect.gather [hbm4b:s3+s10], $0x20, s26, s10, $0xb8;
	[tilespmem:$0x8000] =	vst v63  }
0x34: {  	s5 =	simm.s32 $0x310  }
0x35: {  	[tilespmem:s24], [sflag:$0x2] =	stream.indirect.gather [hbm4b:s3+s10], $0x20, s5, s10, $0xb8;
	[tilespmem:$0x8000] =	vst v63  }
0x36: {  	s6 =	simm.s32 $0x348  }
0x37: {  	[tilespmem:s29], [sflag:$0x2] =	stream.indirect.gather [hbm4b:s3+s10], $0x20, s6, s10, $0xb8;
	[tilespmem:$0x8000] =	vst v63  }
0x38: {  	_ =	swait.ge [sflag:s31], $0x3200  }
0x39: {  	[sflag:s31] =	ssyncset.done $0x0  }
0x3a: {  	[sflag:s31] =	ssyncadd.s32 $0xFFFFCE00  }
0x3b: {  	[hbm4b:s8+s2] =	stream.linear.scatter [tilespmem:s11], [sflag:$0x3], $0x3200, $0x38;
	[tilespmem:$0x8000] =	vst v63  }
0x3c: {  	_ =	swait.ge [sflag:s0], $0x3200  }
0x3d: {  	[sflag:s0] =	ssyncset.done $0x0  }
0x3e: {  	s26 =	sadd.s32 $0x640, s8;
	[sflag:s0] =	ssyncadd.s32 $0xFFFFCE00  }
0x3f: {  	[hbm4b:s26+s2] =	stream.linear.scatter [tilespmem:s28], [sflag:$0x4], $0x3200, $0x38;
	[tilespmem:$0x8000] =	vst v63  }
0x40: {  	_ =	swait.ge [sflag:s14], $0x3200  }
0x41: {  	[sflag:s14] =	ssyncset.done $0x0  }
0x42: {  	s5 =	simm.s32 $0x380;
	[sflag:s14] =	ssyncadd.s32 $0xFFFFCE00  }
0x43: {  	[tilespmem:s11], [sflag:$0x1] =	stream.indirect.gather [hbm4b:s3+s10], $0x20, s5, s10, $0xb8;
	[tilespmem:$0x8000] =	vst v63  }
0x44: {  	s6 =	simm.s32 $0x3B8  }
0x45: {  	[tilespmem:s13], [sflag:$0x1] =	stream.indirect.gather [hbm4b:s3+s10], $0x20, s6, s10, $0xb8;
	[tilespmem:$0x8000] =	vst v63  }
0x46: {  	s26 =	simm.s32 $0x3F0  }
0x47: {  	[tilespmem:s15], [sflag:$0x1] =	stream.indirect.gather [hbm4b:s3+s10], $0x20, s26, s10, $0xb8;
	[tilespmem:$0x8000] =	vst v63  }
0x48: {  	s5 =	simm.s32 $0x428  }
0x49: {  	[tilespmem:s17], [sflag:$0x1] =	stream.indirect.gather [hbm4b:s3+s10], $0x20, s5, s10, $0xb8;
	[tilespmem:$0x8000] =	vst v63  }
0x4a: {  	s6 =	simm.s32 $0x460  }
0x4b: {  	[tilespmem:s19], [sflag:$0x1] =	stream.indirect.gather [hbm4b:s3+s10], $0x20, s6, s10, $0xb8;
	[tilespmem:$0x8000] =	vst v63  }
0x4c: {  	s26 =	simm.s32 $0x498  }
0x4d: {  	[tilespmem:s21], [sflag:$0x1] =	stream.indirect.gather [hbm4b:s3+s10], $0x20, s26, s10, $0xb8;
	[tilespmem:$0x8000] =	vst v63  }
0x4e: {  	s5 =	simm.s32 $0x4D0  }
0x4f: {  	[tilespmem:s23], [sflag:$0x1] =	stream.indirect.gather [hbm4b:s3+s10], $0x20, s5, s10, $0xb8;
	[tilespmem:$0x8000] =	vst v63  }
0x50: {  	s6 =	simm.s32 $0x508  }
0x51: {  	[tilespmem:s25], [sflag:$0x1] =	stream.indirect.gather [hbm4b:s3+s10], $0x20, s6, s10, $0xb8;
	[tilespmem:$0x8000] =	vst v63  }
0x52: {  	_ =	swait.ge [sflag:s18], $0x3200  }
0x53: {  	[sflag:s18] =	ssyncset.done $0x0  }
0x54: {  	s26 =	simm.s32 $0x540;
	[sflag:s18] =	ssyncadd.s32 $0xFFFFCE00  }
0x55: {  	[tilespmem:s28], [sflag:$0x2] =	stream.indirect.gather [hbm4b:s3+s10], $0x20, s26, s10, $0xb8;
	[tilespmem:$0x8000] =	vst v63  }
0x56: {  	s5 =	simm.s32 $0x578  }
0x57: {  	[tilespmem:s30], [sflag:$0x2] =	stream.indirect.gather [hbm4b:s3+s10], $0x20, s5, s10, $0xb8;
	[tilespmem:$0x8000] =	vst v63  }
0x58: {  	s6 =	simm.s32 $0x5B0  }
0x59: {  	[tilespmem:s1], [sflag:$0x2] =	stream.indirect.gather [hbm4b:s3+s10], $0x20, s6, s10, $0xb8;
	[tilespmem:$0x8000] =	vst v63  }
0x5a: {  	s26 =	simm.s32 $0x5E8  }
0x5b: {  	[tilespmem:s12], [sflag:$0x2] =	stream.indirect.gather [hbm4b:s3+s10], $0x20, s26, s10, $0xb8;
	[tilespmem:$0x8000] =	vst v63  }
0x5c: {  	s5 =	simm.s32 $0x620  }
0x5d: {  	[tilespmem:s16], [sflag:$0x2] =	stream.indirect.gather [hbm4b:s3+s10], $0x20, s5, s10, $0xb8;
	[tilespmem:$0x8000] =	vst v63  }
0x5e: {  	s6 =	simm.s32 $0x658  }
0x5f: {  	[tilespmem:s20], [sflag:$0x2] =	stream.indirect.gather [hbm4b:s3+s10], $0x20, s6, s10, $0xb8;
	[tilespmem:$0x8000] =	vst v63  }
0x60: {  	s26 =	simm.s32 $0x690  }
0x61: {  	[tilespmem:s24], [sflag:$0x2] =	stream.indirect.gather [hbm4b:s3+s10], $0x20, s26, s10, $0xb8;
	[tilespmem:$0x8000] =	vst v63  }
0x62: {  	s4 =	sadd.s32 $0xC80, s8;
	s5 =	simm.s32 $0x6C8;
	s26 =	simm.s32 $0xE00  }
.LBB2_2:
0x63: {  	[tilespmem:s29], [sflag:$0x2] =	stream.indirect.gather [hbm4b:s3+s10], $0x20, s5, s10, $0xb8;
	[tilespmem:$0x8000] =	vst v63  }
0x64: {  	s5 =	smov.u32 s26  }
0x65: {  	p0 =	sne.s32 s26, $0x5400;
	s26 =	sadd.s32 $0xE00, s26;
	_ =	swait.ge [sflag:s31], $0x3200  }
0x66: {  	[sflag:s31] =	ssyncset.done $0x0  }
0x67: {  	[sflag:s31] =	ssyncadd.s32 $0xFFFFCE00  }
0x68: {  	[hbm4b:s4+s2] =	stream.linear.scatter [tilespmem:s11], [sflag:$0x3], $0x3200, $0x38;
	[tilespmem:$0x8000] =	vst v63  }
0x69: {  	_ =	swait.ge [sflag:s0], $0x3200  }
0x6a: {  	[sflag:s0] =	ssyncset.done $0x0  }
0x6b: {  	s6 =	sadd.s32 $0x640, s4;
	[sflag:s0] =	ssyncadd.s32 $0xFFFFCE00  }
0x6c: {  	[hbm4b:s6+s2] =	stream.linear.scatter [tilespmem:s28], [sflag:$0x4], $0x3200, $0x38;
	[tilespmem:$0x8000] =	vst v63  }
0x6d: {  	_ =	swait.ge [sflag:s14], $0x3200  }
0x6e: {  	s5 =	sshra.s32 s5, $0x2;
	[sflag:s14] =	ssyncset.done $0x0  }
0x6f: {  	s6 =	sadd.s32 $0x380, s5;
	[sflag:s14] =	ssyncadd.s32 $0xFFFFCE00  }
0x70: {  	[tilespmem:s11], [sflag:$0x1] =	stream.indirect.gather [hbm4b:s3+s10], $0x20, s6, s10, $0xb8;
	[tilespmem:$0x8000] =	vst v63  }
0x71: {  	s6 =	sadd.s32 $0x3B8, s5  }
0x72: {  	[tilespmem:s13], [sflag:$0x1] =	stream.indirect.gather [hbm4b:s3+s10], $0x20, s6, s10, $0xb8;
	[tilespmem:$0x8000] =	vst v63  }
0x73: {  	s6 =	sadd.s32 $0x3F0, s5  }
0x74: {  	[tilespmem:s15], [sflag:$0x1] =	stream.indirect.gather [hbm4b:s3+s10], $0x20, s6, s10, $0xb8;
	[tilespmem:$0x8000] =	vst v63  }
0x75: {  	s6 =	sadd.s32 $0x428, s5  }
0x76: {  	[tilespmem:s17], [sflag:$0x1] =	stream.indirect.gather [hbm4b:s3+s10], $0x20, s6, s10, $0xb8;
	[tilespmem:$0x8000] =	vst v63  }
0x77: {  	s6 =	sadd.s32 $0x460, s5  }
0x78: {  	[tilespmem:s19], [sflag:$0x1] =	stream.indirect.gather [hbm4b:s3+s10], $0x20, s6, s10, $0xb8;
	[tilespmem:$0x8000] =	vst v63  }
0x79: {  	s6 =	sadd.s32 $0x498, s5  }
0x7a: {  	[tilespmem:s21], [sflag:$0x1] =	stream.indirect.gather [hbm4b:s3+s10], $0x20, s6, s10, $0xb8;
	[tilespmem:$0x8000] =	vst v63  }
0x7b: {  	s6 =	sadd.s32 $0x4D0, s5  }
0x7c: {  	[tilespmem:s23], [sflag:$0x1] =	stream.indirect.gather [hbm4b:s3+s10], $0x20, s6, s10, $0xb8;
	[tilespmem:$0x8000] =	vst v63  }
0x7d: {  	s6 =	sadd.s32 $0x508, s5  }
0x7e: {  	[tilespmem:s25], [sflag:$0x1] =	stream.indirect.gather [hbm4b:s3+s10], $0x20, s6, s10, $0xb8;
	[tilespmem:$0x8000] =	vst v63  }
0x7f: {  	_ =	swait.ge [sflag:s18], $0x3200  }
0x80: {  	[sflag:s18] =	ssyncset.done $0x0  }
0x81: {  	s6 =	sadd.s32 $0x540, s5;
	[sflag:s18] =	ssyncadd.s32 $0xFFFFCE00  }
0x82: {  	[tilespmem:s28], [sflag:$0x2] =	stream.indirect.gather [hbm4b:s3+s10], $0x20, s6, s10, $0xb8;
	[tilespmem:$0x8000] =	vst v63  }
0x83: {  	s6 =	sadd.s32 $0x578, s5  }
0x84: {  	[tilespmem:s30], [sflag:$0x2] =	stream.indirect.gather [hbm4b:s3+s10], $0x20, s6, s10, $0xb8;
	[tilespmem:$0x8000] =	vst v63  }
0x85: {  	s6 =	sadd.s32 $0x5B0, s5  }
0x86: {  	[tilespmem:s1], [sflag:$0x2] =	stream.indirect.gather [hbm4b:s3+s10], $0x20, s6, s10, $0xb8;
	[tilespmem:$0x8000] =	vst v63  }
0x87: {  	s6 =	sadd.s32 $0x5E8, s5  }
0x88: {  	[tilespmem:s12], [sflag:$0x2] =	stream.indirect.gather [hbm4b:s3+s10], $0x20, s6, s10, $0xb8;
	[tilespmem:$0x8000] =	vst v63  }
0x89: {  	s6 =	sadd.s32 $0x620, s5  }
0x8a: {  	[tilespmem:s16], [sflag:$0x2] =	stream.indirect.gather [hbm4b:s3+s10], $0x20, s6, s10, $0xb8;
	[tilespmem:$0x8000] =	vst v63  }
.Ltmp0:
0x8b: {  	s6 =	sadd.s32 $0x658, s5;
	(pc) =	sbr.rel @p0 .LBB2_2-.Ltmp0, $4  }
0x8c: {  	[tilespmem:s20], [sflag:$0x2] =	stream.indirect.gather [hbm4b:s3+s10], $0x20, s6, s10, $0xb8;
	[tilespmem:$0x8000] =	vst v63  }
0x8d: {  	s6 =	sadd.s32 $0x690, s5  }
0x8e: {  	[tilespmem:s24], [sflag:$0x2] =	stream.indirect.gather [hbm4b:s3+s10], $0x20, s6, s10, $0xb8;
	[tilespmem:$0x8000] =	vst v63  }
0x8f: {  	s4 =	sadd.s32 $0xC80, s4;
	s5 =	sadd.s32 $0x6C8, s5  }
0x90: {  	[tilespmem:s29], [sflag:$0x2] =	stream.indirect.gather [hbm4b:s3+s10], $0x20, s5, s10, $0xb8;
	[tilespmem:$0x8000] =	vst v63  }
0x91: {  	_ =	swait.ge [sflag:s31], $0x3200  }
0x92: {  	[sflag:s31] =	ssyncset.done $0x0  }
0x93: {  	s4 =	rddreg [dreg:$0x3];
	[sflag:s31] =	ssyncadd.s32 $0xFFFFCE00  }
0x94: {  	[hbm4b:s4+s2] =	stream.linear.scatter [tilespmem:s11], [sflag:$0x3], $0x3200, $0x38;
	[tilespmem:$0x8000] =	vst v63  }
0x95: {  	_ =	swait.ge [sflag:s0], $0x3200  }
0x96: {  	[sflag:s0] =	ssyncset.done $0x0  }
0x97: {  	s22 =	sadd.s32 $0x1, s22;
	s26 =	rddreg [dreg:$0x4];
	[sflag:s0] =	ssyncadd.s32 $0xFFFFCE00  }
0x98: {  	[hbm4b:s26+s2] =	stream.linear.scatter [tilespmem:s28], [sflag:$0x4], $0x3200, $0x38;
	[tilespmem:$0x8000] =	vst v63  }
0x99: {  	p0 =	sne.s32 s22, s7;
	_ =	swait.ge [sflag:s14], $0x3200  }
.Ltmp1:
0x9a: {  	[sflag:s14] =	ssyncset.done $0x0;
	(pc) =	sbr.rel @p0 .LBB2_1-.Ltmp1, $4  }
0x9b: {  	[sflag:s14] =	ssyncadd.s32 $0xFFFFCE00  }
0x9c: {  	_ =	swait.ge [sflag:s18], $0x3200  }
0x9d: {  	[sflag:s18] =	ssyncset.done $0x0  }
0x9e: {  	[sflag:s18] =	ssyncadd.s32 $0xFFFFCE00  }
0x9f: {  	_ =	sfence.sel $0x180000  }
0xa0: {  	[bflag:$0x0] =	sbarrier.arrive $0xFFFF  }
0xa1: {  	_ =	strace $0x90000050  }
0xa2: {  	s0 =	stileid.u32;
	[bflag:$0x2] =	sbarrier.arrive $0xFFFF  }
0xa3: {  	p0 =	sne.s32 s0, $0x0;
	s0 =	rddreg [dreg:$0x1]  }
0xa4: {  	s0 =	sadd.s32 @!p0 $0x100000, s0  }
0xa5: {  	[sflag:s0] =	ssyncadd.tile.s32 @!p0 $0x1;
	_ =	shalt  }
.Lfunc_end2:
_tile_overlayer_lowered:
.L_overlay_start_2:
0xa6: {  	(tag) =	ssettag $0x2  }
0xa7: {  	s0 =	rddreg [dreg:$0x0];
	s2 =	stileid.u32  }
0xa8: {  	s1 =	rddreg [dreg:$0x1];
	p0 =	sne.s32 s2, $0x0  }
0xa9: {  	s3 =	rddreg [dreg:$0x2];
	[bflag:$0x3] =	sbarrier.arrive $0xFFFF;
	s2 =	simm.s32 @!p0 $0x1C05  }
0xaa: {  	[timem:s3], [sflag:s2] =	dma.local @!p0 [hbm:s0], s1  }
0xab: {  	s0 =	simm.s32 @!p0 $0x5  }
0xac: {  	_ =	swait.ge @!p0 [sflag:s0], s1  }
0xad: {  	s1 =	ssub.s32 @!p0 $0x0, s1;
	[sflag:s0] =	ssyncset.done @!p0 $0x0  }
0xae: {  	[sflag:s0] =	ssyncadd.s32 @!p0 s1  }
0xaf: {  	[bflag:$0x3] =	sbarrier.arrive $0xFFFF  }
0xb0: {  	_ =	shalt  }

// kernel: kernel.6.cloned.1.call-start
scs
__scs_entry_jumppad:
0x0: {  	(pc) =	sbr.rel $0x88, $3  }
0x1: {  	(tag) =	ssettag $0x0;
	lr =	simm.s32 $0x1  }
0x2: {  	[smem:$0x3F9F] =	sst lr;
	_ =	strace $0xD0000000  }
0x3: {  	_ = 	snop  }
0x4: {  	_ = 	snop  }
0x5: {  	_ = 	snop  }
0x6: {  	_ = 	snop  }
0x7: {  	_ = 	snop  }
__scs_overlays_trampoline_lowered:
0x8: {  	[smem:$0x3FAE] =	sst s0  }
0x9: {  	[smem:$0x3FAF] =	sst s1  }
0xa: {  	[smem:$0x3FB0] =	sst s2  }
0xb: {  	[smem:$0x3FB1] =	sst s3  }
0xc: {  	[smem:$0x3FB2] =	sst s4  }
0xd: {  	[smem:$0x3FB3] =	sst s5  }
0xe: {  	[smem:$0x3FB4] =	sst s6  }
0xf: {  	[smem:$0x3FB5] =	sst s7  }
0x10: {  	[smem:$0x3FB6] =	sst s8  }
0x11: {  	[smem:$0x3FB7] =	sst s9;
	s0 =	simm.s32 @!p0 $0x0  }
0x12: {  	s1 =	sld [smem:$0x3F9D];
	s0 =	simm.s32 @p0 $0x1  }
0x13: {  	[smem:$0x3FB8] =	sst s0;
	s0 =	simm.s32 @!p1 $0x0  }
0x14: {  	s2 =	sld [smem:$0x3F9C];
	s0 =	simm.s32 @p1 $0x1  }
0x15: {  	[smem:$0x3FB9] =	sst s0;
	s0 =	simm.s32 @!p2 $0x0  }
0x16: {  	s3 =	sld [smem:$0x3FDB];
	s0 =	simm.s32 @p2 $0x1  }
0x17: {  	s4 =	simm.s32 $0x1BF5;
	[smem:$0x3FBB] =	sst s0  }
0x18: {  	s0 =	sld [smem:$0x3F9E];
	_ =	swait.ge [sflag:s4], $0x0  }
0x19: {  	s7 =	sld [smem:$0x3F9F]  }
0x1a: {  	s8 =	sadd.s32 $0xFFFFE003, lr  }
0x1b: {  	s9 =	sadd.s32 $0xFFFFFEF7, lr;
	s5 =	simm.s32 $0xFFFFFFFF;
	p2 =	slt.u32 s8, $0xFFFFF086  }
0x1c: {  	p1 =	slt.u32 s9, $0xF7A;
	s5 =	simm.s32 @!p2 $0x0  }
0x1d: {  	s5 =	simm.s32 @p1 $0x1;
	p0 =	seq.s32 s7, s2  }
0x1e: {  	s7 =	smul.u32 @!p0 $0xF7A, s2;
	p2 =	seq.s32 @!p0 s5, $0x0  }
0x1f: {  	s9 =	smul.u32 $0xF7A, s1;
	s8 =	simm.s32 @!p0 $0x1BF5;
	p2 =	por !p2, p0  }
0x20: {  	[sflag:s8] =	ssyncset.s32 @!p0 $0xFFFFF086;
	s6 =	sadd.s32 @!p0 s3, s7;
	s7 =	simm.s32 @!p0 $0x108  }
0x21: {  	s3 =	sadd.s32 s3, s9;
	s6 =	sadd.s32 @!p0 $0x88, s6;
	s7 =	simm.s32 @p2 $0x1082  }
0x22: {  	[simem:s7], [sflag:s8] =	dma.local @!p0 [hbm:s6], $0xF7A  }
0x23: {  	s9 =	sor.u32 $0xD0000000, s2;
	s6 =	simm.s32 $0x108;
	_ =	swait.ge @!p0 [sflag:s8], $0x0  }
0x24: {  	s3 =	sadd.s32 $0x88, s3;
	s6 =	simm.s32 @!p1 $0x1082;
	[sflag:s4] =	ssyncset.s32 $0xFFFFF086  }
0x25: {  	[simem:s6], [sflag:s4] =	dma.local [hbm:s3], $0xF7A  }
0x26: {  	[smem:$0x3F9F] =	sst s1;
	(tag) =	ssettag s2;
	_ =	strace s9  }
0x27: {  	s1 =	sld [smem:$0x3FAF]  }
0x28: {  	s2 =	sld [smem:$0x3FB0]  }
0x29: {  	s4 =	sld [smem:$0x3FB2]  }
0x2a: {  	p0 =	seq.s32 s5, $0x0;
	s5 =	sld [smem:$0x3FB3]  }
0x2b: {  	s6 =	sld [smem:$0x3FB4]  }
0x2c: {  	s7 =	sld [smem:$0x3FB5]  }
0x2d: {  	s3 =	simm.s32 $0x108;
	s8 =	sld [smem:$0x3FB6]  }
0x2e: {  	s3 =	simm.s32 @!p0 $0x1082;
	s9 =	sld [smem:$0x3FB7]  }
0x2f: {  	lr =	sadd.s32 s0, s3;
	s0 =	sld [smem:$0x3FAE]  }
0x30: {  	s3 =	sld [smem:$0x3FB1]  }
0x31: {  	[smem:$0x3FBA] =	sst s10  }
0x32: {  	s10 =	sld [smem:$0x3FB8];
	_ =	sdelay $0x3  }
0x33: {  	p0 =	seq.s32 s10, $0x1;
	s10 =	sld [smem:$0x3FBA];
	_ =	sdelay $0x3  }
0x34: {  	[smem:$0x3FBA] =	sst s10  }
0x35: {  	s10 =	sld [smem:$0x3FB9];
	_ =	sdelay $0x3  }
0x36: {  	p1 =	seq.s32 s10, $0x1;
	s10 =	sld [smem:$0x3FBA];
	_ =	sdelay $0x3  }
0x37: {  	[smem:$0x3FBA] =	sst s10  }
0x38: {  	s10 =	sld [smem:$0x3FBB]  }
0x39: {  	_ = 	snop;
	(pc) =	sbr.ind lr, $3  }
0x3a: {  	_ = 	snop  }
0x3b: {  	_ = 	snop  }
0x3c: {  	p2 =	seq.s32 s10, $0x1;
	s10 =	sld [smem:$0x3FBA]  }
0x3d: {  	_ =	shalt  }
0x3e: {  	_ =	shalt  }
0x3f: {  	_ =	shalt  }
0x40: {  	_ =	shalt  }
0x41: {  	_ =	shalt  }
0x42: {  	_ =	shalt  }
0x43: {  	_ =	shalt  }
0x44: {  	_ =	shalt  }
0x45: {  	_ =	shalt  }
0x46: {  	_ =	shalt  }
0x47: {  	_ =	shalt  }
0x48: {  	_ =	shalt  }
0x49: {  	_ =	shalt  }
0x4a: {  	_ =	shalt  }
0x4b: {  	_ =	shalt  }
0x4c: {  	_ =	shalt  }
0x4d: {  	_ =	shalt  }
0x4e: {  	_ =	shalt  }
0x4f: {  	_ =	shalt  }
0x50: {  	_ =	shalt  }
0x51: {  	_ =	shalt  }
0x52: {  	_ =	shalt  }
0x53: {  	_ =	shalt  }
0x54: {  	_ =	shalt  }
0x55: {  	_ =	shalt  }
0x56: {  	_ =	shalt  }
0x57: {  	_ =	shalt  }
0x58: {  	_ =	shalt  }
0x59: {  	_ =	shalt  }
0x5a: {  	_ =	shalt  }
0x5b: {  	_ =	shalt  }
0x5c: {  	_ =	shalt  }
0x5d: {  	_ =	shalt  }
0x5e: {  	_ =	shalt  }
0x5f: {  	_ =	shalt  }
0x60: {  	_ =	shalt  }
0x61: {  	_ =	shalt  }
0x62: {  	_ =	shalt  }
0x63: {  	_ =	shalt  }
0x64: {  	_ =	shalt  }
0x65: {  	_ =	shalt  }
0x66: {  	_ =	shalt  }
0x67: {  	_ =	shalt  }
0x68: {  	_ =	shalt  }
0x69: {  	_ =	shalt  }
0x6a: {  	_ =	shalt  }
0x6b: {  	_ =	shalt  }
0x6c: {  	_ =	shalt  }
0x6d: {  	_ =	shalt  }
0x6e: {  	_ =	shalt  }
0x6f: {  	_ =	shalt  }
0x70: {  	_ =	shalt  }
0x71: {  	_ =	shalt  }
0x72: {  	_ =	shalt  }
0x73: {  	_ =	shalt  }
0x74: {  	_ =	shalt  }
0x75: {  	_ =	shalt  }
0x76: {  	_ =	shalt  }
0x77: {  	_ =	shalt  }
0x78: {  	_ =	shalt  }
0x79: {  	_ =	shalt  }
0x7a: {  	_ =	shalt  }
0x7b: {  	_ =	shalt  }
0x7c: {  	_ =	shalt  }
0x7d: {  	_ =	shalt  }
0x7e: {  	_ =	shalt  }
0x7f: {  	_ =	shalt  }
0x80: {  	_ =	shalt  }
0x81: {  	_ =	shalt  }
0x82: {  	_ =	shalt  }
0x83: {  	_ =	shalt  }
0x84: {  	_ =	shalt  }
0x85: {  	_ =	shalt  }
0x86: {  	_ =	shalt  }
0x87: {  	_ =	shalt  }
.Lfunc_end0:
.L_simem_size_0:
called_computation_lowered:
.L_overlay_start_0:
0x88: {  	s2 =	sld [smem:$0x3FD9]  }
0x89: {  	s3 =	sld [smem:$0x3FFE];
	_ =	sdelay $0x1  }
0x8a: {  	s1 =	srdreg.scid  }
0x8b: {  	s0 =	sand.u32 $0x1, s1  }
0x8c: {  	s17 =	sshll.u32 s0, $0xA;
	s2 =	sadd.s32 s3, s2  }
0x8d: {  	s2 =	sadd.s32 s2, s17  }
0x8e: {  	[smem:$0x3FC6] =	sst s2  }
0x8f: {  	_ = 	snop  }
0x90: {  	s2 =	sld [smem:$0x3FD0];
	(tm) =	ssettm $0x1  }
0x91: {  	s18 =	sld [smem:$0x3FFB];
	_ =	sdelay $0x3  }
0x92: {  	_ =	strace s18  }
0x93: {  	s3 =	sld [smem:$0x3FFC];
	_ =	sdelay $0x3  }
0x94: {  	_ =	strace s3  }
0x95: {  	s3 =	sld [smem:$0x3FFD];
	_ =	sdelay $0x3  }
0x96: {  	_ =	strace s3  }
0x97: {  	_ =	strace $0x8FFFFFFF  }
0x98: {  	s19 =	sld [smem:$0x3FDB];
	_ =	sdelay $0x1  }
0x99: {  	s4 =	simm.s32 $_scs_section_size  }
0x9a: {  	s5 =	simm.s32 $_size__tile_overlayer_lowered;
	s6 =	simm.s32 $_tile_overlayer_lowered  }
0x9b: {  	s22 =	simm.s32 $0x1BFF;
	s21 =	sshll.u32 s6, $0x1;
	s3 =	sadd.s32 s4, s19  }
0x9c: {  	s7 =	simm.s32 $0x0;
	s20 =	sshll.u32 s5, $0x1;
	s5 =	sadd.s32 s21, s3  }
0x9d: {  	[timem:s7], [sflag:s22] =	dma.local [hbm:s5], s20  }
0x9e: {  	_ =	swait.ge [sflag:s22], s20  }
0x9f: {  	s4 =	ssub.s32 $0x0, s20;
	[sflag:s22] =	ssyncset.done $0x0  }
0xa0: {  	[sflag:s22] =	ssyncadd.s32 s4;
	_ =	sdelay $0x1  }
0xa1: {  	s23 =	simm.s32 $0x1B8B  }
0xa2: {  	_ =	swait.ge [sflag:s23], $0x1  }
0xa3: {  	[sflag:s23] =	ssyncset.done $0x0  }
0xa4: {  	s25 =	simm.s32 $0x1B8E;
	s24 =	sld [smem:$0x3FFE];
	[sflag:s23] =	ssyncadd.s32 $0xFFFFFFFF  }
0xa5: {  	s26 =	simm.s32 $execute0_lowered;
	[smem:$0x3FD2] =	sst s25  }
0xa6: {  	s5 =	sshll.u32 s26, $0x1;
	_ =	strace $0x80000046;
	[dreg:$0x1] =	wrdreg $0xFFFFFFFF  }
0xa7: {  	s28 =	simm.s32 $_size_execute0_lowered;
	s3 =	sadd.s32 s3, s5;
	[dreg:$0x0] =	wrdreg $0x0  }
0xa8: {  	s5 =	sshll.u32 s28, $0x1;
	[dreg:$0x2] =	wrdreg s3  }
0xa9: {  	[dreg:$0x3] =	wrdreg s5  }
0xaa: {  	[dreg:$0x4] =	wrdreg $0xC0  }
0xab: {  	_ =	task [dreg:s7], $0x5FFFF  }
0xac: {  	[dreg:$0x1] =	wrdreg $0xFFFFFFFF  }
0xad: {  	[dreg:$0x0] =	wrdreg $0x60  }
0xae: {  	[dreg:$0x2] =	wrdreg s24  }
0xaf: {  	[dreg:$0x3] =	wrdreg s2  }
0xb0: {  	[dreg:$0x4] =	wrdreg $0x9  }
0xb1: {  	_ =	task.clear_ibuf [dreg:s7], $0x5FFFF;
	_ =	strace $0x90000046  }
0xb2: {  	s29 =	simm.s32 $0x9;
	_ =	strace $0x80000048  }
0xb3: {  	_ =	swait.ge [sflag:s29], $0x1  }
0xb4: {  	[sflag:s29] =	ssyncadd.s32 $0xFFFFFFFF  }
0xb5: {  	_ =	strace $0x90000048  }
0xb6: {  	_ =	sfence  }
0xb7: {  	s30 =	sld [smem:$0x0];
	_ =	sdelay $0x2  }
0xb8: {  	s31 =	sshll.u32 s1, $0xD;
	s1 =	sshrl.u32 s1, $0x2  }
0xb9: {  	s3 =	sand.u32 $0x4000, s31;
	s1 =	sadd.s32 s1, s30  }
0xba: {  	s0 =	sor.u32 s3, s0;
	s1 =	sshll.u32 s1, $0x11  }
0xbb: {  	s0 =	sor.u32 s1, s0  }
0xbc: {  	s0 =	sadd.s32 $0x8F2B, s0  }
0xbd: {  	[sflag:s0] =	ssyncadd.remote.s32 $0x1  }
0xbe: {  	_ =	sfence.sel $0xFFFF  }
0xbf: {  	[dreg:$0x0] =	wrdreg $0xFFFFFFFF;
	(pc) =	sbr.abs _section_cstart, $3  }
0xc0: {  	[dreg:$0x1] =	wrdreg $0xFFFFFFFF  }
0xc1: {  	_ =	task.clear_ibuf [dreg:s7], $0x2FFFF;
	_ =	strace $0x9FFFFFFF  }
0xc2: {  	(tm) =	ssettm $0x7FFFFFFF  }
0xc3: {  	_ =	shalt  }
tec
execute0_lowered:
.L_overlay_start_1:
0x0: {  	(tag) =	ssettag $0x1  }
0x1: {  	s0 =	srdreg.scid  }
0x2: {  	s8 =	stileid.u32;
	s1 =	rddreg [dreg:$0x0]  }
0x3: {  	s4 =	rddreg [dreg:$0x1];
	s9 =	simm.s32 $0x5;
	s10 =	simm.s32 $0x32  }
0x4: {  	s11 =	simm.s32 $0x1C00;
	s13 =	simm.s32 $0x2240;
	s15 =	simm.s32 $0x2880  }
0x5: {  	s17 =	simm.s32 $0x2EC0;
	s19 =	simm.s32 $0x3500;
	s21 =	simm.s32 $0x3B40  }
0x6: {  	s28 =	simm.s32 $0x4E00;
	s30 =	simm.s32 $0x5440;
	s12 =	simm.s32 $0x60C0  }
0x7: {  	s16 =	simm.s32 $0x6700;
	s20 =	simm.s32 $0x6D40;
	s29 =	simm.s32 $0x79C0  }
0x8: {  	s31 =	simm.s32 $0x1;
	s14 =	simm.s32 $0x3;
	s18 =	simm.s32 $0x4  }
0x9: {  	s22 =	simm.s32 $0x0;
	s0 =	sand.u32 $0x1, s0;
	s2 =	sshll.u32 s8, $0x8  }
0xa: {  	s8 =	smul.u32 $0xC800, s8;
	s3 =	sshll.u32 s0, $0x7;
	s7 =	ssub.s32 $0x2, s0  }
0xb: {  	s0 =	smul.u32 $0x6400, s0;
	s3 =	sor.u32 s3, s2;
	s2 =	simm.s32 $0x0  }
0xc: {  	s23 =	sshrl.u32 s7, $0x1;
	s26 =	sadd.s32 s8, s4;
	s5 =	smul.u32 $0x7, s3  }
0xd: {  	[smem:$0x7FF] =	sst s2;
	s6 =	smul.u32 $0x640, s3;
	s3 =	sadd.s32 $0xF45800, s1  }
0xe: {  	s8 =	sadd.s32 s0, s26;
	s0 =	simm.s32 $0x2;
	_ =	strace $0x80000047  }
0xf: {  	s5 =	sadd.s32 s5, s1;
	s6 =	sshrl.u32 s6, $0x3;
	s1 =	ssub.s32 s7, s23  }
0x10: {  	s23 =	simm.s32 $0x4180;
	s6 =	sadd.s32 s4, s6;
	s5 =	sadd.s32 $0x11400, s5  }
0x11: {  	s7 =	smax.u32 s1, $0x1;
	[dreg:$0x3] =	wrdreg s5;
	s24 =	sadd.s32 $0x5780, s6  }
0x12: {  	s1 =	simm.s32 $0x5A80;
	s25 =	sadd.s32 $0x5DC0, s6;
	[dreg:$0x4] =	wrdreg s24  }
0x13: {  	[dreg:$0x5] =	wrdreg s25;
	s25 =	simm.s32 $0x47C0;
	s24 =	simm.s32 $0x7380  }
.LBB2_1:
0x14: {  	s4 =	rddreg [dreg:$0x3]  }
0x15: {  	[tilespmem:s2], [sflag:$0x5] =	stream.linear.gather [hbm4b:s4+s2], $0x1C00, $0x38;
	[tilespmem:$0x8000] =	vst v63  }
0x16: {  	_ =	swait.ge [sflag:s9], $0x1C00  }
0x17: {  	[sflag:s9] =	ssyncset.done $0x0  }
0x18: {  	[sflag:s9] =	ssyncadd.s32 $0xFFFFE400  }
0x19: {  	[tilespmem:s11], [sflag:$0x1] =	stream.indirect.gather [hbm4b:s3+s10], $0x20, s2, s10, $0xb8;
	[tilespmem:$0x8000] =	vst v63  }
0x1a: {  	s26 =	simm.s32 $0x38  }
0x1b: {  	[tilespmem:s13], [sflag:$0x1] =	stream.indirect.gather [hbm4b:s3+s10], $0x20, s26, s10, $0xb8;
	[tilespmem:$0x8000] =	vst v63  }
0x1c: {  	s5 =	simm.s32 $0x70  }
0x1d: {  	[tilespmem:s15], [sflag:$0x1] =	stream.indirect.gather [hbm4b:s3+s10], $0x20, s5, s10, $0xb8;
	[tilespmem:$0x8000] =	vst v63  }
0x1e: {  	s6 =	simm.s32 $0xA8  }
0x1f: {  	[tilespmem:s17], [sflag:$0x1] =	stream.indirect.gather [hbm4b:s3+s10], $0x20, s6, s10, $0xb8;
	[tilespmem:$0x8000] =	vst v63  }
0x20: {  	s26 =	simm.s32 $0xE0  }
0x21: {  	[tilespmem:s19], [sflag:$0x1] =	stream.indirect.gather [hbm4b:s3+s10], $0x20, s26, s10, $0xb8;
	[tilespmem:$0x8000] =	vst v63  }
0x22: {  	s5 =	simm.s32 $0x118  }
0x23: {  	[tilespmem:s21], [sflag:$0x1] =	stream.indirect.gather [hbm4b:s3+s10], $0x20, s5, s10, $0xb8;
	[tilespmem:$0x8000] =	vst v63  }
0x24: {  	s6 =	simm.s32 $0x150  }
0x25: {  	[tilespmem:s23], [sflag:$0x1] =	stream.indirect.gather [hbm4b:s3+s10], $0x20, s6, s10, $0xb8;
	[tilespmem:$0x8000] =	vst v63  }
0x26: {  	s26 =	simm.s32 $0x188  }
0x27: {  	[tilespmem:s25], [sflag:$0x1] =	stream.indirect.gather [hbm4b:s3+s10], $0x20, s26, s10, $0xb8;
	[tilespmem:$0x8000] =	vst v63  }
0x28: {  	s5 =	simm.s32 $0x1C0  }
0x29: {  	[tilespmem:s28], [sflag:$0x2] =	stream.indirect.gather [hbm4b:s3+s10], $0x20, s5, s10, $0xb8;
	[tilespmem:$0x8000] =	vst v63  }
0x2a: {  	s6 =	simm.s32 $0x1F8  }
0x2b: {  	[tilespmem:s30], [sflag:$0x2] =	stream.indirect.gather [hbm4b:s3+s10], $0x20, s6, s10, $0xb8;
	[tilespmem:$0x8000] =	vst v63  }
0x2c: {  	s26 =	simm.s32 $0x230  }
0x2d: {  	[tilespmem:s1], [sflag:$0x2] =	stream.indirect.gather [hbm4b:s3+s10], $0x20, s26, s10, $0xb8;
	[tilespmem:$0x8000] =	vst v63  }
0x2e: {  	s5 =	simm.s32 $0x268  }
0x2f: {  	[tilespmem:s12], [sflag:$0x2] =	stream.indirect.gather [hbm4b:s3+s10], $0x20, s5, s10, $0xb8;
	[tilespmem:$0x8000] =	vst v63  }
0x30: {  	s6 =	simm.s32 $0x2A0  }
0x31: {  	[tilespmem:s16], [sflag:$0x2] =	stream.indirect.gather [hbm4b:s3+s10], $0x20, s6, s10, $0xb8;
	[tilespmem:$0x8000] =	vst v63  }
0x32: {  	s26 =	simm.s32 $0x2D8  }
0x33: {  	[tilespmem:s20], [sflag:$0x2] =	stream.indirect.gather [hbm4b:s3+s10], $0x20, s26, s10, $0xb8;
	[tilespmem:$0x8000] =	vst v63  }
0x34: {  	s5 =	simm.s32 $0x310  }
0x35: {  	[tilespmem:s24], [sflag:$0x2] =	stream.indirect.gather [hbm4b:s3+s10], $0x20, s5, s10, $0xb8;
	[tilespmem:$0x8000] =	vst v63  }
0x36: {  	s6 =	simm.s32 $0x348  }
0x37: {  	[tilespmem:s29], [sflag:$0x2] =	stream.indirect.gather [hbm4b:s3+s10], $0x20, s6, s10, $0xb8;
	[tilespmem:$0x8000] =	vst v63  }
0x38: {  	_ =	swait.ge [sflag:s31], $0x3200  }
0x39: {  	[sflag:s31] =	ssyncset.done $0x0  }
0x3a: {  	[sflag:s31] =	ssyncadd.s32 $0xFFFFCE00  }
0x3b: {  	[hbm4b:s8+s2] =	stream.linear.scatter [tilespmem:s11], [sflag:$0x3], $0x3200, $0x38;
	[tilespmem:$0x8000] =	vst v63  }
0x3c: {  	_ =	swait.ge [sflag:s0], $0x3200  }
0x3d: {  	[sflag:s0] =	ssyncset.done $0x0  }
0x3e: {  	s26 =	sadd.s32 $0x640, s8;
	[sflag:s0] =	ssyncadd.s32 $0xFFFFCE00  }
0x3f: {  	[hbm4b:s26+s2] =	stream.linear.scatter [tilespmem:s28], [sflag:$0x4], $0x3200, $0x38;
	[tilespmem:$0x8000] =	vst v63  }
0x40: {  	_ =	swait.ge [sflag:s14], $0x3200  }
0x41: {  	[sflag:s14] =	ssyncset.done $0x0  }
0x42: {  	s5 =	simm.s32 $0x380;
	[sflag:s14] =	ssyncadd.s32 $0xFFFFCE00  }
0x43: {  	[tilespmem:s11], [sflag:$0x1] =	stream.indirect.gather [hbm4b:s3+s10], $0x20, s5, s10, $0xb8;
	[tilespmem:$0x8000] =	vst v63  }
0x44: {  	s6 =	simm.s32 $0x3B8  }
0x45: {  	[tilespmem:s13], [sflag:$0x1] =	stream.indirect.gather [hbm4b:s3+s10], $0x20, s6, s10, $0xb8;
	[tilespmem:$0x8000] =	vst v63  }
0x46: {  	s26 =	simm.s32 $0x3F0  }
0x47: {  	[tilespmem:s15], [sflag:$0x1] =	stream.indirect.gather [hbm4b:s3+s10], $0x20, s26, s10, $0xb8;
	[tilespmem:$0x8000] =	vst v63  }
0x48: {  	s5 =	simm.s32 $0x428  }
0x49: {  	[tilespmem:s17], [sflag:$0x1] =	stream.indirect.gather [hbm4b:s3+s10], $0x20, s5, s10, $0xb8;
	[tilespmem:$0x8000] =	vst v63  }
0x4a: {  	s6 =	simm.s32 $0x460  }
0x4b: {  	[tilespmem:s19], [sflag:$0x1] =	stream.indirect.gather [hbm4b:s3+s10], $0x20, s6, s10, $0xb8;
	[tilespmem:$0x8000] =	vst v63  }
0x4c: {  	s26 =	simm.s32 $0x498  }
0x4d: {  	[tilespmem:s21], [sflag:$0x1] =	stream.indirect.gather [hbm4b:s3+s10], $0x20, s26, s10, $0xb8;
	[tilespmem:$0x8000] =	vst v63  }
0x4e: {  	s5 =	simm.s32 $0x4D0  }
0x4f: {  	[tilespmem:s23], [sflag:$0x1] =	stream.indirect.gather [hbm4b:s3+s10], $0x20, s5, s10, $0xb8;
	[tilespmem:$0x8000] =	vst v63  }
0x50: {  	s6 =	simm.s32 $0x508  }
0x51: {  	[tilespmem:s25], [sflag:$0x1] =	stream.indirect.gather [hbm4b:s3+s10], $0x20, s6, s10, $0xb8;
	[tilespmem:$0x8000] =	vst v63  }
0x52: {  	_ =	swait.ge [sflag:s18], $0x3200  }
0x53: {  	[sflag:s18] =	ssyncset.done $0x0  }
0x54: {  	s26 =	simm.s32 $0x540;
	[sflag:s18] =	ssyncadd.s32 $0xFFFFCE00  }
0x55: {  	[tilespmem:s28], [sflag:$0x2] =	stream.indirect.gather [hbm4b:s3+s10], $0x20, s26, s10, $0xb8;
	[tilespmem:$0x8000] =	vst v63  }
0x56: {  	s5 =	simm.s32 $0x578  }
0x57: {  	[tilespmem:s30], [sflag:$0x2] =	stream.indirect.gather [hbm4b:s3+s10], $0x20, s5, s10, $0xb8;
	[tilespmem:$0x8000] =	vst v63  }
0x58: {  	s6 =	simm.s32 $0x5B0  }
0x59: {  	[tilespmem:s1], [sflag:$0x2] =	stream.indirect.gather [hbm4b:s3+s10], $0x20, s6, s10, $0xb8;
	[tilespmem:$0x8000] =	vst v63  }
0x5a: {  	s26 =	simm.s32 $0x5E8  }
0x5b: {  	[tilespmem:s12], [sflag:$0x2] =	stream.indirect.gather [hbm4b:s3+s10], $0x20, s26, s10, $0xb8;
	[tilespmem:$0x8000] =	vst v63  }
0x5c: {  	s5 =	simm.s32 $0x620  }
0x5d: {  	[tilespmem:s16], [sflag:$0x2] =	stream.indirect.gather [hbm4b:s3+s10], $0x20, s5, s10, $0xb8;
	[tilespmem:$0x8000] =	vst v63  }
0x5e: {  	s6 =	simm.s32 $0x658  }
0x5f: {  	[tilespmem:s20], [sflag:$0x2] =	stream.indirect.gather [hbm4b:s3+s10], $0x20, s6, s10, $0xb8;
	[tilespmem:$0x8000] =	vst v63  }
0x60: {  	s26 =	simm.s32 $0x690  }
0x61: {  	[tilespmem:s24], [sflag:$0x2] =	stream.indirect.gather [hbm4b:s3+s10], $0x20, s26, s10, $0xb8;
	[tilespmem:$0x8000] =	vst v63  }
0x62: {  	s4 =	sadd.s32 $0xC80, s8;
	s5 =	simm.s32 $0x6C8;
	s26 =	simm.s32 $0xE00  }
.LBB2_2:
0x63: {  	[tilespmem:s29], [sflag:$0x2] =	stream.indirect.gather [hbm4b:s3+s10], $0x20, s5, s10, $0xb8;
	[tilespmem:$0x8000] =	vst v63  }
0x64: {  	s5 =	smov.u32 s26  }
0x65: {  	p0 =	sne.s32 s26, $0x5400;
	s26 =	sadd.s32 $0xE00, s26;
	_ =	swait.ge [sflag:s31], $0x3200  }
0x66: {  	[sflag:s31] =	ssyncset.done $0x0  }
0x67: {  	[sflag:s31] =	ssyncadd.s32 $0xFFFFCE00  }
0x68: {  	[hbm4b:s4+s2] =	stream.linear.scatter [tilespmem:s11], [sflag:$0x3], $0x3200, $0x38;
	[tilespmem:$0x8000] =	vst v63  }
0x69: {  	_ =	swait.ge [sflag:s0], $0x3200  }
0x6a: {  	[sflag:s0] =	ssyncset.done $0x0  }
0x6b: {  	s6 =	sadd.s32 $0x640, s4;
	[sflag:s0] =	ssyncadd.s32 $0xFFFFCE00  }
0x6c: {  	[hbm4b:s6+s2] =	stream.linear.scatter [tilespmem:s28], [sflag:$0x4], $0x3200, $0x38;
	[tilespmem:$0x8000] =	vst v63  }
0x6d: {  	_ =	swait.ge [sflag:s14], $0x3200  }
0x6e: {  	s5 =	sshra.s32 s5, $0x2;
	[sflag:s14] =	ssyncset.done $0x0  }
0x6f: {  	s6 =	sadd.s32 $0x380, s5;
	[sflag:s14] =	ssyncadd.s32 $0xFFFFCE00  }
0x70: {  	[tilespmem:s11], [sflag:$0x1] =	stream.indirect.gather [hbm4b:s3+s10], $0x20, s6, s10, $0xb8;
	[tilespmem:$0x8000] =	vst v63  }
0x71: {  	s6 =	sadd.s32 $0x3B8, s5  }
0x72: {  	[tilespmem:s13], [sflag:$0x1] =	stream.indirect.gather [hbm4b:s3+s10], $0x20, s6, s10, $0xb8;
	[tilespmem:$0x8000] =	vst v63  }
0x73: {  	s6 =	sadd.s32 $0x3F0, s5  }
0x74: {  	[tilespmem:s15], [sflag:$0x1] =	stream.indirect.gather [hbm4b:s3+s10], $0x20, s6, s10, $0xb8;
	[tilespmem:$0x8000] =	vst v63  }
0x75: {  	s6 =	sadd.s32 $0x428, s5  }
0x76: {  	[tilespmem:s17], [sflag:$0x1] =	stream.indirect.gather [hbm4b:s3+s10], $0x20, s6, s10, $0xb8;
	[tilespmem:$0x8000] =	vst v63  }
0x77: {  	s6 =	sadd.s32 $0x460, s5  }
0x78: {  	[tilespmem:s19], [sflag:$0x1] =	stream.indirect.gather [hbm4b:s3+s10], $0x20, s6, s10, $0xb8;
	[tilespmem:$0x8000] =	vst v63  }
0x79: {  	s6 =	sadd.s32 $0x498, s5  }
0x7a: {  	[tilespmem:s21], [sflag:$0x1] =	stream.indirect.gather [hbm4b:s3+s10], $0x20, s6, s10, $0xb8;
	[tilespmem:$0x8000] =	vst v63  }
0x7b: {  	s6 =	sadd.s32 $0x4D0, s5  }
0x7c: {  	[tilespmem:s23], [sflag:$0x1] =	stream.indirect.gather [hbm4b:s3+s10], $0x20, s6, s10, $0xb8;
	[tilespmem:$0x8000] =	vst v63  }
0x7d: {  	s6 =	sadd.s32 $0x508, s5  }
0x7e: {  	[tilespmem:s25], [sflag:$0x1] =	stream.indirect.gather [hbm4b:s3+s10], $0x20, s6, s10, $0xb8;
	[tilespmem:$0x8000] =	vst v63  }
0x7f: {  	_ =	swait.ge [sflag:s18], $0x3200  }
0x80: {  	[sflag:s18] =	ssyncset.done $0x0  }
0x81: {  	s6 =	sadd.s32 $0x540, s5;
	[sflag:s18] =	ssyncadd.s32 $0xFFFFCE00  }
0x82: {  	[tilespmem:s28], [sflag:$0x2] =	stream.indirect.gather [hbm4b:s3+s10], $0x20, s6, s10, $0xb8;
	[tilespmem:$0x8000] =	vst v63  }
0x83: {  	s6 =	sadd.s32 $0x578, s5  }
0x84: {  	[tilespmem:s30], [sflag:$0x2] =	stream.indirect.gather [hbm4b:s3+s10], $0x20, s6, s10, $0xb8;
	[tilespmem:$0x8000] =	vst v63  }
0x85: {  	s6 =	sadd.s32 $0x5B0, s5  }
0x86: {  	[tilespmem:s1], [sflag:$0x2] =	stream.indirect.gather [hbm4b:s3+s10], $0x20, s6, s10, $0xb8;
	[tilespmem:$0x8000] =	vst v63  }
0x87: {  	s6 =	sadd.s32 $0x5E8, s5  }
0x88: {  	[tilespmem:s12], [sflag:$0x2] =	stream.indirect.gather [hbm4b:s3+s10], $0x20, s6, s10, $0xb8;
	[tilespmem:$0x8000] =	vst v63  }
0x89: {  	s6 =	sadd.s32 $0x620, s5  }
0x8a: {  	[tilespmem:s16], [sflag:$0x2] =	stream.indirect.gather [hbm4b:s3+s10], $0x20, s6, s10, $0xb8;
	[tilespmem:$0x8000] =	vst v63  }
.Ltmp0:
0x8b: {  	s6 =	sadd.s32 $0x658, s5;
	(pc) =	sbr.rel @p0 .LBB2_2-.Ltmp0, $4  }
0x8c: {  	[tilespmem:s20], [sflag:$0x2] =	stream.indirect.gather [hbm4b:s3+s10], $0x20, s6, s10, $0xb8;
	[tilespmem:$0x8000] =	vst v63  }
0x8d: {  	s6 =	sadd.s32 $0x690, s5  }
0x8e: {  	[tilespmem:s24], [sflag:$0x2] =	stream.indirect.gather [hbm4b:s3+s10], $0x20, s6, s10, $0xb8;
	[tilespmem:$0x8000] =	vst v63  }
0x8f: {  	s4 =	sadd.s32 $0xC80, s4;
	s5 =	sadd.s32 $0x6C8, s5  }
0x90: {  	[tilespmem:s29], [sflag:$0x2] =	stream.indirect.gather [hbm4b:s3+s10], $0x20, s5, s10, $0xb8;
	[tilespmem:$0x8000] =	vst v63  }
0x91: {  	_ =	swait.ge [sflag:s31], $0x3200  }
0x92: {  	[sflag:s31] =	ssyncset.done $0x0  }
0x93: {  	s4 =	rddreg [dreg:$0x4];
	[sflag:s31] =	ssyncadd.s32 $0xFFFFCE00  }
0x94: {  	[hbm4b:s4+s2] =	stream.linear.scatter [tilespmem:s11], [sflag:$0x3], $0x3200, $0x38;
	[tilespmem:$0x8000] =	vst v63  }
0x95: {  	_ =	swait.ge [sflag:s0], $0x3200  }
0x96: {  	[sflag:s0] =	ssyncset.done $0x0  }
0x97: {  	s22 =	sadd.s32 $0x1, s22;
	s26 =	rddreg [dreg:$0x5];
	[sflag:s0] =	ssyncadd.s32 $0xFFFFCE00  }
0x98: {  	[hbm4b:s26+s2] =	stream.linear.scatter [tilespmem:s28], [sflag:$0x4], $0x3200, $0x38;
	[tilespmem:$0x8000] =	vst v63  }
0x99: {  	p0 =	sne.s32 s22, s7;
	_ =	swait.ge [sflag:s14], $0x3200  }
.Ltmp1:
0x9a: {  	[sflag:s14] =	ssyncset.done $0x0;
	(pc) =	sbr.rel @p0 .LBB2_1-.Ltmp1, $4  }
0x9b: {  	[sflag:s14] =	ssyncadd.s32 $0xFFFFCE00  }
0x9c: {  	_ =	swait.ge [sflag:s18], $0x3200  }
0x9d: {  	[sflag:s18] =	ssyncset.done $0x0  }
0x9e: {  	[sflag:s18] =	ssyncadd.s32 $0xFFFFCE00  }
0x9f: {  	_ =	sfence.sel $0x180000  }
0xa0: {  	[bflag:$0x0] =	sbarrier.arrive $0xFFFF  }
0xa1: {  	_ =	strace $0x90000047  }
0xa2: {  	s0 =	stileid.u32;
	[bflag:$0x2] =	sbarrier.arrive $0xFFFF  }
0xa3: {  	p0 =	sne.s32 s0, $0x0;
	s0 =	rddreg [dreg:$0x2]  }
0xa4: {  	s0 =	sadd.s32 @!p0 $0x100000, s0  }
0xa5: {  	[sflag:s0] =	ssyncadd.tile.s32 @!p0 $0x1;
	_ =	shalt  }
.Lfunc_end2:
_tile_overlayer_lowered:
.L_overlay_start_2:
0xa6: {  	(tag) =	ssettag $0x2  }
0xa7: {  	s0 =	rddreg [dreg:$0x0];
	s2 =	stileid.u32  }
0xa8: {  	s1 =	rddreg [dreg:$0x1];
	p0 =	sne.s32 s2, $0x0  }
0xa9: {  	s3 =	rddreg [dreg:$0x2];
	[bflag:$0x3] =	sbarrier.arrive $0xFFFF;
	s2 =	simm.s32 @!p0 $0x1C05  }
0xaa: {  	[timem:s3], [sflag:s2] =	dma.local @!p0 [hbm:s0], s1  }
0xab: {  	s0 =	simm.s32 @!p0 $0x5  }
0xac: {  	_ =	swait.ge @!p0 [sflag:s0], s1  }
0xad: {  	s1 =	ssub.s32 @!p0 $0x0, s1;
	[sflag:s0] =	ssyncset.done @!p0 $0x0  }
0xae: {  	[sflag:s0] =	ssyncadd.s32 @!p0 s1  }
0xaf: {  	[bflag:$0x3] =	sbarrier.arrive $0xFFFF  }
0xb0: {  	_ =	shalt  }

// kernel: kernel.9.cloned.1.call-start
scs
__scs_entry_jumppad:
0x0: {  	(pc) =	sbr.rel $0x88, $3  }
0x1: {  	(tag) =	ssettag $0x0;
	lr =	simm.s32 $0x1  }
0x2: {  	[smem:$0x3F9F] =	sst lr;
	_ =	strace $0xD0000000  }
0x3: {  	_ = 	snop  }
0x4: {  	_ = 	snop  }
0x5: {  	_ = 	snop  }
0x6: {  	_ = 	snop  }
0x7: {  	_ = 	snop  }
__scs_overlays_trampoline_lowered:
0x8: {  	[smem:$0x3FAE] =	sst s0  }
0x9: {  	[smem:$0x3FAF] =	sst s1  }
0xa: {  	[smem:$0x3FB0] =	sst s2  }
0xb: {  	[smem:$0x3FB1] =	sst s3  }
0xc: {  	[smem:$0x3FB2] =	sst s4  }
0xd: {  	[smem:$0x3FB3] =	sst s5  }
0xe: {  	[smem:$0x3FB4] =	sst s6  }
0xf: {  	[smem:$0x3FB5] =	sst s7  }
0x10: {  	[smem:$0x3FB6] =	sst s8  }
0x11: {  	[smem:$0x3FB7] =	sst s9;
	s0 =	simm.s32 @!p0 $0x0  }
0x12: {  	s1 =	sld [smem:$0x3F9D];
	s0 =	simm.s32 @p0 $0x1  }
0x13: {  	[smem:$0x3FB8] =	sst s0;
	s0 =	simm.s32 @!p1 $0x0  }
0x14: {  	s2 =	sld [smem:$0x3F9C];
	s0 =	simm.s32 @p1 $0x1  }
0x15: {  	[smem:$0x3FB9] =	sst s0;
	s0 =	simm.s32 @!p2 $0x0  }
0x16: {  	s3 =	sld [smem:$0x3FDB];
	s0 =	simm.s32 @p2 $0x1  }
0x17: {  	s4 =	simm.s32 $0x1BF5;
	[smem:$0x3FBB] =	sst s0  }
0x18: {  	s0 =	sld [smem:$0x3F9E];
	_ =	swait.ge [sflag:s4], $0x0  }
0x19: {  	s7 =	sld [smem:$0x3F9F]  }
0x1a: {  	s8 =	sadd.s32 $0xFFFFE003, lr  }
0x1b: {  	s9 =	sadd.s32 $0xFFFFFEF7, lr;
	s5 =	simm.s32 $0xFFFFFFFF;
	p2 =	slt.u32 s8, $0xFFFFF086  }
0x1c: {  	p1 =	slt.u32 s9, $0xF7A;
	s5 =	simm.s32 @!p2 $0x0  }
0x1d: {  	s5 =	simm.s32 @p1 $0x1;
	p0 =	seq.s32 s7, s2  }
0x1e: {  	s7 =	smul.u32 @!p0 $0xF7A, s2;
	p2 =	seq.s32 @!p0 s5, $0x0  }
0x1f: {  	s9 =	smul.u32 $0xF7A, s1;
	s8 =	simm.s32 @!p0 $0x1BF5;
	p2 =	por !p2, p0  }
0x20: {  	[sflag:s8] =	ssyncset.s32 @!p0 $0xFFFFF086;
	s6 =	sadd.s32 @!p0 s3, s7;
	s7 =	simm.s32 @!p0 $0x108  }
0x21: {  	s3 =	sadd.s32 s3, s9;
	s6 =	sadd.s32 @!p0 $0x88, s6;
	s7 =	simm.s32 @p2 $0x1082  }
0x22: {  	[simem:s7], [sflag:s8] =	dma.local @!p0 [hbm:s6], $0xF7A  }
0x23: {  	s9 =	sor.u32 $0xD0000000, s2;
	s6 =	simm.s32 $0x108;
	_ =	swait.ge @!p0 [sflag:s8], $0x0  }
0x24: {  	s3 =	sadd.s32 $0x88, s3;
	s6 =	simm.s32 @!p1 $0x1082;
	[sflag:s4] =	ssyncset.s32 $0xFFFFF086  }
0x25: {  	[simem:s6], [sflag:s4] =	dma.local [hbm:s3], $0xF7A  }
0x26: {  	[smem:$0x3F9F] =	sst s1;
	(tag) =	ssettag s2;
	_ =	strace s9  }
0x27: {  	s1 =	sld [smem:$0x3FAF]  }
0x28: {  	s2 =	sld [smem:$0x3FB0]  }
0x29: {  	s4 =	sld [smem:$0x3FB2]  }
0x2a: {  	p0 =	seq.s32 s5, $0x0;
	s5 =	sld [smem:$0x3FB3]  }
0x2b: {  	s6 =	sld [smem:$0x3FB4]  }
0x2c: {  	s7 =	sld [smem:$0x3FB5]  }
0x2d: {  	s3 =	simm.s32 $0x108;
	s8 =	sld [smem:$0x3FB6]  }
0x2e: {  	s3 =	simm.s32 @!p0 $0x1082;
	s9 =	sld [smem:$0x3FB7]  }
0x2f: {  	lr =	sadd.s32 s0, s3;
	s0 =	sld [smem:$0x3FAE]  }
0x30: {  	s3 =	sld [smem:$0x3FB1]  }
0x31: {  	[smem:$0x3FBA] =	sst s10  }
0x32: {  	s10 =	sld [smem:$0x3FB8];
	_ =	sdelay $0x3  }
0x33: {  	p0 =	seq.s32 s10, $0x1;
	s10 =	sld [smem:$0x3FBA];
	_ =	sdelay $0x3  }
0x34: {  	[smem:$0x3FBA] =	sst s10  }
0x35: {  	s10 =	sld [smem:$0x3FB9];
	_ =	sdelay $0x3  }
0x36: {  	p1 =	seq.s32 s10, $0x1;
	s10 =	sld [smem:$0x3FBA];
	_ =	sdelay $0x3  }
0x37: {  	[smem:$0x3FBA] =	sst s10  }
0x38: {  	s10 =	sld [smem:$0x3FBB]  }
0x39: {  	_ = 	snop;
	(pc) =	sbr.ind lr, $3  }
0x3a: {  	_ = 	snop  }
0x3b: {  	_ = 	snop  }
0x3c: {  	p2 =	seq.s32 s10, $0x1;
	s10 =	sld [smem:$0x3FBA]  }
0x3d: {  	_ =	shalt  }
0x3e: {  	_ =	shalt  }
0x3f: {  	_ =	shalt  }
0x40: {  	_ =	shalt  }
0x41: {  	_ =	shalt  }
0x42: {  	_ =	shalt  }
0x43: {  	_ =	shalt  }
0x44: {  	_ =	shalt  }
0x45: {  	_ =	shalt  }
0x46: {  	_ =	shalt  }
0x47: {  	_ =	shalt  }
0x48: {  	_ =	shalt  }
0x49: {  	_ =	shalt  }
0x4a: {  	_ =	shalt  }
0x4b: {  	_ =	shalt  }
0x4c: {  	_ =	shalt  }
0x4d: {  	_ =	shalt  }
0x4e: {  	_ =	shalt  }
0x4f: {  	_ =	shalt  }
0x50: {  	_ =	shalt  }
0x51: {  	_ =	shalt  }
0x52: {  	_ =	shalt  }
0x53: {  	_ =	shalt  }
0x54: {  	_ =	shalt  }
0x55: {  	_ =	shalt  }
0x56: {  	_ =	shalt  }
0x57: {  	_ =	shalt  }
0x58: {  	_ =	shalt  }
0x59: {  	_ =	shalt  }
0x5a: {  	_ =	shalt  }
0x5b: {  	_ =	shalt  }
0x5c: {  	_ =	shalt  }
0x5d: {  	_ =	shalt  }
0x5e: {  	_ =	shalt  }
0x5f: {  	_ =	shalt  }
0x60: {  	_ =	shalt  }
0x61: {  	_ =	shalt  }
0x62: {  	_ =	shalt  }
0x63: {  	_ =	shalt  }
0x64: {  	_ =	shalt  }
0x65: {  	_ =	shalt  }
0x66: {  	_ =	shalt  }
0x67: {  	_ =	shalt  }
0x68: {  	_ =	shalt  }
0x69: {  	_ =	shalt  }
0x6a: {  	_ =	shalt  }
0x6b: {  	_ =	shalt  }
0x6c: {  	_ =	shalt  }
0x6d: {  	_ =	shalt  }
0x6e: {  	_ =	shalt  }
0x6f: {  	_ =	shalt  }
0x70: {  	_ =	shalt  }
0x71: {  	_ =	shalt  }
0x72: {  	_ =	shalt  }
0x73: {  	_ =	shalt  }
0x74: {  	_ =	shalt  }
0x75: {  	_ =	shalt  }
0x76: {  	_ =	shalt  }
0x77: {  	_ =	shalt  }
0x78: {  	_ =	shalt  }
0x79: {  	_ =	shalt  }
0x7a: {  	_ =	shalt  }
0x7b: {  	_ =	shalt  }
0x7c: {  	_ =	shalt  }
0x7d: {  	_ =	shalt  }
0x7e: {  	_ =	shalt  }
0x7f: {  	_ =	shalt  }
0x80: {  	_ =	shalt  }
0x81: {  	_ =	shalt  }
0x82: {  	_ =	shalt  }
0x83: {  	_ =	shalt  }
0x84: {  	_ =	shalt  }
0x85: {  	_ =	shalt  }
0x86: {  	_ =	shalt  }
0x87: {  	_ =	shalt  }
.Lfunc_end0:
.L_simem_size_0:
called_computation.1_lowered:
.L_overlay_start_0:
0x88: {  	s2 =	sld [smem:$0x3FD9]  }
0x89: {  	s3 =	sld [smem:$0x3FFE];
	_ =	sdelay $0x1  }
0x8a: {  	s1 =	srdreg.scid  }
0x8b: {  	s0 =	sand.u32 $0x1, s1  }
0x8c: {  	s17 =	sshll.u32 s0, $0xA;
	s2 =	sadd.s32 s3, s2  }
0x8d: {  	s2 =	sadd.s32 s2, s17  }
0x8e: {  	[smem:$0x3FC6] =	sst s2  }
0x8f: {  	_ = 	snop  }
0x90: {  	(tm) =	ssettm $0x1  }
0x91: {  	s18 =	sld [smem:$0x3FFB];
	_ =	sdelay $0x3  }
0x92: {  	_ =	strace s18  }
0x93: {  	s2 =	sld [smem:$0x3FFC];
	_ =	sdelay $0x3  }
0x94: {  	_ =	strace s2  }
0x95: {  	s2 =	sld [smem:$0x3FFD];
	_ =	sdelay $0x3  }
0x96: {  	_ =	strace s2  }
0x97: {  	_ =	strace $0x8FFFFFFF  }
0x98: {  	s19 =	sld [smem:$0x3FDB];
	_ =	sdelay $0x1  }
0x99: {  	s20 =	simm.s32 $_scs_section_size  }
0x9a: {  	s4 =	simm.s32 $_size__tile_overlayer_lowered;
	s5 =	simm.s32 $_tile_overlayer_lowered  }
0x9b: {  	s6 =	simm.s32 $0x1BFF;
	s21 =	sshll.u32 s5, $0x1;
	s3 =	sadd.s32 s20, s19  }
0x9c: {  	s22 =	simm.s32 $0x0;
	s4 =	sshll.u32 s4, $0x1;
	s5 =	sadd.s32 s21, s3  }
0x9d: {  	[timem:s22], [sflag:s6] =	dma.local [hbm:s5], s4  }
0x9e: {  	_ =	swait.ge [sflag:s6], s4  }
0x9f: {  	s4 =	ssub.s32 $0x0, s4;
	[sflag:s6] =	ssyncset.done $0x0  }
0xa0: {  	[sflag:s6] =	ssyncadd.s32 s4;
	_ =	sdelay $0x1  }
0xa1: {  	s23 =	simm.s32 $0x1B8B  }
0xa2: {  	_ =	swait.ge [sflag:s23], $0x1  }
0xa3: {  	[sflag:s23] =	ssyncset.done $0x0  }
0xa4: {  	[sflag:s23] =	ssyncadd.s32 $0xFFFFFFFF  }
0xa5: {  	s4 =	sld [smem:$0x0]  }
0xa6: {  	s5 =	sand.u32 $0xFFFFFFFE, s1  }
0xa7: {  	p0 =	sne.s32 s1, s5  }
0xa8: {  	s5 =	sshll.u32 @p0 s5, $0xE  }
0xa9: {  	s5 =	sadd.s32 @p0 $0x11B8D, s5;
	s6 =	sshll.u32 @p0 s4, $0x11  }
0xaa: {  	s5 =	sor.u32 @p0 s6, s5  }
0xab: {  	[sflag:s5] =	ssyncadd.remote.s32 @p0 $0x1;
	_ =	sdelay $0x1  }
0xac: {  	s5 =	simm.s32 @p0 $0x1B8D  }
0xad: {  	_ =	swait.eq @p0 [sflag:s5], $0x1  }
0xae: {  	[sflag:s5] =	ssyncadd.s32 @p0 $0xFFFFFFFF  }
0xaf: {  	s6 =	sshll.u32 @!p0 s1, $0xE  }
0xb0: {  	s6 =	sor.u32 @!p0 $0x4000, s6;
	s5 =	simm.s32 @!p0 $0x1B8D  }
0xb1: {  	s4 =	sshll.u32 @!p0 s4, $0x11;
	s6 =	sadd.s32 @!p0 $0x11B8D, s6;
	_ =	swait.eq @!p0 [sflag:s5], $0x1  }
0xb2: {  	s4 =	sor.u32 @!p0 s4, s6;
	[sflag:s5] =	ssyncadd.s32 @!p0 $0xFFFFFFFF  }
0xb3: {  	s25 =	simm.s32 $0x1B8E;
	s24 =	sld [smem:$0x3FFE];
	[sflag:s4] =	ssyncadd.remote.s32 @!p0 $0x1  }
0xb4: {  	s26 =	simm.s32 $execute0_lowered;
	[smem:$0x3FD2] =	sst s25  }
0xb5: {  	s5 =	sshll.u32 s26, $0x1;
	_ =	strace $0x80000049;
	[dreg:$0x1] =	wrdreg $0xFFFFFFFF  }
0xb6: {  	s28 =	simm.s32 $_size_execute0_lowered;
	s3 =	sadd.s32 s3, s5;
	[dreg:$0x0] =	wrdreg $0x0  }
0xb7: {  	s5 =	sshll.u32 s28, $0x1;
	[dreg:$0x2] =	wrdreg s3  }
0xb8: {  	[dreg:$0x3] =	wrdreg s5  }
0xb9: {  	[dreg:$0x4] =	wrdreg $0xC0  }
0xba: {  	_ =	task [dreg:s22], $0x5FFFF  }
0xbb: {  	[dreg:$0x1] =	wrdreg $0xFFFFFFFF  }
0xbc: {  	[dreg:$0x0] =	wrdreg $0x60  }
0xbd: {  	[dreg:$0x2] =	wrdreg s24  }
0xbe: {  	[dreg:$0x3] =	wrdreg $0xA  }
0xbf: {  	_ =	task.clear_ibuf [dreg:s22], $0x4FFFF;
	_ =	strace $0x90000049  }
0xc0: {  	s29 =	simm.s32 $0xA;
	_ =	strace $0x8000004B  }
0xc1: {  	_ =	swait.ge [sflag:s29], $0x1  }
0xc2: {  	[sflag:s29] =	ssyncadd.s32 $0xFFFFFFFF  }
0xc3: {  	_ =	strace $0x9000004B  }
0xc4: {  	_ =	sfence  }
0xc5: {  	s30 =	sld [smem:$0x0];
	_ =	sdelay $0x2  }
0xc6: {  	s31 =	sshll.u32 s1, $0xD;
	s1 =	sshrl.u32 s1, $0x2  }
0xc7: {  	s4 =	sand.u32 $0x4000, s31;
	s1 =	sadd.s32 s1, s30  }
0xc8: {  	s0 =	sor.u32 s4, s0;
	s1 =	sshll.u32 s1, $0x11  }
0xc9: {  	s0 =	sor.u32 s1, s0  }
0xca: {  	s0 =	sadd.s32 $0x8F2B, s0  }
0xcb: {  	[sflag:s0] =	ssyncadd.remote.s32 $0x1  }
0xcc: {  	_ =	sfence.sel $0xFFFF  }
0xcd: {  	[dreg:$0x0] =	wrdreg $0xFFFFFFFF;
	(pc) =	sbr.abs _section_cstart, $3  }
0xce: {  	[dreg:$0x1] =	wrdreg $0xFFFFFFFF  }
0xcf: {  	_ =	task.clear_ibuf [dreg:s22], $0x2FFFF;
	_ =	strace $0x9FFFFFFF  }
0xd0: {  	(tm) =	ssettm $0x7FFFFFFF  }
0xd1: {  	_ =	shalt  }
tec
execute0_lowered:
.L_overlay_start_1:
0x0: {  	(tag) =	ssettag $0x1  }
0x1: {  	s0 =	srdreg.scid  }
0x2: {  	s8 =	stileid.u32;
	s1 =	rddreg [dreg:$0x0]  }
0x3: {  	s2 =	simm.s32 $0x0;
	s9 =	simm.s32 $0x5;
	s10 =	simm.s32 $0x32  }
0x4: {  	s11 =	simm.s32 $0x1C00;
	s13 =	simm.s32 $0x2240;
	s15 =	simm.s32 $0x2880  }
0x5: {  	s17 =	simm.s32 $0x2EC0;
	s19 =	simm.s32 $0x3500;
	s21 =	simm.s32 $0x3B40  }
0x6: {  	s23 =	simm.s32 $0x4180;
	s28 =	simm.s32 $0x4E00;
	s30 =	simm.s32 $0x5440  }
0x7: {  	s12 =	simm.s32 $0x60C0;
	s16 =	simm.s32 $0x6700;
	s20 =	simm.s32 $0x6D40  }
0x8: {  	s24 =	simm.s32 $0x7380;
	s29 =	simm.s32 $0x79C0;
	s31 =	simm.s32 $0x1  }
0x9: {  	s14 =	simm.s32 $0x3;
	s18 =	simm.s32 $0x4;
	s0 =	sand.u32 $0x1, s0  }
0xa: {  	s22 =	simm.s32 $0x0;
	s3 =	sshll.u32 s8, $0x8;
	s4 =	sshll.u32 s0, $0x7  }
0xb: {  	s8 =	smul.u32 $0xC800, s8;
	s6 =	ssub.s32 $0x2, s0;
	s3 =	sor.u32 s4, s3  }
0xc: {  	[smem:$0x7FF] =	sst s2;
	s7 =	sshrl.u32 s6, $0x1;
	s4 =	smul.u32 $0x7, s3  }
0xd: {  	_ =	strace $0x8000004A;
	s5 =	smul.u32 $0x640, s3;
	s7 =	ssub.s32 s6, s7  }
0xe: {  	s0 =	smul.u32 $0x6400, s0;
	s3 =	sadd.s32 $0xF45800, s1;
	s7 =	smax.u32 s7, $0x1  }
0xf: {  	s4 =	sadd.s32 s4, s1;
	s1 =	sadd.s32 $0x1F400, s1;
	s5 =	sshrl.u32 s5, $0x3  }
0x10: {  	s5 =	sadd.s32 s1, s5;
	s4 =	sadd.s32 $0x18400, s4;
	s1 =	sadd.s32 s8, s1  }
0x11: {  	[dreg:$0x2] =	wrdreg s4;
	s25 =	sadd.s32 $0x5780, s5;
	s26 =	sadd.s32 $0x5DC0, s5  }
0x12: {  	s8 =	sadd.s32 s0, s1;
	s1 =	simm.s32 $0x5A80;
	[dreg:$0x3] =	wrdreg s25  }
0x13: {  	s0 =	simm.s32 $0x2;
	[dreg:$0x4] =	wrdreg s26;
	s25 =	simm.s32 $0x47C0  }
.LBB2_1:
0x14: {  	s4 =	rddreg [dreg:$0x2]  }
0x15: {  	[tilespmem:s2], [sflag:$0x5] =	stream.linear.gather [hbm4b:s4+s2], $0x1C00, $0x38;
	[tilespmem:$0x8000] =	vst v63  }
0x16: {  	_ =	swait.ge [sflag:s9], $0x1C00  }
0x17: {  	[sflag:s9] =	ssyncset.done $0x0  }
0x18: {  	[sflag:s9] =	ssyncadd.s32 $0xFFFFE400  }
0x19: {  	[tilespmem:s11], [sflag:$0x1] =	stream.indirect.gather [hbm4b:s3+s10], $0x20, s2, s10, $0xb8;
	[tilespmem:$0x8000] =	vst v63  }
0x1a: {  	s26 =	simm.s32 $0x38  }
0x1b: {  	[tilespmem:s13], [sflag:$0x1] =	stream.indirect.gather [hbm4b:s3+s10], $0x20, s26, s10, $0xb8;
	[tilespmem:$0x8000] =	vst v63  }
0x1c: {  	s5 =	simm.s32 $0x70  }
0x1d: {  	[tilespmem:s15], [sflag:$0x1] =	stream.indirect.gather [hbm4b:s3+s10], $0x20, s5, s10, $0xb8;
	[tilespmem:$0x8000] =	vst v63  }
0x1e: {  	s6 =	simm.s32 $0xA8  }
0x1f: {  	[tilespmem:s17], [sflag:$0x1] =	stream.indirect.gather [hbm4b:s3+s10], $0x20, s6, s10, $0xb8;
	[tilespmem:$0x8000] =	vst v63  }
0x20: {  	s26 =	simm.s32 $0xE0  }
0x21: {  	[tilespmem:s19], [sflag:$0x1] =	stream.indirect.gather [hbm4b:s3+s10], $0x20, s26, s10, $0xb8;
	[tilespmem:$0x8000] =	vst v63  }
0x22: {  	s5 =	simm.s32 $0x118  }
0x23: {  	[tilespmem:s21], [sflag:$0x1] =	stream.indirect.gather [hbm4b:s3+s10], $0x20, s5, s10, $0xb8;
	[tilespmem:$0x8000] =	vst v63  }
0x24: {  	s6 =	simm.s32 $0x150  }
0x25: {  	[tilespmem:s23], [sflag:$0x1] =	stream.indirect.gather [hbm4b:s3+s10], $0x20, s6, s10, $0xb8;
	[tilespmem:$0x8000] =	vst v63  }
0x26: {  	s26 =	simm.s32 $0x188  }
0x27: {  	[tilespmem:s25], [sflag:$0x1] =	stream.indirect.gather [hbm4b:s3+s10], $0x20, s26, s10, $0xb8;
	[tilespmem:$0x8000] =	vst v63  }
0x28: {  	s5 =	simm.s32 $0x1C0  }
0x29: {  	[tilespmem:s28], [sflag:$0x2] =	stream.indirect.gather [hbm4b:s3+s10], $0x20, s5, s10, $0xb8;
	[tilespmem:$0x8000] =	vst v63  }
0x2a: {  	s6 =	simm.s32 $0x1F8  }
0x2b: {  	[tilespmem:s30], [sflag:$0x2] =	stream.indirect.gather [hbm4b:s3+s10], $0x20, s6, s10, $0xb8;
	[tilespmem:$0x8000] =	vst v63  }
0x2c: {  	s26 =	simm.s32 $0x230  }
0x2d: {  	[tilespmem:s1], [sflag:$0x2] =	stream.indirect.gather [hbm4b:s3+s10], $0x20, s26, s10, $0xb8;
	[tilespmem:$0x8000] =	vst v63  }
0x2e: {  	s5 =	simm.s32 $0x268  }
0x2f: {  	[tilespmem:s12], [sflag:$0x2] =	stream.indirect.gather [hbm4b:s3+s10], $0x20, s5, s10, $0xb8;
	[tilespmem:$0x8000] =	vst v63  }
0x30: {  	s6 =	simm.s32 $0x2A0  }
0x31: {  	[tilespmem:s16], [sflag:$0x2] =	stream.indirect.gather [hbm4b:s3+s10], $0x20, s6, s10, $0xb8;
	[tilespmem:$0x8000] =	vst v63  }
0x32: {  	s26 =	simm.s32 $0x2D8  }
0x33: {  	[tilespmem:s20], [sflag:$0x2] =	stream.indirect.gather [hbm4b:s3+s10], $0x20, s26, s10, $0xb8;
	[tilespmem:$0x8000] =	vst v63  }
0x34: {  	s5 =	simm.s32 $0x310  }
0x35: {  	[tilespmem:s24], [sflag:$0x2] =	stream.indirect.gather [hbm4b:s3+s10], $0x20, s5, s10, $0xb8;
	[tilespmem:$0x8000] =	vst v63  }
0x36: {  	s6 =	simm.s32 $0x348  }
0x37: {  	[tilespmem:s29], [sflag:$0x2] =	stream.indirect.gather [hbm4b:s3+s10], $0x20, s6, s10, $0xb8;
	[tilespmem:$0x8000] =	vst v63  }
0x38: {  	_ =	swait.ge [sflag:s31], $0x3200  }
0x39: {  	[sflag:s31] =	ssyncset.done $0x0  }
0x3a: {  	[sflag:s31] =	ssyncadd.s32 $0xFFFFCE00  }
0x3b: {  	[hbm4b:s8+s2] =	stream.linear.scatter [tilespmem:s11], [sflag:$0x3], $0x3200, $0x38;
	[tilespmem:$0x8000] =	vst v63  }
0x3c: {  	_ =	swait.ge [sflag:s0], $0x3200  }
0x3d: {  	[sflag:s0] =	ssyncset.done $0x0  }
0x3e: {  	s26 =	sadd.s32 $0x640, s8;
	[sflag:s0] =	ssyncadd.s32 $0xFFFFCE00  }
0x3f: {  	[hbm4b:s26+s2] =	stream.linear.scatter [tilespmem:s28], [sflag:$0x4], $0x3200, $0x38;
	[tilespmem:$0x8000] =	vst v63  }
0x40: {  	_ =	swait.ge [sflag:s14], $0x3200  }
0x41: {  	[sflag:s14] =	ssyncset.done $0x0  }
0x42: {  	s5 =	simm.s32 $0x380;
	[sflag:s14] =	ssyncadd.s32 $0xFFFFCE00  }
0x43: {  	[tilespmem:s11], [sflag:$0x1] =	stream.indirect.gather [hbm4b:s3+s10], $0x20, s5, s10, $0xb8;
	[tilespmem:$0x8000] =	vst v63  }
0x44: {  	s6 =	simm.s32 $0x3B8  }
0x45: {  	[tilespmem:s13], [sflag:$0x1] =	stream.indirect.gather [hbm4b:s3+s10], $0x20, s6, s10, $0xb8;
	[tilespmem:$0x8000] =	vst v63  }
0x46: {  	s26 =	simm.s32 $0x3F0  }
0x47: {  	[tilespmem:s15], [sflag:$0x1] =	stream.indirect.gather [hbm4b:s3+s10], $0x20, s26, s10, $0xb8;
	[tilespmem:$0x8000] =	vst v63  }
0x48: {  	s5 =	simm.s32 $0x428  }
0x49: {  	[tilespmem:s17], [sflag:$0x1] =	stream.indirect.gather [hbm4b:s3+s10], $0x20, s5, s10, $0xb8;
	[tilespmem:$0x8000] =	vst v63  }
0x4a: {  	s6 =	simm.s32 $0x460  }
0x4b: {  	[tilespmem:s19], [sflag:$0x1] =	stream.indirect.gather [hbm4b:s3+s10], $0x20, s6, s10, $0xb8;
	[tilespmem:$0x8000] =	vst v63  }
0x4c: {  	s26 =	simm.s32 $0x498  }
0x4d: {  	[tilespmem:s21], [sflag:$0x1] =	stream.indirect.gather [hbm4b:s3+s10], $0x20, s26, s10, $0xb8;
	[tilespmem:$0x8000] =	vst v63  }
0x4e: {  	s5 =	simm.s32 $0x4D0  }
0x4f: {  	[tilespmem:s23], [sflag:$0x1] =	stream.indirect.gather [hbm4b:s3+s10], $0x20, s5, s10, $0xb8;
	[tilespmem:$0x8000] =	vst v63  }
0x50: {  	s6 =	simm.s32 $0x508  }
0x51: {  	[tilespmem:s25], [sflag:$0x1] =	stream.indirect.gather [hbm4b:s3+s10], $0x20, s6, s10, $0xb8;
	[tilespmem:$0x8000] =	vst v63  }
0x52: {  	_ =	swait.ge [sflag:s18], $0x3200  }
0x53: {  	[sflag:s18] =	ssyncset.done $0x0  }
0x54: {  	s26 =	simm.s32 $0x540;
	[sflag:s18] =	ssyncadd.s32 $0xFFFFCE00  }
0x55: {  	[tilespmem:s28], [sflag:$0x2] =	stream.indirect.gather [hbm4b:s3+s10], $0x20, s26, s10, $0xb8;
	[tilespmem:$0x8000] =	vst v63  }
0x56: {  	s5 =	simm.s32 $0x578  }
0x57: {  	[tilespmem:s30], [sflag:$0x2] =	stream.indirect.gather [hbm4b:s3+s10], $0x20, s5, s10, $0xb8;
	[tilespmem:$0x8000] =	vst v63  }
0x58: {  	s6 =	simm.s32 $0x5B0  }
0x59: {  	[tilespmem:s1], [sflag:$0x2] =	stream.indirect.gather [hbm4b:s3+s10], $0x20, s6, s10, $0xb8;
	[tilespmem:$0x8000] =	vst v63  }
0x5a: {  	s26 =	simm.s32 $0x5E8  }
0x5b: {  	[tilespmem:s12], [sflag:$0x2] =	stream.indirect.gather [hbm4b:s3+s10], $0x20, s26, s10, $0xb8;
	[tilespmem:$0x8000] =	vst v63  }
0x5c: {  	s5 =	simm.s32 $0x620  }
0x5d: {  	[tilespmem:s16], [sflag:$0x2] =	stream.indirect.gather [hbm4b:s3+s10], $0x20, s5, s10, $0xb8;
	[tilespmem:$0x8000] =	vst v63  }
0x5e: {  	s6 =	simm.s32 $0x658  }
0x5f: {  	[tilespmem:s20], [sflag:$0x2] =	stream.indirect.gather [hbm4b:s3+s10], $0x20, s6, s10, $0xb8;
	[tilespmem:$0x8000] =	vst v63  }
0x60: {  	s26 =	simm.s32 $0x690  }
0x61: {  	[tilespmem:s24], [sflag:$0x2] =	stream.indirect.gather [hbm4b:s3+s10], $0x20, s26, s10, $0xb8;
	[tilespmem:$0x8000] =	vst v63  }
0x62: {  	s4 =	sadd.s32 $0xC80, s8;
	s5 =	simm.s32 $0x6C8;
	s26 =	simm.s32 $0xE00  }
.LBB2_2:
0x63: {  	[tilespmem:s29], [sflag:$0x2] =	stream.indirect.gather [hbm4b:s3+s10], $0x20, s5, s10, $0xb8;
	[tilespmem:$0x8000] =	vst v63  }
0x64: {  	s5 =	smov.u32 s26  }
0x65: {  	p0 =	sne.s32 s26, $0x5400;
	s26 =	sadd.s32 $0xE00, s26;
	_ =	swait.ge [sflag:s31], $0x3200  }
0x66: {  	[sflag:s31] =	ssyncset.done $0x0  }
0x67: {  	[sflag:s31] =	ssyncadd.s32 $0xFFFFCE00  }
0x68: {  	[hbm4b:s4+s2] =	stream.linear.scatter [tilespmem:s11], [sflag:$0x3], $0x3200, $0x38;
	[tilespmem:$0x8000] =	vst v63  }
0x69: {  	_ =	swait.ge [sflag:s0], $0x3200  }
0x6a: {  	[sflag:s0] =	ssyncset.done $0x0  }
0x6b: {  	s6 =	sadd.s32 $0x640, s4;
	[sflag:s0] =	ssyncadd.s32 $0xFFFFCE00  }
0x6c: {  	[hbm4b:s6+s2] =	stream.linear.scatter [tilespmem:s28], [sflag:$0x4], $0x3200, $0x38;
	[tilespmem:$0x8000] =	vst v63  }
0x6d: {  	_ =	swait.ge [sflag:s14], $0x3200  }
0x6e: {  	s5 =	sshra.s32 s5, $0x2;
	[sflag:s14] =	ssyncset.done $0x0  }
0x6f: {  	s6 =	sadd.s32 $0x380, s5;
	[sflag:s14] =	ssyncadd.s32 $0xFFFFCE00  }
0x70: {  	[tilespmem:s11], [sflag:$0x1] =	stream.indirect.gather [hbm4b:s3+s10], $0x20, s6, s10, $0xb8;
	[tilespmem:$0x8000] =	vst v63  }
0x71: {  	s6 =	sadd.s32 $0x3B8, s5  }
0x72: {  	[tilespmem:s13], [sflag:$0x1] =	stream.indirect.gather [hbm4b:s3+s10], $0x20, s6, s10, $0xb8;
	[tilespmem:$0x8000] =	vst v63  }
0x73: {  	s6 =	sadd.s32 $0x3F0, s5  }
0x74: {  	[tilespmem:s15], [sflag:$0x1] =	stream.indirect.gather [hbm4b:s3+s10], $0x20, s6, s10, $0xb8;
	[tilespmem:$0x8000] =	vst v63  }
0x75: {  	s6 =	sadd.s32 $0x428, s5  }
0x76: {  	[tilespmem:s17], [sflag:$0x1] =	stream.indirect.gather [hbm4b:s3+s10], $0x20, s6, s10, $0xb8;
	[tilespmem:$0x8000] =	vst v63  }
0x77: {  	s6 =	sadd.s32 $0x460, s5  }
0x78: {  	[tilespmem:s19], [sflag:$0x1] =	stream.indirect.gather [hbm4b:s3+s10], $0x20, s6, s10, $0xb8;
	[tilespmem:$0x8000] =	vst v63  }
0x79: {  	s6 =	sadd.s32 $0x498, s5  }
0x7a: {  	[tilespmem:s21], [sflag:$0x1] =	stream.indirect.gather [hbm4b:s3+s10], $0x20, s6, s10, $0xb8;
	[tilespmem:$0x8000] =	vst v63  }
0x7b: {  	s6 =	sadd.s32 $0x4D0, s5  }
0x7c: {  	[tilespmem:s23], [sflag:$0x1] =	stream.indirect.gather [hbm4b:s3+s10], $0x20, s6, s10, $0xb8;
	[tilespmem:$0x8000] =	vst v63  }
0x7d: {  	s6 =	sadd.s32 $0x508, s5  }
0x7e: {  	[tilespmem:s25], [sflag:$0x1] =	stream.indirect.gather [hbm4b:s3+s10], $0x20, s6, s10, $0xb8;
	[tilespmem:$0x8000] =	vst v63  }
0x7f: {  	_ =	swait.ge [sflag:s18], $0x3200  }
0x80: {  	[sflag:s18] =	ssyncset.done $0x0  }
0x81: {  	s6 =	sadd.s32 $0x540, s5;
	[sflag:s18] =	ssyncadd.s32 $0xFFFFCE00  }
0x82: {  	[tilespmem:s28], [sflag:$0x2] =	stream.indirect.gather [hbm4b:s3+s10], $0x20, s6, s10, $0xb8;
	[tilespmem:$0x8000] =	vst v63  }
0x83: {  	s6 =	sadd.s32 $0x578, s5  }
0x84: {  	[tilespmem:s30], [sflag:$0x2] =	stream.indirect.gather [hbm4b:s3+s10], $0x20, s6, s10, $0xb8;
	[tilespmem:$0x8000] =	vst v63  }
0x85: {  	s6 =	sadd.s32 $0x5B0, s5  }
0x86: {  	[tilespmem:s1], [sflag:$0x2] =	stream.indirect.gather [hbm4b:s3+s10], $0x20, s6, s10, $0xb8;
	[tilespmem:$0x8000] =	vst v63  }
0x87: {  	s6 =	sadd.s32 $0x5E8, s5  }
0x88: {  	[tilespmem:s12], [sflag:$0x2] =	stream.indirect.gather [hbm4b:s3+s10], $0x20, s6, s10, $0xb8;
	[tilespmem:$0x8000] =	vst v63  }
0x89: {  	s6 =	sadd.s32 $0x620, s5  }
0x8a: {  	[tilespmem:s16], [sflag:$0x2] =	stream.indirect.gather [hbm4b:s3+s10], $0x20, s6, s10, $0xb8;
	[tilespmem:$0x8000] =	vst v63  }
.Ltmp0:
0x8b: {  	s6 =	sadd.s32 $0x658, s5;
	(pc) =	sbr.rel @p0 .LBB2_2-.Ltmp0, $4  }
0x8c: {  	[tilespmem:s20], [sflag:$0x2] =	stream.indirect.gather [hbm4b:s3+s10], $0x20, s6, s10, $0xb8;
	[tilespmem:$0x8000] =	vst v63  }
0x8d: {  	s6 =	sadd.s32 $0x690, s5  }
0x8e: {  	[tilespmem:s24], [sflag:$0x2] =	stream.indirect.gather [hbm4b:s3+s10], $0x20, s6, s10, $0xb8;
	[tilespmem:$0x8000] =	vst v63  }
0x8f: {  	s4 =	sadd.s32 $0xC80, s4;
	s5 =	sadd.s32 $0x6C8, s5  }
0x90: {  	[tilespmem:s29], [sflag:$0x2] =	stream.indirect.gather [hbm4b:s3+s10], $0x20, s5, s10, $0xb8;
	[tilespmem:$0x8000] =	vst v63  }
0x91: {  	_ =	swait.ge [sflag:s31], $0x3200  }
0x92: {  	[sflag:s31] =	ssyncset.done $0x0  }
0x93: {  	s4 =	rddreg [dreg:$0x3];
	[sflag:s31] =	ssyncadd.s32 $0xFFFFCE00  }
0x94: {  	[hbm4b:s4+s2] =	stream.linear.scatter [tilespmem:s11], [sflag:$0x3], $0x3200, $0x38;
	[tilespmem:$0x8000] =	vst v63  }
0x95: {  	_ =	swait.ge [sflag:s0], $0x3200  }
0x96: {  	[sflag:s0] =	ssyncset.done $0x0  }
0x97: {  	s22 =	sadd.s32 $0x1, s22;
	s26 =	rddreg [dreg:$0x4];
	[sflag:s0] =	ssyncadd.s32 $0xFFFFCE00  }
0x98: {  	[hbm4b:s26+s2] =	stream.linear.scatter [tilespmem:s28], [sflag:$0x4], $0x3200, $0x38;
	[tilespmem:$0x8000] =	vst v63  }
0x99: {  	p0 =	sne.s32 s22, s7;
	_ =	swait.ge [sflag:s14], $0x3200  }
.Ltmp1:
0x9a: {  	[sflag:s14] =	ssyncset.done $0x0;
	(pc) =	sbr.rel @p0 .LBB2_1-.Ltmp1, $4  }
0x9b: {  	[sflag:s14] =	ssyncadd.s32 $0xFFFFCE00  }
0x9c: {  	_ =	swait.ge [sflag:s18], $0x3200  }
0x9d: {  	[sflag:s18] =	ssyncset.done $0x0  }
0x9e: {  	[sflag:s18] =	ssyncadd.s32 $0xFFFFCE00  }
0x9f: {  	_ =	sfence.sel $0x180000  }
0xa0: {  	[bflag:$0x0] =	sbarrier.arrive $0xFFFF  }
0xa1: {  	_ =	strace $0x9000004A  }
0xa2: {  	s0 =	stileid.u32;
	[bflag:$0x2] =	sbarrier.arrive $0xFFFF  }
0xa3: {  	p0 =	sne.s32 s0, $0x0;
	s0 =	rddreg [dreg:$0x1]  }
0xa4: {  	s0 =	sadd.s32 @!p0 $0x100000, s0  }
0xa5: {  	[sflag:s0] =	ssyncadd.tile.s32 @!p0 $0x1;
	_ =	shalt  }
.Lfunc_end2:
_tile_overlayer_lowered:
.L_overlay_start_2:
0xa6: {  	(tag) =	ssettag $0x2  }
0xa7: {  	s0 =	rddreg [dreg:$0x0];
	s2 =	stileid.u32  }
0xa8: {  	s1 =	rddreg [dreg:$0x1];
	p0 =	sne.s32 s2, $0x0  }
0xa9: {  	s3 =	rddreg [dreg:$0x2];
	[bflag:$0x3] =	sbarrier.arrive $0xFFFF;
	s2 =	simm.s32 @!p0 $0x1C05  }
0xaa: {  	[timem:s3], [sflag:s2] =	dma.local @!p0 [hbm:s0], s1  }
0xab: {  	s0 =	simm.s32 @!p0 $0x5  }
0xac: {  	_ =	swait.ge @!p0 [sflag:s0], s1  }
0xad: {  	s1 =	ssub.s32 @!p0 $0x0, s1;
	[sflag:s0] =	ssyncset.done @!p0 $0x0  }
0xae: {  	[sflag:s0] =	ssyncadd.s32 @!p0 s1  }
0xaf: {  	[bflag:$0x3] =	sbarrier.arrive $0xFFFF  }
0xb0: {  	_ =	shalt  }

</sc_bundles>
